<compile_context>
chip_gen: v7x
topology: tpu7x:2x2x1
jax: 0.10.2.dev20260603
libtpu: 0.0.44.dev20260713+nightly
codegen_flags: <defaults>
</compile_context>

<pallas_src>
import functools

import jax
import jax.numpy as jnp
from jax import lax
from jax.experimental import pallas as pl
from jax.experimental.pallas import tpu as pltpu
from jax.experimental.pallas import tpu_sc as plsc

_N = 10000
_D = 256
_E = 160000
_NPAD = 10112
_CH = 128
_EPAD = 163840
_CHE = 128
_NCHK = 80
_CHUNKS_C = 40
_RPT = _NPAD // 16


def _seg_all(x0, x1, srcs, dsts, dsts_c, zeros_g, ones_h):
    mesh = plsc.VectorSubcoreMesh(core_axis_name="c", subcore_axis_name="s")

    @functools.partial(
        pl.kernel,
        out_type=tuple(
            jax.ShapeDtypeStruct((_NPAD, 128), jnp.float32) for _ in range(12)
        ),
        mesh=mesh,
        scratch_types=[
            pltpu.VMEM((_NCHK // 2, _CHE), jnp.int32),
            pltpu.VMEM((_NCHK // 2, _CHE), jnp.int32),
            pltpu.VMEM((_CHE, 128), jnp.float32),
            pltpu.VMEM((_CHE, 128), jnp.float32),
            pltpu.VMEM_SHARED((_NPAD, 128), jnp.float32),
            pltpu.SemaphoreType.DMA,
            pltpu.SemaphoreType.DMA,
        ],
    )
    def seg(x0_h, x1_h, s0_h, d0_h, s1_h, d1_h, s2_h, d2_h,
            dc0_h, dc1_h, dc2_h, zg_h, on_h,
            g0d, g1d, g0l, g1l, g0g, g1g, c0d, c1d, c0l, c1l, c0g, c1g,
            src_v, dst_v, rows_a, rows_b, acc_s, sem_a, sem_b):
        c = lax.axis_index("c")
        s = lax.axis_index("s")
        wid = s * 2 + c
        base = s * _RPT
        slab = pl.ds(base, _RPT)
        half = _NCHK // 2

        pltpu.sync_copy(zg_h, acc_s.at[slab])
        plsc.subcore_barrier()

        def pipeline(x_h, src_h, dst_h):
            for h in range(2):
                pltpu.sync_copy(src_h.at[s, pl.ds(h * half, half)], src_v)
                pltpu.sync_copy(dst_h.at[s, pl.ds(h * half, half)], dst_v)
                pltpu.async_copy(x_h.at[src_v.at[0]], rows_a, sem_a)

                def body(jj, carry):
                    j0 = jj * 2
                    pltpu.async_copy(x_h.at[src_v.at[j0 + 1]], rows_b, sem_b)
                    pltpu.make_async_copy(x_h.at[src_v.at[j0]], rows_a, sem_a).wait()
                    pltpu.sync_copy(rows_a, acc_s.at[dst_v.at[j0]], add=True)

                    @pl.when(jj < half // 2 - 1)
                    def _():
                        pltpu.async_copy(x_h.at[src_v.at[j0 + 2]], rows_a, sem_a)

                    pltpu.make_async_copy(x_h.at[src_v.at[j0 + 1]], rows_b, sem_b).wait()
                    pltpu.sync_copy(rows_b, acc_s.at[dst_v.at[j0 + 1]], add=True)
                    return carry

                lax.fori_loop(0, half // 2, body, 0)

        for src_h, dst_h, o0, o1 in ((s0_h, d0_h, g0d, g1d),
                                     (s1_h, d1_h, g0l, g1l),
                                     (s2_h, d2_h, g0g, g1g)):
            @pl.when(c == 0)
            def _():
                pipeline(x0_h, src_h, dst_h)

            @pl.when(c == 1)
            def _():
                pipeline(x1_h, src_h, dst_h)

            plsc.subcore_barrier()

            @pl.when(c == 0)
            def _():
                pltpu.sync_copy(acc_s.at[slab], o0.at[slab])

            @pl.when(c == 1)
            def _():
                pltpu.sync_copy(acc_s.at[slab], o1.at[slab])

            pltpu.sync_copy(zg_h, acc_s.at[slab])
            plsc.subcore_barrier()

        pltpu.sync_copy(on_h, rows_a)
        for dc_h, o0, o1 in ((dc0_h, c0d, c1d), (dc1_h, c0l, c1l),
                             (dc2_h, c0g, c1g)):
            pltpu.sync_copy(dc_h.at[wid], dst_v)

            def cbody(j, carry):
                pltpu.sync_copy(rows_a, acc_s.at[dst_v.at[j]], add=True)
                return carry

            lax.fori_loop(0, _CHUNKS_C, cbody, 0)
            plsc.subcore_barrier()

            @pl.when(c == 0)
            def _():
                pltpu.sync_copy(acc_s.at[slab], o0.at[slab])

            @pl.when(c == 1)
            def _():
                pltpu.sync_copy(acc_s.at[slab], o1.at[slab])

            pltpu.sync_copy(zg_h, acc_s.at[slab])
            plsc.subcore_barrier()

    return seg(x0, x1, srcs[0], dsts[0], srcs[1], dsts[1], srcs[2], dsts[2],
               *dsts_c, zeros_g, ones_h)


def _prep_edges(ei):
    src = jnp.asarray(ei[0], jnp.int32)
    dst = jnp.asarray(ei[1], jnp.int32)
    pad = _EPAD - _E
    src = jnp.concatenate([src, jnp.zeros((pad,), jnp.int32)])
    ar = jnp.arange(pad, dtype=jnp.int32)
    dst_g = jnp.concatenate([dst, _N + ar % (_NPAD - _N)])
    dst_c = jnp.concatenate([dst, _N + (pad - 1 - ar) % (_NPAD - _N)])
    return (src.reshape(16, _NCHK, _CHE), dst_g.reshape(16, _NCHK, _CHE),
            dst_c.reshape(32, _CHUNKS_C, _CH))


_R = 1000


def _tc_body(x_ref, g0d, g1d, g0l, g1l, g0g, g1g,
             cd0, cd1, cl0, cl1, cg0, cg1,
             w2, w1dl, w1dh, w1ll, w1lh, w1gl, w1gh, wu, bm, out):
    xb = x_ref[...]
    prec = lax.Precision.DEFAULT
    p = jnp.dot(xb, w2[...], precision=prec, preferred_element_type=jnp.float32)
    acc = jnp.dot(xb, wu[0:_D, :], precision=prec, preferred_element_type=jnp.float32)
    acc += bm[3:4, :]
    parts = ((g0d, g1d, cd0, cd1, w1dl, w1dh), (g0l, g1l, cl0, cl1, w1ll, w1lh),
             (g0g, g1g, cg0, cg1, w1gl, w1gh))
    for t, (g0, g1, c0, c1, w1l, w1h) in enumerate(parts):
        q = (jnp.dot(g0[...], w1l[...], precision=prec, preferred_element_type=jnp.float32)
             + jnp.dot(g1[...], w1h[...], precision=prec, preferred_element_type=jnp.float32))
        cv = c0[:, 0:1] + c1[:, 0:1]
        inv = 1.0 / jnp.maximum(cv, 1.0)
        msk = jnp.minimum(cv, 1.0)
        m = q * inv + msk * (p[:, t * _D:(t + 1) * _D] + bm[t:t + 1, :])
        acc += jnp.dot(m, wu[(t + 1) * _D:(t + 2) * _D, :], precision=prec,
                       preferred_element_type=jnp.float32)
    out[...] = jnp.maximum(acc, 0.0)


def _update(x, gs, cnts, w2cat, w1halves, wu, bmat):
    grid = (_N // _R,)
    row = lambda i: (i, 0)
    fixed = lambda i: (0, 0)
    in_specs = (
        [pl.BlockSpec((_R, _D), row)]
        + [pl.BlockSpec((_R, 128), row)] * 6
        + [pl.BlockSpec((_R, 128), row)] * 6
        + [pl.BlockSpec((_D, 3 * _D), fixed)]
        + [pl.BlockSpec((128, _D), fixed)] * 6
        + [pl.BlockSpec((4 * _D, _D), fixed)]
        + [pl.BlockSpec((8, _D), fixed)]
    )
    return pl.pallas_call(
        _tc_body,
        grid=grid,
        in_specs=in_specs,
        out_specs=pl.BlockSpec((_R, _D), row),
        out_shape=jax.ShapeDtypeStruct((_N, _D), jnp.float32),
    )(x, *gs, *cnts, w2cat, *w1halves, wu, bmat)


def kernel(x, edge_index_diff, edge_index_lt, edge_index_gt,
           W_diff, b_diff, W_lt, b_lt, W_gt, b_gt, W_upd, b_upd):
    x = jnp.asarray(x, jnp.float32)
    x0 = x[:, :128]
    x1 = x[:, 128:]
    zeros_g = jnp.zeros((_RPT, 128), jnp.float32)
    ones_h = jnp.ones((_CH, 128), jnp.float32)

    srcs, dsts, dsts_c = [], [], []
    for ei in (edge_index_diff, edge_index_lt, edge_index_gt):
        src_g, dst_g, dst_c = _prep_edges(ei)
        srcs.append(src_g)
        dsts.append(dst_g)
        dsts_c.append(dst_c)
    outs = _seg_all(x0, x1, srcs, dsts, dsts_c, zeros_g, ones_h)
    gs, cnts = list(outs[:6]), list(outs[6:])

    w2cat = jnp.concatenate([W_diff[_D:], W_lt[_D:], W_gt[_D:]], axis=1)
    w1halves = [W_diff[:128], W_diff[128:_D], W_lt[:128], W_lt[128:_D],
                W_gt[:128], W_gt[128:_D]]
    bmat = jnp.zeros((8, _D), jnp.float32)
    bmat = bmat.at[0].set(b_diff).at[1].set(b_lt).at[2].set(b_gt).at[3].set(b_upd)
    return _update(x, gs, list(cnts), w2cat, w1halves, W_upd, bmat)

# --- scband reference (transcript-rebuilt; emitter-appended) ---
"""Pipeline reference for scband-value-rrnlayer-16123307229942 (READ-ONLY COPY).

The authoritative reference and input builder live on the scoring server;
editing this copy changes nothing except your own understanding.
"""

import jax, jax.numpy as jnp
import numpy as np

N = 10000
D = 256
E = 160000


def setup_inputs(seed: int = 0) -> dict:
    key = jax.random.key(seed)
    ks = jax.random.split(key, 12)
    x = jax.random.normal(ks[0], (N, D), dtype=jnp.float32)
    edge_index_diff = jax.random.randint(ks[1], (2, E), 0, N, dtype=jnp.int64)
    edge_index_lt = jax.random.randint(ks[2], (2, E), 0, N, dtype=jnp.int64)
    edge_index_gt = jax.random.randint(ks[3], (2, E), 0, N, dtype=jnp.int64)
    # per-etype message layers: Linear(2D -> D)
    W_diff = jax.random.normal(ks[4], (2 * D, D), dtype=jnp.float32) * 0.05
    b_diff = jnp.zeros((D,), dtype=jnp.float32)
    W_lt = jax.random.normal(ks[5], (2 * D, D), dtype=jnp.float32) * 0.05
    b_lt = jnp.zeros((D,), dtype=jnp.float32)
    W_gt = jax.random.normal(ks[6], (2 * D, D), dtype=jnp.float32) * 0.05
    b_gt = jnp.zeros((D,), dtype=jnp.float32)
    # node update: Linear(D + 3D -> D) on concat([h, m])
    W_upd = jax.random.normal(ks[7], (4 * D, D), dtype=jnp.float32) * 0.05
    b_upd = jnp.zeros((D,), dtype=jnp.float32)
    return {
        "x": x,
        "edge_index_diff": edge_index_diff,
        "edge_index_lt": edge_index_lt,
        "edge_index_gt": edge_index_gt,
        "W_diff": W_diff, "b_diff": b_diff,
        "W_lt": W_lt, "b_lt": b_lt,
        "W_gt": W_gt, "b_gt": b_gt,
        "W_upd": W_upd, "b_upd": b_upd,
    }


def _msg_mean(x, edge_index, W, b):
    # apply_edges: m = Linear(concat(src_h, dst_h)); dropout is identity in eval.
    src = edge_index[0]
    dst = edge_index[1]
    e = jnp.concatenate([jnp.take(x, src, axis=0), jnp.take(x, dst, axis=0)], axis=-1)
    m = e @ W + b
    # fn.mean('m','msg') per destination node
    s = jax.ops.segment_sum(m, dst, num_segments=N)
    cnt = jax.ops.segment_sum(jnp.ones((edge_index.shape[1],), x.dtype), dst, num_segments=N)
    return s / jnp.maximum(cnt, 1.0)[:, None]


def reference(x, edge_index_diff, edge_index_lt, edge_index_gt,
              W_diff, b_diff, W_lt, b_lt, W_gt, b_gt, W_upd, b_upd):
    m_diff = _msg_mean(x, edge_index_diff, W_diff, b_diff)
    m_lt = _msg_mean(x, edge_index_lt, W_lt, b_lt)
    m_gt = _msg_mean(x, edge_index_gt, W_gt, b_gt)
    # cross_reducer='stack' -> [N, 3, D]; then concat over etype dims -> [N, 3D]
    msg = jnp.stack([m_diff, m_lt, m_gt], axis=1)
    m = jnp.concatenate([msg[:, i, :] for i in range(msg.shape[1])], axis=-1)
    # node update: h_new = relu(Linear(concat([h, m])))
    h_new = jax.nn.relu(jnp.concatenate([x, m], axis=-1) @ W_upd + b_upd)
    return h_new

if __name__ == "__main__":
    import jax
    _d = setup_inputs()
    print(jax.jit(kernel)(*tuple(_d.values())))

</pallas_src>

<mosaic_0001>
#map = affine_map<(d0, d1) -> (0, 0)>
#map1 = affine_map<(d0, d1) -> (0, 0, 0)>
module attributes {stable_mosaic.version = 14 : i64} {
  func.func @seg(%arg0: i32, %arg1: i32, %arg2: memref<10000x128xf32, #tpu.memory_space<hbm>>, %arg3: memref<10000x128xf32, #tpu.memory_space<hbm>>, %arg4: memref<16x80x128xi32, #tpu.memory_space<hbm>>, %arg5: memref<16x80x128xi32, #tpu.memory_space<hbm>>, %arg6: memref<16x80x128xi32, #tpu.memory_space<hbm>>, %arg7: memref<16x80x128xi32, #tpu.memory_space<hbm>>, %arg8: memref<16x80x128xi32, #tpu.memory_space<hbm>>, %arg9: memref<16x80x128xi32, #tpu.memory_space<hbm>>, %arg10: memref<32x40x128xi32, #tpu.memory_space<hbm>>, %arg11: memref<32x40x128xi32, #tpu.memory_space<hbm>>, %arg12: memref<32x40x128xi32, #tpu.memory_space<hbm>>, %arg13: memref<632x128xf32, #tpu.memory_space<hbm>>, %arg14: memref<128x128xf32, #tpu.memory_space<hbm>>, %arg15: memref<10112x128xf32, #tpu.memory_space<hbm>>, %arg16: memref<10112x128xf32, #tpu.memory_space<hbm>>, %arg17: memref<10112x128xf32, #tpu.memory_space<hbm>>, %arg18: memref<10112x128xf32, #tpu.memory_space<hbm>>, %arg19: memref<10112x128xf32, #tpu.memory_space<hbm>>, %arg20: memref<10112x128xf32, #tpu.memory_space<hbm>>, %arg21: memref<10112x128xf32, #tpu.memory_space<hbm>>, %arg22: memref<10112x128xf32, #tpu.memory_space<hbm>>, %arg23: memref<10112x128xf32, #tpu.memory_space<hbm>>, %arg24: memref<10112x128xf32, #tpu.memory_space<hbm>>, %arg25: memref<10112x128xf32, #tpu.memory_space<hbm>>, %arg26: memref<10112x128xf32, #tpu.memory_space<hbm>>, %arg27: memref<40x128xi32, #tpu.memory_space<vmem>>, %arg28: memref<40x128xi32, #tpu.memory_space<vmem>>, %arg29: memref<128x128xf32, #tpu.memory_space<vmem>>, %arg30: memref<128x128xf32, #tpu.memory_space<vmem>>, %arg31: memref<10112x128xf32, #tpu.memory_space<vmem_shared>>, %arg32: memref<!tpu.dma_semaphore, #tpu.memory_space<semaphore_mem>>, %arg33: memref<!tpu.dma_semaphore, #tpu.memory_space<semaphore_mem>>) attributes {dimension_semantics = [#tpu.dimension_semantics<core_parallel>, #tpu.dimension_semantics<subcore_parallel>], iteration_bounds = array<i64: 2, 16>, scalar_prefetch = 0 : i64, scratch_operands = 7 : i64, tpu.core_type = #tpu.core_type<sc_vector_subcore>, window_params = [{transform_indices = #map}, {transform_indices = #map}, {transform_indices = #map1}, {transform_indices = #map1}, {transform_indices = #map1}, {transform_indices = #map1}, {transform_indices = #map1}, {transform_indices = #map1}, {transform_indices = #map1}, {transform_indices = #map1}, {transform_indices = #map1}, {transform_indices = #map}, {transform_indices = #map}, {transform_indices = #map}, {transform_indices = #map}, {transform_indices = #map}, {transform_indices = #map}, {transform_indices = #map}, {transform_indices = #map}, {transform_indices = #map}, {transform_indices = #map}, {transform_indices = #map}, {transform_indices = #map}, {transform_indices = #map}, {transform_indices = #map}]} {
    %mul3A = arith.constant 2 : i32
    %mul3A_0 = arith.muli %arg1, %mul3A : i32
    %add3A = arith.addi %mul3A_0, %arg0 : i32
    %mul3A_1 = arith.constant 632 : i32
    %mul3A_2 = arith.muli %arg1, %mul3A_1 : i32
    "tpu.region"() ({
      %run_scoped3A = tpu.sem_alloc : memref<!tpu.dma_semaphore, #tpu.memory_space<semaphore_mem>>
      %dma_start3A = arith.constant 0 : i32
      %dma_start3A_119 = tpu.memref_slice %arg31[%mul3A_2, %dma_start3A] : memref<10112x128xf32, #tpu.memory_space<vmem_shared>> -> memref<632x128xf32, #tpu.memory_space<vmem_shared>>
      tpu.enqueue_dma source(%arg13 : memref<632x128xf32, #tpu.memory_space<hbm>>) target(%dma_start3A_119 : memref<632x128xf32, #tpu.memory_space<vmem_shared>>) target_semaphore(%run_scoped3A : memref<!tpu.dma_semaphore, #tpu.memory_space<semaphore_mem>>)
      %dma_wait3A = arith.constant 0 : i32
      %dma_wait3A_120 = tpu.memref_slice %arg31[%mul3A_2, %dma_wait3A] : memref<10112x128xf32, #tpu.memory_space<vmem_shared>> -> memref<632x128xf32, #tpu.memory_space<vmem_shared>>
      tpu.wait_dma2 semaphore(%run_scoped3A : memref<!tpu.dma_semaphore, #tpu.memory_space<semaphore_mem>>) src(%arg13 : memref<632x128xf32, #tpu.memory_space<hbm>>) dst(%dma_wait3A_120 : memref<632x128xf32, #tpu.memory_space<vmem_shared>>)
      tpu.yield
    }) : () -> ()
    %barrier3A = arith.constant 0 : index
    tpu.barrier barrier_id(%barrier3A)
    %eq3A = arith.constant 0 : i32
    %eq3A_3 = arith.cmpi eq, %arg0, %eq3A : i32
    %convert_element_type3A = arith.extui %eq3A_3 : i1 to i32
    %cond3A = arith.constant 0 : i32
    %cond3A_4 = arith.cmpi ne, %convert_element_type3A, %cond3A : i32
    scf.if %cond3A_4 {
      "tpu.region"() ({
        %run_scoped3A = tpu.sem_alloc : memref<!tpu.dma_semaphore, #tpu.memory_space<semaphore_mem>>
        %dma_start3A_144 = arith.constant 0 : i32
        %dma_start3A_145 = arith.constant 0 : i32
        %dma_start3A_146 = tpu.memref_slice %arg4[%arg1, %dma_start3A_144, %dma_start3A_145] : memref<16x80x128xi32, #tpu.memory_space<hbm>> -> memref<1x40x128xi32, #tpu.memory_space<hbm>>
        %dma_start3A_147 = tpu.memref_squeeze %dma_start3A_146 : memref<1x40x128xi32, #tpu.memory_space<hbm>> -> memref<40x128xi32, #tpu.memory_space<hbm>>
        %dma_start3A_148 = arith.constant 0 : i32
        %dma_start3A_149 = arith.constant 0 : i32
        %dma_start3A_150 = tpu.memref_slice %arg4[%arg1, %dma_start3A_148, %dma_start3A_149] : memref<16x80x128xi32, #tpu.memory_space<hbm>> -> memref<1x40x128xi32, #tpu.memory_space<hbm>>
        %dma_start3A_151 = tpu.memref_squeeze %dma_start3A_150 : memref<1x40x128xi32, #tpu.memory_space<hbm>> -> memref<40x128xi32, #tpu.memory_space<hbm>>
        tpu.enqueue_dma source(%dma_start3A_151 : memref<40x128xi32, #tpu.memory_space<hbm>>) target(%arg27 : memref<40x128xi32, #tpu.memory_space<vmem>>) target_semaphore(%run_scoped3A : memref<!tpu.dma_semaphore, #tpu.memory_space<semaphore_mem>>)
        %dma_wait3A = arith.constant 0 : i32
        %dma_wait3A_152 = arith.constant 0 : i32
        %dma_wait3A_153 = tpu.memref_slice %arg4[%arg1, %dma_wait3A, %dma_wait3A_152] : memref<16x80x128xi32, #tpu.memory_space<hbm>> -> memref<1x40x128xi32, #tpu.memory_space<hbm>>
        %dma_wait3A_154 = tpu.memref_squeeze %dma_wait3A_153 : memref<1x40x128xi32, #tpu.memory_space<hbm>> -> memref<40x128xi32, #tpu.memory_space<hbm>>
        %dma_wait3A_155 = arith.constant 0 : i32
        %dma_wait3A_156 = arith.constant 0 : i32
        %dma_wait3A_157 = tpu.memref_slice %arg4[%arg1, %dma_wait3A_155, %dma_wait3A_156] : memref<16x80x128xi32, #tpu.memory_space<hbm>> -> memref<1x40x128xi32, #tpu.memory_space<hbm>>
        %dma_wait3A_158 = tpu.memref_squeeze %dma_wait3A_157 : memref<1x40x128xi32, #tpu.memory_space<hbm>> -> memref<40x128xi32, #tpu.memory_space<hbm>>
        tpu.wait_dma2 semaphore(%run_scoped3A : memref<!tpu.dma_semaphore, #tpu.memory_space<semaphore_mem>>) src(%dma_wait3A_158 : memref<40x128xi32, #tpu.memory_space<hbm>>) dst(%arg27 : memref<40x128xi32, #tpu.memory_space<vmem>>)
        tpu.yield
      }) : () -> ()
      "tpu.region"() ({
        %run_scoped3A = tpu.sem_alloc : memref<!tpu.dma_semaphore, #tpu.memory_space<semaphore_mem>>
        %dma_start3A_144 = arith.constant 0 : i32
        %dma_start3A_145 = arith.constant 0 : i32
        %dma_start3A_146 = tpu.memref_slice %arg5[%arg1, %dma_start3A_144, %dma_start3A_145] : memref<16x80x128xi32, #tpu.memory_space<hbm>> -> memref<1x40x128xi32, #tpu.memory_space<hbm>>
        %dma_start3A_147 = tpu.memref_squeeze %dma_start3A_146 : memref<1x40x128xi32, #tpu.memory_space<hbm>> -> memref<40x128xi32, #tpu.memory_space<hbm>>
        %dma_start3A_148 = arith.constant 0 : i32
        %dma_start3A_149 = arith.constant 0 : i32
        %dma_start3A_150 = tpu.memref_slice %arg5[%arg1, %dma_start3A_148, %dma_start3A_149] : memref<16x80x128xi32, #tpu.memory_space<hbm>> -> memref<1x40x128xi32, #tpu.memory_space<hbm>>
        %dma_start3A_151 = tpu.memref_squeeze %dma_start3A_150 : memref<1x40x128xi32, #tpu.memory_space<hbm>> -> memref<40x128xi32, #tpu.memory_space<hbm>>
        tpu.enqueue_dma source(%dma_start3A_151 : memref<40x128xi32, #tpu.memory_space<hbm>>) target(%arg28 : memref<40x128xi32, #tpu.memory_space<vmem>>) target_semaphore(%run_scoped3A : memref<!tpu.dma_semaphore, #tpu.memory_space<semaphore_mem>>)
        %dma_wait3A = arith.constant 0 : i32
        %dma_wait3A_152 = arith.constant 0 : i32
        %dma_wait3A_153 = tpu.memref_slice %arg5[%arg1, %dma_wait3A, %dma_wait3A_152] : memref<16x80x128xi32, #tpu.memory_space<hbm>> -> memref<1x40x128xi32, #tpu.memory_space<hbm>>
        %dma_wait3A_154 = tpu.memref_squeeze %dma_wait3A_153 : memref<1x40x128xi32, #tpu.memory_space<hbm>> -> memref<40x128xi32, #tpu.memory_space<hbm>>
        %dma_wait3A_155 = arith.constant 0 : i32
        %dma_wait3A_156 = arith.constant 0 : i32
        %dma_wait3A_157 = tpu.memref_slice %arg5[%arg1, %dma_wait3A_155, %dma_wait3A_156] : memref<16x80x128xi32, #tpu.memory_space<hbm>> -> memref<1x40x128xi32, #tpu.memory_space<hbm>>
        %dma_wait3A_158 = tpu.memref_squeeze %dma_wait3A_157 : memref<1x40x128xi32, #tpu.memory_space<hbm>> -> memref<40x128xi32, #tpu.memory_space<hbm>>
        tpu.wait_dma2 semaphore(%run_scoped3A : memref<!tpu.dma_semaphore, #tpu.memory_space<semaphore_mem>>) src(%dma_wait3A_158 : memref<40x128xi32, #tpu.memory_space<hbm>>) dst(%arg28 : memref<40x128xi32, #tpu.memory_space<vmem>>)
        tpu.yield
      }) : () -> ()
      %dma_start3A = arith.constant 0 : i32
      %dma_start3A_119 = arith.constant 0 : i32
      %dma_start3A_120 = tpu.memref_slice %arg27[%dma_start3A, %dma_start3A_119] : memref<40x128xi32, #tpu.memory_space<vmem>> -> memref<1x128xi32, #tpu.memory_space<vmem>>
      %dma_start3A_121 = tpu.memref_squeeze %dma_start3A_120 : memref<1x128xi32, #tpu.memory_space<vmem>> -> memref<128xi32, #tpu.memory_space<vmem>>
      %dma_start3A_122 = arith.constant 0 : i32
      %dma_start3A_123 = arith.constant 0 : i32
      %dma_start3A_124 = tpu.memref_slice %arg2[%dma_start3A_122, %dma_start3A_123] : memref<10000x128xf32, #tpu.memory_space<hbm>> -> memref<10000x128xf32, #tpu.memory_space<hbm>>
      tpu.enqueue_indirect_dma source(%dma_start3A_124 : memref<10000x128xf32, #tpu.memory_space<hbm>>) target(%arg29 : memref<128x128xf32, #tpu.memory_space<vmem>>) offsets(%dma_start3A_121 : memref<128xi32, #tpu.memory_space<vmem>>) semaphore(%arg32 : memref<!tpu.dma_semaphore, #tpu.memory_space<semaphore_mem>>)
      %scan3A_125 = arith.constant 0 : i32
      %scan3A_126 = arith.constant 0 : i32
      %scan3A_127 = arith.constant 20 : i32
      %scan3A_128 = arith.addi %scan3A_126, %scan3A_127 : i32
      %scan3A_129 = arith.constant 1 : i32
      scf.for %scan3A_144 = %scan3A_126 to %scan3A_128 step %scan3A_129  : i32 {
        %mul3A_145 = arith.constant 2 : i32
        %mul3A_146 = arith.muli %scan3A_144, %mul3A_145 : i32
        %add3A_147 = arith.constant 1 : i32
        %add3A_148 = arith.addi %mul3A_146, %add3A_147 : i32
        %dma_start3A_149 = arith.constant 0 : i32
        %dma_start3A_150 = tpu.memref_slice %arg27[%add3A_148, %dma_start3A_149] : memref<40x128xi32, #tpu.memory_space<vmem>> -> memref<1x128xi32, #tpu.memory_space<vmem>>
        %dma_start3A_151 = tpu.memref_squeeze %dma_start3A_150 : memref<1x128xi32, #tpu.memory_space<vmem>> -> memref<128xi32, #tpu.memory_space<vmem>>
        %dma_start3A_152 = arith.constant 0 : i32
        %dma_start3A_153 = arith.constant 0 : i32
        %dma_start3A_154 = tpu.memref_slice %arg2[%dma_start3A_152, %dma_start3A_153] : memref<10000x128xf32, #tpu.memory_space<hbm>> -> memref<10000x128xf32, #tpu.memory_space<hbm>>
        tpu.enqueue_indirect_dma source(%dma_start3A_154 : memref<10000x128xf32, #tpu.memory_space<hbm>>) target(%arg30 : memref<128x128xf32, #tpu.memory_space<vmem>>) offsets(%dma_start3A_151 : memref<128xi32, #tpu.memory_space<vmem>>) semaphore(%arg33 : memref<!tpu.dma_semaphore, #tpu.memory_space<semaphore_mem>>)
        %dma_wait3A = arith.constant 0 : i32
        %dma_wait3A_155 = tpu.memref_slice %arg27[%mul3A_146, %dma_wait3A] : memref<40x128xi32, #tpu.memory_space<vmem>> -> memref<1x128xi32, #tpu.memory_space<vmem>>
        %dma_wait3A_156 = tpu.memref_squeeze %dma_wait3A_155 : memref<1x128xi32, #tpu.memory_space<vmem>> -> memref<128xi32, #tpu.memory_space<vmem>>
        %dma_wait3A_157 = arith.constant 0 : i32
        %dma_wait3A_158 = arith.constant 0 : i32
        %dma_wait3A_159 = tpu.memref_slice %arg2[%dma_wait3A_157, %dma_wait3A_158] : memref<10000x128xf32, #tpu.memory_space<hbm>> -> memref<10000x128xf32, #tpu.memory_space<hbm>>
        tpu.wait_indirect_dma semaphore(%arg32 : memref<!tpu.dma_semaphore, #tpu.memory_space<semaphore_mem>>) src(%dma_wait3A_159 : memref<10000x128xf32, #tpu.memory_space<hbm>>) dst(%arg29 : memref<128x128xf32, #tpu.memory_space<vmem>>)
        "tpu.region"() ({
          %run_scoped3A = tpu.sem_alloc : memref<!tpu.dma_semaphore, #tpu.memory_space<semaphore_mem>>
          %dma_start3A_174 = arith.constant 0 : i32
          %dma_start3A_175 = tpu.memref_slice %arg28[%mul3A_146, %dma_start3A_174] : memref<40x128xi32, #tpu.memory_space<vmem>> -> memref<1x128xi32, #tpu.memory_space<vmem>>
          %dma_start3A_176 = tpu.memref_squeeze %dma_start3A_175 : memref<1x128xi32, #tpu.memory_space<vmem>> -> memref<128xi32, #tpu.memory_space<vmem>>
          %dma_start3A_177 = arith.constant 0 : i32
          %dma_start3A_178 = arith.constant 0 : i32
          %dma_start3A_179 = tpu.memref_slice %arg31[%dma_start3A_177, %dma_start3A_178] : memref<10112x128xf32, #tpu.memory_space<vmem_shared>> -> memref<10112x128xf32, #tpu.memory_space<vmem_shared>>
          tpu.enqueue_indirect_dma source(%arg29 : memref<128x128xf32, #tpu.memory_space<vmem>>) target(%dma_start3A_179 : memref<10112x128xf32, #tpu.memory_space<vmem_shared>>) offsets(%dma_start3A_176 : memref<128xi32, #tpu.memory_space<vmem>>) semaphore(%run_scoped3A : memref<!tpu.dma_semaphore, #tpu.memory_space<semaphore_mem>>) {add = true}
          %dma_wait3A_180 = arith.constant 0 : i32
          %dma_wait3A_181 = tpu.memref_slice %arg28[%mul3A_146, %dma_wait3A_180] : memref<40x128xi32, #tpu.memory_space<vmem>> -> memref<1x128xi32, #tpu.memory_space<vmem>>
          %dma_wait3A_182 = tpu.memref_squeeze %dma_wait3A_181 : memref<1x128xi32, #tpu.memory_space<vmem>> -> memref<128xi32, #tpu.memory_space<vmem>>
          %dma_wait3A_183 = arith.constant 0 : i32
          %dma_wait3A_184 = arith.constant 0 : i32
          %dma_wait3A_185 = tpu.memref_slice %arg31[%dma_wait3A_183, %dma_wait3A_184] : memref<10112x128xf32, #tpu.memory_space<vmem_shared>> -> memref<10112x128xf32, #tpu.memory_space<vmem_shared>>
          tpu.wait_indirect_dma semaphore(%run_scoped3A : memref<!tpu.dma_semaphore, #tpu.memory_space<semaphore_mem>>) src(%arg29 : memref<128x128xf32, #tpu.memory_space<vmem>>) dst(%dma_wait3A_185 : memref<10112x128xf32, #tpu.memory_space<vmem_shared>>)
          tpu.yield
        }) : () -> ()
        %lt3A = arith.constant 19 : i32
        %lt3A_160 = arith.cmpi slt, %scan3A_144, %lt3A : i32
        %convert_element_type3A_161 = arith.extui %lt3A_160 : i1 to i32
        %cond3A_162 = arith.constant 0 : i32
        %cond3A_163 = arith.cmpi ne, %convert_element_type3A_161, %cond3A_162 : i32
        scf.if %cond3A_163 {
          %add3A_174 = arith.constant 2 : i32
          %add3A_175 = arith.addi %mul3A_146, %add3A_174 : i32
          %dma_start3A_176 = arith.constant 0 : i32
          %dma_start3A_177 = tpu.memref_slice %arg27[%add3A_175, %dma_start3A_176] : memref<40x128xi32, #tpu.memory_space<vmem>> -> memref<1x128xi32, #tpu.memory_space<vmem>>
          %dma_start3A_178 = tpu.memref_squeeze %dma_start3A_177 : memref<1x128xi32, #tpu.memory_space<vmem>> -> memref<128xi32, #tpu.memory_space<vmem>>
          %dma_start3A_179 = arith.constant 0 : i32
          %dma_start3A_180 = arith.constant 0 : i32
          %dma_start3A_181 = tpu.memref_slice %arg2[%dma_start3A_179, %dma_start3A_180] : memref<10000x128xf32, #tpu.memory_space<hbm>> -> memref<10000x128xf32, #tpu.memory_space<hbm>>
          tpu.enqueue_indirect_dma source(%dma_start3A_181 : memref<10000x128xf32, #tpu.memory_space<hbm>>) target(%arg29 : memref<128x128xf32, #tpu.memory_space<vmem>>) offsets(%dma_start3A_178 : memref<128xi32, #tpu.memory_space<vmem>>) semaphore(%arg32 : memref<!tpu.dma_semaphore, #tpu.memory_space<semaphore_mem>>)
        } else {
        }
        %add3A_164 = arith.constant 1 : i32
        %add3A_165 = arith.addi %mul3A_146, %add3A_164 : i32
        %dma_wait3A_166 = arith.constant 0 : i32
        %dma_wait3A_167 = tpu.memref_slice %arg27[%add3A_165, %dma_wait3A_166] : memref<40x128xi32, #tpu.memory_space<vmem>> -> memref<1x128xi32, #tpu.memory_space<vmem>>
        %dma_wait3A_168 = tpu.memref_squeeze %dma_wait3A_167 : memref<1x128xi32, #tpu.memory_space<vmem>> -> memref<128xi32, #tpu.memory_space<vmem>>
        %dma_wait3A_169 = arith.constant 0 : i32
        %dma_wait3A_170 = arith.constant 0 : i32
        %dma_wait3A_171 = tpu.memref_slice %arg2[%dma_wait3A_169, %dma_wait3A_170] : memref<10000x128xf32, #tpu.memory_space<hbm>> -> memref<10000x128xf32, #tpu.memory_space<hbm>>
        tpu.wait_indirect_dma semaphore(%arg33 : memref<!tpu.dma_semaphore, #tpu.memory_space<semaphore_mem>>) src(%dma_wait3A_171 : memref<10000x128xf32, #tpu.memory_space<hbm>>) dst(%arg30 : memref<128x128xf32, #tpu.memory_space<vmem>>)
        %add3A_172 = arith.constant 1 : i32
        %add3A_173 = arith.addi %mul3A_146, %add3A_172 : i32
        "tpu.region"() ({
          %run_scoped3A = tpu.sem_alloc : memref<!tpu.dma_semaphore, #tpu.memory_space<semaphore_mem>>
          %dma_start3A_174 = arith.constant 0 : i32
          %dma_start3A_175 = tpu.memref_slice %arg28[%add3A_173, %dma_start3A_174] : memref<40x128xi32, #tpu.memory_space<vmem>> -> memref<1x128xi32, #tpu.memory_space<vmem>>
          %dma_start3A_176 = tpu.memref_squeeze %dma_start3A_175 : memref<1x128xi32, #tpu.memory_space<vmem>> -> memref<128xi32, #tpu.memory_space<vmem>>
          %dma_start3A_177 = arith.constant 0 : i32
          %dma_start3A_178 = arith.constant 0 : i32
          %dma_start3A_179 = tpu.memref_slice %arg31[%dma_start3A_177, %dma_start3A_178] : memref<10112x128xf32, #tpu.memory_space<vmem_shared>> -> memref<10112x128xf32, #tpu.memory_space<vmem_shared>>
          tpu.enqueue_indirect_dma source(%arg30 : memref<128x128xf32, #tpu.memory_space<vmem>>) target(%dma_start3A_179 : memref<10112x128xf32, #tpu.memory_space<vmem_shared>>) offsets(%dma_start3A_176 : memref<128xi32, #tpu.memory_space<vmem>>) semaphore(%run_scoped3A : memref<!tpu.dma_semaphore, #tpu.memory_space<semaphore_mem>>) {add = true}
          %dma_wait3A_180 = arith.constant 0 : i32
          %dma_wait3A_181 = tpu.memref_slice %arg28[%add3A_173, %dma_wait3A_180] : memref<40x128xi32, #tpu.memory_space<vmem>> -> memref<1x128xi32, #tpu.memory_space<vmem>>
          %dma_wait3A_182 = tpu.memref_squeeze %dma_wait3A_181 : memref<1x128xi32, #tpu.memory_space<vmem>> -> memref<128xi32, #tpu.memory_space<vmem>>
          %dma_wait3A_183 = arith.constant 0 : i32
          %dma_wait3A_184 = arith.constant 0 : i32
          %dma_wait3A_185 = tpu.memref_slice %arg31[%dma_wait3A_183, %dma_wait3A_184] : memref<10112x128xf32, #tpu.memory_space<vmem_shared>> -> memref<10112x128xf32, #tpu.memory_space<vmem_shared>>
          tpu.wait_indirect_dma semaphore(%run_scoped3A : memref<!tpu.dma_semaphore, #tpu.memory_space<semaphore_mem>>) src(%arg30 : memref<128x128xf32, #tpu.memory_space<vmem>>) dst(%dma_wait3A_185 : memref<10112x128xf32, #tpu.memory_space<vmem_shared>>)
          tpu.yield
        }) : () -> ()
      }
      %scan3A_130 = arith.constant 20 : i32
      "tpu.region"() ({
        %run_scoped3A = tpu.sem_alloc : memref<!tpu.dma_semaphore, #tpu.memory_space<semaphore_mem>>
        %dma_start3A_144 = arith.constant 40 : i32
        %dma_start3A_145 = arith.constant 0 : i32
        %dma_start3A_146 = tpu.memref_slice %arg4[%arg1, %dma_start3A_144, %dma_start3A_145] : memref<16x80x128xi32, #tpu.memory_space<hbm>> -> memref<1x40x128xi32, #tpu.memory_space<hbm>>
        %dma_start3A_147 = tpu.memref_squeeze %dma_start3A_146 : memref<1x40x128xi32, #tpu.memory_space<hbm>> -> memref<40x128xi32, #tpu.memory_space<hbm>>
        %dma_start3A_148 = arith.constant 40 : i32
        %dma_start3A_149 = arith.constant 0 : i32
        %dma_start3A_150 = tpu.memref_slice %arg4[%arg1, %dma_start3A_148, %dma_start3A_149] : memref<16x80x128xi32, #tpu.memory_space<hbm>> -> memref<1x40x128xi32, #tpu.memory_space<hbm>>
        %dma_start3A_151 = tpu.memref_squeeze %dma_start3A_150 : memref<1x40x128xi32, #tpu.memory_space<hbm>> -> memref<40x128xi32, #tpu.memory_space<hbm>>
        tpu.enqueue_dma source(%dma_start3A_151 : memref<40x128xi32, #tpu.memory_space<hbm>>) target(%arg27 : memref<40x128xi32, #tpu.memory_space<vmem>>) target_semaphore(%run_scoped3A : memref<!tpu.dma_semaphore, #tpu.memory_space<semaphore_mem>>)
        %dma_wait3A = arith.constant 40 : i32
        %dma_wait3A_152 = arith.constant 0 : i32
        %dma_wait3A_153 = tpu.memref_slice %arg4[%arg1, %dma_wait3A, %dma_wait3A_152] : memref<16x80x128xi32, #tpu.memory_space<hbm>> -> memref<1x40x128xi32, #tpu.memory_space<hbm>>
        %dma_wait3A_154 = tpu.memref_squeeze %dma_wait3A_153 : memref<1x40x128xi32, #tpu.memory_space<hbm>> -> memref<40x128xi32, #tpu.memory_space<hbm>>
        %dma_wait3A_155 = arith.constant 40 : i32
        %dma_wait3A_156 = arith.constant 0 : i32
        %dma_wait3A_157 = tpu.memref_slice %arg4[%arg1, %dma_wait3A_155, %dma_wait3A_156] : memref<16x80x128xi32, #tpu.memory_space<hbm>> -> memref<1x40x128xi32, #tpu.memory_space<hbm>>
        %dma_wait3A_158 = tpu.memref_squeeze %dma_wait3A_157 : memref<1x40x128xi32, #tpu.memory_space<hbm>> -> memref<40x128xi32, #tpu.memory_space<hbm>>
        tpu.wait_dma2 semaphore(%run_scoped3A : memref<!tpu.dma_semaphore, #tpu.memory_space<semaphore_mem>>) src(%dma_wait3A_158 : memref<40x128xi32, #tpu.memory_space<hbm>>) dst(%arg27 : memref<40x128xi32, #tpu.memory_space<vmem>>)
        tpu.yield
      }) : () -> ()
      "tpu.region"() ({
        %run_scoped3A = tpu.sem_alloc : memref<!tpu.dma_semaphore, #tpu.memory_space<semaphore_mem>>
        %dma_start3A_144 = arith.constant 40 : i32
        %dma_start3A_145 = arith.constant 0 : i32
        %dma_start3A_146 = tpu.memref_slice %arg5[%arg1, %dma_start3A_144, %dma_start3A_145] : memref<16x80x128xi32, #tpu.memory_space<hbm>> -> memref<1x40x128xi32, #tpu.memory_space<hbm>>
        %dma_start3A_147 = tpu.memref_squeeze %dma_start3A_146 : memref<1x40x128xi32, #tpu.memory_space<hbm>> -> memref<40x128xi32, #tpu.memory_space<hbm>>
        %dma_start3A_148 = arith.constant 40 : i32
        %dma_start3A_149 = arith.constant 0 : i32
        %dma_start3A_150 = tpu.memref_slice %arg5[%arg1, %dma_start3A_148, %dma_start3A_149] : memref<16x80x128xi32, #tpu.memory_space<hbm>> -> memref<1x40x128xi32, #tpu.memory_space<hbm>>
        %dma_start3A_151 = tpu.memref_squeeze %dma_start3A_150 : memref<1x40x128xi32, #tpu.memory_space<hbm>> -> memref<40x128xi32, #tpu.memory_space<hbm>>
        tpu.enqueue_dma source(%dma_start3A_151 : memref<40x128xi32, #tpu.memory_space<hbm>>) target(%arg28 : memref<40x128xi32, #tpu.memory_space<vmem>>) target_semaphore(%run_scoped3A : memref<!tpu.dma_semaphore, #tpu.memory_space<semaphore_mem>>)
        %dma_wait3A = arith.constant 40 : i32
        %dma_wait3A_152 = arith.constant 0 : i32
        %dma_wait3A_153 = tpu.memref_slice %arg5[%arg1, %dma_wait3A, %dma_wait3A_152] : memref<16x80x128xi32, #tpu.memory_space<hbm>> -> memref<1x40x128xi32, #tpu.memory_space<hbm>>
        %dma_wait3A_154 = tpu.memref_squeeze %dma_wait3A_153 : memref<1x40x128xi32, #tpu.memory_space<hbm>> -> memref<40x128xi32, #tpu.memory_space<hbm>>
        %dma_wait3A_155 = arith.constant 40 : i32
        %dma_wait3A_156 = arith.constant 0 : i32
        %dma_wait3A_157 = tpu.memref_slice %arg5[%arg1, %dma_wait3A_155, %dma_wait3A_156] : memref<16x80x128xi32, #tpu.memory_space<hbm>> -> memref<1x40x128xi32, #tpu.memory_space<hbm>>
        %dma_wait3A_158 = tpu.memref_squeeze %dma_wait3A_157 : memref<1x40x128xi32, #tpu.memory_space<hbm>> -> memref<40x128xi32, #tpu.memory_space<hbm>>
        tpu.wait_dma2 semaphore(%run_scoped3A : memref<!tpu.dma_semaphore, #tpu.memory_space<semaphore_mem>>) src(%dma_wait3A_158 : memref<40x128xi32, #tpu.memory_space<hbm>>) dst(%arg28 : memref<40x128xi32, #tpu.memory_space<vmem>>)
        tpu.yield
      }) : () -> ()
      %dma_start3A_131 = arith.constant 0 : i32
      %dma_start3A_132 = arith.constant 0 : i32
      %dma_start3A_133 = tpu.memref_slice %arg27[%dma_start3A_131, %dma_start3A_132] : memref<40x128xi32, #tpu.memory_space<vmem>> -> memref<1x128xi32, #tpu.memory_space<vmem>>
      %dma_start3A_134 = tpu.memref_squeeze %dma_start3A_133 : memref<1x128xi32, #tpu.memory_space<vmem>> -> memref<128xi32, #tpu.memory_space<vmem>>
      %dma_start3A_135 = arith.constant 0 : i32
      %dma_start3A_136 = arith.constant 0 : i32
      %dma_start3A_137 = tpu.memref_slice %arg2[%dma_start3A_135, %dma_start3A_136] : memref<10000x128xf32, #tpu.memory_space<hbm>> -> memref<10000x128xf32, #tpu.memory_space<hbm>>
      tpu.enqueue_indirect_dma source(%dma_start3A_137 : memref<10000x128xf32, #tpu.memory_space<hbm>>) target(%arg29 : memref<128x128xf32, #tpu.memory_space<vmem>>) offsets(%dma_start3A_134 : memref<128xi32, #tpu.memory_space<vmem>>) semaphore(%arg32 : memref<!tpu.dma_semaphore, #tpu.memory_space<semaphore_mem>>)
      %scan3A_138 = arith.constant 0 : i32
      %scan3A_139 = arith.constant 0 : i32
      %scan3A_140 = arith.constant 20 : i32
      %scan3A_141 = arith.addi %scan3A_139, %scan3A_140 : i32
      %scan3A_142 = arith.constant 1 : i32
      scf.for %scan3A_144 = %scan3A_139 to %scan3A_141 step %scan3A_142  : i32 {
        %mul3A_145 = arith.constant 2 : i32
        %mul3A_146 = arith.muli %scan3A_144, %mul3A_145 : i32
        %add3A_147 = arith.constant 1 : i32
        %add3A_148 = arith.addi %mul3A_146, %add3A_147 : i32
        %dma_start3A_149 = arith.constant 0 : i32
        %dma_start3A_150 = tpu.memref_slice %arg27[%add3A_148, %dma_start3A_149] : memref<40x128xi32, #tpu.memory_space<vmem>> -> memref<1x128xi32, #tpu.memory_space<vmem>>
        %dma_start3A_151 = tpu.memref_squeeze %dma_start3A_150 : memref<1x128xi32, #tpu.memory_space<vmem>> -> memref<128xi32, #tpu.memory_space<vmem>>
        %dma_start3A_152 = arith.constant 0 : i32
        %dma_start3A_153 = arith.constant 0 : i32
        %dma_start3A_154 = tpu.memref_slice %arg2[%dma_start3A_152, %dma_start3A_153] : memref<10000x128xf32, #tpu.memory_space<hbm>> -> memref<10000x128xf32, #tpu.memory_space<hbm>>
        tpu.enqueue_indirect_dma source(%dma_start3A_154 : memref<10000x128xf32, #tpu.memory_space<hbm>>) target(%arg30 : memref<128x128xf32, #tpu.memory_space<vmem>>) offsets(%dma_start3A_151 : memref<128xi32, #tpu.memory_space<vmem>>) semaphore(%arg33 : memref<!tpu.dma_semaphore, #tpu.memory_space<semaphore_mem>>)
        %dma_wait3A = arith.constant 0 : i32
        %dma_wait3A_155 = tpu.memref_slice %arg27[%mul3A_146, %dma_wait3A] : memref<40x128xi32, #tpu.memory_space<vmem>> -> memref<1x128xi32, #tpu.memory_space<vmem>>
        %dma_wait3A_156 = tpu.memref_squeeze %dma_wait3A_155 : memref<1x128xi32, #tpu.memory_space<vmem>> -> memref<128xi32, #tpu.memory_space<vmem>>
        %dma_wait3A_157 = arith.constant 0 : i32
        %dma_wait3A_158 = arith.constant 0 : i32
        %dma_wait3A_159 = tpu.memref_slice %arg2[%dma_wait3A_157, %dma_wait3A_158] : memref<10000x128xf32, #tpu.memory_space<hbm>> -> memref<10000x128xf32, #tpu.memory_space<hbm>>
        tpu.wait_indirect_dma semaphore(%arg32 : memref<!tpu.dma_semaphore, #tpu.memory_space<semaphore_mem>>) src(%dma_wait3A_159 : memref<10000x128xf32, #tpu.memory_space<hbm>>) dst(%arg29 : memref<128x128xf32, #tpu.memory_space<vmem>>)
        "tpu.region"() ({
          %run_scoped3A = tpu.sem_alloc : memref<!tpu.dma_semaphore, #tpu.memory_space<semaphore_mem>>
          %dma_start3A_174 = arith.constant 0 : i32
          %dma_start3A_175 = tpu.memref_slice %arg28[%mul3A_146, %dma_start3A_174] : memref<40x128xi32, #tpu.memory_space<vmem>> -> memref<1x128xi32, #tpu.memory_space<vmem>>
          %dma_start3A_176 = tpu.memref_squeeze %dma_start3A_175 : memref<1x128xi32, #tpu.memory_space<vmem>> -> memref<128xi32, #tpu.memory_space<vmem>>
          %dma_start3A_177 = arith.constant 0 : i32
          %dma_start3A_178 = arith.constant 0 : i32
          %dma_start3A_179 = tpu.memref_slice %arg31[%dma_start3A_177, %dma_start3A_178] : memref<10112x128xf32, #tpu.memory_space<vmem_shared>> -> memref<10112x128xf32, #tpu.memory_space<vmem_shared>>
          tpu.enqueue_indirect_dma source(%arg29 : memref<128x128xf32, #tpu.memory_space<vmem>>) target(%dma_start3A_179 : memref<10112x128xf32, #tpu.memory_space<vmem_shared>>) offsets(%dma_start3A_176 : memref<128xi32, #tpu.memory_space<vmem>>) semaphore(%run_scoped3A : memref<!tpu.dma_semaphore, #tpu.memory_space<semaphore_mem>>) {add = true}
          %dma_wait3A_180 = arith.constant 0 : i32
          %dma_wait3A_181 = tpu.memref_slice %arg28[%mul3A_146, %dma_wait3A_180] : memref<40x128xi32, #tpu.memory_space<vmem>> -> memref<1x128xi32, #tpu.memory_space<vmem>>
          %dma_wait3A_182 = tpu.memref_squeeze %dma_wait3A_181 : memref<1x128xi32, #tpu.memory_space<vmem>> -> memref<128xi32, #tpu.memory_space<vmem>>
          %dma_wait3A_183 = arith.constant 0 : i32
          %dma_wait3A_184 = arith.constant 0 : i32
          %dma_wait3A_185 = tpu.memref_slice %arg31[%dma_wait3A_183, %dma_wait3A_184] : memref<10112x128xf32, #tpu.memory_space<vmem_shared>> -> memref<10112x128xf32, #tpu.memory_space<vmem_shared>>
          tpu.wait_indirect_dma semaphore(%run_scoped3A : memref<!tpu.dma_semaphore, #tpu.memory_space<semaphore_mem>>) src(%arg29 : memref<128x128xf32, #tpu.memory_space<vmem>>) dst(%dma_wait3A_185 : memref<10112x128xf32, #tpu.memory_space<vmem_shared>>)
          tpu.yield
        }) : () -> ()
        %lt3A = arith.constant 19 : i32
        %lt3A_160 = arith.cmpi slt, %scan3A_144, %lt3A : i32
        %convert_element_type3A_161 = arith.extui %lt3A_160 : i1 to i32
        %cond3A_162 = arith.constant 0 : i32
        %cond3A_163 = arith.cmpi ne, %convert_element_type3A_161, %cond3A_162 : i32
        scf.if %cond3A_163 {
          %add3A_174 = arith.constant 2 : i32
          %add3A_175 = arith.addi %mul3A_146, %add3A_174 : i32
          %dma_start3A_176 = arith.constant 0 : i32
          %dma_start3A_177 = tpu.memref_slice %arg27[%add3A_175, %dma_start3A_176] : memref<40x128xi32, #tpu.memory_space<vmem>> -> memref<1x128xi32, #tpu.memory_space<vmem>>
          %dma_start3A_178 = tpu.memref_squeeze %dma_start3A_177 : memref<1x128xi32, #tpu.memory_space<vmem>> -> memref<128xi32, #tpu.memory_space<vmem>>
          %dma_start3A_179 = arith.constant 0 : i32
          %dma_start3A_180 = arith.constant 0 : i32
          %dma_start3A_181 = tpu.memref_slice %arg2[%dma_start3A_179, %dma_start3A_180] : memref<10000x128xf32, #tpu.memory_space<hbm>> -> memref<10000x128xf32, #tpu.memory_space<hbm>>
          tpu.enqueue_indirect_dma source(%dma_start3A_181 : memref<10000x128xf32, #tpu.memory_space<hbm>>) target(%arg29 : memref<128x128xf32, #tpu.memory_space<vmem>>) offsets(%dma_start3A_178 : memref<128xi32, #tpu.memory_space<vmem>>) semaphore(%arg32 : memref<!tpu.dma_semaphore, #tpu.memory_space<semaphore_mem>>)
        } else {
        }
        %add3A_164 = arith.constant 1 : i32
        %add3A_165 = arith.addi %mul3A_146, %add3A_164 : i32
        %dma_wait3A_166 = arith.constant 0 : i32
        %dma_wait3A_167 = tpu.memref_slice %arg27[%add3A_165, %dma_wait3A_166] : memref<40x128xi32, #tpu.memory_space<vmem>> -> memref<1x128xi32, #tpu.memory_space<vmem>>
        %dma_wait3A_168 = tpu.memref_squeeze %dma_wait3A_167 : memref<1x128xi32, #tpu.memory_space<vmem>> -> memref<128xi32, #tpu.memory_space<vmem>>
        %dma_wait3A_169 = arith.constant 0 : i32
        %dma_wait3A_170 = arith.constant 0 : i32
        %dma_wait3A_171 = tpu.memref_slice %arg2[%dma_wait3A_169, %dma_wait3A_170] : memref<10000x128xf32, #tpu.memory_space<hbm>> -> memref<10000x128xf32, #tpu.memory_space<hbm>>
        tpu.wait_indirect_dma semaphore(%arg33 : memref<!tpu.dma_semaphore, #tpu.memory_space<semaphore_mem>>) src(%dma_wait3A_171 : memref<10000x128xf32, #tpu.memory_space<hbm>>) dst(%arg30 : memref<128x128xf32, #tpu.memory_space<vmem>>)
        %add3A_172 = arith.constant 1 : i32
        %add3A_173 = arith.addi %mul3A_146, %add3A_172 : i32
        "tpu.region"() ({
          %run_scoped3A = tpu.sem_alloc : memref<!tpu.dma_semaphore, #tpu.memory_space<semaphore_mem>>
          %dma_start3A_174 = arith.constant 0 : i32
          %dma_start3A_175 = tpu.memref_slice %arg28[%add3A_173, %dma_start3A_174] : memref<40x128xi32, #tpu.memory_space<vmem>> -> memref<1x128xi32, #tpu.memory_space<vmem>>
          %dma_start3A_176 = tpu.memref_squeeze %dma_start3A_175 : memref<1x128xi32, #tpu.memory_space<vmem>> -> memref<128xi32, #tpu.memory_space<vmem>>
          %dma_start3A_177 = arith.constant 0 : i32
          %dma_start3A_178 = arith.constant 0 : i32
          %dma_start3A_179 = tpu.memref_slice %arg31[%dma_start3A_177, %dma_start3A_178] : memref<10112x128xf32, #tpu.memory_space<vmem_shared>> -> memref<10112x128xf32, #tpu.memory_space<vmem_shared>>
          tpu.enqueue_indirect_dma source(%arg30 : memref<128x128xf32, #tpu.memory_space<vmem>>) target(%dma_start3A_179 : memref<10112x128xf32, #tpu.memory_space<vmem_shared>>) offsets(%dma_start3A_176 : memref<128xi32, #tpu.memory_space<vmem>>) semaphore(%run_scoped3A : memref<!tpu.dma_semaphore, #tpu.memory_space<semaphore_mem>>) {add = true}
          %dma_wait3A_180 = arith.constant 0 : i32
          %dma_wait3A_181 = tpu.memref_slice %arg28[%add3A_173, %dma_wait3A_180] : memref<40x128xi32, #tpu.memory_space<vmem>> -> memref<1x128xi32, #tpu.memory_space<vmem>>
          %dma_wait3A_182 = tpu.memref_squeeze %dma_wait3A_181 : memref<1x128xi32, #tpu.memory_space<vmem>> -> memref<128xi32, #tpu.memory_space<vmem>>
          %dma_wait3A_183 = arith.constant 0 : i32
          %dma_wait3A_184 = arith.constant 0 : i32
          %dma_wait3A_185 = tpu.memref_slice %arg31[%dma_wait3A_183, %dma_wait3A_184] : memref<10112x128xf32, #tpu.memory_space<vmem_shared>> -> memref<10112x128xf32, #tpu.memory_space<vmem_shared>>
          tpu.wait_indirect_dma semaphore(%run_scoped3A : memref<!tpu.dma_semaphore, #tpu.memory_space<semaphore_mem>>) src(%arg30 : memref<128x128xf32, #tpu.memory_space<vmem>>) dst(%dma_wait3A_185 : memref<10112x128xf32, #tpu.memory_space<vmem_shared>>)
          tpu.yield
        }) : () -> ()
      }
      %scan3A_143 = arith.constant 20 : i32
    } else {
    }
    %eq3A_5 = arith.constant 1 : i32
    %eq3A_6 = arith.cmpi eq, %arg0, %eq3A_5 : i32
    %convert_element_type3A_7 = arith.extui %eq3A_6 : i1 to i32
    %cond3A_8 = arith.constant 0 : i32
    %cond3A_9 = arith.cmpi ne, %convert_element_type3A_7, %cond3A_8 : i32
    scf.if %cond3A_9 {
      "tpu.region"() ({
        %run_scoped3A = tpu.sem_alloc : memref<!tpu.dma_semaphore, #tpu.memory_space<semaphore_mem>>
        %dma_start3A_144 = arith.constant 0 : i32
        %dma_start3A_145 = arith.constant 0 : i32
        %dma_start3A_146 = tpu.memref_slice %arg4[%arg1, %dma_start3A_144, %dma_start3A_145] : memref<16x80x128xi32, #tpu.memory_space<hbm>> -> memref<1x40x128xi32, #tpu.memory_space<hbm>>
        %dma_start3A_147 = tpu.memref_squeeze %dma_start3A_146 : memref<1x40x128xi32, #tpu.memory_space<hbm>> -> memref<40x128xi32, #tpu.memory_space<hbm>>
        %dma_start3A_148 = arith.constant 0 : i32
        %dma_start3A_149 = arith.constant 0 : i32
        %dma_start3A_150 = tpu.memref_slice %arg4[%arg1, %dma_start3A_148, %dma_start3A_149] : memref<16x80x128xi32, #tpu.memory_space<hbm>> -> memref<1x40x128xi32, #tpu.memory_space<hbm>>
        %dma_start3A_151 = tpu.memref_squeeze %dma_start3A_150 : memref<1x40x128xi32, #tpu.memory_space<hbm>> -> memref<40x128xi32, #tpu.memory_space<hbm>>
        tpu.enqueue_dma source(%dma_start3A_151 : memref<40x128xi32, #tpu.memory_space<hbm>>) target(%arg27 : memref<40x128xi32, #tpu.memory_space<vmem>>) target_semaphore(%run_scoped3A : memref<!tpu.dma_semaphore, #tpu.memory_space<semaphore_mem>>)
        %dma_wait3A = arith.constant 0 : i32
        %dma_wait3A_152 = arith.constant 0 : i32
        %dma_wait3A_153 = tpu.memref_slice %arg4[%arg1, %dma_wait3A, %dma_wait3A_152] : memref<16x80x128xi32, #tpu.memory_space<hbm>> -> memref<1x40x128xi32, #tpu.memory_space<hbm>>
        %dma_wait3A_154 = tpu.memref_squeeze %dma_wait3A_153 : memref<1x40x128xi32, #tpu.memory_space<hbm>> -> memref<40x128xi32, #tpu.memory_space<hbm>>
        %dma_wait3A_155 = arith.constant 0 : i32
        %dma_wait3A_156 = arith.constant 0 : i32
        %dma_wait3A_157 = tpu.memref_slice %arg4[%arg1, %dma_wait3A_155, %dma_wait3A_156] : memref<16x80x128xi32, #tpu.memory_space<hbm>> -> memref<1x40x128xi32, #tpu.memory_space<hbm>>
        %dma_wait3A_158 = tpu.memref_squeeze %dma_wait3A_157 : memref<1x40x128xi32, #tpu.memory_space<hbm>> -> memref<40x128xi32, #tpu.memory_space<hbm>>
        tpu.wait_dma2 semaphore(%run_scoped3A : memref<!tpu.dma_semaphore, #tpu.memory_space<semaphore_mem>>) src(%dma_wait3A_158 : memref<40x128xi32, #tpu.memory_space<hbm>>) dst(%arg27 : memref<40x128xi32, #tpu.memory_space<vmem>>)
        tpu.yield
      }) : () -> ()
      "tpu.region"() ({
        %run_scoped3A = tpu.sem_alloc : memref<!tpu.dma_semaphore, #tpu.memory_space<semaphore_mem>>
        %dma_start3A_144 = arith.constant 0 : i32
        %dma_start3A_145 = arith.constant 0 : i32
        %dma_start3A_146 = tpu.memref_slice %arg5[%arg1, %dma_start3A_144, %dma_start3A_145] : memref<16x80x128xi32, #tpu.memory_space<hbm>> -> memref<1x40x128xi32, #tpu.memory_space<hbm>>
        %dma_start3A_147 = tpu.memref_squeeze %dma_start3A_146 : memref<1x40x128xi32, #tpu.memory_space<hbm>> -> memref<40x128xi32, #tpu.memory_space<hbm>>
        %dma_start3A_148 = arith.constant 0 : i32
        %dma_start3A_149 = arith.constant 0 : i32
        %dma_start3A_150 = tpu.memref_slice %arg5[%arg1, %dma_start3A_148, %dma_start3A_149] : memref<16x80x128xi32, #tpu.memory_space<hbm>> -> memref<1x40x128xi32, #tpu.memory_space<hbm>>
        %dma_start3A_151 = tpu.memref_squeeze %dma_start3A_150 : memref<1x40x128xi32, #tpu.memory_space<hbm>> -> memref<40x128xi32, #tpu.memory_space<hbm>>
        tpu.enqueue_dma source(%dma_start3A_151 : memref<40x128xi32, #tpu.memory_space<hbm>>) target(%arg28 : memref<40x128xi32, #tpu.memory_space<vmem>>) target_semaphore(%run_scoped3A : memref<!tpu.dma_semaphore, #tpu.memory_space<semaphore_mem>>)
        %dma_wait3A = arith.constant 0 : i32
        %dma_wait3A_152 = arith.constant 0 : i32
        %dma_wait3A_153 = tpu.memref_slice %arg5[%arg1, %dma_wait3A, %dma_wait3A_152] : memref<16x80x128xi32, #tpu.memory_space<hbm>> -> memref<1x40x128xi32, #tpu.memory_space<hbm>>
        %dma_wait3A_154 = tpu.memref_squeeze %dma_wait3A_153 : memref<1x40x128xi32, #tpu.memory_space<hbm>> -> memref<40x128xi32, #tpu.memory_space<hbm>>
        %dma_wait3A_155 = arith.constant 0 : i32
        %dma_wait3A_156 = arith.constant 0 : i32
        %dma_wait3A_157 = tpu.memref_slice %arg5[%arg1, %dma_wait3A_155, %dma_wait3A_156] : memref<16x80x128xi32, #tpu.memory_space<hbm>> -> memref<1x40x128xi32, #tpu.memory_space<hbm>>
        %dma_wait3A_158 = tpu.memref_squeeze %dma_wait3A_157 : memref<1x40x128xi32, #tpu.memory_space<hbm>> -> memref<40x128xi32, #tpu.memory_space<hbm>>
        tpu.wait_dma2 semaphore(%run_scoped3A : memref<!tpu.dma_semaphore, #tpu.memory_space<semaphore_mem>>) src(%dma_wait3A_158 : memref<40x128xi32, #tpu.memory_space<hbm>>) dst(%arg28 : memref<40x128xi32, #tpu.memory_space<vmem>>)
        tpu.yield
      }) : () -> ()
      %dma_start3A = arith.constant 0 : i32
      %dma_start3A_119 = arith.constant 0 : i32
      %dma_start3A_120 = tpu.memref_slice %arg27[%dma_start3A, %dma_start3A_119] : memref<40x128xi32, #tpu.memory_space<vmem>> -> memref<1x128xi32, #tpu.memory_space<vmem>>
      %dma_start3A_121 = tpu.memref_squeeze %dma_start3A_120 : memref<1x128xi32, #tpu.memory_space<vmem>> -> memref<128xi32, #tpu.memory_space<vmem>>
      %dma_start3A_122 = arith.constant 0 : i32
      %dma_start3A_123 = arith.constant 0 : i32
      %dma_start3A_124 = tpu.memref_slice %arg3[%dma_start3A_122, %dma_start3A_123] : memref<10000x128xf32, #tpu.memory_space<hbm>> -> memref<10000x128xf32, #tpu.memory_space<hbm>>
      tpu.enqueue_indirect_dma source(%dma_start3A_124 : memref<10000x128xf32, #tpu.memory_space<hbm>>) target(%arg29 : memref<128x128xf32, #tpu.memory_space<vmem>>) offsets(%dma_start3A_121 : memref<128xi32, #tpu.memory_space<vmem>>) semaphore(%arg32 : memref<!tpu.dma_semaphore, #tpu.memory_space<semaphore_mem>>)
      %scan3A_125 = arith.constant 0 : i32
      %scan3A_126 = arith.constant 0 : i32
      %scan3A_127 = arith.constant 20 : i32
      %scan3A_128 = arith.addi %scan3A_126, %scan3A_127 : i32
      %scan3A_129 = arith.constant 1 : i32
      scf.for %scan3A_144 = %scan3A_126 to %scan3A_128 step %scan3A_129  : i32 {
        %mul3A_145 = arith.constant 2 : i32
        %mul3A_146 = arith.muli %scan3A_144, %mul3A_145 : i32
        %add3A_147 = arith.constant 1 : i32
        %add3A_148 = arith.addi %mul3A_146, %add3A_147 : i32
        %dma_start3A_149 = arith.constant 0 : i32
        %dma_start3A_150 = tpu.memref_slice %arg27[%add3A_148, %dma_start3A_149] : memref<40x128xi32, #tpu.memory_space<vmem>> -> memref<1x128xi32, #tpu.memory_space<vmem>>
        %dma_start3A_151 = tpu.memref_squeeze %dma_start3A_150 : memref<1x128xi32, #tpu.memory_space<vmem>> -> memref<128xi32, #tpu.memory_space<vmem>>
        %dma_start3A_152 = arith.constant 0 : i32
        %dma_start3A_153 = arith.constant 0 : i32
        %dma_start3A_154 = tpu.memref_slice %arg3[%dma_start3A_152, %dma_start3A_153] : memref<10000x128xf32, #tpu.memory_space<hbm>> -> memref<10000x128xf32, #tpu.memory_space<hbm>>
        tpu.enqueue_indirect_dma source(%dma_start3A_154 : memref<10000x128xf32, #tpu.memory_space<hbm>>) target(%arg30 : memref<128x128xf32, #tpu.memory_space<vmem>>) offsets(%dma_start3A_151 : memref<128xi32, #tpu.memory_space<vmem>>) semaphore(%arg33 : memref<!tpu.dma_semaphore, #tpu.memory_space<semaphore_mem>>)
        %dma_wait3A = arith.constant 0 : i32
        %dma_wait3A_155 = tpu.memref_slice %arg27[%mul3A_146, %dma_wait3A] : memref<40x128xi32, #tpu.memory_space<vmem>> -> memref<1x128xi32, #tpu.memory_space<vmem>>
        %dma_wait3A_156 = tpu.memref_squeeze %dma_wait3A_155 : memref<1x128xi32, #tpu.memory_space<vmem>> -> memref<128xi32, #tpu.memory_space<vmem>>
        %dma_wait3A_157 = arith.constant 0 : i32
        %dma_wait3A_158 = arith.constant 0 : i32
        %dma_wait3A_159 = tpu.memref_slice %arg3[%dma_wait3A_157, %dma_wait3A_158] : memref<10000x128xf32, #tpu.memory_space<hbm>> -> memref<10000x128xf32, #tpu.memory_space<hbm>>
        tpu.wait_indirect_dma semaphore(%arg32 : memref<!tpu.dma_semaphore, #tpu.memory_space<semaphore_mem>>) src(%dma_wait3A_159 : memref<10000x128xf32, #tpu.memory_space<hbm>>) dst(%arg29 : memref<128x128xf32, #tpu.memory_space<vmem>>)
        "tpu.region"() ({
          %run_scoped3A = tpu.sem_alloc : memref<!tpu.dma_semaphore, #tpu.memory_space<semaphore_mem>>
          %dma_start3A_174 = arith.constant 0 : i32
          %dma_start3A_175 = tpu.memref_slice %arg28[%mul3A_146, %dma_start3A_174] : memref<40x128xi32, #tpu.memory_space<vmem>> -> memref<1x128xi32, #tpu.memory_space<vmem>>
          %dma_start3A_176 = tpu.memref_squeeze %dma_start3A_175 : memref<1x128xi32, #tpu.memory_space<vmem>> -> memref<128xi32, #tpu.memory_space<vmem>>
          %dma_start3A_177 = arith.constant 0 : i32
          %dma_start3A_178 = arith.constant 0 : i32
          %dma_start3A_179 = tpu.memref_slice %arg31[%dma_start3A_177, %dma_start3A_178] : memref<10112x128xf32, #tpu.memory_space<vmem_shared>> -> memref<10112x128xf32, #tpu.memory_space<vmem_shared>>
          tpu.enqueue_indirect_dma source(%arg29 : memref<128x128xf32, #tpu.memory_space<vmem>>) target(%dma_start3A_179 : memref<10112x128xf32, #tpu.memory_space<vmem_shared>>) offsets(%dma_start3A_176 : memref<128xi32, #tpu.memory_space<vmem>>) semaphore(%run_scoped3A : memref<!tpu.dma_semaphore, #tpu.memory_space<semaphore_mem>>) {add = true}
          %dma_wait3A_180 = arith.constant 0 : i32
          %dma_wait3A_181 = tpu.memref_slice %arg28[%mul3A_146, %dma_wait3A_180] : memref<40x128xi32, #tpu.memory_space<vmem>> -> memref<1x128xi32, #tpu.memory_space<vmem>>
          %dma_wait3A_182 = tpu.memref_squeeze %dma_wait3A_181 : memref<1x128xi32, #tpu.memory_space<vmem>> -> memref<128xi32, #tpu.memory_space<vmem>>
          %dma_wait3A_183 = arith.constant 0 : i32
          %dma_wait3A_184 = arith.constant 0 : i32
          %dma_wait3A_185 = tpu.memref_slice %arg31[%dma_wait3A_183, %dma_wait3A_184] : memref<10112x128xf32, #tpu.memory_space<vmem_shared>> -> memref<10112x128xf32, #tpu.memory_space<vmem_shared>>
          tpu.wait_indirect_dma semaphore(%run_scoped3A : memref<!tpu.dma_semaphore, #tpu.memory_space<semaphore_mem>>) src(%arg29 : memref<128x128xf32, #tpu.memory_space<vmem>>) dst(%dma_wait3A_185 : memref<10112x128xf32, #tpu.memory_space<vmem_shared>>)
          tpu.yield
        }) : () -> ()
        %lt3A = arith.constant 19 : i32
        %lt3A_160 = arith.cmpi slt, %scan3A_144, %lt3A : i32
        %convert_element_type3A_161 = arith.extui %lt3A_160 : i1 to i32
        %cond3A_162 = arith.constant 0 : i32
        %cond3A_163 = arith.cmpi ne, %convert_element_type3A_161, %cond3A_162 : i32
        scf.if %cond3A_163 {
          %add3A_174 = arith.constant 2 : i32
          %add3A_175 = arith.addi %mul3A_146, %add3A_174 : i32
          %dma_start3A_176 = arith.constant 0 : i32
          %dma_start3A_177 = tpu.memref_slice %arg27[%add3A_175, %dma_start3A_176] : memref<40x128xi32, #tpu.memory_space<vmem>> -> memref<1x128xi32, #tpu.memory_space<vmem>>
          %dma_start3A_178 = tpu.memref_squeeze %dma_start3A_177 : memref<1x128xi32, #tpu.memory_space<vmem>> -> memref<128xi32, #tpu.memory_space<vmem>>
          %dma_start3A_179 = arith.constant 0 : i32
          %dma_start3A_180 = arith.constant 0 : i32
          %dma_start3A_181 = tpu.memref_slice %arg3[%dma_start3A_179, %dma_start3A_180] : memref<10000x128xf32, #tpu.memory_space<hbm>> -> memref<10000x128xf32, #tpu.memory_space<hbm>>
          tpu.enqueue_indirect_dma source(%dma_start3A_181 : memref<10000x128xf32, #tpu.memory_space<hbm>>) target(%arg29 : memref<128x128xf32, #tpu.memory_space<vmem>>) offsets(%dma_start3A_178 : memref<128xi32, #tpu.memory_space<vmem>>) semaphore(%arg32 : memref<!tpu.dma_semaphore, #tpu.memory_space<semaphore_mem>>)
        } else {
        }
        %add3A_164 = arith.constant 1 : i32
        %add3A_165 = arith.addi %mul3A_146, %add3A_164 : i32
        %dma_wait3A_166 = arith.constant 0 : i32
        %dma_wait3A_167 = tpu.memref_slice %arg27[%add3A_165, %dma_wait3A_166] : memref<40x128xi32, #tpu.memory_space<vmem>> -> memref<1x128xi32, #tpu.memory_space<vmem>>
        %dma_wait3A_168 = tpu.memref_squeeze %dma_wait3A_167 : memref<1x128xi32, #tpu.memory_space<vmem>> -> memref<128xi32, #tpu.memory_space<vmem>>
        %dma_wait3A_169 = arith.constant 0 : i32
        %dma_wait3A_170 = arith.constant 0 : i32
        %dma_wait3A_171 = tpu.memref_slice %arg3[%dma_wait3A_169, %dma_wait3A_170] : memref<10000x128xf32, #tpu.memory_space<hbm>> -> memref<10000x128xf32, #tpu.memory_space<hbm>>
        tpu.wait_indirect_dma semaphore(%arg33 : memref<!tpu.dma_semaphore, #tpu.memory_space<semaphore_mem>>) src(%dma_wait3A_171 : memref<10000x128xf32, #tpu.memory_space<hbm>>) dst(%arg30 : memref<128x128xf32, #tpu.memory_space<vmem>>)
        %add3A_172 = arith.constant 1 : i32
        %add3A_173 = arith.addi %mul3A_146, %add3A_172 : i32
        "tpu.region"() ({
          %run_scoped3A = tpu.sem_alloc : memref<!tpu.dma_semaphore, #tpu.memory_space<semaphore_mem>>
          %dma_start3A_174 = arith.constant 0 : i32
          %dma_start3A_175 = tpu.memref_slice %arg28[%add3A_173, %dma_start3A_174] : memref<40x128xi32, #tpu.memory_space<vmem>> -> memref<1x128xi32, #tpu.memory_space<vmem>>
          %dma_start3A_176 = tpu.memref_squeeze %dma_start3A_175 : memref<1x128xi32, #tpu.memory_space<vmem>> -> memref<128xi32, #tpu.memory_space<vmem>>
          %dma_start3A_177 = arith.constant 0 : i32
          %dma_start3A_178 = arith.constant 0 : i32
          %dma_start3A_179 = tpu.memref_slice %arg31[%dma_start3A_177, %dma_start3A_178] : memref<10112x128xf32, #tpu.memory_space<vmem_shared>> -> memref<10112x128xf32, #tpu.memory_space<vmem_shared>>
          tpu.enqueue_indirect_dma source(%arg30 : memref<128x128xf32, #tpu.memory_space<vmem>>) target(%dma_start3A_179 : memref<10112x128xf32, #tpu.memory_space<vmem_shared>>) offsets(%dma_start3A_176 : memref<128xi32, #tpu.memory_space<vmem>>) semaphore(%run_scoped3A : memref<!tpu.dma_semaphore, #tpu.memory_space<semaphore_mem>>) {add = true}
          %dma_wait3A_180 = arith.constant 0 : i32
          %dma_wait3A_181 = tpu.memref_slice %arg28[%add3A_173, %dma_wait3A_180] : memref<40x128xi32, #tpu.memory_space<vmem>> -> memref<1x128xi32, #tpu.memory_space<vmem>>
          %dma_wait3A_182 = tpu.memref_squeeze %dma_wait3A_181 : memref<1x128xi32, #tpu.memory_space<vmem>> -> memref<128xi32, #tpu.memory_space<vmem>>
          %dma_wait3A_183 = arith.constant 0 : i32
          %dma_wait3A_184 = arith.constant 0 : i32
          %dma_wait3A_185 = tpu.memref_slice %arg31[%dma_wait3A_183, %dma_wait3A_184] : memref<10112x128xf32, #tpu.memory_space<vmem_shared>> -> memref<10112x128xf32, #tpu.memory_space<vmem_shared>>
          tpu.wait_indirect_dma semaphore(%run_scoped3A : memref<!tpu.dma_semaphore, #tpu.memory_space<semaphore_mem>>) src(%arg30 : memref<128x128xf32, #tpu.memory_space<vmem>>) dst(%dma_wait3A_185 : memref<10112x128xf32, #tpu.memory_space<vmem_shared>>)
          tpu.yield
        }) : () -> ()
      }
      %scan3A_130 = arith.constant 20 : i32
      "tpu.region"() ({
        %run_scoped3A = tpu.sem_alloc : memref<!tpu.dma_semaphore, #tpu.memory_space<semaphore_mem>>
        %dma_start3A_144 = arith.constant 40 : i32
        %dma_start3A_145 = arith.constant 0 : i32
        %dma_start3A_146 = tpu.memref_slice %arg4[%arg1, %dma_start3A_144, %dma_start3A_145] : memref<16x80x128xi32, #tpu.memory_space<hbm>> -> memref<1x40x128xi32, #tpu.memory_space<hbm>>
        %dma_start3A_147 = tpu.memref_squeeze %dma_start3A_146 : memref<1x40x128xi32, #tpu.memory_space<hbm>> -> memref<40x128xi32, #tpu.memory_space<hbm>>
        %dma_start3A_148 = arith.constant 40 : i32
        %dma_start3A_149 = arith.constant 0 : i32
        %dma_start3A_150 = tpu.memref_slice %arg4[%arg1, %dma_start3A_148, %dma_start3A_149] : memref<16x80x128xi32, #tpu.memory_space<hbm>> -> memref<1x40x128xi32, #tpu.memory_space<hbm>>
        %dma_start3A_151 = tpu.memref_squeeze %dma_start3A_150 : memref<1x40x128xi32, #tpu.memory_space<hbm>> -> memref<40x128xi32, #tpu.memory_space<hbm>>
        tpu.enqueue_dma source(%dma_start3A_151 : memref<40x128xi32, #tpu.memory_space<hbm>>) target(%arg27 : memref<40x128xi32, #tpu.memory_space<vmem>>) target_semaphore(%run_scoped3A : memref<!tpu.dma_semaphore, #tpu.memory_space<semaphore_mem>>)
        %dma_wait3A = arith.constant 40 : i32
        %dma_wait3A_152 = arith.constant 0 : i32
        %dma_wait3A_153 = tpu.memref_slice %arg4[%arg1, %dma_wait3A, %dma_wait3A_152] : memref<16x80x128xi32, #tpu.memory_space<hbm>> -> memref<1x40x128xi32, #tpu.memory_space<hbm>>
        %dma_wait3A_154 = tpu.memref_squeeze %dma_wait3A_153 : memref<1x40x128xi32, #tpu.memory_space<hbm>> -> memref<40x128xi32, #tpu.memory_space<hbm>>
        %dma_wait3A_155 = arith.constant 40 : i32
        %dma_wait3A_156 = arith.constant 0 : i32
        %dma_wait3A_157 = tpu.memref_slice %arg4[%arg1, %dma_wait3A_155, %dma_wait3A_156] : memref<16x80x128xi32, #tpu.memory_space<hbm>> -> memref<1x40x128xi32, #tpu.memory_space<hbm>>
        %dma_wait3A_158 = tpu.memref_squeeze %dma_wait3A_157 : memref<1x40x128xi32, #tpu.memory_space<hbm>> -> memref<40x128xi32, #tpu.memory_space<hbm>>
        tpu.wait_dma2 semaphore(%run_scoped3A : memref<!tpu.dma_semaphore, #tpu.memory_space<semaphore_mem>>) src(%dma_wait3A_158 : memref<40x128xi32, #tpu.memory_space<hbm>>) dst(%arg27 : memref<40x128xi32, #tpu.memory_space<vmem>>)
        tpu.yield
      }) : () -> ()
      "tpu.region"() ({
        %run_scoped3A = tpu.sem_alloc : memref<!tpu.dma_semaphore, #tpu.memory_space<semaphore_mem>>
        %dma_start3A_144 = arith.constant 40 : i32
        %dma_start3A_145 = arith.constant 0 : i32
        %dma_start3A_146 = tpu.memref_slice %arg5[%arg1, %dma_start3A_144, %dma_start3A_145] : memref<16x80x128xi32, #tpu.memory_space<hbm>> -> memref<1x40x128xi32, #tpu.memory_space<hbm>>
        %dma_start3A_147 = tpu.memref_squeeze %dma_start3A_146 : memref<1x40x128xi32, #tpu.memory_space<hbm>> -> memref<40x128xi32, #tpu.memory_space<hbm>>
        %dma_start3A_148 = arith.constant 40 : i32
        %dma_start3A_149 = arith.constant 0 : i32
        %dma_start3A_150 = tpu.memref_slice %arg5[%arg1, %dma_start3A_148, %dma_start3A_149] : memref<16x80x128xi32, #tpu.memory_space<hbm>> -> memref<1x40x128xi32, #tpu.memory_space<hbm>>
        %dma_start3A_151 = tpu.memref_squeeze %dma_start3A_150 : memref<1x40x128xi32, #tpu.memory_space<hbm>> -> memref<40x128xi32, #tpu.memory_space<hbm>>
        tpu.enqueue_dma source(%dma_start3A_151 : memref<40x128xi32, #tpu.memory_space<hbm>>) target(%arg28 : memref<40x128xi32, #tpu.memory_space<vmem>>) target_semaphore(%run_scoped3A : memref<!tpu.dma_semaphore, #tpu.memory_space<semaphore_mem>>)
        %dma_wait3A = arith.constant 40 : i32
        %dma_wait3A_152 = arith.constant 0 : i32
        %dma_wait3A_153 = tpu.memref_slice %arg5[%arg1, %dma_wait3A, %dma_wait3A_152] : memref<16x80x128xi32, #tpu.memory_space<hbm>> -> memref<1x40x128xi32, #tpu.memory_space<hbm>>
        %dma_wait3A_154 = tpu.memref_squeeze %dma_wait3A_153 : memref<1x40x128xi32, #tpu.memory_space<hbm>> -> memref<40x128xi32, #tpu.memory_space<hbm>>
        %dma_wait3A_155 = arith.constant 40 : i32
        %dma_wait3A_156 = arith.constant 0 : i32
        %dma_wait3A_157 = tpu.memref_slice %arg5[%arg1, %dma_wait3A_155, %dma_wait3A_156] : memref<16x80x128xi32, #tpu.memory_space<hbm>> -> memref<1x40x128xi32, #tpu.memory_space<hbm>>
        %dma_wait3A_158 = tpu.memref_squeeze %dma_wait3A_157 : memref<1x40x128xi32, #tpu.memory_space<hbm>> -> memref<40x128xi32, #tpu.memory_space<hbm>>
        tpu.wait_dma2 semaphore(%run_scoped3A : memref<!tpu.dma_semaphore, #tpu.memory_space<semaphore_mem>>) src(%dma_wait3A_158 : memref<40x128xi32, #tpu.memory_space<hbm>>) dst(%arg28 : memref<40x128xi32, #tpu.memory_space<vmem>>)
        tpu.yield
      }) : () -> ()
      %dma_start3A_131 = arith.constant 0 : i32
      %dma_start3A_132 = arith.constant 0 : i32
      %dma_start3A_133 = tpu.memref_slice %arg27[%dma_start3A_131, %dma_start3A_132] : memref<40x128xi32, #tpu.memory_space<vmem>> -> memref<1x128xi32, #tpu.memory_space<vmem>>
      %dma_start3A_134 = tpu.memref_squeeze %dma_start3A_133 : memref<1x128xi32, #tpu.memory_space<vmem>> -> memref<128xi32, #tpu.memory_space<vmem>>
      %dma_start3A_135 = arith.constant 0 : i32
      %dma_start3A_136 = arith.constant 0 : i32
      %dma_start3A_137 = tpu.memref_slice %arg3[%dma_start3A_135, %dma_start3A_136] : memref<10000x128xf32, #tpu.memory_space<hbm>> -> memref<10000x128xf32, #tpu.memory_space<hbm>>
      tpu.enqueue_indirect_dma source(%dma_start3A_137 : memref<10000x128xf32, #tpu.memory_space<hbm>>) target(%arg29 : memref<128x128xf32, #tpu.memory_space<vmem>>) offsets(%dma_start3A_134 : memref<128xi32, #tpu.memory_space<vmem>>) semaphore(%arg32 : memref<!tpu.dma_semaphore, #tpu.memory_space<semaphore_mem>>)
      %scan3A_138 = arith.constant 0 : i32
      %scan3A_139 = arith.constant 0 : i32
      %scan3A_140 = arith.constant 20 : i32
      %scan3A_141 = arith.addi %scan3A_139, %scan3A_140 : i32
      %scan3A_142 = arith.constant 1 : i32
      scf.for %scan3A_144 = %scan3A_139 to %scan3A_141 step %scan3A_142  : i32 {
        %mul3A_145 = arith.constant 2 : i32
        %mul3A_146 = arith.muli %scan3A_144, %mul3A_145 : i32
        %add3A_147 = arith.constant 1 : i32
        %add3A_148 = arith.addi %mul3A_146, %add3A_147 : i32
        %dma_start3A_149 = arith.constant 0 : i32
        %dma_start3A_150 = tpu.memref_slice %arg27[%add3A_148, %dma_start3A_149] : memref<40x128xi32, #tpu.memory_space<vmem>> -> memref<1x128xi32, #tpu.memory_space<vmem>>
        %dma_start3A_151 = tpu.memref_squeeze %dma_start3A_150 : memref<1x128xi32, #tpu.memory_space<vmem>> -> memref<128xi32, #tpu.memory_space<vmem>>
        %dma_start3A_152 = arith.constant 0 : i32
        %dma_start3A_153 = arith.constant 0 : i32
        %dma_start3A_154 = tpu.memref_slice %arg3[%dma_start3A_152, %dma_start3A_153] : memref<10000x128xf32, #tpu.memory_space<hbm>> -> memref<10000x128xf32, #tpu.memory_space<hbm>>
        tpu.enqueue_indirect_dma source(%dma_start3A_154 : memref<10000x128xf32, #tpu.memory_space<hbm>>) target(%arg30 : memref<128x128xf32, #tpu.memory_space<vmem>>) offsets(%dma_start3A_151 : memref<128xi32, #tpu.memory_space<vmem>>) semaphore(%arg33 : memref<!tpu.dma_semaphore, #tpu.memory_space<semaphore_mem>>)
        %dma_wait3A = arith.constant 0 : i32
        %dma_wait3A_155 = tpu.memref_slice %arg27[%mul3A_146, %dma_wait3A] : memref<40x128xi32, #tpu.memory_space<vmem>> -> memref<1x128xi32, #tpu.memory_space<vmem>>
        %dma_wait3A_156 = tpu.memref_squeeze %dma_wait3A_155 : memref<1x128xi32, #tpu.memory_space<vmem>> -> memref<128xi32, #tpu.memory_space<vmem>>
        %dma_wait3A_157 = arith.constant 0 : i32
        %dma_wait3A_158 = arith.constant 0 : i32
        %dma_wait3A_159 = tpu.memref_slice %arg3[%dma_wait3A_157, %dma_wait3A_158] : memref<10000x128xf32, #tpu.memory_space<hbm>> -> memref<10000x128xf32, #tpu.memory_space<hbm>>
        tpu.wait_indirect_dma semaphore(%arg32 : memref<!tpu.dma_semaphore, #tpu.memory_space<semaphore_mem>>) src(%dma_wait3A_159 : memref<10000x128xf32, #tpu.memory_space<hbm>>) dst(%arg29 : memref<128x128xf32, #tpu.memory_space<vmem>>)
        "tpu.region"() ({
          %run_scoped3A = tpu.sem_alloc : memref<!tpu.dma_semaphore, #tpu.memory_space<semaphore_mem>>
          %dma_start3A_174 = arith.constant 0 : i32
          %dma_start3A_175 = tpu.memref_slice %arg28[%mul3A_146, %dma_start3A_174] : memref<40x128xi32, #tpu.memory_space<vmem>> -> memref<1x128xi32, #tpu.memory_space<vmem>>
          %dma_start3A_176 = tpu.memref_squeeze %dma_start3A_175 : memref<1x128xi32, #tpu.memory_space<vmem>> -> memref<128xi32, #tpu.memory_space<vmem>>
          %dma_start3A_177 = arith.constant 0 : i32
          %dma_start3A_178 = arith.constant 0 : i32
          %dma_start3A_179 = tpu.memref_slice %arg31[%dma_start3A_177, %dma_start3A_178] : memref<10112x128xf32, #tpu.memory_space<vmem_shared>> -> memref<10112x128xf32, #tpu.memory_space<vmem_shared>>
          tpu.enqueue_indirect_dma source(%arg29 : memref<128x128xf32, #tpu.memory_space<vmem>>) target(%dma_start3A_179 : memref<10112x128xf32, #tpu.memory_space<vmem_shared>>) offsets(%dma_start3A_176 : memref<128xi32, #tpu.memory_space<vmem>>) semaphore(%run_scoped3A : memref<!tpu.dma_semaphore, #tpu.memory_space<semaphore_mem>>) {add = true}
          %dma_wait3A_180 = arith.constant 0 : i32
          %dma_wait3A_181 = tpu.memref_slice %arg28[%mul3A_146, %dma_wait3A_180] : memref<40x128xi32, #tpu.memory_space<vmem>> -> memref<1x128xi32, #tpu.memory_space<vmem>>
          %dma_wait3A_182 = tpu.memref_squeeze %dma_wait3A_181 : memref<1x128xi32, #tpu.memory_space<vmem>> -> memref<128xi32, #tpu.memory_space<vmem>>
          %dma_wait3A_183 = arith.constant 0 : i32
          %dma_wait3A_184 = arith.constant 0 : i32
          %dma_wait3A_185 = tpu.memref_slice %arg31[%dma_wait3A_183, %dma_wait3A_184] : memref<10112x128xf32, #tpu.memory_space<vmem_shared>> -> memref<10112x128xf32, #tpu.memory_space<vmem_shared>>
          tpu.wait_indirect_dma semaphore(%run_scoped3A : memref<!tpu.dma_semaphore, #tpu.memory_space<semaphore_mem>>) src(%arg29 : memref<128x128xf32, #tpu.memory_space<vmem>>) dst(%dma_wait3A_185 : memref<10112x128xf32, #tpu.memory_space<vmem_shared>>)
          tpu.yield
        }) : () -> ()
        %lt3A = arith.constant 19 : i32
        %lt3A_160 = arith.cmpi slt, %scan3A_144, %lt3A : i32
        %convert_element_type3A_161 = arith.extui %lt3A_160 : i1 to i32
        %cond3A_162 = arith.constant 0 : i32
        %cond3A_163 = arith.cmpi ne, %convert_element_type3A_161, %cond3A_162 : i32
        scf.if %cond3A_163 {
          %add3A_174 = arith.constant 2 : i32
          %add3A_175 = arith.addi %mul3A_146, %add3A_174 : i32
          %dma_start3A_176 = arith.constant 0 : i32
          %dma_start3A_177 = tpu.memref_slice %arg27[%add3A_175, %dma_start3A_176] : memref<40x128xi32, #tpu.memory_space<vmem>> -> memref<1x128xi32, #tpu.memory_space<vmem>>
          %dma_start3A_178 = tpu.memref_squeeze %dma_start3A_177 : memref<1x128xi32, #tpu.memory_space<vmem>> -> memref<128xi32, #tpu.memory_space<vmem>>
          %dma_start3A_179 = arith.constant 0 : i32
          %dma_start3A_180 = arith.constant 0 : i32
          %dma_start3A_181 = tpu.memref_slice %arg3[%dma_start3A_179, %dma_start3A_180] : memref<10000x128xf32, #tpu.memory_space<hbm>> -> memref<10000x128xf32, #tpu.memory_space<hbm>>
          tpu.enqueue_indirect_dma source(%dma_start3A_181 : memref<10000x128xf32, #tpu.memory_space<hbm>>) target(%arg29 : memref<128x128xf32, #tpu.memory_space<vmem>>) offsets(%dma_start3A_178 : memref<128xi32, #tpu.memory_space<vmem>>) semaphore(%arg32 : memref<!tpu.dma_semaphore, #tpu.memory_space<semaphore_mem>>)
        } else {
        }
        %add3A_164 = arith.constant 1 : i32
        %add3A_165 = arith.addi %mul3A_146, %add3A_164 : i32
        %dma_wait3A_166 = arith.constant 0 : i32
        %dma_wait3A_167 = tpu.memref_slice %arg27[%add3A_165, %dma_wait3A_166] : memref<40x128xi32, #tpu.memory_space<vmem>> -> memref<1x128xi32, #tpu.memory_space<vmem>>
        %dma_wait3A_168 = tpu.memref_squeeze %dma_wait3A_167 : memref<1x128xi32, #tpu.memory_space<vmem>> -> memref<128xi32, #tpu.memory_space<vmem>>
        %dma_wait3A_169 = arith.constant 0 : i32
        %dma_wait3A_170 = arith.constant 0 : i32
        %dma_wait3A_171 = tpu.memref_slice %arg3[%dma_wait3A_169, %dma_wait3A_170] : memref<10000x128xf32, #tpu.memory_space<hbm>> -> memref<10000x128xf32, #tpu.memory_space<hbm>>
        tpu.wait_indirect_dma semaphore(%arg33 : memref<!tpu.dma_semaphore, #tpu.memory_space<semaphore_mem>>) src(%dma_wait3A_171 : memref<10000x128xf32, #tpu.memory_space<hbm>>) dst(%arg30 : memref<128x128xf32, #tpu.memory_space<vmem>>)
        %add3A_172 = arith.constant 1 : i32
        %add3A_173 = arith.addi %mul3A_146, %add3A_172 : i32
        "tpu.region"() ({
          %run_scoped3A = tpu.sem_alloc : memref<!tpu.dma_semaphore, #tpu.memory_space<semaphore_mem>>
          %dma_start3A_174 = arith.constant 0 : i32
          %dma_start3A_175 = tpu.memref_slice %arg28[%add3A_173, %dma_start3A_174] : memref<40x128xi32, #tpu.memory_space<vmem>> -> memref<1x128xi32, #tpu.memory_space<vmem>>
          %dma_start3A_176 = tpu.memref_squeeze %dma_start3A_175 : memref<1x128xi32, #tpu.memory_space<vmem>> -> memref<128xi32, #tpu.memory_space<vmem>>
          %dma_start3A_177 = arith.constant 0 : i32
          %dma_start3A_178 = arith.constant 0 : i32
          %dma_start3A_179 = tpu.memref_slice %arg31[%dma_start3A_177, %dma_start3A_178] : memref<10112x128xf32, #tpu.memory_space<vmem_shared>> -> memref<10112x128xf32, #tpu.memory_space<vmem_shared>>
          tpu.enqueue_indirect_dma source(%arg30 : memref<128x128xf32, #tpu.memory_space<vmem>>) target(%dma_start3A_179 : memref<10112x128xf32, #tpu.memory_space<vmem_shared>>) offsets(%dma_start3A_176 : memref<128xi32, #tpu.memory_space<vmem>>) semaphore(%run_scoped3A : memref<!tpu.dma_semaphore, #tpu.memory_space<semaphore_mem>>) {add = true}
          %dma_wait3A_180 = arith.constant 0 : i32
          %dma_wait3A_181 = tpu.memref_slice %arg28[%add3A_173, %dma_wait3A_180] : memref<40x128xi32, #tpu.memory_space<vmem>> -> memref<1x128xi32, #tpu.memory_space<vmem>>
          %dma_wait3A_182 = tpu.memref_squeeze %dma_wait3A_181 : memref<1x128xi32, #tpu.memory_space<vmem>> -> memref<128xi32, #tpu.memory_space<vmem>>
          %dma_wait3A_183 = arith.constant 0 : i32
          %dma_wait3A_184 = arith.constant 0 : i32
          %dma_wait3A_185 = tpu.memref_slice %arg31[%dma_wait3A_183, %dma_wait3A_184] : memref<10112x128xf32, #tpu.memory_space<vmem_shared>> -> memref<10112x128xf32, #tpu.memory_space<vmem_shared>>
          tpu.wait_indirect_dma semaphore(%run_scoped3A : memref<!tpu.dma_semaphore, #tpu.memory_space<semaphore_mem>>) src(%arg30 : memref<128x128xf32, #tpu.memory_space<vmem>>) dst(%dma_wait3A_185 : memref<10112x128xf32, #tpu.memory_space<vmem_shared>>)
          tpu.yield
        }) : () -> ()
      }
      %scan3A_143 = arith.constant 20 : i32
    } else {
    }
    %barrier3A_10 = arith.constant 0 : index
    tpu.barrier barrier_id(%barrier3A_10)
    %eq3A_11 = arith.constant 0 : i32
    %eq3A_12 = arith.cmpi eq, %arg0, %eq3A_11 : i32
    %convert_element_type3A_13 = arith.extui %eq3A_12 : i1 to i32
    %cond3A_14 = arith.constant 0 : i32
    %cond3A_15 = arith.cmpi ne, %convert_element_type3A_13, %cond3A_14 : i32
    scf.if %cond3A_15 {
      "tpu.region"() ({
        %run_scoped3A = tpu.sem_alloc : memref<!tpu.dma_semaphore, #tpu.memory_space<semaphore_mem>>
        %dma_start3A = arith.constant 0 : i32
        %dma_start3A_119 = tpu.memref_slice %arg15[%mul3A_2, %dma_start3A] : memref<10112x128xf32, #tpu.memory_space<hbm>> -> memref<632x128xf32, #tpu.memory_space<hbm>>
        %dma_start3A_120 = arith.constant 0 : i32
        %dma_start3A_121 = tpu.memref_slice %arg31[%mul3A_2, %dma_start3A_120] : memref<10112x128xf32, #tpu.memory_space<vmem_shared>> -> memref<632x128xf32, #tpu.memory_space<vmem_shared>>
        tpu.enqueue_dma source(%dma_start3A_121 : memref<632x128xf32, #tpu.memory_space<vmem_shared>>) target(%dma_start3A_119 : memref<632x128xf32, #tpu.memory_space<hbm>>) target_semaphore(%run_scoped3A : memref<!tpu.dma_semaphore, #tpu.memory_space<semaphore_mem>>)
        %dma_wait3A = arith.constant 0 : i32
        %dma_wait3A_122 = tpu.memref_slice %arg15[%mul3A_2, %dma_wait3A] : memref<10112x128xf32, #tpu.memory_space<hbm>> -> memref<632x128xf32, #tpu.memory_space<hbm>>
        %dma_wait3A_123 = arith.constant 0 : i32
        %dma_wait3A_124 = tpu.memref_slice %arg31[%mul3A_2, %dma_wait3A_123] : memref<10112x128xf32, #tpu.memory_space<vmem_shared>> -> memref<632x128xf32, #tpu.memory_space<vmem_shared>>
        tpu.wait_dma2 semaphore(%run_scoped3A : memref<!tpu.dma_semaphore, #tpu.memory_space<semaphore_mem>>) src(%dma_wait3A_124 : memref<632x128xf32, #tpu.memory_space<vmem_shared>>) dst(%dma_wait3A_122 : memref<632x128xf32, #tpu.memory_space<hbm>>)
        tpu.yield
      }) : () -> ()
    } else {
    }
    %eq3A_16 = arith.constant 1 : i32
    %eq3A_17 = arith.cmpi eq, %arg0, %eq3A_16 : i32
    %convert_element_type3A_18 = arith.extui %eq3A_17 : i1 to i32
    %cond3A_19 = arith.constant 0 : i32
    %cond3A_20 = arith.cmpi ne, %convert_element_type3A_18, %cond3A_19 : i32
    scf.if %cond3A_20 {
      "tpu.region"() ({
        %run_scoped3A = tpu.sem_alloc : memref<!tpu.dma_semaphore, #tpu.memory_space<semaphore_mem>>
        %dma_start3A = arith.constant 0 : i32
        %dma_start3A_119 = tpu.memref_slice %arg16[%mul3A_2, %dma_start3A] : memref<10112x128xf32, #tpu.memory_space<hbm>> -> memref<632x128xf32, #tpu.memory_space<hbm>>
        %dma_start3A_120 = arith.constant 0 : i32
        %dma_start3A_121 = tpu.memref_slice %arg31[%mul3A_2, %dma_start3A_120] : memref<10112x128xf32, #tpu.memory_space<vmem_shared>> -> memref<632x128xf32, #tpu.memory_space<vmem_shared>>
        tpu.enqueue_dma source(%dma_start3A_121 : memref<632x128xf32, #tpu.memory_space<vmem_shared>>) target(%dma_start3A_119 : memref<632x128xf32, #tpu.memory_space<hbm>>) target_semaphore(%run_scoped3A : memref<!tpu.dma_semaphore, #tpu.memory_space<semaphore_mem>>)
        %dma_wait3A = arith.constant 0 : i32
        %dma_wait3A_122 = tpu.memref_slice %arg16[%mul3A_2, %dma_wait3A] : memref<10112x128xf32, #tpu.memory_space<hbm>> -> memref<632x128xf32, #tpu.memory_space<hbm>>
        %dma_wait3A_123 = arith.constant 0 : i32
        %dma_wait3A_124 = tpu.memref_slice %arg31[%mul3A_2, %dma_wait3A_123] : memref<10112x128xf32, #tpu.memory_space<vmem_shared>> -> memref<632x128xf32, #tpu.memory_space<vmem_shared>>
        tpu.wait_dma2 semaphore(%run_scoped3A : memref<!tpu.dma_semaphore, #tpu.memory_space<semaphore_mem>>) src(%dma_wait3A_124 : memref<632x128xf32, #tpu.memory_space<vmem_shared>>) dst(%dma_wait3A_122 : memref<632x128xf32, #tpu.memory_space<hbm>>)
        tpu.yield
      }) : () -> ()
    } else {
    }
    "tpu.region"() ({
      %run_scoped3A = tpu.sem_alloc : memref<!tpu.dma_semaphore, #tpu.memory_space<semaphore_mem>>
      %dma_start3A = arith.constant 0 : i32
      %dma_start3A_119 = tpu.memref_slice %arg31[%mul3A_2, %dma_start3A] : memref<10112x128xf32, #tpu.memory_space<vmem_shared>> -> memref<632x128xf32, #tpu.memory_space<vmem_shared>>
      tpu.enqueue_dma source(%arg13 : memref<632x128xf32, #tpu.memory_space<hbm>>) target(%dma_start3A_119 : memref<632x128xf32, #tpu.memory_space<vmem_shared>>) target_semaphore(%run_scoped3A : memref<!tpu.dma_semaphore, #tpu.memory_space<semaphore_mem>>)
      %dma_wait3A = arith.constant 0 : i32
      %dma_wait3A_120 = tpu.memref_slice %arg31[%mul3A_2, %dma_wait3A] : memref<10112x128xf32, #tpu.memory_space<vmem_shared>> -> memref<632x128xf32, #tpu.memory_space<vmem_shared>>
      tpu.wait_dma2 semaphore(%run_scoped3A : memref<!tpu.dma_semaphore, #tpu.memory_space<semaphore_mem>>) src(%arg13 : memref<632x128xf32, #tpu.memory_space<hbm>>) dst(%dma_wait3A_120 : memref<632x128xf32, #tpu.memory_space<vmem_shared>>)
      tpu.yield
    }) : () -> ()
    %barrier3A_21 = arith.constant 0 : index
    tpu.barrier barrier_id(%barrier3A_21)
    %eq3A_22 = arith.constant 0 : i32
    %eq3A_23 = arith.cmpi eq, %arg0, %eq3A_22 : i32
    %convert_element_type3A_24 = arith.extui %eq3A_23 : i1 to i32
    %cond3A_25 = arith.constant 0 : i32
    %cond3A_26 = arith.cmpi ne, %convert_element_type3A_24, %cond3A_25 : i32
    scf.if %cond3A_26 {
      "tpu.region"() ({
        %run_scoped3A = tpu.sem_alloc : memref<!tpu.dma_semaphore, #tpu.memory_space<semaphore_mem>>
        %dma_start3A_144 = arith.constant 0 : i32
        %dma_start3A_145 = arith.constant 0 : i32
        %dma_start3A_146 = tpu.memref_slice %arg6[%arg1, %dma_start3A_144, %dma_start3A_145] : memref<16x80x128xi32, #tpu.memory_space<hbm>> -> memref<1x40x128xi32, #tpu.memory_space<hbm>>
        %dma_start3A_147 = tpu.memref_squeeze %dma_start3A_146 : memref<1x40x128xi32, #tpu.memory_space<hbm>> -> memref<40x128xi32, #tpu.memory_space<hbm>>
        %dma_start3A_148 = arith.constant 0 : i32
        %dma_start3A_149 = arith.constant 0 : i32
        %dma_start3A_150 = tpu.memref_slice %arg6[%arg1, %dma_start3A_148, %dma_start3A_149] : memref<16x80x128xi32, #tpu.memory_space<hbm>> -> memref<1x40x128xi32, #tpu.memory_space<hbm>>
        %dma_start3A_151 = tpu.memref_squeeze %dma_start3A_150 : memref<1x40x128xi32, #tpu.memory_space<hbm>> -> memref<40x128xi32, #tpu.memory_space<hbm>>
        tpu.enqueue_dma source(%dma_start3A_151 : memref<40x128xi32, #tpu.memory_space<hbm>>) target(%arg27 : memref<40x128xi32, #tpu.memory_space<vmem>>) target_semaphore(%run_scoped3A : memref<!tpu.dma_semaphore, #tpu.memory_space<semaphore_mem>>)
        %dma_wait3A = arith.constant 0 : i32
        %dma_wait3A_152 = arith.constant 0 : i32
        %dma_wait3A_153 = tpu.memref_slice %arg6[%arg1, %dma_wait3A, %dma_wait3A_152] : memref<16x80x128xi32, #tpu.memory_space<hbm>> -> memref<1x40x128xi32, #tpu.memory_space<hbm>>
        %dma_wait3A_154 = tpu.memref_squeeze %dma_wait3A_153 : memref<1x40x128xi32, #tpu.memory_space<hbm>> -> memref<40x128xi32, #tpu.memory_space<hbm>>
        %dma_wait3A_155 = arith.constant 0 : i32
        %dma_wait3A_156 = arith.constant 0 : i32
        %dma_wait3A_157 = tpu.memref_slice %arg6[%arg1, %dma_wait3A_155, %dma_wait3A_156] : memref<16x80x128xi32, #tpu.memory_space<hbm>> -> memref<1x40x128xi32, #tpu.memory_space<hbm>>
        %dma_wait3A_158 = tpu.memref_squeeze %dma_wait3A_157 : memref<1x40x128xi32, #tpu.memory_space<hbm>> -> memref<40x128xi32, #tpu.memory_space<hbm>>
        tpu.wait_dma2 semaphore(%run_scoped3A : memref<!tpu.dma_semaphore, #tpu.memory_space<semaphore_mem>>) src(%dma_wait3A_158 : memref<40x128xi32, #tpu.memory_space<hbm>>) dst(%arg27 : memref<40x128xi32, #tpu.memory_space<vmem>>)
        tpu.yield
      }) : () -> ()
      "tpu.region"() ({
        %run_scoped3A = tpu.sem_alloc : memref<!tpu.dma_semaphore, #tpu.memory_space<semaphore_mem>>
        %dma_start3A_144 = arith.constant 0 : i32
        %dma_start3A_145 = arith.constant 0 : i32
        %dma_start3A_146 = tpu.memref_slice %arg7[%arg1, %dma_start3A_144, %dma_start3A_145] : memref<16x80x128xi32, #tpu.memory_space<hbm>> -> memref<1x40x128xi32, #tpu.memory_space<hbm>>
        %dma_start3A_147 = tpu.memref_squeeze %dma_start3A_146 : memref<1x40x128xi32, #tpu.memory_space<hbm>> -> memref<40x128xi32, #tpu.memory_space<hbm>>
        %dma_start3A_148 = arith.constant 0 : i32
        %dma_start3A_149 = arith.constant 0 : i32
        %dma_start3A_150 = tpu.memref_slice %arg7[%arg1, %dma_start3A_148, %dma_start3A_149] : memref<16x80x128xi32, #tpu.memory_space<hbm>> -> memref<1x40x128xi32, #tpu.memory_space<hbm>>
        %dma_start3A_151 = tpu.memref_squeeze %dma_start3A_150 : memref<1x40x128xi32, #tpu.memory_space<hbm>> -> memref<40x128xi32, #tpu.memory_space<hbm>>
        tpu.enqueue_dma source(%dma_start3A_151 : memref<40x128xi32, #tpu.memory_space<hbm>>) target(%arg28 : memref<40x128xi32, #tpu.memory_space<vmem>>) target_semaphore(%run_scoped3A : memref<!tpu.dma_semaphore, #tpu.memory_space<semaphore_mem>>)
        %dma_wait3A = arith.constant 0 : i32
        %dma_wait3A_152 = arith.constant 0 : i32
        %dma_wait3A_153 = tpu.memref_slice %arg7[%arg1, %dma_wait3A, %dma_wait3A_152] : memref<16x80x128xi32, #tpu.memory_space<hbm>> -> memref<1x40x128xi32, #tpu.memory_space<hbm>>
        %dma_wait3A_154 = tpu.memref_squeeze %dma_wait3A_153 : memref<1x40x128xi32, #tpu.memory_space<hbm>> -> memref<40x128xi32, #tpu.memory_space<hbm>>
        %dma_wait3A_155 = arith.constant 0 : i32
        %dma_wait3A_156 = arith.constant 0 : i32
        %dma_wait3A_157 = tpu.memref_slice %arg7[%arg1, %dma_wait3A_155, %dma_wait3A_156] : memref<16x80x128xi32, #tpu.memory_space<hbm>> -> memref<1x40x128xi32, #tpu.memory_space<hbm>>
        %dma_wait3A_158 = tpu.memref_squeeze %dma_wait3A_157 : memref<1x40x128xi32, #tpu.memory_space<hbm>> -> memref<40x128xi32, #tpu.memory_space<hbm>>
        tpu.wait_dma2 semaphore(%run_scoped3A : memref<!tpu.dma_semaphore, #tpu.memory_space<semaphore_mem>>) src(%dma_wait3A_158 : memref<40x128xi32, #tpu.memory_space<hbm>>) dst(%arg28 : memref<40x128xi32, #tpu.memory_space<vmem>>)
        tpu.yield
      }) : () -> ()
      %dma_start3A = arith.constant 0 : i32
      %dma_start3A_119 = arith.constant 0 : i32
      %dma_start3A_120 = tpu.memref_slice %arg27[%dma_start3A, %dma_start3A_119] : memref<40x128xi32, #tpu.memory_space<vmem>> -> memref<1x128xi32, #tpu.memory_space<vmem>>
      %dma_start3A_121 = tpu.memref_squeeze %dma_start3A_120 : memref<1x128xi32, #tpu.memory_space<vmem>> -> memref<128xi32, #tpu.memory_space<vmem>>
      %dma_start3A_122 = arith.constant 0 : i32
      %dma_start3A_123 = arith.constant 0 : i32
      %dma_start3A_124 = tpu.memref_slice %arg2[%dma_start3A_122, %dma_start3A_123] : memref<10000x128xf32, #tpu.memory_space<hbm>> -> memref<10000x128xf32, #tpu.memory_space<hbm>>
      tpu.enqueue_indirect_dma source(%dma_start3A_124 : memref<10000x128xf32, #tpu.memory_space<hbm>>) target(%arg29 : memref<128x128xf32, #tpu.memory_space<vmem>>) offsets(%dma_start3A_121 : memref<128xi32, #tpu.memory_space<vmem>>) semaphore(%arg32 : memref<!tpu.dma_semaphore, #tpu.memory_space<semaphore_mem>>)
      %scan3A_125 = arith.constant 0 : i32
      %scan3A_126 = arith.constant 0 : i32
      %scan3A_127 = arith.constant 20 : i32
      %scan3A_128 = arith.addi %scan3A_126, %scan3A_127 : i32
      %scan3A_129 = arith.constant 1 : i32
      scf.for %scan3A_144 = %scan3A_126 to %scan3A_128 step %scan3A_129  : i32 {
        %mul3A_145 = arith.constant 2 : i32
        %mul3A_146 = arith.muli %scan3A_144, %mul3A_145 : i32
        %add3A_147 = arith.constant 1 : i32
        %add3A_148 = arith.addi %mul3A_146, %add3A_147 : i32
        %dma_start3A_149 = arith.constant 0 : i32
        %dma_start3A_150 = tpu.memref_slice %arg27[%add3A_148, %dma_start3A_149] : memref<40x128xi32, #tpu.memory_space<vmem>> -> memref<1x128xi32, #tpu.memory_space<vmem>>
        %dma_start3A_151 = tpu.memref_squeeze %dma_start3A_150 : memref<1x128xi32, #tpu.memory_space<vmem>> -> memref<128xi32, #tpu.memory_space<vmem>>
        %dma_start3A_152 = arith.constant 0 : i32
        %dma_start3A_153 = arith.constant 0 : i32
        %dma_start3A_154 = tpu.memref_slice %arg2[%dma_start3A_152, %dma_start3A_153] : memref<10000x128xf32, #tpu.memory_space<hbm>> -> memref<10000x128xf32, #tpu.memory_space<hbm>>
        tpu.enqueue_indirect_dma source(%dma_start3A_154 : memref<10000x128xf32, #tpu.memory_space<hbm>>) target(%arg30 : memref<128x128xf32, #tpu.memory_space<vmem>>) offsets(%dma_start3A_151 : memref<128xi32, #tpu.memory_space<vmem>>) semaphore(%arg33 : memref<!tpu.dma_semaphore, #tpu.memory_space<semaphore_mem>>)
        %dma_wait3A = arith.constant 0 : i32
        %dma_wait3A_155 = tpu.memref_slice %arg27[%mul3A_146, %dma_wait3A] : memref<40x128xi32, #tpu.memory_space<vmem>> -> memref<1x128xi32, #tpu.memory_space<vmem>>
        %dma_wait3A_156 = tpu.memref_squeeze %dma_wait3A_155 : memref<1x128xi32, #tpu.memory_space<vmem>> -> memref<128xi32, #tpu.memory_space<vmem>>
        %dma_wait3A_157 = arith.constant 0 : i32
        %dma_wait3A_158 = arith.constant 0 : i32
        %dma_wait3A_159 = tpu.memref_slice %arg2[%dma_wait3A_157, %dma_wait3A_158] : memref<10000x128xf32, #tpu.memory_space<hbm>> -> memref<10000x128xf32, #tpu.memory_space<hbm>>
        tpu.wait_indirect_dma semaphore(%arg32 : memref<!tpu.dma_semaphore, #tpu.memory_space<semaphore_mem>>) src(%dma_wait3A_159 : memref<10000x128xf32, #tpu.memory_space<hbm>>) dst(%arg29 : memref<128x128xf32, #tpu.memory_space<vmem>>)
        "tpu.region"() ({
          %run_scoped3A = tpu.sem_alloc : memref<!tpu.dma_semaphore, #tpu.memory_space<semaphore_mem>>
          %dma_start3A_174 = arith.constant 0 : i32
          %dma_start3A_175 = tpu.memref_slice %arg28[%mul3A_146, %dma_start3A_174] : memref<40x128xi32, #tpu.memory_space<vmem>> -> memref<1x128xi32, #tpu.memory_space<vmem>>
          %dma_start3A_176 = tpu.memref_squeeze %dma_start3A_175 : memref<1x128xi32, #tpu.memory_space<vmem>> -> memref<128xi32, #tpu.memory_space<vmem>>
          %dma_start3A_177 = arith.constant 0 : i32
          %dma_start3A_178 = arith.constant 0 : i32
          %dma_start3A_179 = tpu.memref_slice %arg31[%dma_start3A_177, %dma_start3A_178] : memref<10112x128xf32, #tpu.memory_space<vmem_shared>> -> memref<10112x128xf32, #tpu.memory_space<vmem_shared>>
          tpu.enqueue_indirect_dma source(%arg29 : memref<128x128xf32, #tpu.memory_space<vmem>>) target(%dma_start3A_179 : memref<10112x128xf32, #tpu.memory_space<vmem_shared>>) offsets(%dma_start3A_176 : memref<128xi32, #tpu.memory_space<vmem>>) semaphore(%run_scoped3A : memref<!tpu.dma_semaphore, #tpu.memory_space<semaphore_mem>>) {add = true}
          %dma_wait3A_180 = arith.constant 0 : i32
          %dma_wait3A_181 = tpu.memref_slice %arg28[%mul3A_146, %dma_wait3A_180] : memref<40x128xi32, #tpu.memory_space<vmem>> -> memref<1x128xi32, #tpu.memory_space<vmem>>
          %dma_wait3A_182 = tpu.memref_squeeze %dma_wait3A_181 : memref<1x128xi32, #tpu.memory_space<vmem>> -> memref<128xi32, #tpu.memory_space<vmem>>
          %dma_wait3A_183 = arith.constant 0 : i32
          %dma_wait3A_184 = arith.constant 0 : i32
          %dma_wait3A_185 = tpu.memref_slice %arg31[%dma_wait3A_183, %dma_wait3A_184] : memref<10112x128xf32, #tpu.memory_space<vmem_shared>> -> memref<10112x128xf32, #tpu.memory_space<vmem_shared>>
          tpu.wait_indirect_dma semaphore(%run_scoped3A : memref<!tpu.dma_semaphore, #tpu.memory_space<semaphore_mem>>) src(%arg29 : memref<128x128xf32, #tpu.memory_space<vmem>>) dst(%dma_wait3A_185 : memref<10112x128xf32, #tpu.memory_space<vmem_shared>>)
          tpu.yield
        }) : () -> ()
        %lt3A = arith.constant 19 : i32
        %lt3A_160 = arith.cmpi slt, %scan3A_144, %lt3A : i32
        %convert_element_type3A_161 = arith.extui %lt3A_160 : i1 to i32
        %cond3A_162 = arith.constant 0 : i32
        %cond3A_163 = arith.cmpi ne, %convert_element_type3A_161, %cond3A_162 : i32
        scf.if %cond3A_163 {
          %add3A_174 = arith.constant 2 : i32
          %add3A_175 = arith.addi %mul3A_146, %add3A_174 : i32
          %dma_start3A_176 = arith.constant 0 : i32
          %dma_start3A_177 = tpu.memref_slice %arg27[%add3A_175, %dma_start3A_176] : memref<40x128xi32, #tpu.memory_space<vmem>> -> memref<1x128xi32, #tpu.memory_space<vmem>>
          %dma_start3A_178 = tpu.memref_squeeze %dma_start3A_177 : memref<1x128xi32, #tpu.memory_space<vmem>> -> memref<128xi32, #tpu.memory_space<vmem>>
          %dma_start3A_179 = arith.constant 0 : i32
          %dma_start3A_180 = arith.constant 0 : i32
          %dma_start3A_181 = tpu.memref_slice %arg2[%dma_start3A_179, %dma_start3A_180] : memref<10000x128xf32, #tpu.memory_space<hbm>> -> memref<10000x128xf32, #tpu.memory_space<hbm>>
          tpu.enqueue_indirect_dma source(%dma_start3A_181 : memref<10000x128xf32, #tpu.memory_space<hbm>>) target(%arg29 : memref<128x128xf32, #tpu.memory_space<vmem>>) offsets(%dma_start3A_178 : memref<128xi32, #tpu.memory_space<vmem>>) semaphore(%arg32 : memref<!tpu.dma_semaphore, #tpu.memory_space<semaphore_mem>>)
        } else {
        }
        %add3A_164 = arith.constant 1 : i32
        %add3A_165 = arith.addi %mul3A_146, %add3A_164 : i32
        %dma_wait3A_166 = arith.constant 0 : i32
        %dma_wait3A_167 = tpu.memref_slice %arg27[%add3A_165, %dma_wait3A_166] : memref<40x128xi32, #tpu.memory_space<vmem>> -> memref<1x128xi32, #tpu.memory_space<vmem>>
        %dma_wait3A_168 = tpu.memref_squeeze %dma_wait3A_167 : memref<1x128xi32, #tpu.memory_space<vmem>> -> memref<128xi32, #tpu.memory_space<vmem>>
        %dma_wait3A_169 = arith.constant 0 : i32
        %dma_wait3A_170 = arith.constant 0 : i32
        %dma_wait3A_171 = tpu.memref_slice %arg2[%dma_wait3A_169, %dma_wait3A_170] : memref<10000x128xf32, #tpu.memory_space<hbm>> -> memref<10000x128xf32, #tpu.memory_space<hbm>>
        tpu.wait_indirect_dma semaphore(%arg33 : memref<!tpu.dma_semaphore, #tpu.memory_space<semaphore_mem>>) src(%dma_wait3A_171 : memref<10000x128xf32, #tpu.memory_space<hbm>>) dst(%arg30 : memref<128x128xf32, #tpu.memory_space<vmem>>)
        %add3A_172 = arith.constant 1 : i32
        %add3A_173 = arith.addi %mul3A_146, %add3A_172 : i32
        "tpu.region"() ({
          %run_scoped3A = tpu.sem_alloc : memref<!tpu.dma_semaphore, #tpu.memory_space<semaphore_mem>>
          %dma_start3A_174 = arith.constant 0 : i32
          %dma_start3A_175 = tpu.memref_slice %arg28[%add3A_173, %dma_start3A_174] : memref<40x128xi32, #tpu.memory_space<vmem>> -> memref<1x128xi32, #tpu.memory_space<vmem>>
          %dma_start3A_176 = tpu.memref_squeeze %dma_start3A_175 : memref<1x128xi32, #tpu.memory_space<vmem>> -> memref<128xi32, #tpu.memory_space<vmem>>
          %dma_start3A_177 = arith.constant 0 : i32
          %dma_start3A_178 = arith.constant 0 : i32
          %dma_start3A_179 = tpu.memref_slice %arg31[%dma_start3A_177, %dma_start3A_178] : memref<10112x128xf32, #tpu.memory_space<vmem_shared>> -> memref<10112x128xf32, #tpu.memory_space<vmem_shared>>
          tpu.enqueue_indirect_dma source(%arg30 : memref<128x128xf32, #tpu.memory_space<vmem>>) target(%dma_start3A_179 : memref<10112x128xf32, #tpu.memory_space<vmem_shared>>) offsets(%dma_start3A_176 : memref<128xi32, #tpu.memory_space<vmem>>) semaphore(%run_scoped3A : memref<!tpu.dma_semaphore, #tpu.memory_space<semaphore_mem>>) {add = true}
          %dma_wait3A_180 = arith.constant 0 : i32
          %dma_wait3A_181 = tpu.memref_slice %arg28[%add3A_173, %dma_wait3A_180] : memref<40x128xi32, #tpu.memory_space<vmem>> -> memref<1x128xi32, #tpu.memory_space<vmem>>
          %dma_wait3A_182 = tpu.memref_squeeze %dma_wait3A_181 : memref<1x128xi32, #tpu.memory_space<vmem>> -> memref<128xi32, #tpu.memory_space<vmem>>
          %dma_wait3A_183 = arith.constant 0 : i32
          %dma_wait3A_184 = arith.constant 0 : i32
          %dma_wait3A_185 = tpu.memref_slice %arg31[%dma_wait3A_183, %dma_wait3A_184] : memref<10112x128xf32, #tpu.memory_space<vmem_shared>> -> memref<10112x128xf32, #tpu.memory_space<vmem_shared>>
          tpu.wait_indirect_dma semaphore(%run_scoped3A : memref<!tpu.dma_semaphore, #tpu.memory_space<semaphore_mem>>) src(%arg30 : memref<128x128xf32, #tpu.memory_space<vmem>>) dst(%dma_wait3A_185 : memref<10112x128xf32, #tpu.memory_space<vmem_shared>>)
          tpu.yield
        }) : () -> ()
      }
      %scan3A_130 = arith.constant 20 : i32
      "tpu.region"() ({
        %run_scoped3A = tpu.sem_alloc : memref<!tpu.dma_semaphore, #tpu.memory_space<semaphore_mem>>
        %dma_start3A_144 = arith.constant 40 : i32
        %dma_start3A_145 = arith.constant 0 : i32
        %dma_start3A_146 = tpu.memref_slice %arg6[%arg1, %dma_start3A_144, %dma_start3A_145] : memref<16x80x128xi32, #tpu.memory_space<hbm>> -> memref<1x40x128xi32, #tpu.memory_space<hbm>>
        %dma_start3A_147 = tpu.memref_squeeze %dma_start3A_146 : memref<1x40x128xi32, #tpu.memory_space<hbm>> -> memref<40x128xi32, #tpu.memory_space<hbm>>
        %dma_start3A_148 = arith.constant 40 : i32
        %dma_start3A_149 = arith.constant 0 : i32
        %dma_start3A_150 = tpu.memref_slice %arg6[%arg1, %dma_start3A_148, %dma_start3A_149] : memref<16x80x128xi32, #tpu.memory_space<hbm>> -> memref<1x40x128xi32, #tpu.memory_space<hbm>>
        %dma_start3A_151 = tpu.memref_squeeze %dma_start3A_150 : memref<1x40x128xi32, #tpu.memory_space<hbm>> -> memref<40x128xi32, #tpu.memory_space<hbm>>
        tpu.enqueue_dma source(%dma_start3A_151 : memref<40x128xi32, #tpu.memory_space<hbm>>) target(%arg27 : memref<40x128xi32, #tpu.memory_space<vmem>>) target_semaphore(%run_scoped3A : memref<!tpu.dma_semaphore, #tpu.memory_space<semaphore_mem>>)
        %dma_wait3A = arith.constant 40 : i32
        %dma_wait3A_152 = arith.constant 0 : i32
        %dma_wait3A_153 = tpu.memref_slice %arg6[%arg1, %dma_wait3A, %dma_wait3A_152] : memref<16x80x128xi32, #tpu.memory_space<hbm>> -> memref<1x40x128xi32, #tpu.memory_space<hbm>>
        %dma_wait3A_154 = tpu.memref_squeeze %dma_wait3A_153 : memref<1x40x128xi32, #tpu.memory_space<hbm>> -> memref<40x128xi32, #tpu.memory_space<hbm>>
        %dma_wait3A_155 = arith.constant 40 : i32
        %dma_wait3A_156 = arith.constant 0 : i32
        %dma_wait3A_157 = tpu.memref_slice %arg6[%arg1, %dma_wait3A_155, %dma_wait3A_156] : memref<16x80x128xi32, #tpu.memory_space<hbm>> -> memref<1x40x128xi32, #tpu.memory_space<hbm>>
        %dma_wait3A_158 = tpu.memref_squeeze %dma_wait3A_157 : memref<1x40x128xi32, #tpu.memory_space<hbm>> -> memref<40x128xi32, #tpu.memory_space<hbm>>
        tpu.wait_dma2 semaphore(%run_scoped3A : memref<!tpu.dma_semaphore, #tpu.memory_space<semaphore_mem>>) src(%dma_wait3A_158 : memref<40x128xi32, #tpu.memory_space<hbm>>) dst(%arg27 : memref<40x128xi32, #tpu.memory_space<vmem>>)
        tpu.yield
      }) : () -> ()
      "tpu.region"() ({
        %run_scoped3A = tpu.sem_alloc : memref<!tpu.dma_semaphore, #tpu.memory_space<semaphore_mem>>
        %dma_start3A_144 = arith.constant 40 : i32
        %dma_start3A_145 = arith.constant 0 : i32
        %dma_start3A_146 = tpu.memref_slice %arg7[%arg1, %dma_start3A_144, %dma_start3A_145] : memref<16x80x128xi32, #tpu.memory_space<hbm>> -> memref<1x40x128xi32, #tpu.memory_space<hbm>>
        %dma_start3A_147 = tpu.memref_squeeze %dma_start3A_146 : memref<1x40x128xi32, #tpu.memory_space<hbm>> -> memref<40x128xi32, #tpu.memory_space<hbm>>
        %dma_start3A_148 = arith.constant 40 : i32
        %dma_start3A_149 = arith.constant 0 : i32
        %dma_start3A_150 = tpu.memref_slice %arg7[%arg1, %dma_start3A_148, %dma_start3A_149] : memref<16x80x128xi32, #tpu.memory_space<hbm>> -> memref<1x40x128xi32, #tpu.memory_space<hbm>>
        %dma_start3A_151 = tpu.memref_squeeze %dma_start3A_150 : memref<1x40x128xi32, #tpu.memory_space<hbm>> -> memref<40x128xi32, #tpu.memory_space<hbm>>
        tpu.enqueue_dma source(%dma_start3A_151 : memref<40x128xi32, #tpu.memory_space<hbm>>) target(%arg28 : memref<40x128xi32, #tpu.memory_space<vmem>>) target_semaphore(%run_scoped3A : memref<!tpu.dma_semaphore, #tpu.memory_space<semaphore_mem>>)
        %dma_wait3A = arith.constant 40 : i32
        %dma_wait3A_152 = arith.constant 0 : i32
        %dma_wait3A_153 = tpu.memref_slice %arg7[%arg1, %dma_wait3A, %dma_wait3A_152] : memref<16x80x128xi32, #tpu.memory_space<hbm>> -> memref<1x40x128xi32, #tpu.memory_space<hbm>>
        %dma_wait3A_154 = tpu.memref_squeeze %dma_wait3A_153 : memref<1x40x128xi32, #tpu.memory_space<hbm>> -> memref<40x128xi32, #tpu.memory_space<hbm>>
        %dma_wait3A_155 = arith.constant 40 : i32
        %dma_wait3A_156 = arith.constant 0 : i32
        %dma_wait3A_157 = tpu.memref_slice %arg7[%arg1, %dma_wait3A_155, %dma_wait3A_156] : memref<16x80x128xi32, #tpu.memory_space<hbm>> -> memref<1x40x128xi32, #tpu.memory_space<hbm>>
        %dma_wait3A_158 = tpu.memref_squeeze %dma_wait3A_157 : memref<1x40x128xi32, #tpu.memory_space<hbm>> -> memref<40x128xi32, #tpu.memory_space<hbm>>
        tpu.wait_dma2 semaphore(%run_scoped3A : memref<!tpu.dma_semaphore, #tpu.memory_space<semaphore_mem>>) src(%dma_wait3A_158 : memref<40x128xi32, #tpu.memory_space<hbm>>) dst(%arg28 : memref<40x128xi32, #tpu.memory_space<vmem>>)
        tpu.yield
      }) : () -> ()
      %dma_start3A_131 = arith.constant 0 : i32
      %dma_start3A_132 = arith.constant 0 : i32
      %dma_start3A_133 = tpu.memref_slice %arg27[%dma_start3A_131, %dma_start3A_132] : memref<40x128xi32, #tpu.memory_space<vmem>> -> memref<1x128xi32, #tpu.memory_space<vmem>>
      %dma_start3A_134 = tpu.memref_squeeze %dma_start3A_133 : memref<1x128xi32, #tpu.memory_space<vmem>> -> memref<128xi32, #tpu.memory_space<vmem>>
      %dma_start3A_135 = arith.constant 0 : i32
      %dma_start3A_136 = arith.constant 0 : i32
      %dma_start3A_137 = tpu.memref_slice %arg2[%dma_start3A_135, %dma_start3A_136] : memref<10000x128xf32, #tpu.memory_space<hbm>> -> memref<10000x128xf32, #tpu.memory_space<hbm>>
      tpu.enqueue_indirect_dma source(%dma_start3A_137 : memref<10000x128xf32, #tpu.memory_space<hbm>>) target(%arg29 : memref<128x128xf32, #tpu.memory_space<vmem>>) offsets(%dma_start3A_134 : memref<128xi32, #tpu.memory_space<vmem>>) semaphore(%arg32 : memref<!tpu.dma_semaphore, #tpu.memory_space<semaphore_mem>>)
      %scan3A_138 = arith.constant 0 : i32
      %scan3A_139 = arith.constant 0 : i32
      %scan3A_140 = arith.constant 20 : i32
      %scan3A_141 = arith.addi %scan3A_139, %scan3A_140 : i32
      %scan3A_142 = arith.constant 1 : i32
      scf.for %scan3A_144 = %scan3A_139 to %scan3A_141 step %scan3A_142  : i32 {
        %mul3A_145 = arith.constant 2 : i32
        %mul3A_146 = arith.muli %scan3A_144, %mul3A_145 : i32
        %add3A_147 = arith.constant 1 : i32
        %add3A_148 = arith.addi %mul3A_146, %add3A_147 : i32
        %dma_start3A_149 = arith.constant 0 : i32
        %dma_start3A_150 = tpu.memref_slice %arg27[%add3A_148, %dma_start3A_149] : memref<40x128xi32, #tpu.memory_space<vmem>> -> memref<1x128xi32, #tpu.memory_space<vmem>>
        %dma_start3A_151 = tpu.memref_squeeze %dma_start3A_150 : memref<1x128xi32, #tpu.memory_space<vmem>> -> memref<128xi32, #tpu.memory_space<vmem>>
        %dma_start3A_152 = arith.constant 0 : i32
        %dma_start3A_153 = arith.constant 0 : i32
        %dma_start3A_154 = tpu.memref_slice %arg2[%dma_start3A_152, %dma_start3A_153] : memref<10000x128xf32, #tpu.memory_space<hbm>> -> memref<10000x128xf32, #tpu.memory_space<hbm>>
        tpu.enqueue_indirect_dma source(%dma_start3A_154 : memref<10000x128xf32, #tpu.memory_space<hbm>>) target(%arg30 : memref<128x128xf32, #tpu.memory_space<vmem>>) offsets(%dma_start3A_151 : memref<128xi32, #tpu.memory_space<vmem>>) semaphore(%arg33 : memref<!tpu.dma_semaphore, #tpu.memory_space<semaphore_mem>>)
        %dma_wait3A = arith.constant 0 : i32
        %dma_wait3A_155 = tpu.memref_slice %arg27[%mul3A_146, %dma_wait3A] : memref<40x128xi32, #tpu.memory_space<vmem>> -> memref<1x128xi32, #tpu.memory_space<vmem>>
        %dma_wait3A_156 = tpu.memref_squeeze %dma_wait3A_155 : memref<1x128xi32, #tpu.memory_space<vmem>> -> memref<128xi32, #tpu.memory_space<vmem>>
        %dma_wait3A_157 = arith.constant 0 : i32
        %dma_wait3A_158 = arith.constant 0 : i32
        %dma_wait3A_159 = tpu.memref_slice %arg2[%dma_wait3A_157, %dma_wait3A_158] : memref<10000x128xf32, #tpu.memory_space<hbm>> -> memref<10000x128xf32, #tpu.memory_space<hbm>>
        tpu.wait_indirect_dma semaphore(%arg32 : memref<!tpu.dma_semaphore, #tpu.memory_space<semaphore_mem>>) src(%dma_wait3A_159 : memref<10000x128xf32, #tpu.memory_space<hbm>>) dst(%arg29 : memref<128x128xf32, #tpu.memory_space<vmem>>)
        "tpu.region"() ({
          %run_scoped3A = tpu.sem_alloc : memref<!tpu.dma_semaphore, #tpu.memory_space<semaphore_mem>>
          %dma_start3A_174 = arith.constant 0 : i32
          %dma_start3A_175 = tpu.memref_slice %arg28[%mul3A_146, %dma_start3A_174] : memref<40x128xi32, #tpu.memory_space<vmem>> -> memref<1x128xi32, #tpu.memory_space<vmem>>
          %dma_start3A_176 = tpu.memref_squeeze %dma_start3A_175 : memref<1x128xi32, #tpu.memory_space<vmem>> -> memref<128xi32, #tpu.memory_space<vmem>>
          %dma_start3A_177 = arith.constant 0 : i32
          %dma_start3A_178 = arith.constant 0 : i32
          %dma_start3A_179 = tpu.memref_slice %arg31[%dma_start3A_177, %dma_start3A_178] : memref<10112x128xf32, #tpu.memory_space<vmem_shared>> -> memref<10112x128xf32, #tpu.memory_space<vmem_shared>>
          tpu.enqueue_indirect_dma source(%arg29 : memref<128x128xf32, #tpu.memory_space<vmem>>) target(%dma_start3A_179 : memref<10112x128xf32, #tpu.memory_space<vmem_shared>>) offsets(%dma_start3A_176 : memref<128xi32, #tpu.memory_space<vmem>>) semaphore(%run_scoped3A : memref<!tpu.dma_semaphore, #tpu.memory_space<semaphore_mem>>) {add = true}
          %dma_wait3A_180 = arith.constant 0 : i32
          %dma_wait3A_181 = tpu.memref_slice %arg28[%mul3A_146, %dma_wait3A_180] : memref<40x128xi32, #tpu.memory_space<vmem>> -> memref<1x128xi32, #tpu.memory_space<vmem>>
          %dma_wait3A_182 = tpu.memref_squeeze %dma_wait3A_181 : memref<1x128xi32, #tpu.memory_space<vmem>> -> memref<128xi32, #tpu.memory_space<vmem>>
          %dma_wait3A_183 = arith.constant 0 : i32
          %dma_wait3A_184 = arith.constant 0 : i32
          %dma_wait3A_185 = tpu.memref_slice %arg31[%dma_wait3A_183, %dma_wait3A_184] : memref<10112x128xf32, #tpu.memory_space<vmem_shared>> -> memref<10112x128xf32, #tpu.memory_space<vmem_shared>>
          tpu.wait_indirect_dma semaphore(%run_scoped3A : memref<!tpu.dma_semaphore, #tpu.memory_space<semaphore_mem>>) src(%arg29 : memref<128x128xf32, #tpu.memory_space<vmem>>) dst(%dma_wait3A_185 : memref<10112x128xf32, #tpu.memory_space<vmem_shared>>)
          tpu.yield
        }) : () -> ()
        %lt3A = arith.constant 19 : i32
        %lt3A_160 = arith.cmpi slt, %scan3A_144, %lt3A : i32
        %convert_element_type3A_161 = arith.extui %lt3A_160 : i1 to i32
        %cond3A_162 = arith.constant 0 : i32
        %cond3A_163 = arith.cmpi ne, %convert_element_type3A_161, %cond3A_162 : i32
        scf.if %cond3A_163 {
          %add3A_174 = arith.constant 2 : i32
          %add3A_175 = arith.addi %mul3A_146, %add3A_174 : i32
          %dma_start3A_176 = arith.constant 0 : i32
          %dma_start3A_177 = tpu.memref_slice %arg27[%add3A_175, %dma_start3A_176] : memref<40x128xi32, #tpu.memory_space<vmem>> -> memref<1x128xi32, #tpu.memory_space<vmem>>
          %dma_start3A_178 = tpu.memref_squeeze %dma_start3A_177 : memref<1x128xi32, #tpu.memory_space<vmem>> -> memref<128xi32, #tpu.memory_space<vmem>>
          %dma_start3A_179 = arith.constant 0 : i32
          %dma_start3A_180 = arith.constant 0 : i32
          %dma_start3A_181 = tpu.memref_slice %arg2[%dma_start3A_179, %dma_start3A_180] : memref<10000x128xf32, #tpu.memory_space<hbm>> -> memref<10000x128xf32, #tpu.memory_space<hbm>>
          tpu.enqueue_indirect_dma source(%dma_start3A_181 : memref<10000x128xf32, #tpu.memory_space<hbm>>) target(%arg29 : memref<128x128xf32, #tpu.memory_space<vmem>>) offsets(%dma_start3A_178 : memref<128xi32, #tpu.memory_space<vmem>>) semaphore(%arg32 : memref<!tpu.dma_semaphore, #tpu.memory_space<semaphore_mem>>)
        } else {
        }
        %add3A_164 = arith.constant 1 : i32
        %add3A_165 = arith.addi %mul3A_146, %add3A_164 : i32
        %dma_wait3A_166 = arith.constant 0 : i32
        %dma_wait3A_167 = tpu.memref_slice %arg27[%add3A_165, %dma_wait3A_166] : memref<40x128xi32, #tpu.memory_space<vmem>> -> memref<1x128xi32, #tpu.memory_space<vmem>>
        %dma_wait3A_168 = tpu.memref_squeeze %dma_wait3A_167 : memref<1x128xi32, #tpu.memory_space<vmem>> -> memref<128xi32, #tpu.memory_space<vmem>>
        %dma_wait3A_169 = arith.constant 0 : i32
        %dma_wait3A_170 = arith.constant 0 : i32
        %dma_wait3A_171 = tpu.memref_slice %arg2[%dma_wait3A_169, %dma_wait3A_170] : memref<10000x128xf32, #tpu.memory_space<hbm>> -> memref<10000x128xf32, #tpu.memory_space<hbm>>
        tpu.wait_indirect_dma semaphore(%arg33 : memref<!tpu.dma_semaphore, #tpu.memory_space<semaphore_mem>>) src(%dma_wait3A_171 : memref<10000x128xf32, #tpu.memory_space<hbm>>) dst(%arg30 : memref<128x128xf32, #tpu.memory_space<vmem>>)
        %add3A_172 = arith.constant 1 : i32
        %add3A_173 = arith.addi %mul3A_146, %add3A_172 : i32
        "tpu.region"() ({
          %run_scoped3A = tpu.sem_alloc : memref<!tpu.dma_semaphore, #tpu.memory_space<semaphore_mem>>
          %dma_start3A_174 = arith.constant 0 : i32
          %dma_start3A_175 = tpu.memref_slice %arg28[%add3A_173, %dma_start3A_174] : memref<40x128xi32, #tpu.memory_space<vmem>> -> memref<1x128xi32, #tpu.memory_space<vmem>>
          %dma_start3A_176 = tpu.memref_squeeze %dma_start3A_175 : memref<1x128xi32, #tpu.memory_space<vmem>> -> memref<128xi32, #tpu.memory_space<vmem>>
          %dma_start3A_177 = arith.constant 0 : i32
          %dma_start3A_178 = arith.constant 0 : i32
          %dma_start3A_179 = tpu.memref_slice %arg31[%dma_start3A_177, %dma_start3A_178] : memref<10112x128xf32, #tpu.memory_space<vmem_shared>> -> memref<10112x128xf32, #tpu.memory_space<vmem_shared>>
          tpu.enqueue_indirect_dma source(%arg30 : memref<128x128xf32, #tpu.memory_space<vmem>>) target(%dma_start3A_179 : memref<10112x128xf32, #tpu.memory_space<vmem_shared>>) offsets(%dma_start3A_176 : memref<128xi32, #tpu.memory_space<vmem>>) semaphore(%run_scoped3A : memref<!tpu.dma_semaphore, #tpu.memory_space<semaphore_mem>>) {add = true}
          %dma_wait3A_180 = arith.constant 0 : i32
          %dma_wait3A_181 = tpu.memref_slice %arg28[%add3A_173, %dma_wait3A_180] : memref<40x128xi32, #tpu.memory_space<vmem>> -> memref<1x128xi32, #tpu.memory_space<vmem>>
          %dma_wait3A_182 = tpu.memref_squeeze %dma_wait3A_181 : memref<1x128xi32, #tpu.memory_space<vmem>> -> memref<128xi32, #tpu.memory_space<vmem>>
          %dma_wait3A_183 = arith.constant 0 : i32
          %dma_wait3A_184 = arith.constant 0 : i32
          %dma_wait3A_185 = tpu.memref_slice %arg31[%dma_wait3A_183, %dma_wait3A_184] : memref<10112x128xf32, #tpu.memory_space<vmem_shared>> -> memref<10112x128xf32, #tpu.memory_space<vmem_shared>>
          tpu.wait_indirect_dma semaphore(%run_scoped3A : memref<!tpu.dma_semaphore, #tpu.memory_space<semaphore_mem>>) src(%arg30 : memref<128x128xf32, #tpu.memory_space<vmem>>) dst(%dma_wait3A_185 : memref<10112x128xf32, #tpu.memory_space<vmem_shared>>)
          tpu.yield
        }) : () -> ()
      }
      %scan3A_143 = arith.constant 20 : i32
    } else {
    }
    %eq3A_27 = arith.constant 1 : i32
    %eq3A_28 = arith.cmpi eq, %arg0, %eq3A_27 : i32
    %convert_element_type3A_29 = arith.extui %eq3A_28 : i1 to i32
    %cond3A_30 = arith.constant 0 : i32
    %cond3A_31 = arith.cmpi ne, %convert_element_type3A_29, %cond3A_30 : i32
    scf.if %cond3A_31 {
      "tpu.region"() ({
        %run_scoped3A = tpu.sem_alloc : memref<!tpu.dma_semaphore, #tpu.memory_space<semaphore_mem>>
        %dma_start3A_144 = arith.constant 0 : i32
        %dma_start3A_145 = arith.constant 0 : i32
        %dma_start3A_146 = tpu.memref_slice %arg6[%arg1, %dma_start3A_144, %dma_start3A_145] : memref<16x80x128xi32, #tpu.memory_space<hbm>> -> memref<1x40x128xi32, #tpu.memory_space<hbm>>
        %dma_start3A_147 = tpu.memref_squeeze %dma_start3A_146 : memref<1x40x128xi32, #tpu.memory_space<hbm>> -> memref<40x128xi32, #tpu.memory_space<hbm>>
        %dma_start3A_148 = arith.constant 0 : i32
        %dma_start3A_149 = arith.constant 0 : i32
        %dma_start3A_150 = tpu.memref_slice %arg6[%arg1, %dma_start3A_148, %dma_start3A_149] : memref<16x80x128xi32, #tpu.memory_space<hbm>> -> memref<1x40x128xi32, #tpu.memory_space<hbm>>
        %dma_start3A_151 = tpu.memref_squeeze %dma_start3A_150 : memref<1x40x128xi32, #tpu.memory_space<hbm>> -> memref<40x128xi32, #tpu.memory_space<hbm>>
        tpu.enqueue_dma source(%dma_start3A_151 : memref<40x128xi32, #tpu.memory_space<hbm>>) target(%arg27 : memref<40x128xi32, #tpu.memory_space<vmem>>) target_semaphore(%run_scoped3A : memref<!tpu.dma_semaphore, #tpu.memory_space<semaphore_mem>>)
        %dma_wait3A = arith.constant 0 : i32
        %dma_wait3A_152 = arith.constant 0 : i32
        %dma_wait3A_153 = tpu.memref_slice %arg6[%arg1, %dma_wait3A, %dma_wait3A_152] : memref<16x80x128xi32, #tpu.memory_space<hbm>> -> memref<1x40x128xi32, #tpu.memory_space<hbm>>
        %dma_wait3A_154 = tpu.memref_squeeze %dma_wait3A_153 : memref<1x40x128xi32, #tpu.memory_space<hbm>> -> memref<40x128xi32, #tpu.memory_space<hbm>>
        %dma_wait3A_155 = arith.constant 0 : i32
        %dma_wait3A_156 = arith.constant 0 : i32
        %dma_wait3A_157 = tpu.memref_slice %arg6[%arg1, %dma_wait3A_155, %dma_wait3A_156] : memref<16x80x128xi32, #tpu.memory_space<hbm>> -> memref<1x40x128xi32, #tpu.memory_space<hbm>>
        %dma_wait3A_158 = tpu.memref_squeeze %dma_wait3A_157 : memref<1x40x128xi32, #tpu.memory_space<hbm>> -> memref<40x128xi32, #tpu.memory_space<hbm>>
        tpu.wait_dma2 semaphore(%run_scoped3A : memref<!tpu.dma_semaphore, #tpu.memory_space<semaphore_mem>>) src(%dma_wait3A_158 : memref<40x128xi32, #tpu.memory_space<hbm>>) dst(%arg27 : memref<40x128xi32, #tpu.memory_space<vmem>>)
        tpu.yield
      }) : () -> ()
      "tpu.region"() ({
        %run_scoped3A = tpu.sem_alloc : memref<!tpu.dma_semaphore, #tpu.memory_space<semaphore_mem>>
        %dma_start3A_144 = arith.constant 0 : i32
        %dma_start3A_145 = arith.constant 0 : i32
        %dma_start3A_146 = tpu.memref_slice %arg7[%arg1, %dma_start3A_144, %dma_start3A_145] : memref<16x80x128xi32, #tpu.memory_space<hbm>> -> memref<1x40x128xi32, #tpu.memory_space<hbm>>
        %dma_start3A_147 = tpu.memref_squeeze %dma_start3A_146 : memref<1x40x128xi32, #tpu.memory_space<hbm>> -> memref<40x128xi32, #tpu.memory_space<hbm>>
        %dma_start3A_148 = arith.constant 0 : i32
        %dma_start3A_149 = arith.constant 0 : i32
        %dma_start3A_150 = tpu.memref_slice %arg7[%arg1, %dma_start3A_148, %dma_start3A_149] : memref<16x80x128xi32, #tpu.memory_space<hbm>> -> memref<1x40x128xi32, #tpu.memory_space<hbm>>
        %dma_start3A_151 = tpu.memref_squeeze %dma_start3A_150 : memref<1x40x128xi32, #tpu.memory_space<hbm>> -> memref<40x128xi32, #tpu.memory_space<hbm>>
        tpu.enqueue_dma source(%dma_start3A_151 : memref<40x128xi32, #tpu.memory_space<hbm>>) target(%arg28 : memref<40x128xi32, #tpu.memory_space<vmem>>) target_semaphore(%run_scoped3A : memref<!tpu.dma_semaphore, #tpu.memory_space<semaphore_mem>>)
        %dma_wait3A = arith.constant 0 : i32
        %dma_wait3A_152 = arith.constant 0 : i32
        %dma_wait3A_153 = tpu.memref_slice %arg7[%arg1, %dma_wait3A, %dma_wait3A_152] : memref<16x80x128xi32, #tpu.memory_space<hbm>> -> memref<1x40x128xi32, #tpu.memory_space<hbm>>
        %dma_wait3A_154 = tpu.memref_squeeze %dma_wait3A_153 : memref<1x40x128xi32, #tpu.memory_space<hbm>> -> memref<40x128xi32, #tpu.memory_space<hbm>>
        %dma_wait3A_155 = arith.constant 0 : i32
        %dma_wait3A_156 = arith.constant 0 : i32
        %dma_wait3A_157 = tpu.memref_slice %arg7[%arg1, %dma_wait3A_155, %dma_wait3A_156] : memref<16x80x128xi32, #tpu.memory_space<hbm>> -> memref<1x40x128xi32, #tpu.memory_space<hbm>>
        %dma_wait3A_158 = tpu.memref_squeeze %dma_wait3A_157 : memref<1x40x128xi32, #tpu.memory_space<hbm>> -> memref<40x128xi32, #tpu.memory_space<hbm>>
        tpu.wait_dma2 semaphore(%run_scoped3A : memref<!tpu.dma_semaphore, #tpu.memory_space<semaphore_mem>>) src(%dma_wait3A_158 : memref<40x128xi32, #tpu.memory_space<hbm>>) dst(%arg28 : memref<40x128xi32, #tpu.memory_space<vmem>>)
        tpu.yield
      }) : () -> ()
      %dma_start3A = arith.constant 0 : i32
      %dma_start3A_119 = arith.constant 0 : i32
      %dma_start3A_120 = tpu.memref_slice %arg27[%dma_start3A, %dma_start3A_119] : memref<40x128xi32, #tpu.memory_space<vmem>> -> memref<1x128xi32, #tpu.memory_space<vmem>>
      %dma_start3A_121 = tpu.memref_squeeze %dma_start3A_120 : memref<1x128xi32, #tpu.memory_space<vmem>> -> memref<128xi32, #tpu.memory_space<vmem>>
      %dma_start3A_122 = arith.constant 0 : i32
      %dma_start3A_123 = arith.constant 0 : i32
      %dma_start3A_124 = tpu.memref_slice %arg3[%dma_start3A_122, %dma_start3A_123] : memref<10000x128xf32, #tpu.memory_space<hbm>> -> memref<10000x128xf32, #tpu.memory_space<hbm>>
      tpu.enqueue_indirect_dma source(%dma_start3A_124 : memref<10000x128xf32, #tpu.memory_space<hbm>>) target(%arg29 : memref<128x128xf32, #tpu.memory_space<vmem>>) offsets(%dma_start3A_121 : memref<128xi32, #tpu.memory_space<vmem>>) semaphore(%arg32 : memref<!tpu.dma_semaphore, #tpu.memory_space<semaphore_mem>>)
      %scan3A_125 = arith.constant 0 : i32
      %scan3A_126 = arith.constant 0 : i32
      %scan3A_127 = arith.constant 20 : i32
      %scan3A_128 = arith.addi %scan3A_126, %scan3A_127 : i32
      %scan3A_129 = arith.constant 1 : i32
      scf.for %scan3A_144 = %scan3A_126 to %scan3A_128 step %scan3A_129  : i32 {
        %mul3A_145 = arith.constant 2 : i32
        %mul3A_146 = arith.muli %scan3A_144, %mul3A_145 : i32
        %add3A_147 = arith.constant 1 : i32
        %add3A_148 = arith.addi %mul3A_146, %add3A_147 : i32
        %dma_start3A_149 = arith.constant 0 : i32
        %dma_start3A_150 = tpu.memref_slice %arg27[%add3A_148, %dma_start3A_149] : memref<40x128xi32, #tpu.memory_space<vmem>> -> memref<1x128xi32, #tpu.memory_space<vmem>>
        %dma_start3A_151 = tpu.memref_squeeze %dma_start3A_150 : memref<1x128xi32, #tpu.memory_space<vmem>> -> memref<128xi32, #tpu.memory_space<vmem>>
        %dma_start3A_152 = arith.constant 0 : i32
        %dma_start3A_153 = arith.constant 0 : i32
        %dma_start3A_154 = tpu.memref_slice %arg3[%dma_start3A_152, %dma_start3A_153] : memref<10000x128xf32, #tpu.memory_space<hbm>> -> memref<10000x128xf32, #tpu.memory_space<hbm>>
        tpu.enqueue_indirect_dma source(%dma_start3A_154 : memref<10000x128xf32, #tpu.memory_space<hbm>>) target(%arg30 : memref<128x128xf32, #tpu.memory_space<vmem>>) offsets(%dma_start3A_151 : memref<128xi32, #tpu.memory_space<vmem>>) semaphore(%arg33 : memref<!tpu.dma_semaphore, #tpu.memory_space<semaphore_mem>>)
        %dma_wait3A = arith.constant 0 : i32
        %dma_wait3A_155 = tpu.memref_slice %arg27[%mul3A_146, %dma_wait3A] : memref<40x128xi32, #tpu.memory_space<vmem>> -> memref<1x128xi32, #tpu.memory_space<vmem>>
        %dma_wait3A_156 = tpu.memref_squeeze %dma_wait3A_155 : memref<1x128xi32, #tpu.memory_space<vmem>> -> memref<128xi32, #tpu.memory_space<vmem>>
        %dma_wait3A_157 = arith.constant 0 : i32
        %dma_wait3A_158 = arith.constant 0 : i32
        %dma_wait3A_159 = tpu.memref_slice %arg3[%dma_wait3A_157, %dma_wait3A_158] : memref<10000x128xf32, #tpu.memory_space<hbm>> -> memref<10000x128xf32, #tpu.memory_space<hbm>>
        tpu.wait_indirect_dma semaphore(%arg32 : memref<!tpu.dma_semaphore, #tpu.memory_space<semaphore_mem>>) src(%dma_wait3A_159 : memref<10000x128xf32, #tpu.memory_space<hbm>>) dst(%arg29 : memref<128x128xf32, #tpu.memory_space<vmem>>)
        "tpu.region"() ({
          %run_scoped3A = tpu.sem_alloc : memref<!tpu.dma_semaphore, #tpu.memory_space<semaphore_mem>>
          %dma_start3A_174 = arith.constant 0 : i32
          %dma_start3A_175 = tpu.memref_slice %arg28[%mul3A_146, %dma_start3A_174] : memref<40x128xi32, #tpu.memory_space<vmem>> -> memref<1x128xi32, #tpu.memory_space<vmem>>
          %dma_start3A_176 = tpu.memref_squeeze %dma_start3A_175 : memref<1x128xi32, #tpu.memory_space<vmem>> -> memref<128xi32, #tpu.memory_space<vmem>>
          %dma_start3A_177 = arith.constant 0 : i32
          %dma_start3A_178 = arith.constant 0 : i32
          %dma_start3A_179 = tpu.memref_slice %arg31[%dma_start3A_177, %dma_start3A_178] : memref<10112x128xf32, #tpu.memory_space<vmem_shared>> -> memref<10112x128xf32, #tpu.memory_space<vmem_shared>>
          tpu.enqueue_indirect_dma source(%arg29 : memref<128x128xf32, #tpu.memory_space<vmem>>) target(%dma_start3A_179 : memref<10112x128xf32, #tpu.memory_space<vmem_shared>>) offsets(%dma_start3A_176 : memref<128xi32, #tpu.memory_space<vmem>>) semaphore(%run_scoped3A : memref<!tpu.dma_semaphore, #tpu.memory_space<semaphore_mem>>) {add = true}
          %dma_wait3A_180 = arith.constant 0 : i32
          %dma_wait3A_181 = tpu.memref_slice %arg28[%mul3A_146, %dma_wait3A_180] : memref<40x128xi32, #tpu.memory_space<vmem>> -> memref<1x128xi32, #tpu.memory_space<vmem>>
          %dma_wait3A_182 = tpu.memref_squeeze %dma_wait3A_181 : memref<1x128xi32, #tpu.memory_space<vmem>> -> memref<128xi32, #tpu.memory_space<vmem>>
          %dma_wait3A_183 = arith.constant 0 : i32
          %dma_wait3A_184 = arith.constant 0 : i32
          %dma_wait3A_185 = tpu.memref_slice %arg31[%dma_wait3A_183, %dma_wait3A_184] : memref<10112x128xf32, #tpu.memory_space<vmem_shared>> -> memref<10112x128xf32, #tpu.memory_space<vmem_shared>>
          tpu.wait_indirect_dma semaphore(%run_scoped3A : memref<!tpu.dma_semaphore, #tpu.memory_space<semaphore_mem>>) src(%arg29 : memref<128x128xf32, #tpu.memory_space<vmem>>) dst(%dma_wait3A_185 : memref<10112x128xf32, #tpu.memory_space<vmem_shared>>)
          tpu.yield
        }) : () -> ()
        %lt3A = arith.constant 19 : i32
        %lt3A_160 = arith.cmpi slt, %scan3A_144, %lt3A : i32
        %convert_element_type3A_161 = arith.extui %lt3A_160 : i1 to i32
        %cond3A_162 = arith.constant 0 : i32
        %cond3A_163 = arith.cmpi ne, %convert_element_type3A_161, %cond3A_162 : i32
        scf.if %cond3A_163 {
          %add3A_174 = arith.constant 2 : i32
          %add3A_175 = arith.addi %mul3A_146, %add3A_174 : i32
          %dma_start3A_176 = arith.constant 0 : i32
          %dma_start3A_177 = tpu.memref_slice %arg27[%add3A_175, %dma_start3A_176] : memref<40x128xi32, #tpu.memory_space<vmem>> -> memref<1x128xi32, #tpu.memory_space<vmem>>
          %dma_start3A_178 = tpu.memref_squeeze %dma_start3A_177 : memref<1x128xi32, #tpu.memory_space<vmem>> -> memref<128xi32, #tpu.memory_space<vmem>>
          %dma_start3A_179 = arith.constant 0 : i32
          %dma_start3A_180 = arith.constant 0 : i32
          %dma_start3A_181 = tpu.memref_slice %arg3[%dma_start3A_179, %dma_start3A_180] : memref<10000x128xf32, #tpu.memory_space<hbm>> -> memref<10000x128xf32, #tpu.memory_space<hbm>>
          tpu.enqueue_indirect_dma source(%dma_start3A_181 : memref<10000x128xf32, #tpu.memory_space<hbm>>) target(%arg29 : memref<128x128xf32, #tpu.memory_space<vmem>>) offsets(%dma_start3A_178 : memref<128xi32, #tpu.memory_space<vmem>>) semaphore(%arg32 : memref<!tpu.dma_semaphore, #tpu.memory_space<semaphore_mem>>)
        } else {
        }
        %add3A_164 = arith.constant 1 : i32
        %add3A_165 = arith.addi %mul3A_146, %add3A_164 : i32
        %dma_wait3A_166 = arith.constant 0 : i32
        %dma_wait3A_167 = tpu.memref_slice %arg27[%add3A_165, %dma_wait3A_166] : memref<40x128xi32, #tpu.memory_space<vmem>> -> memref<1x128xi32, #tpu.memory_space<vmem>>
        %dma_wait3A_168 = tpu.memref_squeeze %dma_wait3A_167 : memref<1x128xi32, #tpu.memory_space<vmem>> -> memref<128xi32, #tpu.memory_space<vmem>>
        %dma_wait3A_169 = arith.constant 0 : i32
        %dma_wait3A_170 = arith.constant 0 : i32
        %dma_wait3A_171 = tpu.memref_slice %arg3[%dma_wait3A_169, %dma_wait3A_170] : memref<10000x128xf32, #tpu.memory_space<hbm>> -> memref<10000x128xf32, #tpu.memory_space<hbm>>
        tpu.wait_indirect_dma semaphore(%arg33 : memref<!tpu.dma_semaphore, #tpu.memory_space<semaphore_mem>>) src(%dma_wait3A_171 : memref<10000x128xf32, #tpu.memory_space<hbm>>) dst(%arg30 : memref<128x128xf32, #tpu.memory_space<vmem>>)
        %add3A_172 = arith.constant 1 : i32
        %add3A_173 = arith.addi %mul3A_146, %add3A_172 : i32
        "tpu.region"() ({
          %run_scoped3A = tpu.sem_alloc : memref<!tpu.dma_semaphore, #tpu.memory_space<semaphore_mem>>
          %dma_start3A_174 = arith.constant 0 : i32
          %dma_start3A_175 = tpu.memref_slice %arg28[%add3A_173, %dma_start3A_174] : memref<40x128xi32, #tpu.memory_space<vmem>> -> memref<1x128xi32, #tpu.memory_space<vmem>>
          %dma_start3A_176 = tpu.memref_squeeze %dma_start3A_175 : memref<1x128xi32, #tpu.memory_space<vmem>> -> memref<128xi32, #tpu.memory_space<vmem>>
          %dma_start3A_177 = arith.constant 0 : i32
          %dma_start3A_178 = arith.constant 0 : i32
          %dma_start3A_179 = tpu.memref_slice %arg31[%dma_start3A_177, %dma_start3A_178] : memref<10112x128xf32, #tpu.memory_space<vmem_shared>> -> memref<10112x128xf32, #tpu.memory_space<vmem_shared>>
          tpu.enqueue_indirect_dma source(%arg30 : memref<128x128xf32, #tpu.memory_space<vmem>>) target(%dma_start3A_179 : memref<10112x128xf32, #tpu.memory_space<vmem_shared>>) offsets(%dma_start3A_176 : memref<128xi32, #tpu.memory_space<vmem>>) semaphore(%run_scoped3A : memref<!tpu.dma_semaphore, #tpu.memory_space<semaphore_mem>>) {add = true}
          %dma_wait3A_180 = arith.constant 0 : i32
          %dma_wait3A_181 = tpu.memref_slice %arg28[%add3A_173, %dma_wait3A_180] : memref<40x128xi32, #tpu.memory_space<vmem>> -> memref<1x128xi32, #tpu.memory_space<vmem>>
          %dma_wait3A_182 = tpu.memref_squeeze %dma_wait3A_181 : memref<1x128xi32, #tpu.memory_space<vmem>> -> memref<128xi32, #tpu.memory_space<vmem>>
          %dma_wait3A_183 = arith.constant 0 : i32
          %dma_wait3A_184 = arith.constant 0 : i32
          %dma_wait3A_185 = tpu.memref_slice %arg31[%dma_wait3A_183, %dma_wait3A_184] : memref<10112x128xf32, #tpu.memory_space<vmem_shared>> -> memref<10112x128xf32, #tpu.memory_space<vmem_shared>>
          tpu.wait_indirect_dma semaphore(%run_scoped3A : memref<!tpu.dma_semaphore, #tpu.memory_space<semaphore_mem>>) src(%arg30 : memref<128x128xf32, #tpu.memory_space<vmem>>) dst(%dma_wait3A_185 : memref<10112x128xf32, #tpu.memory_space<vmem_shared>>)
          tpu.yield
        }) : () -> ()
      }
      %scan3A_130 = arith.constant 20 : i32
      "tpu.region"() ({
        %run_scoped3A = tpu.sem_alloc : memref<!tpu.dma_semaphore, #tpu.memory_space<semaphore_mem>>
        %dma_start3A_144 = arith.constant 40 : i32
        %dma_start3A_145 = arith.constant 0 : i32
        %dma_start3A_146 = tpu.memref_slice %arg6[%arg1, %dma_start3A_144, %dma_start3A_145] : memref<16x80x128xi32, #tpu.memory_space<hbm>> -> memref<1x40x128xi32, #tpu.memory_space<hbm>>
        %dma_start3A_147 = tpu.memref_squeeze %dma_start3A_146 : memref<1x40x128xi32, #tpu.memory_space<hbm>> -> memref<40x128xi32, #tpu.memory_space<hbm>>
        %dma_start3A_148 = arith.constant 40 : i32
        %dma_start3A_149 = arith.constant 0 : i32
        %dma_start3A_150 = tpu.memref_slice %arg6[%arg1, %dma_start3A_148, %dma_start3A_149] : memref<16x80x128xi32, #tpu.memory_space<hbm>> -> memref<1x40x128xi32, #tpu.memory_space<hbm>>
        %dma_start3A_151 = tpu.memref_squeeze %dma_start3A_150 : memref<1x40x128xi32, #tpu.memory_space<hbm>> -> memref<40x128xi32, #tpu.memory_space<hbm>>
        tpu.enqueue_dma source(%dma_start3A_151 : memref<40x128xi32, #tpu.memory_space<hbm>>) target(%arg27 : memref<40x128xi32, #tpu.memory_space<vmem>>) target_semaphore(%run_scoped3A : memref<!tpu.dma_semaphore, #tpu.memory_space<semaphore_mem>>)
        %dma_wait3A = arith.constant 40 : i32
        %dma_wait3A_152 = arith.constant 0 : i32
        %dma_wait3A_153 = tpu.memref_slice %arg6[%arg1, %dma_wait3A, %dma_wait3A_152] : memref<16x80x128xi32, #tpu.memory_space<hbm>> -> memref<1x40x128xi32, #tpu.memory_space<hbm>>
        %dma_wait3A_154 = tpu.memref_squeeze %dma_wait3A_153 : memref<1x40x128xi32, #tpu.memory_space<hbm>> -> memref<40x128xi32, #tpu.memory_space<hbm>>
        %dma_wait3A_155 = arith.constant 40 : i32
        %dma_wait3A_156 = arith.constant 0 : i32
        %dma_wait3A_157 = tpu.memref_slice %arg6[%arg1, %dma_wait3A_155, %dma_wait3A_156] : memref<16x80x128xi32, #tpu.memory_space<hbm>> -> memref<1x40x128xi32, #tpu.memory_space<hbm>>
        %dma_wait3A_158 = tpu.memref_squeeze %dma_wait3A_157 : memref<1x40x128xi32, #tpu.memory_space<hbm>> -> memref<40x128xi32, #tpu.memory_space<hbm>>
        tpu.wait_dma2 semaphore(%run_scoped3A : memref<!tpu.dma_semaphore, #tpu.memory_space<semaphore_mem>>) src(%dma_wait3A_158 : memref<40x128xi32, #tpu.memory_space<hbm>>) dst(%arg27 : memref<40x128xi32, #tpu.memory_space<vmem>>)
        tpu.yield
      }) : () -> ()
      "tpu.region"() ({
        %run_scoped3A = tpu.sem_alloc : memref<!tpu.dma_semaphore, #tpu.memory_space<semaphore_mem>>
        %dma_start3A_144 = arith.constant 40 : i32
        %dma_start3A_145 = arith.constant 0 : i32
        %dma_start3A_146 = tpu.memref_slice %arg7[%arg1, %dma_start3A_144, %dma_start3A_145] : memref<16x80x128xi32, #tpu.memory_space<hbm>> -> memref<1x40x128xi32, #tpu.memory_space<hbm>>
        %dma_start3A_147 = tpu.memref_squeeze %dma_start3A_146 : memref<1x40x128xi32, #tpu.memory_space<hbm>> -> memref<40x128xi32, #tpu.memory_space<hbm>>
        %dma_start3A_148 = arith.constant 40 : i32
        %dma_start3A_149 = arith.constant 0 : i32
        %dma_start3A_150 = tpu.memref_slice %arg7[%arg1, %dma_start3A_148, %dma_start3A_149] : memref<16x80x128xi32, #tpu.memory_space<hbm>> -> memref<1x40x128xi32, #tpu.memory_space<hbm>>
        %dma_start3A_151 = tpu.memref_squeeze %dma_start3A_150 : memref<1x40x128xi32, #tpu.memory_space<hbm>> -> memref<40x128xi32, #tpu.memory_space<hbm>>
        tpu.enqueue_dma source(%dma_start3A_151 : memref<40x128xi32, #tpu.memory_space<hbm>>) target(%arg28 : memref<40x128xi32, #tpu.memory_space<vmem>>) target_semaphore(%run_scoped3A : memref<!tpu.dma_semaphore, #tpu.memory_space<semaphore_mem>>)
        %dma_wait3A = arith.constant 40 : i32
        %dma_wait3A_152 = arith.constant 0 : i32
        %dma_wait3A_153 = tpu.memref_slice %arg7[%arg1, %dma_wait3A, %dma_wait3A_152] : memref<16x80x128xi32, #tpu.memory_space<hbm>> -> memref<1x40x128xi32, #tpu.memory_space<hbm>>
        %dma_wait3A_154 = tpu.memref_squeeze %dma_wait3A_153 : memref<1x40x128xi32, #tpu.memory_space<hbm>> -> memref<40x128xi32, #tpu.memory_space<hbm>>
        %dma_wait3A_155 = arith.constant 40 : i32
        %dma_wait3A_156 = arith.constant 0 : i32
        %dma_wait3A_157 = tpu.memref_slice %arg7[%arg1, %dma_wait3A_155, %dma_wait3A_156] : memref<16x80x128xi32, #tpu.memory_space<hbm>> -> memref<1x40x128xi32, #tpu.memory_space<hbm>>
        %dma_wait3A_158 = tpu.memref_squeeze %dma_wait3A_157 : memref<1x40x128xi32, #tpu.memory_space<hbm>> -> memref<40x128xi32, #tpu.memory_space<hbm>>
        tpu.wait_dma2 semaphore(%run_scoped3A : memref<!tpu.dma_semaphore, #tpu.memory_space<semaphore_mem>>) src(%dma_wait3A_158 : memref<40x128xi32, #tpu.memory_space<hbm>>) dst(%arg28 : memref<40x128xi32, #tpu.memory_space<vmem>>)
        tpu.yield
      }) : () -> ()
      %dma_start3A_131 = arith.constant 0 : i32
      %dma_start3A_132 = arith.constant 0 : i32
      %dma_start3A_133 = tpu.memref_slice %arg27[%dma_start3A_131, %dma_start3A_132] : memref<40x128xi32, #tpu.memory_space<vmem>> -> memref<1x128xi32, #tpu.memory_space<vmem>>
      %dma_start3A_134 = tpu.memref_squeeze %dma_start3A_133 : memref<1x128xi32, #tpu.memory_space<vmem>> -> memref<128xi32, #tpu.memory_space<vmem>>
      %dma_start3A_135 = arith.constant 0 : i32
      %dma_start3A_136 = arith.constant 0 : i32
      %dma_start3A_137 = tpu.memref_slice %arg3[%dma_start3A_135, %dma_start3A_136] : memref<10000x128xf32, #tpu.memory_space<hbm>> -> memref<10000x128xf32, #tpu.memory_space<hbm>>
      tpu.enqueue_indirect_dma source(%dma_start3A_137 : memref<10000x128xf32, #tpu.memory_space<hbm>>) target(%arg29 : memref<128x128xf32, #tpu.memory_space<vmem>>) offsets(%dma_start3A_134 : memref<128xi32, #tpu.memory_space<vmem>>) semaphore(%arg32 : memref<!tpu.dma_semaphore, #tpu.memory_space<semaphore_mem>>)
      %scan3A_138 = arith.constant 0 : i32
      %scan3A_139 = arith.constant 0 : i32
      %scan3A_140 = arith.constant 20 : i32
      %scan3A_141 = arith.addi %scan3A_139, %scan3A_140 : i32
      %scan3A_142 = arith.constant 1 : i32
      scf.for %scan3A_144 = %scan3A_139 to %scan3A_141 step %scan3A_142  : i32 {
        %mul3A_145 = arith.constant 2 : i32
        %mul3A_146 = arith.muli %scan3A_144, %mul3A_145 : i32
        %add3A_147 = arith.constant 1 : i32
        %add3A_148 = arith.addi %mul3A_146, %add3A_147 : i32
        %dma_start3A_149 = arith.constant 0 : i32
        %dma_start3A_150 = tpu.memref_slice %arg27[%add3A_148, %dma_start3A_149] : memref<40x128xi32, #tpu.memory_space<vmem>> -> memref<1x128xi32, #tpu.memory_space<vmem>>
        %dma_start3A_151 = tpu.memref_squeeze %dma_start3A_150 : memref<1x128xi32, #tpu.memory_space<vmem>> -> memref<128xi32, #tpu.memory_space<vmem>>
        %dma_start3A_152 = arith.constant 0 : i32
        %dma_start3A_153 = arith.constant 0 : i32
        %dma_start3A_154 = tpu.memref_slice %arg3[%dma_start3A_152, %dma_start3A_153] : memref<10000x128xf32, #tpu.memory_space<hbm>> -> memref<10000x128xf32, #tpu.memory_space<hbm>>
        tpu.enqueue_indirect_dma source(%dma_start3A_154 : memref<10000x128xf32, #tpu.memory_space<hbm>>) target(%arg30 : memref<128x128xf32, #tpu.memory_space<vmem>>) offsets(%dma_start3A_151 : memref<128xi32, #tpu.memory_space<vmem>>) semaphore(%arg33 : memref<!tpu.dma_semaphore, #tpu.memory_space<semaphore_mem>>)
        %dma_wait3A = arith.constant 0 : i32
        %dma_wait3A_155 = tpu.memref_slice %arg27[%mul3A_146, %dma_wait3A] : memref<40x128xi32, #tpu.memory_space<vmem>> -> memref<1x128xi32, #tpu.memory_space<vmem>>
        %dma_wait3A_156 = tpu.memref_squeeze %dma_wait3A_155 : memref<1x128xi32, #tpu.memory_space<vmem>> -> memref<128xi32, #tpu.memory_space<vmem>>
        %dma_wait3A_157 = arith.constant 0 : i32
        %dma_wait3A_158 = arith.constant 0 : i32
        %dma_wait3A_159 = tpu.memref_slice %arg3[%dma_wait3A_157, %dma_wait3A_158] : memref<10000x128xf32, #tpu.memory_space<hbm>> -> memref<10000x128xf32, #tpu.memory_space<hbm>>
        tpu.wait_indirect_dma semaphore(%arg32 : memref<!tpu.dma_semaphore, #tpu.memory_space<semaphore_mem>>) src(%dma_wait3A_159 : memref<10000x128xf32, #tpu.memory_space<hbm>>) dst(%arg29 : memref<128x128xf32, #tpu.memory_space<vmem>>)
        "tpu.region"() ({
          %run_scoped3A = tpu.sem_alloc : memref<!tpu.dma_semaphore, #tpu.memory_space<semaphore_mem>>
          %dma_start3A_174 = arith.constant 0 : i32
          %dma_start3A_175 = tpu.memref_slice %arg28[%mul3A_146, %dma_start3A_174] : memref<40x128xi32, #tpu.memory_space<vmem>> -> memref<1x128xi32, #tpu.memory_space<vmem>>
          %dma_start3A_176 = tpu.memref_squeeze %dma_start3A_175 : memref<1x128xi32, #tpu.memory_space<vmem>> -> memref<128xi32, #tpu.memory_space<vmem>>
          %dma_start3A_177 = arith.constant 0 : i32
          %dma_start3A_178 = arith.constant 0 : i32
          %dma_start3A_179 = tpu.memref_slice %arg31[%dma_start3A_177, %dma_start3A_178] : memref<10112x128xf32, #tpu.memory_space<vmem_shared>> -> memref<10112x128xf32, #tpu.memory_space<vmem_shared>>
          tpu.enqueue_indirect_dma source(%arg29 : memref<128x128xf32, #tpu.memory_space<vmem>>) target(%dma_start3A_179 : memref<10112x128xf32, #tpu.memory_space<vmem_shared>>) offsets(%dma_start3A_176 : memref<128xi32, #tpu.memory_space<vmem>>) semaphore(%run_scoped3A : memref<!tpu.dma_semaphore, #tpu.memory_space<semaphore_mem>>) {add = true}
          %dma_wait3A_180 = arith.constant 0 : i32
          %dma_wait3A_181 = tpu.memref_slice %arg28[%mul3A_146, %dma_wait3A_180] : memref<40x128xi32, #tpu.memory_space<vmem>> -> memref<1x128xi32, #tpu.memory_space<vmem>>
          %dma_wait3A_182 = tpu.memref_squeeze %dma_wait3A_181 : memref<1x128xi32, #tpu.memory_space<vmem>> -> memref<128xi32, #tpu.memory_space<vmem>>
          %dma_wait3A_183 = arith.constant 0 : i32
          %dma_wait3A_184 = arith.constant 0 : i32
          %dma_wait3A_185 = tpu.memref_slice %arg31[%dma_wait3A_183, %dma_wait3A_184] : memref<10112x128xf32, #tpu.memory_space<vmem_shared>> -> memref<10112x128xf32, #tpu.memory_space<vmem_shared>>
          tpu.wait_indirect_dma semaphore(%run_scoped3A : memref<!tpu.dma_semaphore, #tpu.memory_space<semaphore_mem>>) src(%arg29 : memref<128x128xf32, #tpu.memory_space<vmem>>) dst(%dma_wait3A_185 : memref<10112x128xf32, #tpu.memory_space<vmem_shared>>)
          tpu.yield
        }) : () -> ()
        %lt3A = arith.constant 19 : i32
        %lt3A_160 = arith.cmpi slt, %scan3A_144, %lt3A : i32
        %convert_element_type3A_161 = arith.extui %lt3A_160 : i1 to i32
        %cond3A_162 = arith.constant 0 : i32
        %cond3A_163 = arith.cmpi ne, %convert_element_type3A_161, %cond3A_162 : i32
        scf.if %cond3A_163 {
          %add3A_174 = arith.constant 2 : i32
          %add3A_175 = arith.addi %mul3A_146, %add3A_174 : i32
          %dma_start3A_176 = arith.constant 0 : i32
          %dma_start3A_177 = tpu.memref_slice %arg27[%add3A_175, %dma_start3A_176] : memref<40x128xi32, #tpu.memory_space<vmem>> -> memref<1x128xi32, #tpu.memory_space<vmem>>
          %dma_start3A_178 = tpu.memref_squeeze %dma_start3A_177 : memref<1x128xi32, #tpu.memory_space<vmem>> -> memref<128xi32, #tpu.memory_space<vmem>>
          %dma_start3A_179 = arith.constant 0 : i32
          %dma_start3A_180 = arith.constant 0 : i32
          %dma_start3A_181 = tpu.memref_slice %arg3[%dma_start3A_179, %dma_start3A_180] : memref<10000x128xf32, #tpu.memory_space<hbm>> -> memref<10000x128xf32, #tpu.memory_space<hbm>>
          tpu.enqueue_indirect_dma source(%dma_start3A_181 : memref<10000x128xf32, #tpu.memory_space<hbm>>) target(%arg29 : memref<128x128xf32, #tpu.memory_space<vmem>>) offsets(%dma_start3A_178 : memref<128xi32, #tpu.memory_space<vmem>>) semaphore(%arg32 : memref<!tpu.dma_semaphore, #tpu.memory_space<semaphore_mem>>)
        } else {
        }
        %add3A_164 = arith.constant 1 : i32
        %add3A_165 = arith.addi %mul3A_146, %add3A_164 : i32
        %dma_wait3A_166 = arith.constant 0 : i32
        %dma_wait3A_167 = tpu.memref_slice %arg27[%add3A_165, %dma_wait3A_166] : memref<40x128xi32, #tpu.memory_space<vmem>> -> memref<1x128xi32, #tpu.memory_space<vmem>>
        %dma_wait3A_168 = tpu.memref_squeeze %dma_wait3A_167 : memref<1x128xi32, #tpu.memory_space<vmem>> -> memref<128xi32, #tpu.memory_space<vmem>>
        %dma_wait3A_169 = arith.constant 0 : i32
        %dma_wait3A_170 = arith.constant 0 : i32
        %dma_wait3A_171 = tpu.memref_slice %arg3[%dma_wait3A_169, %dma_wait3A_170] : memref<10000x128xf32, #tpu.memory_space<hbm>> -> memref<10000x128xf32, #tpu.memory_space<hbm>>
        tpu.wait_indirect_dma semaphore(%arg33 : memref<!tpu.dma_semaphore, #tpu.memory_space<semaphore_mem>>) src(%dma_wait3A_171 : memref<10000x128xf32, #tpu.memory_space<hbm>>) dst(%arg30 : memref<128x128xf32, #tpu.memory_space<vmem>>)
        %add3A_172 = arith.constant 1 : i32
        %add3A_173 = arith.addi %mul3A_146, %add3A_172 : i32
        "tpu.region"() ({
          %run_scoped3A = tpu.sem_alloc : memref<!tpu.dma_semaphore, #tpu.memory_space<semaphore_mem>>
          %dma_start3A_174 = arith.constant 0 : i32
          %dma_start3A_175 = tpu.memref_slice %arg28[%add3A_173, %dma_start3A_174] : memref<40x128xi32, #tpu.memory_space<vmem>> -> memref<1x128xi32, #tpu.memory_space<vmem>>
          %dma_start3A_176 = tpu.memref_squeeze %dma_start3A_175 : memref<1x128xi32, #tpu.memory_space<vmem>> -> memref<128xi32, #tpu.memory_space<vmem>>
          %dma_start3A_177 = arith.constant 0 : i32
          %dma_start3A_178 = arith.constant 0 : i32
          %dma_start3A_179 = tpu.memref_slice %arg31[%dma_start3A_177, %dma_start3A_178] : memref<10112x128xf32, #tpu.memory_space<vmem_shared>> -> memref<10112x128xf32, #tpu.memory_space<vmem_shared>>
          tpu.enqueue_indirect_dma source(%arg30 : memref<128x128xf32, #tpu.memory_space<vmem>>) target(%dma_start3A_179 : memref<10112x128xf32, #tpu.memory_space<vmem_shared>>) offsets(%dma_start3A_176 : memref<128xi32, #tpu.memory_space<vmem>>) semaphore(%run_scoped3A : memref<!tpu.dma_semaphore, #tpu.memory_space<semaphore_mem>>) {add = true}
          %dma_wait3A_180 = arith.constant 0 : i32
          %dma_wait3A_181 = tpu.memref_slice %arg28[%add3A_173, %dma_wait3A_180] : memref<40x128xi32, #tpu.memory_space<vmem>> -> memref<1x128xi32, #tpu.memory_space<vmem>>
          %dma_wait3A_182 = tpu.memref_squeeze %dma_wait3A_181 : memref<1x128xi32, #tpu.memory_space<vmem>> -> memref<128xi32, #tpu.memory_space<vmem>>
          %dma_wait3A_183 = arith.constant 0 : i32
          %dma_wait3A_184 = arith.constant 0 : i32
          %dma_wait3A_185 = tpu.memref_slice %arg31[%dma_wait3A_183, %dma_wait3A_184] : memref<10112x128xf32, #tpu.memory_space<vmem_shared>> -> memref<10112x128xf32, #tpu.memory_space<vmem_shared>>
          tpu.wait_indirect_dma semaphore(%run_scoped3A : memref<!tpu.dma_semaphore, #tpu.memory_space<semaphore_mem>>) src(%arg30 : memref<128x128xf32, #tpu.memory_space<vmem>>) dst(%dma_wait3A_185 : memref<10112x128xf32, #tpu.memory_space<vmem_shared>>)
          tpu.yield
        }) : () -> ()
      }
      %scan3A_143 = arith.constant 20 : i32
    } else {
    }
    %barrier3A_32 = arith.constant 0 : index
    tpu.barrier barrier_id(%barrier3A_32)
    %eq3A_33 = arith.constant 0 : i32
    %eq3A_34 = arith.cmpi eq, %arg0, %eq3A_33 : i32
    %convert_element_type3A_35 = arith.extui %eq3A_34 : i1 to i32
    %cond3A_36 = arith.constant 0 : i32
    %cond3A_37 = arith.cmpi ne, %convert_element_type3A_35, %cond3A_36 : i32
    scf.if %cond3A_37 {
      "tpu.region"() ({
        %run_scoped3A = tpu.sem_alloc : memref<!tpu.dma_semaphore, #tpu.memory_space<semaphore_mem>>
        %dma_start3A = arith.constant 0 : i32
        %dma_start3A_119 = tpu.memref_slice %arg17[%mul3A_2, %dma_start3A] : memref<10112x128xf32, #tpu.memory_space<hbm>> -> memref<632x128xf32, #tpu.memory_space<hbm>>
        %dma_start3A_120 = arith.constant 0 : i32
        %dma_start3A_121 = tpu.memref_slice %arg31[%mul3A_2, %dma_start3A_120] : memref<10112x128xf32, #tpu.memory_space<vmem_shared>> -> memref<632x128xf32, #tpu.memory_space<vmem_shared>>
        tpu.enqueue_dma source(%dma_start3A_121 : memref<632x128xf32, #tpu.memory_space<vmem_shared>>) target(%dma_start3A_119 : memref<632x128xf32, #tpu.memory_space<hbm>>) target_semaphore(%run_scoped3A : memref<!tpu.dma_semaphore, #tpu.memory_space<semaphore_mem>>)
        %dma_wait3A = arith.constant 0 : i32
        %dma_wait3A_122 = tpu.memref_slice %arg17[%mul3A_2, %dma_wait3A] : memref<10112x128xf32, #tpu.memory_space<hbm>> -> memref<632x128xf32, #tpu.memory_space<hbm>>
        %dma_wait3A_123 = arith.constant 0 : i32
        %dma_wait3A_124 = tpu.memref_slice %arg31[%mul3A_2, %dma_wait3A_123] : memref<10112x128xf32, #tpu.memory_space<vmem_shared>> -> memref<632x128xf32, #tpu.memory_space<vmem_shared>>
        tpu.wait_dma2 semaphore(%run_scoped3A : memref<!tpu.dma_semaphore, #tpu.memory_space<semaphore_mem>>) src(%dma_wait3A_124 : memref<632x128xf32, #tpu.memory_space<vmem_shared>>) dst(%dma_wait3A_122 : memref<632x128xf32, #tpu.memory_space<hbm>>)
        tpu.yield
      }) : () -> ()
    } else {
    }
    %eq3A_38 = arith.constant 1 : i32
    %eq3A_39 = arith.cmpi eq, %arg0, %eq3A_38 : i32
    %convert_element_type3A_40 = arith.extui %eq3A_39 : i1 to i32
    %cond3A_41 = arith.constant 0 : i32
    %cond3A_42 = arith.cmpi ne, %convert_element_type3A_40, %cond3A_41 : i32
    scf.if %cond3A_42 {
      "tpu.region"() ({
        %run_scoped3A = tpu.sem_alloc : memref<!tpu.dma_semaphore, #tpu.memory_space<semaphore_mem>>
        %dma_start3A = arith.constant 0 : i32
        %dma_start3A_119 = tpu.memref_slice %arg18[%mul3A_2, %dma_start3A] : memref<10112x128xf32, #tpu.memory_space<hbm>> -> memref<632x128xf32, #tpu.memory_space<hbm>>
        %dma_start3A_120 = arith.constant 0 : i32
        %dma_start3A_121 = tpu.memref_slice %arg31[%mul3A_2, %dma_start3A_120] : memref<10112x128xf32, #tpu.memory_space<vmem_shared>> -> memref<632x128xf32, #tpu.memory_space<vmem_shared>>
        tpu.enqueue_dma source(%dma_start3A_121 : memref<632x128xf32, #tpu.memory_space<vmem_shared>>) target(%dma_start3A_119 : memref<632x128xf32, #tpu.memory_space<hbm>>) target_semaphore(%run_scoped3A : memref<!tpu.dma_semaphore, #tpu.memory_space<semaphore_mem>>)
        %dma_wait3A = arith.constant 0 : i32
        %dma_wait3A_122 = tpu.memref_slice %arg18[%mul3A_2, %dma_wait3A] : memref<10112x128xf32, #tpu.memory_space<hbm>> -> memref<632x128xf32, #tpu.memory_space<hbm>>
        %dma_wait3A_123 = arith.constant 0 : i32
        %dma_wait3A_124 = tpu.memref_slice %arg31[%mul3A_2, %dma_wait3A_123] : memref<10112x128xf32, #tpu.memory_space<vmem_shared>> -> memref<632x128xf32, #tpu.memory_space<vmem_shared>>
        tpu.wait_dma2 semaphore(%run_scoped3A : memref<!tpu.dma_semaphore, #tpu.memory_space<semaphore_mem>>) src(%dma_wait3A_124 : memref<632x128xf32, #tpu.memory_space<vmem_shared>>) dst(%dma_wait3A_122 : memref<632x128xf32, #tpu.memory_space<hbm>>)
        tpu.yield
      }) : () -> ()
    } else {
    }
    "tpu.region"() ({
      %run_scoped3A = tpu.sem_alloc : memref<!tpu.dma_semaphore, #tpu.memory_space<semaphore_mem>>
      %dma_start3A = arith.constant 0 : i32
      %dma_start3A_119 = tpu.memref_slice %arg31[%mul3A_2, %dma_start3A] : memref<10112x128xf32, #tpu.memory_space<vmem_shared>> -> memref<632x128xf32, #tpu.memory_space<vmem_shared>>
      tpu.enqueue_dma source(%arg13 : memref<632x128xf32, #tpu.memory_space<hbm>>) target(%dma_start3A_119 : memref<632x128xf32, #tpu.memory_space<vmem_shared>>) target_semaphore(%run_scoped3A : memref<!tpu.dma_semaphore, #tpu.memory_space<semaphore_mem>>)
      %dma_wait3A = arith.constant 0 : i32
      %dma_wait3A_120 = tpu.memref_slice %arg31[%mul3A_2, %dma_wait3A] : memref<10112x128xf32, #tpu.memory_space<vmem_shared>> -> memref<632x128xf32, #tpu.memory_space<vmem_shared>>
      tpu.wait_dma2 semaphore(%run_scoped3A : memref<!tpu.dma_semaphore, #tpu.memory_space<semaphore_mem>>) src(%arg13 : memref<632x128xf32, #tpu.memory_space<hbm>>) dst(%dma_wait3A_120 : memref<632x128xf32, #tpu.memory_space<vmem_shared>>)
      tpu.yield
    }) : () -> ()
    %barrier3A_43 = arith.constant 0 : index
    tpu.barrier barrier_id(%barrier3A_43)
    %eq3A_44 = arith.constant 0 : i32
    %eq3A_45 = arith.cmpi eq, %arg0, %eq3A_44 : i32
    %convert_element_type3A_46 = arith.extui %eq3A_45 : i1 to i32
    %cond3A_47 = arith.constant 0 : i32
    %cond3A_48 = arith.cmpi ne, %convert_element_type3A_46, %cond3A_47 : i32
    scf.if %cond3A_48 {
      "tpu.region"() ({
        %run_scoped3A = tpu.sem_alloc : memref<!tpu.dma_semaphore, #tpu.memory_space<semaphore_mem>>
        %dma_start3A_144 = arith.constant 0 : i32
        %dma_start3A_145 = arith.constant 0 : i32
        %dma_start3A_146 = tpu.memref_slice %arg8[%arg1, %dma_start3A_144, %dma_start3A_145] : memref<16x80x128xi32, #tpu.memory_space<hbm>> -> memref<1x40x128xi32, #tpu.memory_space<hbm>>
        %dma_start3A_147 = tpu.memref_squeeze %dma_start3A_146 : memref<1x40x128xi32, #tpu.memory_space<hbm>> -> memref<40x128xi32, #tpu.memory_space<hbm>>
        %dma_start3A_148 = arith.constant 0 : i32
        %dma_start3A_149 = arith.constant 0 : i32
        %dma_start3A_150 = tpu.memref_slice %arg8[%arg1, %dma_start3A_148, %dma_start3A_149] : memref<16x80x128xi32, #tpu.memory_space<hbm>> -> memref<1x40x128xi32, #tpu.memory_space<hbm>>
        %dma_start3A_151 = tpu.memref_squeeze %dma_start3A_150 : memref<1x40x128xi32, #tpu.memory_space<hbm>> -> memref<40x128xi32, #tpu.memory_space<hbm>>
        tpu.enqueue_dma source(%dma_start3A_151 : memref<40x128xi32, #tpu.memory_space<hbm>>) target(%arg27 : memref<40x128xi32, #tpu.memory_space<vmem>>) target_semaphore(%run_scoped3A : memref<!tpu.dma_semaphore, #tpu.memory_space<semaphore_mem>>)
        %dma_wait3A = arith.constant 0 : i32
        %dma_wait3A_152 = arith.constant 0 : i32
        %dma_wait3A_153 = tpu.memref_slice %arg8[%arg1, %dma_wait3A, %dma_wait3A_152] : memref<16x80x128xi32, #tpu.memory_space<hbm>> -> memref<1x40x128xi32, #tpu.memory_space<hbm>>
        %dma_wait3A_154 = tpu.memref_squeeze %dma_wait3A_153 : memref<1x40x128xi32, #tpu.memory_space<hbm>> -> memref<40x128xi32, #tpu.memory_space<hbm>>
        %dma_wait3A_155 = arith.constant 0 : i32
        %dma_wait3A_156 = arith.constant 0 : i32
        %dma_wait3A_157 = tpu.memref_slice %arg8[%arg1, %dma_wait3A_155, %dma_wait3A_156] : memref<16x80x128xi32, #tpu.memory_space<hbm>> -> memref<1x40x128xi32, #tpu.memory_space<hbm>>
        %dma_wait3A_158 = tpu.memref_squeeze %dma_wait3A_157 : memref<1x40x128xi32, #tpu.memory_space<hbm>> -> memref<40x128xi32, #tpu.memory_space<hbm>>
        tpu.wait_dma2 semaphore(%run_scoped3A : memref<!tpu.dma_semaphore, #tpu.memory_space<semaphore_mem>>) src(%dma_wait3A_158 : memref<40x128xi32, #tpu.memory_space<hbm>>) dst(%arg27 : memref<40x128xi32, #tpu.memory_space<vmem>>)
        tpu.yield
      }) : () -> ()
      "tpu.region"() ({
        %run_scoped3A = tpu.sem_alloc : memref<!tpu.dma_semaphore, #tpu.memory_space<semaphore_mem>>
        %dma_start3A_144 = arith.constant 0 : i32
        %dma_start3A_145 = arith.constant 0 : i32
        %dma_start3A_146 = tpu.memref_slice %arg9[%arg1, %dma_start3A_144, %dma_start3A_145] : memref<16x80x128xi32, #tpu.memory_space<hbm>> -> memref<1x40x128xi32, #tpu.memory_space<hbm>>
        %dma_start3A_147 = tpu.memref_squeeze %dma_start3A_146 : memref<1x40x128xi32, #tpu.memory_space<hbm>> -> memref<40x128xi32, #tpu.memory_space<hbm>>
        %dma_start3A_148 = arith.constant 0 : i32
        %dma_start3A_149 = arith.constant 0 : i32
        %dma_start3A_150 = tpu.memref_slice %arg9[%arg1, %dma_start3A_148, %dma_start3A_149] : memref<16x80x128xi32, #tpu.memory_space<hbm>> -> memref<1x40x128xi32, #tpu.memory_space<hbm>>
        %dma_start3A_151 = tpu.memref_squeeze %dma_start3A_150 : memref<1x40x128xi32, #tpu.memory_space<hbm>> -> memref<40x128xi32, #tpu.memory_space<hbm>>
        tpu.enqueue_dma source(%dma_start3A_151 : memref<40x128xi32, #tpu.memory_space<hbm>>) target(%arg28 : memref<40x128xi32, #tpu.memory_space<vmem>>) target_semaphore(%run_scoped3A : memref<!tpu.dma_semaphore, #tpu.memory_space<semaphore_mem>>)
        %dma_wait3A = arith.constant 0 : i32
        %dma_wait3A_152 = arith.constant 0 : i32
        %dma_wait3A_153 = tpu.memref_slice %arg9[%arg1, %dma_wait3A, %dma_wait3A_152] : memref<16x80x128xi32, #tpu.memory_space<hbm>> -> memref<1x40x128xi32, #tpu.memory_space<hbm>>
        %dma_wait3A_154 = tpu.memref_squeeze %dma_wait3A_153 : memref<1x40x128xi32, #tpu.memory_space<hbm>> -> memref<40x128xi32, #tpu.memory_space<hbm>>
        %dma_wait3A_155 = arith.constant 0 : i32
        %dma_wait3A_156 = arith.constant 0 : i32
        %dma_wait3A_157 = tpu.memref_slice %arg9[%arg1, %dma_wait3A_155, %dma_wait3A_156] : memref<16x80x128xi32, #tpu.memory_space<hbm>> -> memref<1x40x128xi32, #tpu.memory_space<hbm>>
        %dma_wait3A_158 = tpu.memref_squeeze %dma_wait3A_157 : memref<1x40x128xi32, #tpu.memory_space<hbm>> -> memref<40x128xi32, #tpu.memory_space<hbm>>
        tpu.wait_dma2 semaphore(%run_scoped3A : memref<!tpu.dma_semaphore, #tpu.memory_space<semaphore_mem>>) src(%dma_wait3A_158 : memref<40x128xi32, #tpu.memory_space<hbm>>) dst(%arg28 : memref<40x128xi32, #tpu.memory_space<vmem>>)
        tpu.yield
      }) : () -> ()
      %dma_start3A = arith.constant 0 : i32
      %dma_start3A_119 = arith.constant 0 : i32
      %dma_start3A_120 = tpu.memref_slice %arg27[%dma_start3A, %dma_start3A_119] : memref<40x128xi32, #tpu.memory_space<vmem>> -> memref<1x128xi32, #tpu.memory_space<vmem>>
      %dma_start3A_121 = tpu.memref_squeeze %dma_start3A_120 : memref<1x128xi32, #tpu.memory_space<vmem>> -> memref<128xi32, #tpu.memory_space<vmem>>
      %dma_start3A_122 = arith.constant 0 : i32
      %dma_start3A_123 = arith.constant 0 : i32
      %dma_start3A_124 = tpu.memref_slice %arg2[%dma_start3A_122, %dma_start3A_123] : memref<10000x128xf32, #tpu.memory_space<hbm>> -> memref<10000x128xf32, #tpu.memory_space<hbm>>
      tpu.enqueue_indirect_dma source(%dma_start3A_124 : memref<10000x128xf32, #tpu.memory_space<hbm>>) target(%arg29 : memref<128x128xf32, #tpu.memory_space<vmem>>) offsets(%dma_start3A_121 : memref<128xi32, #tpu.memory_space<vmem>>) semaphore(%arg32 : memref<!tpu.dma_semaphore, #tpu.memory_space<semaphore_mem>>)
      %scan3A_125 = arith.constant 0 : i32
      %scan3A_126 = arith.constant 0 : i32
      %scan3A_127 = arith.constant 20 : i32
      %scan3A_128 = arith.addi %scan3A_126, %scan3A_127 : i32
      %scan3A_129 = arith.constant 1 : i32
      scf.for %scan3A_144 = %scan3A_126 to %scan3A_128 step %scan3A_129  : i32 {
        %mul3A_145 = arith.constant 2 : i32
        %mul3A_146 = arith.muli %scan3A_144, %mul3A_145 : i32
        %add3A_147 = arith.constant 1 : i32
        %add3A_148 = arith.addi %mul3A_146, %add3A_147 : i32
        %dma_start3A_149 = arith.constant 0 : i32
        %dma_start3A_150 = tpu.memref_slice %arg27[%add3A_148, %dma_start3A_149] : memref<40x128xi32, #tpu.memory_space<vmem>> -> memref<1x128xi32, #tpu.memory_space<vmem>>
        %dma_start3A_151 = tpu.memref_squeeze %dma_start3A_150 : memref<1x128xi32, #tpu.memory_space<vmem>> -> memref<128xi32, #tpu.memory_space<vmem>>
        %dma_start3A_152 = arith.constant 0 : i32
        %dma_start3A_153 = arith.constant 0 : i32
        %dma_start3A_154 = tpu.memref_slice %arg2[%dma_start3A_152, %dma_start3A_153] : memref<10000x128xf32, #tpu.memory_space<hbm>> -> memref<10000x128xf32, #tpu.memory_space<hbm>>
        tpu.enqueue_indirect_dma source(%dma_start3A_154 : memref<10000x128xf32, #tpu.memory_space<hbm>>) target(%arg30 : memref<128x128xf32, #tpu.memory_space<vmem>>) offsets(%dma_start3A_151 : memref<128xi32, #tpu.memory_space<vmem>>) semaphore(%arg33 : memref<!tpu.dma_semaphore, #tpu.memory_space<semaphore_mem>>)
        %dma_wait3A = arith.constant 0 : i32
        %dma_wait3A_155 = tpu.memref_slice %arg27[%mul3A_146, %dma_wait3A] : memref<40x128xi32, #tpu.memory_space<vmem>> -> memref<1x128xi32, #tpu.memory_space<vmem>>
        %dma_wait3A_156 = tpu.memref_squeeze %dma_wait3A_155 : memref<1x128xi32, #tpu.memory_space<vmem>> -> memref<128xi32, #tpu.memory_space<vmem>>
        %dma_wait3A_157 = arith.constant 0 : i32
        %dma_wait3A_158 = arith.constant 0 : i32
        %dma_wait3A_159 = tpu.memref_slice %arg2[%dma_wait3A_157, %dma_wait3A_158] : memref<10000x128xf32, #tpu.memory_space<hbm>> -> memref<10000x128xf32, #tpu.memory_space<hbm>>
        tpu.wait_indirect_dma semaphore(%arg32 : memref<!tpu.dma_semaphore, #tpu.memory_space<semaphore_mem>>) src(%dma_wait3A_159 : memref<10000x128xf32, #tpu.memory_space<hbm>>) dst(%arg29 : memref<128x128xf32, #tpu.memory_space<vmem>>)
        "tpu.region"() ({
          %run_scoped3A = tpu.sem_alloc : memref<!tpu.dma_semaphore, #tpu.memory_space<semaphore_mem>>
          %dma_start3A_174 = arith.constant 0 : i32
          %dma_start3A_175 = tpu.memref_slice %arg28[%mul3A_146, %dma_start3A_174] : memref<40x128xi32, #tpu.memory_space<vmem>> -> memref<1x128xi32, #tpu.memory_space<vmem>>
          %dma_start3A_176 = tpu.memref_squeeze %dma_start3A_175 : memref<1x128xi32, #tpu.memory_space<vmem>> -> memref<128xi32, #tpu.memory_space<vmem>>
          %dma_start3A_177 = arith.constant 0 : i32
          %dma_start3A_178 = arith.constant 0 : i32
          %dma_start3A_179 = tpu.memref_slice %arg31[%dma_start3A_177, %dma_start3A_178] : memref<10112x128xf32, #tpu.memory_space<vmem_shared>> -> memref<10112x128xf32, #tpu.memory_space<vmem_shared>>
          tpu.enqueue_indirect_dma source(%arg29 : memref<128x128xf32, #tpu.memory_space<vmem>>) target(%dma_start3A_179 : memref<10112x128xf32, #tpu.memory_space<vmem_shared>>) offsets(%dma_start3A_176 : memref<128xi32, #tpu.memory_space<vmem>>) semaphore(%run_scoped3A : memref<!tpu.dma_semaphore, #tpu.memory_space<semaphore_mem>>) {add = true}
          %dma_wait3A_180 = arith.constant 0 : i32
          %dma_wait3A_181 = tpu.memref_slice %arg28[%mul3A_146, %dma_wait3A_180] : memref<40x128xi32, #tpu.memory_space<vmem>> -> memref<1x128xi32, #tpu.memory_space<vmem>>
          %dma_wait3A_182 = tpu.memref_squeeze %dma_wait3A_181 : memref<1x128xi32, #tpu.memory_space<vmem>> -> memref<128xi32, #tpu.memory_space<vmem>>
          %dma_wait3A_183 = arith.constant 0 : i32
          %dma_wait3A_184 = arith.constant 0 : i32
          %dma_wait3A_185 = tpu.memref_slice %arg31[%dma_wait3A_183, %dma_wait3A_184] : memref<10112x128xf32, #tpu.memory_space<vmem_shared>> -> memref<10112x128xf32, #tpu.memory_space<vmem_shared>>
          tpu.wait_indirect_dma semaphore(%run_scoped3A : memref<!tpu.dma_semaphore, #tpu.memory_space<semaphore_mem>>) src(%arg29 : memref<128x128xf32, #tpu.memory_space<vmem>>) dst(%dma_wait3A_185 : memref<10112x128xf32, #tpu.memory_space<vmem_shared>>)
          tpu.yield
        }) : () -> ()
        %lt3A = arith.constant 19 : i32
        %lt3A_160 = arith.cmpi slt, %scan3A_144, %lt3A : i32
        %convert_element_type3A_161 = arith.extui %lt3A_160 : i1 to i32
        %cond3A_162 = arith.constant 0 : i32
        %cond3A_163 = arith.cmpi ne, %convert_element_type3A_161, %cond3A_162 : i32
        scf.if %cond3A_163 {
          %add3A_174 = arith.constant 2 : i32
          %add3A_175 = arith.addi %mul3A_146, %add3A_174 : i32
          %dma_start3A_176 = arith.constant 0 : i32
          %dma_start3A_177 = tpu.memref_slice %arg27[%add3A_175, %dma_start3A_176] : memref<40x128xi32, #tpu.memory_space<vmem>> -> memref<1x128xi32, #tpu.memory_space<vmem>>
          %dma_start3A_178 = tpu.memref_squeeze %dma_start3A_177 : memref<1x128xi32, #tpu.memory_space<vmem>> -> memref<128xi32, #tpu.memory_space<vmem>>
          %dma_start3A_179 = arith.constant 0 : i32
          %dma_start3A_180 = arith.constant 0 : i32
          %dma_start3A_181 = tpu.memref_slice %arg2[%dma_start3A_179, %dma_start3A_180] : memref<10000x128xf32, #tpu.memory_space<hbm>> -> memref<10000x128xf32, #tpu.memory_space<hbm>>
          tpu.enqueue_indirect_dma source(%dma_start3A_181 : memref<10000x128xf32, #tpu.memory_space<hbm>>) target(%arg29 : memref<128x128xf32, #tpu.memory_space<vmem>>) offsets(%dma_start3A_178 : memref<128xi32, #tpu.memory_space<vmem>>) semaphore(%arg32 : memref<!tpu.dma_semaphore, #tpu.memory_space<semaphore_mem>>)
        } else {
        }
        %add3A_164 = arith.constant 1 : i32
        %add3A_165 = arith.addi %mul3A_146, %add3A_164 : i32
        %dma_wait3A_166 = arith.constant 0 : i32
        %dma_wait3A_167 = tpu.memref_slice %arg27[%add3A_165, %dma_wait3A_166] : memref<40x128xi32, #tpu.memory_space<vmem>> -> memref<1x128xi32, #tpu.memory_space<vmem>>
        %dma_wait3A_168 = tpu.memref_squeeze %dma_wait3A_167 : memref<1x128xi32, #tpu.memory_space<vmem>> -> memref<128xi32, #tpu.memory_space<vmem>>
        %dma_wait3A_169 = arith.constant 0 : i32
        %dma_wait3A_170 = arith.constant 0 : i32
        %dma_wait3A_171 = tpu.memref_slice %arg2[%dma_wait3A_169, %dma_wait3A_170] : memref<10000x128xf32, #tpu.memory_space<hbm>> -> memref<10000x128xf32, #tpu.memory_space<hbm>>
        tpu.wait_indirect_dma semaphore(%arg33 : memref<!tpu.dma_semaphore, #tpu.memory_space<semaphore_mem>>) src(%dma_wait3A_171 : memref<10000x128xf32, #tpu.memory_space<hbm>>) dst(%arg30 : memref<128x128xf32, #tpu.memory_space<vmem>>)
        %add3A_172 = arith.constant 1 : i32
        %add3A_173 = arith.addi %mul3A_146, %add3A_172 : i32
        "tpu.region"() ({
          %run_scoped3A = tpu.sem_alloc : memref<!tpu.dma_semaphore, #tpu.memory_space<semaphore_mem>>
          %dma_start3A_174 = arith.constant 0 : i32
          %dma_start3A_175 = tpu.memref_slice %arg28[%add3A_173, %dma_start3A_174] : memref<40x128xi32, #tpu.memory_space<vmem>> -> memref<1x128xi32, #tpu.memory_space<vmem>>
          %dma_start3A_176 = tpu.memref_squeeze %dma_start3A_175 : memref<1x128xi32, #tpu.memory_space<vmem>> -> memref<128xi32, #tpu.memory_space<vmem>>
          %dma_start3A_177 = arith.constant 0 : i32
          %dma_start3A_178 = arith.constant 0 : i32
          %dma_start3A_179 = tpu.memref_slice %arg31[%dma_start3A_177, %dma_start3A_178] : memref<10112x128xf32, #tpu.memory_space<vmem_shared>> -> memref<10112x128xf32, #tpu.memory_space<vmem_shared>>
          tpu.enqueue_indirect_dma source(%arg30 : memref<128x128xf32, #tpu.memory_space<vmem>>) target(%dma_start3A_179 : memref<10112x128xf32, #tpu.memory_space<vmem_shared>>) offsets(%dma_start3A_176 : memref<128xi32, #tpu.memory_space<vmem>>) semaphore(%run_scoped3A : memref<!tpu.dma_semaphore, #tpu.memory_space<semaphore_mem>>) {add = true}
          %dma_wait3A_180 = arith.constant 0 : i32
          %dma_wait3A_181 = tpu.memref_slice %arg28[%add3A_173, %dma_wait3A_180] : memref<40x128xi32, #tpu.memory_space<vmem>> -> memref<1x128xi32, #tpu.memory_space<vmem>>
          %dma_wait3A_182 = tpu.memref_squeeze %dma_wait3A_181 : memref<1x128xi32, #tpu.memory_space<vmem>> -> memref<128xi32, #tpu.memory_space<vmem>>
          %dma_wait3A_183 = arith.constant 0 : i32
          %dma_wait3A_184 = arith.constant 0 : i32
          %dma_wait3A_185 = tpu.memref_slice %arg31[%dma_wait3A_183, %dma_wait3A_184] : memref<10112x128xf32, #tpu.memory_space<vmem_shared>> -> memref<10112x128xf32, #tpu.memory_space<vmem_shared>>
          tpu.wait_indirect_dma semaphore(%run_scoped3A : memref<!tpu.dma_semaphore, #tpu.memory_space<semaphore_mem>>) src(%arg30 : memref<128x128xf32, #tpu.memory_space<vmem>>) dst(%dma_wait3A_185 : memref<10112x128xf32, #tpu.memory_space<vmem_shared>>)
          tpu.yield
        }) : () -> ()
      }
      %scan3A_130 = arith.constant 20 : i32
      "tpu.region"() ({
        %run_scoped3A = tpu.sem_alloc : memref<!tpu.dma_semaphore, #tpu.memory_space<semaphore_mem>>
        %dma_start3A_144 = arith.constant 40 : i32
        %dma_start3A_145 = arith.constant 0 : i32
        %dma_start3A_146 = tpu.memref_slice %arg8[%arg1, %dma_start3A_144, %dma_start3A_145] : memref<16x80x128xi32, #tpu.memory_space<hbm>> -> memref<1x40x128xi32, #tpu.memory_space<hbm>>
        %dma_start3A_147 = tpu.memref_squeeze %dma_start3A_146 : memref<1x40x128xi32, #tpu.memory_space<hbm>> -> memref<40x128xi32, #tpu.memory_space<hbm>>
        %dma_start3A_148 = arith.constant 40 : i32
        %dma_start3A_149 = arith.constant 0 : i32
        %dma_start3A_150 = tpu.memref_slice %arg8[%arg1, %dma_start3A_148, %dma_start3A_149] : memref<16x80x128xi32, #tpu.memory_space<hbm>> -> memref<1x40x128xi32, #tpu.memory_space<hbm>>
        %dma_start3A_151 = tpu.memref_squeeze %dma_start3A_150 : memref<1x40x128xi32, #tpu.memory_space<hbm>> -> memref<40x128xi32, #tpu.memory_space<hbm>>
        tpu.enqueue_dma source(%dma_start3A_151 : memref<40x128xi32, #tpu.memory_space<hbm>>) target(%arg27 : memref<40x128xi32, #tpu.memory_space<vmem>>) target_semaphore(%run_scoped3A : memref<!tpu.dma_semaphore, #tpu.memory_space<semaphore_mem>>)
        %dma_wait3A = arith.constant 40 : i32
        %dma_wait3A_152 = arith.constant 0 : i32
        %dma_wait3A_153 = tpu.memref_slice %arg8[%arg1, %dma_wait3A, %dma_wait3A_152] : memref<16x80x128xi32, #tpu.memory_space<hbm>> -> memref<1x40x128xi32, #tpu.memory_space<hbm>>
        %dma_wait3A_154 = tpu.memref_squeeze %dma_wait3A_153 : memref<1x40x128xi32, #tpu.memory_space<hbm>> -> memref<40x128xi32, #tpu.memory_space<hbm>>
        %dma_wait3A_155 = arith.constant 40 : i32
        %dma_wait3A_156 = arith.constant 0 : i32
        %dma_wait3A_157 = tpu.memref_slice %arg8[%arg1, %dma_wait3A_155, %dma_wait3A_156] : memref<16x80x128xi32, #tpu.memory_space<hbm>> -> memref<1x40x128xi32, #tpu.memory_space<hbm>>
        %dma_wait3A_158 = tpu.memref_squeeze %dma_wait3A_157 : memref<1x40x128xi32, #tpu.memory_space<hbm>> -> memref<40x128xi32, #tpu.memory_space<hbm>>
        tpu.wait_dma2 semaphore(%run_scoped3A : memref<!tpu.dma_semaphore, #tpu.memory_space<semaphore_mem>>) src(%dma_wait3A_158 : memref<40x128xi32, #tpu.memory_space<hbm>>) dst(%arg27 : memref<40x128xi32, #tpu.memory_space<vmem>>)
        tpu.yield
      }) : () -> ()
      "tpu.region"() ({
        %run_scoped3A = tpu.sem_alloc : memref<!tpu.dma_semaphore, #tpu.memory_space<semaphore_mem>>
        %dma_start3A_144 = arith.constant 40 : i32
        %dma_start3A_145 = arith.constant 0 : i32
        %dma_start3A_146 = tpu.memref_slice %arg9[%arg1, %dma_start3A_144, %dma_start3A_145] : memref<16x80x128xi32, #tpu.memory_space<hbm>> -> memref<1x40x128xi32, #tpu.memory_space<hbm>>
        %dma_start3A_147 = tpu.memref_squeeze %dma_start3A_146 : memref<1x40x128xi32, #tpu.memory_space<hbm>> -> memref<40x128xi32, #tpu.memory_space<hbm>>
        %dma_start3A_148 = arith.constant 40 : i32
        %dma_start3A_149 = arith.constant 0 : i32
        %dma_start3A_150 = tpu.memref_slice %arg9[%arg1, %dma_start3A_148, %dma_start3A_149] : memref<16x80x128xi32, #tpu.memory_space<hbm>> -> memref<1x40x128xi32, #tpu.memory_space<hbm>>
        %dma_start3A_151 = tpu.memref_squeeze %dma_start3A_150 : memref<1x40x128xi32, #tpu.memory_space<hbm>> -> memref<40x128xi32, #tpu.memory_space<hbm>>
        tpu.enqueue_dma source(%dma_start3A_151 : memref<40x128xi32, #tpu.memory_space<hbm>>) target(%arg28 : memref<40x128xi32, #tpu.memory_space<vmem>>) target_semaphore(%run_scoped3A : memref<!tpu.dma_semaphore, #tpu.memory_space<semaphore_mem>>)
        %dma_wait3A = arith.constant 40 : i32
        %dma_wait3A_152 = arith.constant 0 : i32
        %dma_wait3A_153 = tpu.memref_slice %arg9[%arg1, %dma_wait3A, %dma_wait3A_152] : memref<16x80x128xi32, #tpu.memory_space<hbm>> -> memref<1x40x128xi32, #tpu.memory_space<hbm>>
        %dma_wait3A_154 = tpu.memref_squeeze %dma_wait3A_153 : memref<1x40x128xi32, #tpu.memory_space<hbm>> -> memref<40x128xi32, #tpu.memory_space<hbm>>
        %dma_wait3A_155 = arith.constant 40 : i32
        %dma_wait3A_156 = arith.constant 0 : i32
        %dma_wait3A_157 = tpu.memref_slice %arg9[%arg1, %dma_wait3A_155, %dma_wait3A_156] : memref<16x80x128xi32, #tpu.memory_space<hbm>> -> memref<1x40x128xi32, #tpu.memory_space<hbm>>
        %dma_wait3A_158 = tpu.memref_squeeze %dma_wait3A_157 : memref<1x40x128xi32, #tpu.memory_space<hbm>> -> memref<40x128xi32, #tpu.memory_space<hbm>>
        tpu.wait_dma2 semaphore(%run_scoped3A : memref<!tpu.dma_semaphore, #tpu.memory_space<semaphore_mem>>) src(%dma_wait3A_158 : memref<40x128xi32, #tpu.memory_space<hbm>>) dst(%arg28 : memref<40x128xi32, #tpu.memory_space<vmem>>)
        tpu.yield
      }) : () -> ()
      %dma_start3A_131 = arith.constant 0 : i32
      %dma_start3A_132 = arith.constant 0 : i32
      %dma_start3A_133 = tpu.memref_slice %arg27[%dma_start3A_131, %dma_start3A_132] : memref<40x128xi32, #tpu.memory_space<vmem>> -> memref<1x128xi32, #tpu.memory_space<vmem>>
      %dma_start3A_134 = tpu.memref_squeeze %dma_start3A_133 : memref<1x128xi32, #tpu.memory_space<vmem>> -> memref<128xi32, #tpu.memory_space<vmem>>
      %dma_start3A_135 = arith.constant 0 : i32
      %dma_start3A_136 = arith.constant 0 : i32
      %dma_start3A_137 = tpu.memref_slice %arg2[%dma_start3A_135, %dma_start3A_136] : memref<10000x128xf32, #tpu.memory_space<hbm>> -> memref<10000x128xf32, #tpu.memory_space<hbm>>
      tpu.enqueue_indirect_dma source(%dma_start3A_137 : memref<10000x128xf32, #tpu.memory_space<hbm>>) target(%arg29 : memref<128x128xf32, #tpu.memory_space<vmem>>) offsets(%dma_start3A_134 : memref<128xi32, #tpu.memory_space<vmem>>) semaphore(%arg32 : memref<!tpu.dma_semaphore, #tpu.memory_space<semaphore_mem>>)
      %scan3A_138 = arith.constant 0 : i32
      %scan3A_139 = arith.constant 0 : i32
      %scan3A_140 = arith.constant 20 : i32
      %scan3A_141 = arith.addi %scan3A_139, %scan3A_140 : i32
      %scan3A_142 = arith.constant 1 : i32
      scf.for %scan3A_144 = %scan3A_139 to %scan3A_141 step %scan3A_142  : i32 {
        %mul3A_145 = arith.constant 2 : i32
        %mul3A_146 = arith.muli %scan3A_144, %mul3A_145 : i32
        %add3A_147 = arith.constant 1 : i32
        %add3A_148 = arith.addi %mul3A_146, %add3A_147 : i32
        %dma_start3A_149 = arith.constant 0 : i32
        %dma_start3A_150 = tpu.memref_slice %arg27[%add3A_148, %dma_start3A_149] : memref<40x128xi32, #tpu.memory_space<vmem>> -> memref<1x128xi32, #tpu.memory_space<vmem>>
        %dma_start3A_151 = tpu.memref_squeeze %dma_start3A_150 : memref<1x128xi32, #tpu.memory_space<vmem>> -> memref<128xi32, #tpu.memory_space<vmem>>
        %dma_start3A_152 = arith.constant 0 : i32
        %dma_start3A_153 = arith.constant 0 : i32
        %dma_start3A_154 = tpu.memref_slice %arg2[%dma_start3A_152, %dma_start3A_153] : memref<10000x128xf32, #tpu.memory_space<hbm>> -> memref<10000x128xf32, #tpu.memory_space<hbm>>
        tpu.enqueue_indirect_dma source(%dma_start3A_154 : memref<10000x128xf32, #tpu.memory_space<hbm>>) target(%arg30 : memref<128x128xf32, #tpu.memory_space<vmem>>) offsets(%dma_start3A_151 : memref<128xi32, #tpu.memory_space<vmem>>) semaphore(%arg33 : memref<!tpu.dma_semaphore, #tpu.memory_space<semaphore_mem>>)
        %dma_wait3A = arith.constant 0 : i32
        %dma_wait3A_155 = tpu.memref_slice %arg27[%mul3A_146, %dma_wait3A] : memref<40x128xi32, #tpu.memory_space<vmem>> -> memref<1x128xi32, #tpu.memory_space<vmem>>
        %dma_wait3A_156 = tpu.memref_squeeze %dma_wait3A_155 : memref<1x128xi32, #tpu.memory_space<vmem>> -> memref<128xi32, #tpu.memory_space<vmem>>
        %dma_wait3A_157 = arith.constant 0 : i32
        %dma_wait3A_158 = arith.constant 0 : i32
        %dma_wait3A_159 = tpu.memref_slice %arg2[%dma_wait3A_157, %dma_wait3A_158] : memref<10000x128xf32, #tpu.memory_space<hbm>> -> memref<10000x128xf32, #tpu.memory_space<hbm>>
        tpu.wait_indirect_dma semaphore(%arg32 : memref<!tpu.dma_semaphore, #tpu.memory_space<semaphore_mem>>) src(%dma_wait3A_159 : memref<10000x128xf32, #tpu.memory_space<hbm>>) dst(%arg29 : memref<128x128xf32, #tpu.memory_space<vmem>>)
        "tpu.region"() ({
          %run_scoped3A = tpu.sem_alloc : memref<!tpu.dma_semaphore, #tpu.memory_space<semaphore_mem>>
          %dma_start3A_174 = arith.constant 0 : i32
          %dma_start3A_175 = tpu.memref_slice %arg28[%mul3A_146, %dma_start3A_174] : memref<40x128xi32, #tpu.memory_space<vmem>> -> memref<1x128xi32, #tpu.memory_space<vmem>>
          %dma_start3A_176 = tpu.memref_squeeze %dma_start3A_175 : memref<1x128xi32, #tpu.memory_space<vmem>> -> memref<128xi32, #tpu.memory_space<vmem>>
          %dma_start3A_177 = arith.constant 0 : i32
          %dma_start3A_178 = arith.constant 0 : i32
          %dma_start3A_179 = tpu.memref_slice %arg31[%dma_start3A_177, %dma_start3A_178] : memref<10112x128xf32, #tpu.memory_space<vmem_shared>> -> memref<10112x128xf32, #tpu.memory_space<vmem_shared>>
          tpu.enqueue_indirect_dma source(%arg29 : memref<128x128xf32, #tpu.memory_space<vmem>>) target(%dma_start3A_179 : memref<10112x128xf32, #tpu.memory_space<vmem_shared>>) offsets(%dma_start3A_176 : memref<128xi32, #tpu.memory_space<vmem>>) semaphore(%run_scoped3A : memref<!tpu.dma_semaphore, #tpu.memory_space<semaphore_mem>>) {add = true}
          %dma_wait3A_180 = arith.constant 0 : i32
          %dma_wait3A_181 = tpu.memref_slice %arg28[%mul3A_146, %dma_wait3A_180] : memref<40x128xi32, #tpu.memory_space<vmem>> -> memref<1x128xi32, #tpu.memory_space<vmem>>
          %dma_wait3A_182 = tpu.memref_squeeze %dma_wait3A_181 : memref<1x128xi32, #tpu.memory_space<vmem>> -> memref<128xi32, #tpu.memory_space<vmem>>
          %dma_wait3A_183 = arith.constant 0 : i32
          %dma_wait3A_184 = arith.constant 0 : i32
          %dma_wait3A_185 = tpu.memref_slice %arg31[%dma_wait3A_183, %dma_wait3A_184] : memref<10112x128xf32, #tpu.memory_space<vmem_shared>> -> memref<10112x128xf32, #tpu.memory_space<vmem_shared>>
          tpu.wait_indirect_dma semaphore(%run_scoped3A : memref<!tpu.dma_semaphore, #tpu.memory_space<semaphore_mem>>) src(%arg29 : memref<128x128xf32, #tpu.memory_space<vmem>>) dst(%dma_wait3A_185 : memref<10112x128xf32, #tpu.memory_space<vmem_shared>>)
          tpu.yield
        }) : () -> ()
        %lt3A = arith.constant 19 : i32
        %lt3A_160 = arith.cmpi slt, %scan3A_144, %lt3A : i32
        %convert_element_type3A_161 = arith.extui %lt3A_160 : i1 to i32
        %cond3A_162 = arith.constant 0 : i32
        %cond3A_163 = arith.cmpi ne, %convert_element_type3A_161, %cond3A_162 : i32
        scf.if %cond3A_163 {
          %add3A_174 = arith.constant 2 : i32
          %add3A_175 = arith.addi %mul3A_146, %add3A_174 : i32
          %dma_start3A_176 = arith.constant 0 : i32
          %dma_start3A_177 = tpu.memref_slice %arg27[%add3A_175, %dma_start3A_176] : memref<40x128xi32, #tpu.memory_space<vmem>> -> memref<1x128xi32, #tpu.memory_space<vmem>>
          %dma_start3A_178 = tpu.memref_squeeze %dma_start3A_177 : memref<1x128xi32, #tpu.memory_space<vmem>> -> memref<128xi32, #tpu.memory_space<vmem>>
          %dma_start3A_179 = arith.constant 0 : i32
          %dma_start3A_180 = arith.constant 0 : i32
          %dma_start3A_181 = tpu.memref_slice %arg2[%dma_start3A_179, %dma_start3A_180] : memref<10000x128xf32, #tpu.memory_space<hbm>> -> memref<10000x128xf32, #tpu.memory_space<hbm>>
          tpu.enqueue_indirect_dma source(%dma_start3A_181 : memref<10000x128xf32, #tpu.memory_space<hbm>>) target(%arg29 : memref<128x128xf32, #tpu.memory_space<vmem>>) offsets(%dma_start3A_178 : memref<128xi32, #tpu.memory_space<vmem>>) semaphore(%arg32 : memref<!tpu.dma_semaphore, #tpu.memory_space<semaphore_mem>>)
        } else {
        }
        %add3A_164 = arith.constant 1 : i32
        %add3A_165 = arith.addi %mul3A_146, %add3A_164 : i32
        %dma_wait3A_166 = arith.constant 0 : i32
        %dma_wait3A_167 = tpu.memref_slice %arg27[%add3A_165, %dma_wait3A_166] : memref<40x128xi32, #tpu.memory_space<vmem>> -> memref<1x128xi32, #tpu.memory_space<vmem>>
        %dma_wait3A_168 = tpu.memref_squeeze %dma_wait3A_167 : memref<1x128xi32, #tpu.memory_space<vmem>> -> memref<128xi32, #tpu.memory_space<vmem>>
        %dma_wait3A_169 = arith.constant 0 : i32
        %dma_wait3A_170 = arith.constant 0 : i32
        %dma_wait3A_171 = tpu.memref_slice %arg2[%dma_wait3A_169, %dma_wait3A_170] : memref<10000x128xf32, #tpu.memory_space<hbm>> -> memref<10000x128xf32, #tpu.memory_space<hbm>>
        tpu.wait_indirect_dma semaphore(%arg33 : memref<!tpu.dma_semaphore, #tpu.memory_space<semaphore_mem>>) src(%dma_wait3A_171 : memref<10000x128xf32, #tpu.memory_space<hbm>>) dst(%arg30 : memref<128x128xf32, #tpu.memory_space<vmem>>)
        %add3A_172 = arith.constant 1 : i32
        %add3A_173 = arith.addi %mul3A_146, %add3A_172 : i32
        "tpu.region"() ({
          %run_scoped3A = tpu.sem_alloc : memref<!tpu.dma_semaphore, #tpu.memory_space<semaphore_mem>>
          %dma_start3A_174 = arith.constant 0 : i32
          %dma_start3A_175 = tpu.memref_slice %arg28[%add3A_173, %dma_start3A_174] : memref<40x128xi32, #tpu.memory_space<vmem>> -> memref<1x128xi32, #tpu.memory_space<vmem>>
          %dma_start3A_176 = tpu.memref_squeeze %dma_start3A_175 : memref<1x128xi32, #tpu.memory_space<vmem>> -> memref<128xi32, #tpu.memory_space<vmem>>
          %dma_start3A_177 = arith.constant 0 : i32
          %dma_start3A_178 = arith.constant 0 : i32
          %dma_start3A_179 = tpu.memref_slice %arg31[%dma_start3A_177, %dma_start3A_178] : memref<10112x128xf32, #tpu.memory_space<vmem_shared>> -> memref<10112x128xf32, #tpu.memory_space<vmem_shared>>
          tpu.enqueue_indirect_dma source(%arg30 : memref<128x128xf32, #tpu.memory_space<vmem>>) target(%dma_start3A_179 : memref<10112x128xf32, #tpu.memory_space<vmem_shared>>) offsets(%dma_start3A_176 : memref<128xi32, #tpu.memory_space<vmem>>) semaphore(%run_scoped3A : memref<!tpu.dma_semaphore, #tpu.memory_space<semaphore_mem>>) {add = true}
          %dma_wait3A_180 = arith.constant 0 : i32
          %dma_wait3A_181 = tpu.memref_slice %arg28[%add3A_173, %dma_wait3A_180] : memref<40x128xi32, #tpu.memory_space<vmem>> -> memref<1x128xi32, #tpu.memory_space<vmem>>
          %dma_wait3A_182 = tpu.memref_squeeze %dma_wait3A_181 : memref<1x128xi32, #tpu.memory_space<vmem>> -> memref<128xi32, #tpu.memory_space<vmem>>
          %dma_wait3A_183 = arith.constant 0 : i32
          %dma_wait3A_184 = arith.constant 0 : i32
          %dma_wait3A_185 = tpu.memref_slice %arg31[%dma_wait3A_183, %dma_wait3A_184] : memref<10112x128xf32, #tpu.memory_space<vmem_shared>> -> memref<10112x128xf32, #tpu.memory_space<vmem_shared>>
          tpu.wait_indirect_dma semaphore(%run_scoped3A : memref<!tpu.dma_semaphore, #tpu.memory_space<semaphore_mem>>) src(%arg30 : memref<128x128xf32, #tpu.memory_space<vmem>>) dst(%dma_wait3A_185 : memref<10112x128xf32, #tpu.memory_space<vmem_shared>>)
          tpu.yield
        }) : () -> ()
      }
      %scan3A_143 = arith.constant 20 : i32
    } else {
    }
    %eq3A_49 = arith.constant 1 : i32
    %eq3A_50 = arith.cmpi eq, %arg0, %eq3A_49 : i32
    %convert_element_type3A_51 = arith.extui %eq3A_50 : i1 to i32
    %cond3A_52 = arith.constant 0 : i32
    %cond3A_53 = arith.cmpi ne, %convert_element_type3A_51, %cond3A_52 : i32
    scf.if %cond3A_53 {
      "tpu.region"() ({
        %run_scoped3A = tpu.sem_alloc : memref<!tpu.dma_semaphore, #tpu.memory_space<semaphore_mem>>
        %dma_start3A_144 = arith.constant 0 : i32
        %dma_start3A_145 = arith.constant 0 : i32
        %dma_start3A_146 = tpu.memref_slice %arg8[%arg1, %dma_start3A_144, %dma_start3A_145] : memref<16x80x128xi32, #tpu.memory_space<hbm>> -> memref<1x40x128xi32, #tpu.memory_space<hbm>>
        %dma_start3A_147 = tpu.memref_squeeze %dma_start3A_146 : memref<1x40x128xi32, #tpu.memory_space<hbm>> -> memref<40x128xi32, #tpu.memory_space<hbm>>
        %dma_start3A_148 = arith.constant 0 : i32
        %dma_start3A_149 = arith.constant 0 : i32
        %dma_start3A_150 = tpu.memref_slice %arg8[%arg1, %dma_start3A_148, %dma_start3A_149] : memref<16x80x128xi32, #tpu.memory_space<hbm>> -> memref<1x40x128xi32, #tpu.memory_space<hbm>>
        %dma_start3A_151 = tpu.memref_squeeze %dma_start3A_150 : memref<1x40x128xi32, #tpu.memory_space<hbm>> -> memref<40x128xi32, #tpu.memory_space<hbm>>
        tpu.enqueue_dma source(%dma_start3A_151 : memref<40x128xi32, #tpu.memory_space<hbm>>) target(%arg27 : memref<40x128xi32, #tpu.memory_space<vmem>>) target_semaphore(%run_scoped3A : memref<!tpu.dma_semaphore, #tpu.memory_space<semaphore_mem>>)
        %dma_wait3A = arith.constant 0 : i32
        %dma_wait3A_152 = arith.constant 0 : i32
        %dma_wait3A_153 = tpu.memref_slice %arg8[%arg1, %dma_wait3A, %dma_wait3A_152] : memref<16x80x128xi32, #tpu.memory_space<hbm>> -> memref<1x40x128xi32, #tpu.memory_space<hbm>>
        %dma_wait3A_154 = tpu.memref_squeeze %dma_wait3A_153 : memref<1x40x128xi32, #tpu.memory_space<hbm>> -> memref<40x128xi32, #tpu.memory_space<hbm>>
        %dma_wait3A_155 = arith.constant 0 : i32
        %dma_wait3A_156 = arith.constant 0 : i32
        %dma_wait3A_157 = tpu.memref_slice %arg8[%arg1, %dma_wait3A_155, %dma_wait3A_156] : memref<16x80x128xi32, #tpu.memory_space<hbm>> -> memref<1x40x128xi32, #tpu.memory_space<hbm>>
        %dma_wait3A_158 = tpu.memref_squeeze %dma_wait3A_157 : memref<1x40x128xi32, #tpu.memory_space<hbm>> -> memref<40x128xi32, #tpu.memory_space<hbm>>
        tpu.wait_dma2 semaphore(%run_scoped3A : memref<!tpu.dma_semaphore, #tpu.memory_space<semaphore_mem>>) src(%dma_wait3A_158 : memref<40x128xi32, #tpu.memory_space<hbm>>) dst(%arg27 : memref<40x128xi32, #tpu.memory_space<vmem>>)
        tpu.yield
      }) : () -> ()
      "tpu.region"() ({
        %run_scoped3A = tpu.sem_alloc : memref<!tpu.dma_semaphore, #tpu.memory_space<semaphore_mem>>
        %dma_start3A_144 = arith.constant 0 : i32
        %dma_start3A_145 = arith.constant 0 : i32
        %dma_start3A_146 = tpu.memref_slice %arg9[%arg1, %dma_start3A_144, %dma_start3A_145] : memref<16x80x128xi32, #tpu.memory_space<hbm>> -> memref<1x40x128xi32, #tpu.memory_space<hbm>>
        %dma_start3A_147 = tpu.memref_squeeze %dma_start3A_146 : memref<1x40x128xi32, #tpu.memory_space<hbm>> -> memref<40x128xi32, #tpu.memory_space<hbm>>
        %dma_start3A_148 = arith.constant 0 : i32
        %dma_start3A_149 = arith.constant 0 : i32
        %dma_start3A_150 = tpu.memref_slice %arg9[%arg1, %dma_start3A_148, %dma_start3A_149] : memref<16x80x128xi32, #tpu.memory_space<hbm>> -> memref<1x40x128xi32, #tpu.memory_space<hbm>>
        %dma_start3A_151 = tpu.memref_squeeze %dma_start3A_150 : memref<1x40x128xi32, #tpu.memory_space<hbm>> -> memref<40x128xi32, #tpu.memory_space<hbm>>
        tpu.enqueue_dma source(%dma_start3A_151 : memref<40x128xi32, #tpu.memory_space<hbm>>) target(%arg28 : memref<40x128xi32, #tpu.memory_space<vmem>>) target_semaphore(%run_scoped3A : memref<!tpu.dma_semaphore, #tpu.memory_space<semaphore_mem>>)
        %dma_wait3A = arith.constant 0 : i32
        %dma_wait3A_152 = arith.constant 0 : i32
        %dma_wait3A_153 = tpu.memref_slice %arg9[%arg1, %dma_wait3A, %dma_wait3A_152] : memref<16x80x128xi32, #tpu.memory_space<hbm>> -> memref<1x40x128xi32, #tpu.memory_space<hbm>>
        %dma_wait3A_154 = tpu.memref_squeeze %dma_wait3A_153 : memref<1x40x128xi32, #tpu.memory_space<hbm>> -> memref<40x128xi32, #tpu.memory_space<hbm>>
        %dma_wait3A_155 = arith.constant 0 : i32
        %dma_wait3A_156 = arith.constant 0 : i32
        %dma_wait3A_157 = tpu.memref_slice %arg9[%arg1, %dma_wait3A_155, %dma_wait3A_156] : memref<16x80x128xi32, #tpu.memory_space<hbm>> -> memref<1x40x128xi32, #tpu.memory_space<hbm>>
        %dma_wait3A_158 = tpu.memref_squeeze %dma_wait3A_157 : memref<1x40x128xi32, #tpu.memory_space<hbm>> -> memref<40x128xi32, #tpu.memory_space<hbm>>
        tpu.wait_dma2 semaphore(%run_scoped3A : memref<!tpu.dma_semaphore, #tpu.memory_space<semaphore_mem>>) src(%dma_wait3A_158 : memref<40x128xi32, #tpu.memory_space<hbm>>) dst(%arg28 : memref<40x128xi32, #tpu.memory_space<vmem>>)
        tpu.yield
      }) : () -> ()
      %dma_start3A = arith.constant 0 : i32
      %dma_start3A_119 = arith.constant 0 : i32
      %dma_start3A_120 = tpu.memref_slice %arg27[%dma_start3A, %dma_start3A_119] : memref<40x128xi32, #tpu.memory_space<vmem>> -> memref<1x128xi32, #tpu.memory_space<vmem>>
      %dma_start3A_121 = tpu.memref_squeeze %dma_start3A_120 : memref<1x128xi32, #tpu.memory_space<vmem>> -> memref<128xi32, #tpu.memory_space<vmem>>
      %dma_start3A_122 = arith.constant 0 : i32
      %dma_start3A_123 = arith.constant 0 : i32
      %dma_start3A_124 = tpu.memref_slice %arg3[%dma_start3A_122, %dma_start3A_123] : memref<10000x128xf32, #tpu.memory_space<hbm>> -> memref<10000x128xf32, #tpu.memory_space<hbm>>
      tpu.enqueue_indirect_dma source(%dma_start3A_124 : memref<10000x128xf32, #tpu.memory_space<hbm>>) target(%arg29 : memref<128x128xf32, #tpu.memory_space<vmem>>) offsets(%dma_start3A_121 : memref<128xi32, #tpu.memory_space<vmem>>) semaphore(%arg32 : memref<!tpu.dma_semaphore, #tpu.memory_space<semaphore_mem>>)
      %scan3A_125 = arith.constant 0 : i32
      %scan3A_126 = arith.constant 0 : i32
      %scan3A_127 = arith.constant 20 : i32
      %scan3A_128 = arith.addi %scan3A_126, %scan3A_127 : i32
      %scan3A_129 = arith.constant 1 : i32
      scf.for %scan3A_144 = %scan3A_126 to %scan3A_128 step %scan3A_129  : i32 {
        %mul3A_145 = arith.constant 2 : i32
        %mul3A_146 = arith.muli %scan3A_144, %mul3A_145 : i32
        %add3A_147 = arith.constant 1 : i32
        %add3A_148 = arith.addi %mul3A_146, %add3A_147 : i32
        %dma_start3A_149 = arith.constant 0 : i32
        %dma_start3A_150 = tpu.memref_slice %arg27[%add3A_148, %dma_start3A_149] : memref<40x128xi32, #tpu.memory_space<vmem>> -> memref<1x128xi32, #tpu.memory_space<vmem>>
        %dma_start3A_151 = tpu.memref_squeeze %dma_start3A_150 : memref<1x128xi32, #tpu.memory_space<vmem>> -> memref<128xi32, #tpu.memory_space<vmem>>
        %dma_start3A_152 = arith.constant 0 : i32
        %dma_start3A_153 = arith.constant 0 : i32
        %dma_start3A_154 = tpu.memref_slice %arg3[%dma_start3A_152, %dma_start3A_153] : memref<10000x128xf32, #tpu.memory_space<hbm>> -> memref<10000x128xf32, #tpu.memory_space<hbm>>
        tpu.enqueue_indirect_dma source(%dma_start3A_154 : memref<10000x128xf32, #tpu.memory_space<hbm>>) target(%arg30 : memref<128x128xf32, #tpu.memory_space<vmem>>) offsets(%dma_start3A_151 : memref<128xi32, #tpu.memory_space<vmem>>) semaphore(%arg33 : memref<!tpu.dma_semaphore, #tpu.memory_space<semaphore_mem>>)
        %dma_wait3A = arith.constant 0 : i32
        %dma_wait3A_155 = tpu.memref_slice %arg27[%mul3A_146, %dma_wait3A] : memref<40x128xi32, #tpu.memory_space<vmem>> -> memref<1x128xi32, #tpu.memory_space<vmem>>
        %dma_wait3A_156 = tpu.memref_squeeze %dma_wait3A_155 : memref<1x128xi32, #tpu.memory_space<vmem>> -> memref<128xi32, #tpu.memory_space<vmem>>
        %dma_wait3A_157 = arith.constant 0 : i32
        %dma_wait3A_158 = arith.constant 0 : i32
        %dma_wait3A_159 = tpu.memref_slice %arg3[%dma_wait3A_157, %dma_wait3A_158] : memref<10000x128xf32, #tpu.memory_space<hbm>> -> memref<10000x128xf32, #tpu.memory_space<hbm>>
        tpu.wait_indirect_dma semaphore(%arg32 : memref<!tpu.dma_semaphore, #tpu.memory_space<semaphore_mem>>) src(%dma_wait3A_159 : memref<10000x128xf32, #tpu.memory_space<hbm>>) dst(%arg29 : memref<128x128xf32, #tpu.memory_space<vmem>>)
        "tpu.region"() ({
          %run_scoped3A = tpu.sem_alloc : memref<!tpu.dma_semaphore, #tpu.memory_space<semaphore_mem>>
          %dma_start3A_174 = arith.constant 0 : i32
          %dma_start3A_175 = tpu.memref_slice %arg28[%mul3A_146, %dma_start3A_174] : memref<40x128xi32, #tpu.memory_space<vmem>> -> memref<1x128xi32, #tpu.memory_space<vmem>>
          %dma_start3A_176 = tpu.memref_squeeze %dma_start3A_175 : memref<1x128xi32, #tpu.memory_space<vmem>> -> memref<128xi32, #tpu.memory_space<vmem>>
          %dma_start3A_177 = arith.constant 0 : i32
          %dma_start3A_178 = arith.constant 0 : i32
          %dma_start3A_179 = tpu.memref_slice %arg31[%dma_start3A_177, %dma_start3A_178] : memref<10112x128xf32, #tpu.memory_space<vmem_shared>> -> memref<10112x128xf32, #tpu.memory_space<vmem_shared>>
          tpu.enqueue_indirect_dma source(%arg29 : memref<128x128xf32, #tpu.memory_space<vmem>>) target(%dma_start3A_179 : memref<10112x128xf32, #tpu.memory_space<vmem_shared>>) offsets(%dma_start3A_176 : memref<128xi32, #tpu.memory_space<vmem>>) semaphore(%run_scoped3A : memref<!tpu.dma_semaphore, #tpu.memory_space<semaphore_mem>>) {add = true}
          %dma_wait3A_180 = arith.constant 0 : i32
          %dma_wait3A_181 = tpu.memref_slice %arg28[%mul3A_146, %dma_wait3A_180] : memref<40x128xi32, #tpu.memory_space<vmem>> -> memref<1x128xi32, #tpu.memory_space<vmem>>
          %dma_wait3A_182 = tpu.memref_squeeze %dma_wait3A_181 : memref<1x128xi32, #tpu.memory_space<vmem>> -> memref<128xi32, #tpu.memory_space<vmem>>
          %dma_wait3A_183 = arith.constant 0 : i32
          %dma_wait3A_184 = arith.constant 0 : i32
          %dma_wait3A_185 = tpu.memref_slice %arg31[%dma_wait3A_183, %dma_wait3A_184] : memref<10112x128xf32, #tpu.memory_space<vmem_shared>> -> memref<10112x128xf32, #tpu.memory_space<vmem_shared>>
          tpu.wait_indirect_dma semaphore(%run_scoped3A : memref<!tpu.dma_semaphore, #tpu.memory_space<semaphore_mem>>) src(%arg29 : memref<128x128xf32, #tpu.memory_space<vmem>>) dst(%dma_wait3A_185 : memref<10112x128xf32, #tpu.memory_space<vmem_shared>>)
          tpu.yield
        }) : () -> ()
        %lt3A = arith.constant 19 : i32
        %lt3A_160 = arith.cmpi slt, %scan3A_144, %lt3A : i32
        %convert_element_type3A_161 = arith.extui %lt3A_160 : i1 to i32
        %cond3A_162 = arith.constant 0 : i32
        %cond3A_163 = arith.cmpi ne, %convert_element_type3A_161, %cond3A_162 : i32
        scf.if %cond3A_163 {
          %add3A_174 = arith.constant 2 : i32
          %add3A_175 = arith.addi %mul3A_146, %add3A_174 : i32
          %dma_start3A_176 = arith.constant 0 : i32
          %dma_start3A_177 = tpu.memref_slice %arg27[%add3A_175, %dma_start3A_176] : memref<40x128xi32, #tpu.memory_space<vmem>> -> memref<1x128xi32, #tpu.memory_space<vmem>>
          %dma_start3A_178 = tpu.memref_squeeze %dma_start3A_177 : memref<1x128xi32, #tpu.memory_space<vmem>> -> memref<128xi32, #tpu.memory_space<vmem>>
          %dma_start3A_179 = arith.constant 0 : i32
          %dma_start3A_180 = arith.constant 0 : i32
          %dma_start3A_181 = tpu.memref_slice %arg3[%dma_start3A_179, %dma_start3A_180] : memref<10000x128xf32, #tpu.memory_space<hbm>> -> memref<10000x128xf32, #tpu.memory_space<hbm>>
          tpu.enqueue_indirect_dma source(%dma_start3A_181 : memref<10000x128xf32, #tpu.memory_space<hbm>>) target(%arg29 : memref<128x128xf32, #tpu.memory_space<vmem>>) offsets(%dma_start3A_178 : memref<128xi32, #tpu.memory_space<vmem>>) semaphore(%arg32 : memref<!tpu.dma_semaphore, #tpu.memory_space<semaphore_mem>>)
        } else {
        }
        %add3A_164 = arith.constant 1 : i32
        %add3A_165 = arith.addi %mul3A_146, %add3A_164 : i32
        %dma_wait3A_166 = arith.constant 0 : i32
        %dma_wait3A_167 = tpu.memref_slice %arg27[%add3A_165, %dma_wait3A_166] : memref<40x128xi32, #tpu.memory_space<vmem>> -> memref<1x128xi32, #tpu.memory_space<vmem>>
        %dma_wait3A_168 = tpu.memref_squeeze %dma_wait3A_167 : memref<1x128xi32, #tpu.memory_space<vmem>> -> memref<128xi32, #tpu.memory_space<vmem>>
        %dma_wait3A_169 = arith.constant 0 : i32
        %dma_wait3A_170 = arith.constant 0 : i32
        %dma_wait3A_171 = tpu.memref_slice %arg3[%dma_wait3A_169, %dma_wait3A_170] : memref<10000x128xf32, #tpu.memory_space<hbm>> -> memref<10000x128xf32, #tpu.memory_space<hbm>>
        tpu.wait_indirect_dma semaphore(%arg33 : memref<!tpu.dma_semaphore, #tpu.memory_space<semaphore_mem>>) src(%dma_wait3A_171 : memref<10000x128xf32, #tpu.memory_space<hbm>>) dst(%arg30 : memref<128x128xf32, #tpu.memory_space<vmem>>)
        %add3A_172 = arith.constant 1 : i32
        %add3A_173 = arith.addi %mul3A_146, %add3A_172 : i32
        "tpu.region"() ({
          %run_scoped3A = tpu.sem_alloc : memref<!tpu.dma_semaphore, #tpu.memory_space<semaphore_mem>>
          %dma_start3A_174 = arith.constant 0 : i32
          %dma_start3A_175 = tpu.memref_slice %arg28[%add3A_173, %dma_start3A_174] : memref<40x128xi32, #tpu.memory_space<vmem>> -> memref<1x128xi32, #tpu.memory_space<vmem>>
          %dma_start3A_176 = tpu.memref_squeeze %dma_start3A_175 : memref<1x128xi32, #tpu.memory_space<vmem>> -> memref<128xi32, #tpu.memory_space<vmem>>
          %dma_start3A_177 = arith.constant 0 : i32
          %dma_start3A_178 = arith.constant 0 : i32
          %dma_start3A_179 = tpu.memref_slice %arg31[%dma_start3A_177, %dma_start3A_178] : memref<10112x128xf32, #tpu.memory_space<vmem_shared>> -> memref<10112x128xf32, #tpu.memory_space<vmem_shared>>
          tpu.enqueue_indirect_dma source(%arg30 : memref<128x128xf32, #tpu.memory_space<vmem>>) target(%dma_start3A_179 : memref<10112x128xf32, #tpu.memory_space<vmem_shared>>) offsets(%dma_start3A_176 : memref<128xi32, #tpu.memory_space<vmem>>) semaphore(%run_scoped3A : memref<!tpu.dma_semaphore, #tpu.memory_space<semaphore_mem>>) {add = true}
          %dma_wait3A_180 = arith.constant 0 : i32
          %dma_wait3A_181 = tpu.memref_slice %arg28[%add3A_173, %dma_wait3A_180] : memref<40x128xi32, #tpu.memory_space<vmem>> -> memref<1x128xi32, #tpu.memory_space<vmem>>
          %dma_wait3A_182 = tpu.memref_squeeze %dma_wait3A_181 : memref<1x128xi32, #tpu.memory_space<vmem>> -> memref<128xi32, #tpu.memory_space<vmem>>
          %dma_wait3A_183 = arith.constant 0 : i32
          %dma_wait3A_184 = arith.constant 0 : i32
          %dma_wait3A_185 = tpu.memref_slice %arg31[%dma_wait3A_183, %dma_wait3A_184] : memref<10112x128xf32, #tpu.memory_space<vmem_shared>> -> memref<10112x128xf32, #tpu.memory_space<vmem_shared>>
          tpu.wait_indirect_dma semaphore(%run_scoped3A : memref<!tpu.dma_semaphore, #tpu.memory_space<semaphore_mem>>) src(%arg30 : memref<128x128xf32, #tpu.memory_space<vmem>>) dst(%dma_wait3A_185 : memref<10112x128xf32, #tpu.memory_space<vmem_shared>>)
          tpu.yield
        }) : () -> ()
      }
      %scan3A_130 = arith.constant 20 : i32
      "tpu.region"() ({
        %run_scoped3A = tpu.sem_alloc : memref<!tpu.dma_semaphore, #tpu.memory_space<semaphore_mem>>
        %dma_start3A_144 = arith.constant 40 : i32
        %dma_start3A_145 = arith.constant 0 : i32
        %dma_start3A_146 = tpu.memref_slice %arg8[%arg1, %dma_start3A_144, %dma_start3A_145] : memref<16x80x128xi32, #tpu.memory_space<hbm>> -> memref<1x40x128xi32, #tpu.memory_space<hbm>>
        %dma_start3A_147 = tpu.memref_squeeze %dma_start3A_146 : memref<1x40x128xi32, #tpu.memory_space<hbm>> -> memref<40x128xi32, #tpu.memory_space<hbm>>
        %dma_start3A_148 = arith.constant 40 : i32
        %dma_start3A_149 = arith.constant 0 : i32
        %dma_start3A_150 = tpu.memref_slice %arg8[%arg1, %dma_start3A_148, %dma_start3A_149] : memref<16x80x128xi32, #tpu.memory_space<hbm>> -> memref<1x40x128xi32, #tpu.memory_space<hbm>>
        %dma_start3A_151 = tpu.memref_squeeze %dma_start3A_150 : memref<1x40x128xi32, #tpu.memory_space<hbm>> -> memref<40x128xi32, #tpu.memory_space<hbm>>
        tpu.enqueue_dma source(%dma_start3A_151 : memref<40x128xi32, #tpu.memory_space<hbm>>) target(%arg27 : memref<40x128xi32, #tpu.memory_space<vmem>>) target_semaphore(%run_scoped3A : memref<!tpu.dma_semaphore, #tpu.memory_space<semaphore_mem>>)
        %dma_wait3A = arith.constant 40 : i32
        %dma_wait3A_152 = arith.constant 0 : i32
        %dma_wait3A_153 = tpu.memref_slice %arg8[%arg1, %dma_wait3A, %dma_wait3A_152] : memref<16x80x128xi32, #tpu.memory_space<hbm>> -> memref<1x40x128xi32, #tpu.memory_space<hbm>>
        %dma_wait3A_154 = tpu.memref_squeeze %dma_wait3A_153 : memref<1x40x128xi32, #tpu.memory_space<hbm>> -> memref<40x128xi32, #tpu.memory_space<hbm>>
        %dma_wait3A_155 = arith.constant 40 : i32
        %dma_wait3A_156 = arith.constant 0 : i32
        %dma_wait3A_157 = tpu.memref_slice %arg8[%arg1, %dma_wait3A_155, %dma_wait3A_156] : memref<16x80x128xi32, #tpu.memory_space<hbm>> -> memref<1x40x128xi32, #tpu.memory_space<hbm>>
        %dma_wait3A_158 = tpu.memref_squeeze %dma_wait3A_157 : memref<1x40x128xi32, #tpu.memory_space<hbm>> -> memref<40x128xi32, #tpu.memory_space<hbm>>
        tpu.wait_dma2 semaphore(%run_scoped3A : memref<!tpu.dma_semaphore, #tpu.memory_space<semaphore_mem>>) src(%dma_wait3A_158 : memref<40x128xi32, #tpu.memory_space<hbm>>) dst(%arg27 : memref<40x128xi32, #tpu.memory_space<vmem>>)
        tpu.yield
      }) : () -> ()
      "tpu.region"() ({
        %run_scoped3A = tpu.sem_alloc : memref<!tpu.dma_semaphore, #tpu.memory_space<semaphore_mem>>
        %dma_start3A_144 = arith.constant 40 : i32
        %dma_start3A_145 = arith.constant 0 : i32
        %dma_start3A_146 = tpu.memref_slice %arg9[%arg1, %dma_start3A_144, %dma_start3A_145] : memref<16x80x128xi32, #tpu.memory_space<hbm>> -> memref<1x40x128xi32, #tpu.memory_space<hbm>>
        %dma_start3A_147 = tpu.memref_squeeze %dma_start3A_146 : memref<1x40x128xi32, #tpu.memory_space<hbm>> -> memref<40x128xi32, #tpu.memory_space<hbm>>
        %dma_start3A_148 = arith.constant 40 : i32
        %dma_start3A_149 = arith.constant 0 : i32
        %dma_start3A_150 = tpu.memref_slice %arg9[%arg1, %dma_start3A_148, %dma_start3A_149] : memref<16x80x128xi32, #tpu.memory_space<hbm>> -> memref<1x40x128xi32, #tpu.memory_space<hbm>>
        %dma_start3A_151 = tpu.memref_squeeze %dma_start3A_150 : memref<1x40x128xi32, #tpu.memory_space<hbm>> -> memref<40x128xi32, #tpu.memory_space<hbm>>
        tpu.enqueue_dma source(%dma_start3A_151 : memref<40x128xi32, #tpu.memory_space<hbm>>) target(%arg28 : memref<40x128xi32, #tpu.memory_space<vmem>>) target_semaphore(%run_scoped3A : memref<!tpu.dma_semaphore, #tpu.memory_space<semaphore_mem>>)
        %dma_wait3A = arith.constant 40 : i32
        %dma_wait3A_152 = arith.constant 0 : i32
        %dma_wait3A_153 = tpu.memref_slice %arg9[%arg1, %dma_wait3A, %dma_wait3A_152] : memref<16x80x128xi32, #tpu.memory_space<hbm>> -> memref<1x40x128xi32, #tpu.memory_space<hbm>>
        %dma_wait3A_154 = tpu.memref_squeeze %dma_wait3A_153 : memref<1x40x128xi32, #tpu.memory_space<hbm>> -> memref<40x128xi32, #tpu.memory_space<hbm>>
        %dma_wait3A_155 = arith.constant 40 : i32
        %dma_wait3A_156 = arith.constant 0 : i32
        %dma_wait3A_157 = tpu.memref_slice %arg9[%arg1, %dma_wait3A_155, %dma_wait3A_156] : memref<16x80x128xi32, #tpu.memory_space<hbm>> -> memref<1x40x128xi32, #tpu.memory_space<hbm>>
        %dma_wait3A_158 = tpu.memref_squeeze %dma_wait3A_157 : memref<1x40x128xi32, #tpu.memory_space<hbm>> -> memref<40x128xi32, #tpu.memory_space<hbm>>
        tpu.wait_dma2 semaphore(%run_scoped3A : memref<!tpu.dma_semaphore, #tpu.memory_space<semaphore_mem>>) src(%dma_wait3A_158 : memref<40x128xi32, #tpu.memory_space<hbm>>) dst(%arg28 : memref<40x128xi32, #tpu.memory_space<vmem>>)
        tpu.yield
      }) : () -> ()
      %dma_start3A_131 = arith.constant 0 : i32
      %dma_start3A_132 = arith.constant 0 : i32
      %dma_start3A_133 = tpu.memref_slice %arg27[%dma_start3A_131, %dma_start3A_132] : memref<40x128xi32, #tpu.memory_space<vmem>> -> memref<1x128xi32, #tpu.memory_space<vmem>>
      %dma_start3A_134 = tpu.memref_squeeze %dma_start3A_133 : memref<1x128xi32, #tpu.memory_space<vmem>> -> memref<128xi32, #tpu.memory_space<vmem>>
      %dma_start3A_135 = arith.constant 0 : i32
      %dma_start3A_136 = arith.constant 0 : i32
      %dma_start3A_137 = tpu.memref_slice %arg3[%dma_start3A_135, %dma_start3A_136] : memref<10000x128xf32, #tpu.memory_space<hbm>> -> memref<10000x128xf32, #tpu.memory_space<hbm>>
      tpu.enqueue_indirect_dma source(%dma_start3A_137 : memref<10000x128xf32, #tpu.memory_space<hbm>>) target(%arg29 : memref<128x128xf32, #tpu.memory_space<vmem>>) offsets(%dma_start3A_134 : memref<128xi32, #tpu.memory_space<vmem>>) semaphore(%arg32 : memref<!tpu.dma_semaphore, #tpu.memory_space<semaphore_mem>>)
      %scan3A_138 = arith.constant 0 : i32
      %scan3A_139 = arith.constant 0 : i32
      %scan3A_140 = arith.constant 20 : i32
      %scan3A_141 = arith.addi %scan3A_139, %scan3A_140 : i32
      %scan3A_142 = arith.constant 1 : i32
      scf.for %scan3A_144 = %scan3A_139 to %scan3A_141 step %scan3A_142  : i32 {
        %mul3A_145 = arith.constant 2 : i32
        %mul3A_146 = arith.muli %scan3A_144, %mul3A_145 : i32
        %add3A_147 = arith.constant 1 : i32
        %add3A_148 = arith.addi %mul3A_146, %add3A_147 : i32
        %dma_start3A_149 = arith.constant 0 : i32
        %dma_start3A_150 = tpu.memref_slice %arg27[%add3A_148, %dma_start3A_149] : memref<40x128xi32, #tpu.memory_space<vmem>> -> memref<1x128xi32, #tpu.memory_space<vmem>>
        %dma_start3A_151 = tpu.memref_squeeze %dma_start3A_150 : memref<1x128xi32, #tpu.memory_space<vmem>> -> memref<128xi32, #tpu.memory_space<vmem>>
        %dma_start3A_152 = arith.constant 0 : i32
        %dma_start3A_153 = arith.constant 0 : i32
        %dma_start3A_154 = tpu.memref_slice %arg3[%dma_start3A_152, %dma_start3A_153] : memref<10000x128xf32, #tpu.memory_space<hbm>> -> memref<10000x128xf32, #tpu.memory_space<hbm>>
        tpu.enqueue_indirect_dma source(%dma_start3A_154 : memref<10000x128xf32, #tpu.memory_space<hbm>>) target(%arg30 : memref<128x128xf32, #tpu.memory_space<vmem>>) offsets(%dma_start3A_151 : memref<128xi32, #tpu.memory_space<vmem>>) semaphore(%arg33 : memref<!tpu.dma_semaphore, #tpu.memory_space<semaphore_mem>>)
        %dma_wait3A = arith.constant 0 : i32
        %dma_wait3A_155 = tpu.memref_slice %arg27[%mul3A_146, %dma_wait3A] : memref<40x128xi32, #tpu.memory_space<vmem>> -> memref<1x128xi32, #tpu.memory_space<vmem>>
        %dma_wait3A_156 = tpu.memref_squeeze %dma_wait3A_155 : memref<1x128xi32, #tpu.memory_space<vmem>> -> memref<128xi32, #tpu.memory_space<vmem>>
        %dma_wait3A_157 = arith.constant 0 : i32
        %dma_wait3A_158 = arith.constant 0 : i32
        %dma_wait3A_159 = tpu.memref_slice %arg3[%dma_wait3A_157, %dma_wait3A_158] : memref<10000x128xf32, #tpu.memory_space<hbm>> -> memref<10000x128xf32, #tpu.memory_space<hbm>>
        tpu.wait_indirect_dma semaphore(%arg32 : memref<!tpu.dma_semaphore, #tpu.memory_space<semaphore_mem>>) src(%dma_wait3A_159 : memref<10000x128xf32, #tpu.memory_space<hbm>>) dst(%arg29 : memref<128x128xf32, #tpu.memory_space<vmem>>)
        "tpu.region"() ({
          %run_scoped3A = tpu.sem_alloc : memref<!tpu.dma_semaphore, #tpu.memory_space<semaphore_mem>>
          %dma_start3A_174 = arith.constant 0 : i32
          %dma_start3A_175 = tpu.memref_slice %arg28[%mul3A_146, %dma_start3A_174] : memref<40x128xi32, #tpu.memory_space<vmem>> -> memref<1x128xi32, #tpu.memory_space<vmem>>
          %dma_start3A_176 = tpu.memref_squeeze %dma_start3A_175 : memref<1x128xi32, #tpu.memory_space<vmem>> -> memref<128xi32, #tpu.memory_space<vmem>>
          %dma_start3A_177 = arith.constant 0 : i32
          %dma_start3A_178 = arith.constant 0 : i32
          %dma_start3A_179 = tpu.memref_slice %arg31[%dma_start3A_177, %dma_start3A_178] : memref<10112x128xf32, #tpu.memory_space<vmem_shared>> -> memref<10112x128xf32, #tpu.memory_space<vmem_shared>>
          tpu.enqueue_indirect_dma source(%arg29 : memref<128x128xf32, #tpu.memory_space<vmem>>) target(%dma_start3A_179 : memref<10112x128xf32, #tpu.memory_space<vmem_shared>>) offsets(%dma_start3A_176 : memref<128xi32, #tpu.memory_space<vmem>>) semaphore(%run_scoped3A : memref<!tpu.dma_semaphore, #tpu.memory_space<semaphore_mem>>) {add = true}
          %dma_wait3A_180 = arith.constant 0 : i32
          %dma_wait3A_181 = tpu.memref_slice %arg28[%mul3A_146, %dma_wait3A_180] : memref<40x128xi32, #tpu.memory_space<vmem>> -> memref<1x128xi32, #tpu.memory_space<vmem>>
          %dma_wait3A_182 = tpu.memref_squeeze %dma_wait3A_181 : memref<1x128xi32, #tpu.memory_space<vmem>> -> memref<128xi32, #tpu.memory_space<vmem>>
          %dma_wait3A_183 = arith.constant 0 : i32
          %dma_wait3A_184 = arith.constant 0 : i32
          %dma_wait3A_185 = tpu.memref_slice %arg31[%dma_wait3A_183, %dma_wait3A_184] : memref<10112x128xf32, #tpu.memory_space<vmem_shared>> -> memref<10112x128xf32, #tpu.memory_space<vmem_shared>>
          tpu.wait_indirect_dma semaphore(%run_scoped3A : memref<!tpu.dma_semaphore, #tpu.memory_space<semaphore_mem>>) src(%arg29 : memref<128x128xf32, #tpu.memory_space<vmem>>) dst(%dma_wait3A_185 : memref<10112x128xf32, #tpu.memory_space<vmem_shared>>)
          tpu.yield
        }) : () -> ()
        %lt3A = arith.constant 19 : i32
        %lt3A_160 = arith.cmpi slt, %scan3A_144, %lt3A : i32
        %convert_element_type3A_161 = arith.extui %lt3A_160 : i1 to i32
        %cond3A_162 = arith.constant 0 : i32
        %cond3A_163 = arith.cmpi ne, %convert_element_type3A_161, %cond3A_162 : i32
        scf.if %cond3A_163 {
          %add3A_174 = arith.constant 2 : i32
          %add3A_175 = arith.addi %mul3A_146, %add3A_174 : i32
          %dma_start3A_176 = arith.constant 0 : i32
          %dma_start3A_177 = tpu.memref_slice %arg27[%add3A_175, %dma_start3A_176] : memref<40x128xi32, #tpu.memory_space<vmem>> -> memref<1x128xi32, #tpu.memory_space<vmem>>
          %dma_start3A_178 = tpu.memref_squeeze %dma_start3A_177 : memref<1x128xi32, #tpu.memory_space<vmem>> -> memref<128xi32, #tpu.memory_space<vmem>>
          %dma_start3A_179 = arith.constant 0 : i32
          %dma_start3A_180 = arith.constant 0 : i32
          %dma_start3A_181 = tpu.memref_slice %arg3[%dma_start3A_179, %dma_start3A_180] : memref<10000x128xf32, #tpu.memory_space<hbm>> -> memref<10000x128xf32, #tpu.memory_space<hbm>>
          tpu.enqueue_indirect_dma source(%dma_start3A_181 : memref<10000x128xf32, #tpu.memory_space<hbm>>) target(%arg29 : memref<128x128xf32, #tpu.memory_space<vmem>>) offsets(%dma_start3A_178 : memref<128xi32, #tpu.memory_space<vmem>>) semaphore(%arg32 : memref<!tpu.dma_semaphore, #tpu.memory_space<semaphore_mem>>)
        } else {
        }
        %add3A_164 = arith.constant 1 : i32
        %add3A_165 = arith.addi %mul3A_146, %add3A_164 : i32
        %dma_wait3A_166 = arith.constant 0 : i32
        %dma_wait3A_167 = tpu.memref_slice %arg27[%add3A_165, %dma_wait3A_166] : memref<40x128xi32, #tpu.memory_space<vmem>> -> memref<1x128xi32, #tpu.memory_space<vmem>>
        %dma_wait3A_168 = tpu.memref_squeeze %dma_wait3A_167 : memref<1x128xi32, #tpu.memory_space<vmem>> -> memref<128xi32, #tpu.memory_space<vmem>>
        %dma_wait3A_169 = arith.constant 0 : i32
        %dma_wait3A_170 = arith.constant 0 : i32
        %dma_wait3A_171 = tpu.memref_slice %arg3[%dma_wait3A_169, %dma_wait3A_170] : memref<10000x128xf32, #tpu.memory_space<hbm>> -> memref<10000x128xf32, #tpu.memory_space<hbm>>
        tpu.wait_indirect_dma semaphore(%arg33 : memref<!tpu.dma_semaphore, #tpu.memory_space<semaphore_mem>>) src(%dma_wait3A_171 : memref<10000x128xf32, #tpu.memory_space<hbm>>) dst(%arg30 : memref<128x128xf32, #tpu.memory_space<vmem>>)
        %add3A_172 = arith.constant 1 : i32
        %add3A_173 = arith.addi %mul3A_146, %add3A_172 : i32
        "tpu.region"() ({
          %run_scoped3A = tpu.sem_alloc : memref<!tpu.dma_semaphore, #tpu.memory_space<semaphore_mem>>
          %dma_start3A_174 = arith.constant 0 : i32
          %dma_start3A_175 = tpu.memref_slice %arg28[%add3A_173, %dma_start3A_174] : memref<40x128xi32, #tpu.memory_space<vmem>> -> memref<1x128xi32, #tpu.memory_space<vmem>>
          %dma_start3A_176 = tpu.memref_squeeze %dma_start3A_175 : memref<1x128xi32, #tpu.memory_space<vmem>> -> memref<128xi32, #tpu.memory_space<vmem>>
          %dma_start3A_177 = arith.constant 0 : i32
          %dma_start3A_178 = arith.constant 0 : i32
          %dma_start3A_179 = tpu.memref_slice %arg31[%dma_start3A_177, %dma_start3A_178] : memref<10112x128xf32, #tpu.memory_space<vmem_shared>> -> memref<10112x128xf32, #tpu.memory_space<vmem_shared>>
          tpu.enqueue_indirect_dma source(%arg30 : memref<128x128xf32, #tpu.memory_space<vmem>>) target(%dma_start3A_179 : memref<10112x128xf32, #tpu.memory_space<vmem_shared>>) offsets(%dma_start3A_176 : memref<128xi32, #tpu.memory_space<vmem>>) semaphore(%run_scoped3A : memref<!tpu.dma_semaphore, #tpu.memory_space<semaphore_mem>>) {add = true}
          %dma_wait3A_180 = arith.constant 0 : i32
          %dma_wait3A_181 = tpu.memref_slice %arg28[%add3A_173, %dma_wait3A_180] : memref<40x128xi32, #tpu.memory_space<vmem>> -> memref<1x128xi32, #tpu.memory_space<vmem>>
          %dma_wait3A_182 = tpu.memref_squeeze %dma_wait3A_181 : memref<1x128xi32, #tpu.memory_space<vmem>> -> memref<128xi32, #tpu.memory_space<vmem>>
          %dma_wait3A_183 = arith.constant 0 : i32
          %dma_wait3A_184 = arith.constant 0 : i32
          %dma_wait3A_185 = tpu.memref_slice %arg31[%dma_wait3A_183, %dma_wait3A_184] : memref<10112x128xf32, #tpu.memory_space<vmem_shared>> -> memref<10112x128xf32, #tpu.memory_space<vmem_shared>>
          tpu.wait_indirect_dma semaphore(%run_scoped3A : memref<!tpu.dma_semaphore, #tpu.memory_space<semaphore_mem>>) src(%arg30 : memref<128x128xf32, #tpu.memory_space<vmem>>) dst(%dma_wait3A_185 : memref<10112x128xf32, #tpu.memory_space<vmem_shared>>)
          tpu.yield
        }) : () -> ()
      }
      %scan3A_143 = arith.constant 20 : i32
    } else {
    }
    %barrier3A_54 = arith.constant 0 : index
    tpu.barrier barrier_id(%barrier3A_54)
    %eq3A_55 = arith.constant 0 : i32
    %eq3A_56 = arith.cmpi eq, %arg0, %eq3A_55 : i32
    %convert_element_type3A_57 = arith.extui %eq3A_56 : i1 to i32
    %cond3A_58 = arith.constant 0 : i32
    %cond3A_59 = arith.cmpi ne, %convert_element_type3A_57, %cond3A_58 : i32
    scf.if %cond3A_59 {
      "tpu.region"() ({
        %run_scoped3A = tpu.sem_alloc : memref<!tpu.dma_semaphore, #tpu.memory_space<semaphore_mem>>
        %dma_start3A = arith.constant 0 : i32
        %dma_start3A_119 = tpu.memref_slice %arg19[%mul3A_2, %dma_start3A] : memref<10112x128xf32, #tpu.memory_space<hbm>> -> memref<632x128xf32, #tpu.memory_space<hbm>>
        %dma_start3A_120 = arith.constant 0 : i32
        %dma_start3A_121 = tpu.memref_slice %arg31[%mul3A_2, %dma_start3A_120] : memref<10112x128xf32, #tpu.memory_space<vmem_shared>> -> memref<632x128xf32, #tpu.memory_space<vmem_shared>>
        tpu.enqueue_dma source(%dma_start3A_121 : memref<632x128xf32, #tpu.memory_space<vmem_shared>>) target(%dma_start3A_119 : memref<632x128xf32, #tpu.memory_space<hbm>>) target_semaphore(%run_scoped3A : memref<!tpu.dma_semaphore, #tpu.memory_space<semaphore_mem>>)
        %dma_wait3A = arith.constant 0 : i32
        %dma_wait3A_122 = tpu.memref_slice %arg19[%mul3A_2, %dma_wait3A] : memref<10112x128xf32, #tpu.memory_space<hbm>> -> memref<632x128xf32, #tpu.memory_space<hbm>>
        %dma_wait3A_123 = arith.constant 0 : i32
        %dma_wait3A_124 = tpu.memref_slice %arg31[%mul3A_2, %dma_wait3A_123] : memref<10112x128xf32, #tpu.memory_space<vmem_shared>> -> memref<632x128xf32, #tpu.memory_space<vmem_shared>>
        tpu.wait_dma2 semaphore(%run_scoped3A : memref<!tpu.dma_semaphore, #tpu.memory_space<semaphore_mem>>) src(%dma_wait3A_124 : memref<632x128xf32, #tpu.memory_space<vmem_shared>>) dst(%dma_wait3A_122 : memref<632x128xf32, #tpu.memory_space<hbm>>)
        tpu.yield
      }) : () -> ()
    } else {
    }
    %eq3A_60 = arith.constant 1 : i32
    %eq3A_61 = arith.cmpi eq, %arg0, %eq3A_60 : i32
    %convert_element_type3A_62 = arith.extui %eq3A_61 : i1 to i32
    %cond3A_63 = arith.constant 0 : i32
    %cond3A_64 = arith.cmpi ne, %convert_element_type3A_62, %cond3A_63 : i32
    scf.if %cond3A_64 {
      "tpu.region"() ({
        %run_scoped3A = tpu.sem_alloc : memref<!tpu.dma_semaphore, #tpu.memory_space<semaphore_mem>>
        %dma_start3A = arith.constant 0 : i32
        %dma_start3A_119 = tpu.memref_slice %arg20[%mul3A_2, %dma_start3A] : memref<10112x128xf32, #tpu.memory_space<hbm>> -> memref<632x128xf32, #tpu.memory_space<hbm>>
        %dma_start3A_120 = arith.constant 0 : i32
        %dma_start3A_121 = tpu.memref_slice %arg31[%mul3A_2, %dma_start3A_120] : memref<10112x128xf32, #tpu.memory_space<vmem_shared>> -> memref<632x128xf32, #tpu.memory_space<vmem_shared>>
        tpu.enqueue_dma source(%dma_start3A_121 : memref<632x128xf32, #tpu.memory_space<vmem_shared>>) target(%dma_start3A_119 : memref<632x128xf32, #tpu.memory_space<hbm>>) target_semaphore(%run_scoped3A : memref<!tpu.dma_semaphore, #tpu.memory_space<semaphore_mem>>)
        %dma_wait3A = arith.constant 0 : i32
        %dma_wait3A_122 = tpu.memref_slice %arg20[%mul3A_2, %dma_wait3A] : memref<10112x128xf32, #tpu.memory_space<hbm>> -> memref<632x128xf32, #tpu.memory_space<hbm>>
        %dma_wait3A_123 = arith.constant 0 : i32
        %dma_wait3A_124 = tpu.memref_slice %arg31[%mul3A_2, %dma_wait3A_123] : memref<10112x128xf32, #tpu.memory_space<vmem_shared>> -> memref<632x128xf32, #tpu.memory_space<vmem_shared>>
        tpu.wait_dma2 semaphore(%run_scoped3A : memref<!tpu.dma_semaphore, #tpu.memory_space<semaphore_mem>>) src(%dma_wait3A_124 : memref<632x128xf32, #tpu.memory_space<vmem_shared>>) dst(%dma_wait3A_122 : memref<632x128xf32, #tpu.memory_space<hbm>>)
        tpu.yield
      }) : () -> ()
    } else {
    }
    "tpu.region"() ({
      %run_scoped3A = tpu.sem_alloc : memref<!tpu.dma_semaphore, #tpu.memory_space<semaphore_mem>>
      %dma_start3A = arith.constant 0 : i32
      %dma_start3A_119 = tpu.memref_slice %arg31[%mul3A_2, %dma_start3A] : memref<10112x128xf32, #tpu.memory_space<vmem_shared>> -> memref<632x128xf32, #tpu.memory_space<vmem_shared>>
      tpu.enqueue_dma source(%arg13 : memref<632x128xf32, #tpu.memory_space<hbm>>) target(%dma_start3A_119 : memref<632x128xf32, #tpu.memory_space<vmem_shared>>) target_semaphore(%run_scoped3A : memref<!tpu.dma_semaphore, #tpu.memory_space<semaphore_mem>>)
      %dma_wait3A = arith.constant 0 : i32
      %dma_wait3A_120 = tpu.memref_slice %arg31[%mul3A_2, %dma_wait3A] : memref<10112x128xf32, #tpu.memory_space<vmem_shared>> -> memref<632x128xf32, #tpu.memory_space<vmem_shared>>
      tpu.wait_dma2 semaphore(%run_scoped3A : memref<!tpu.dma_semaphore, #tpu.memory_space<semaphore_mem>>) src(%arg13 : memref<632x128xf32, #tpu.memory_space<hbm>>) dst(%dma_wait3A_120 : memref<632x128xf32, #tpu.memory_space<vmem_shared>>)
      tpu.yield
    }) : () -> ()
    %barrier3A_65 = arith.constant 0 : index
    tpu.barrier barrier_id(%barrier3A_65)
    "tpu.region"() ({
      %run_scoped3A = tpu.sem_alloc : memref<!tpu.dma_semaphore, #tpu.memory_space<semaphore_mem>>
      tpu.enqueue_dma source(%arg14 : memref<128x128xf32, #tpu.memory_space<hbm>>) target(%arg29 : memref<128x128xf32, #tpu.memory_space<vmem>>) target_semaphore(%run_scoped3A : memref<!tpu.dma_semaphore, #tpu.memory_space<semaphore_mem>>)
      tpu.wait_dma2 semaphore(%run_scoped3A : memref<!tpu.dma_semaphore, #tpu.memory_space<semaphore_mem>>) src(%arg14 : memref<128x128xf32, #tpu.memory_space<hbm>>) dst(%arg29 : memref<128x128xf32, #tpu.memory_space<vmem>>)
      tpu.yield
    }) : () -> ()
    "tpu.region"() ({
      %run_scoped3A = tpu.sem_alloc : memref<!tpu.dma_semaphore, #tpu.memory_space<semaphore_mem>>
      %dma_start3A = arith.constant 0 : i32
      %dma_start3A_119 = arith.constant 0 : i32
      %dma_start3A_120 = tpu.memref_slice %arg10[%add3A, %dma_start3A, %dma_start3A_119] : memref<32x40x128xi32, #tpu.memory_space<hbm>> -> memref<1x40x128xi32, #tpu.memory_space<hbm>>
      %dma_start3A_121 = tpu.memref_squeeze %dma_start3A_120 : memref<1x40x128xi32, #tpu.memory_space<hbm>> -> memref<40x128xi32, #tpu.memory_space<hbm>>
      %dma_start3A_122 = arith.constant 0 : i32
      %dma_start3A_123 = arith.constant 0 : i32
      %dma_start3A_124 = tpu.memref_slice %arg10[%add3A, %dma_start3A_122, %dma_start3A_123] : memref<32x40x128xi32, #tpu.memory_space<hbm>> -> memref<1x40x128xi32, #tpu.memory_space<hbm>>
      %dma_start3A_125 = tpu.memref_squeeze %dma_start3A_124 : memref<1x40x128xi32, #tpu.memory_space<hbm>> -> memref<40x128xi32, #tpu.memory_space<hbm>>
      tpu.enqueue_dma source(%dma_start3A_125 : memref<40x128xi32, #tpu.memory_space<hbm>>) target(%arg28 : memref<40x128xi32, #tpu.memory_space<vmem>>) target_semaphore(%run_scoped3A : memref<!tpu.dma_semaphore, #tpu.memory_space<semaphore_mem>>)
      %dma_wait3A = arith.constant 0 : i32
      %dma_wait3A_126 = arith.constant 0 : i32
      %dma_wait3A_127 = tpu.memref_slice %arg10[%add3A, %dma_wait3A, %dma_wait3A_126] : memref<32x40x128xi32, #tpu.memory_space<hbm>> -> memref<1x40x128xi32, #tpu.memory_space<hbm>>
      %dma_wait3A_128 = tpu.memref_squeeze %dma_wait3A_127 : memref<1x40x128xi32, #tpu.memory_space<hbm>> -> memref<40x128xi32, #tpu.memory_space<hbm>>
      %dma_wait3A_129 = arith.constant 0 : i32
      %dma_wait3A_130 = arith.constant 0 : i32
      %dma_wait3A_131 = tpu.memref_slice %arg10[%add3A, %dma_wait3A_129, %dma_wait3A_130] : memref<32x40x128xi32, #tpu.memory_space<hbm>> -> memref<1x40x128xi32, #tpu.memory_space<hbm>>
      %dma_wait3A_132 = tpu.memref_squeeze %dma_wait3A_131 : memref<1x40x128xi32, #tpu.memory_space<hbm>> -> memref<40x128xi32, #tpu.memory_space<hbm>>
      tpu.wait_dma2 semaphore(%run_scoped3A : memref<!tpu.dma_semaphore, #tpu.memory_space<semaphore_mem>>) src(%dma_wait3A_132 : memref<40x128xi32, #tpu.memory_space<hbm>>) dst(%arg28 : memref<40x128xi32, #tpu.memory_space<vmem>>)
      tpu.yield
    }) : () -> ()
    %scan3A = arith.constant 0 : i32
    %scan3A_66 = arith.constant 0 : i32
    %scan3A_67 = arith.constant 40 : i32
    %scan3A_68 = arith.addi %scan3A_66, %scan3A_67 : i32
    %scan3A_69 = arith.constant 1 : i32
    scf.for %scan3A_119 = %scan3A_66 to %scan3A_68 step %scan3A_69  : i32 {
      "tpu.region"() ({
        %run_scoped3A = tpu.sem_alloc : memref<!tpu.dma_semaphore, #tpu.memory_space<semaphore_mem>>
        %dma_start3A = arith.constant 0 : i32
        %dma_start3A_120 = tpu.memref_slice %arg28[%scan3A_119, %dma_start3A] : memref<40x128xi32, #tpu.memory_space<vmem>> -> memref<1x128xi32, #tpu.memory_space<vmem>>
        %dma_start3A_121 = tpu.memref_squeeze %dma_start3A_120 : memref<1x128xi32, #tpu.memory_space<vmem>> -> memref<128xi32, #tpu.memory_space<vmem>>
        %dma_start3A_122 = arith.constant 0 : i32
        %dma_start3A_123 = arith.constant 0 : i32
        %dma_start3A_124 = tpu.memref_slice %arg31[%dma_start3A_122, %dma_start3A_123] : memref<10112x128xf32, #tpu.memory_space<vmem_shared>> -> memref<10112x128xf32, #tpu.memory_space<vmem_shared>>
        tpu.enqueue_indirect_dma source(%arg29 : memref<128x128xf32, #tpu.memory_space<vmem>>) target(%dma_start3A_124 : memref<10112x128xf32, #tpu.memory_space<vmem_shared>>) offsets(%dma_start3A_121 : memref<128xi32, #tpu.memory_space<vmem>>) semaphore(%run_scoped3A : memref<!tpu.dma_semaphore, #tpu.memory_space<semaphore_mem>>) {add = true}
        %dma_wait3A = arith.constant 0 : i32
        %dma_wait3A_125 = tpu.memref_slice %arg28[%scan3A_119, %dma_wait3A] : memref<40x128xi32, #tpu.memory_space<vmem>> -> memref<1x128xi32, #tpu.memory_space<vmem>>
        %dma_wait3A_126 = tpu.memref_squeeze %dma_wait3A_125 : memref<1x128xi32, #tpu.memory_space<vmem>> -> memref<128xi32, #tpu.memory_space<vmem>>
        %dma_wait3A_127 = arith.constant 0 : i32
        %dma_wait3A_128 = arith.constant 0 : i32
        %dma_wait3A_129 = tpu.memref_slice %arg31[%dma_wait3A_127, %dma_wait3A_128] : memref<10112x128xf32, #tpu.memory_space<vmem_shared>> -> memref<10112x128xf32, #tpu.memory_space<vmem_shared>>
        tpu.wait_indirect_dma semaphore(%run_scoped3A : memref<!tpu.dma_semaphore, #tpu.memory_space<semaphore_mem>>) src(%arg29 : memref<128x128xf32, #tpu.memory_space<vmem>>) dst(%dma_wait3A_129 : memref<10112x128xf32, #tpu.memory_space<vmem_shared>>)
        tpu.yield
      }) : () -> ()
    }
    %scan3A_70 = arith.constant 40 : i32
    %barrier3A_71 = arith.constant 0 : index
    tpu.barrier barrier_id(%barrier3A_71)
    %eq3A_72 = arith.constant 0 : i32
    %eq3A_73 = arith.cmpi eq, %arg0, %eq3A_72 : i32
    %convert_element_type3A_74 = arith.extui %eq3A_73 : i1 to i32
    %cond3A_75 = arith.constant 0 : i32
    %cond3A_76 = arith.cmpi ne, %convert_element_type3A_74, %cond3A_75 : i32
    scf.if %cond3A_76 {
      "tpu.region"() ({
        %run_scoped3A = tpu.sem_alloc : memref<!tpu.dma_semaphore, #tpu.memory_space<semaphore_mem>>
        %dma_start3A = arith.constant 0 : i32
        %dma_start3A_119 = tpu.memref_slice %arg21[%mul3A_2, %dma_start3A] : memref<10112x128xf32, #tpu.memory_space<hbm>> -> memref<632x128xf32, #tpu.memory_space<hbm>>
        %dma_start3A_120 = arith.constant 0 : i32
        %dma_start3A_121 = tpu.memref_slice %arg31[%mul3A_2, %dma_start3A_120] : memref<10112x128xf32, #tpu.memory_space<vmem_shared>> -> memref<632x128xf32, #tpu.memory_space<vmem_shared>>
        tpu.enqueue_dma source(%dma_start3A_121 : memref<632x128xf32, #tpu.memory_space<vmem_shared>>) target(%dma_start3A_119 : memref<632x128xf32, #tpu.memory_space<hbm>>) target_semaphore(%run_scoped3A : memref<!tpu.dma_semaphore, #tpu.memory_space<semaphore_mem>>)
        %dma_wait3A = arith.constant 0 : i32
        %dma_wait3A_122 = tpu.memref_slice %arg21[%mul3A_2, %dma_wait3A] : memref<10112x128xf32, #tpu.memory_space<hbm>> -> memref<632x128xf32, #tpu.memory_space<hbm>>
        %dma_wait3A_123 = arith.constant 0 : i32
        %dma_wait3A_124 = tpu.memref_slice %arg31[%mul3A_2, %dma_wait3A_123] : memref<10112x128xf32, #tpu.memory_space<vmem_shared>> -> memref<632x128xf32, #tpu.memory_space<vmem_shared>>
        tpu.wait_dma2 semaphore(%run_scoped3A : memref<!tpu.dma_semaphore, #tpu.memory_space<semaphore_mem>>) src(%dma_wait3A_124 : memref<632x128xf32, #tpu.memory_space<vmem_shared>>) dst(%dma_wait3A_122 : memref<632x128xf32, #tpu.memory_space<hbm>>)
        tpu.yield
      }) : () -> ()
    } else {
    }
    %eq3A_77 = arith.constant 1 : i32
    %eq3A_78 = arith.cmpi eq, %arg0, %eq3A_77 : i32
    %convert_element_type3A_79 = arith.extui %eq3A_78 : i1 to i32
    %cond3A_80 = arith.constant 0 : i32
    %cond3A_81 = arith.cmpi ne, %convert_element_type3A_79, %cond3A_80 : i32
    scf.if %cond3A_81 {
      "tpu.region"() ({
        %run_scoped3A = tpu.sem_alloc : memref<!tpu.dma_semaphore, #tpu.memory_space<semaphore_mem>>
        %dma_start3A = arith.constant 0 : i32
        %dma_start3A_119 = tpu.memref_slice %arg22[%mul3A_2, %dma_start3A] : memref<10112x128xf32, #tpu.memory_space<hbm>> -> memref<632x128xf32, #tpu.memory_space<hbm>>
        %dma_start3A_120 = arith.constant 0 : i32
        %dma_start3A_121 = tpu.memref_slice %arg31[%mul3A_2, %dma_start3A_120] : memref<10112x128xf32, #tpu.memory_space<vmem_shared>> -> memref<632x128xf32, #tpu.memory_space<vmem_shared>>
        tpu.enqueue_dma source(%dma_start3A_121 : memref<632x128xf32, #tpu.memory_space<vmem_shared>>) target(%dma_start3A_119 : memref<632x128xf32, #tpu.memory_space<hbm>>) target_semaphore(%run_scoped3A : memref<!tpu.dma_semaphore, #tpu.memory_space<semaphore_mem>>)
        %dma_wait3A = arith.constant 0 : i32
        %dma_wait3A_122 = tpu.memref_slice %arg22[%mul3A_2, %dma_wait3A] : memref<10112x128xf32, #tpu.memory_space<hbm>> -> memref<632x128xf32, #tpu.memory_space<hbm>>
        %dma_wait3A_123 = arith.constant 0 : i32
        %dma_wait3A_124 = tpu.memref_slice %arg31[%mul3A_2, %dma_wait3A_123] : memref<10112x128xf32, #tpu.memory_space<vmem_shared>> -> memref<632x128xf32, #tpu.memory_space<vmem_shared>>
        tpu.wait_dma2 semaphore(%run_scoped3A : memref<!tpu.dma_semaphore, #tpu.memory_space<semaphore_mem>>) src(%dma_wait3A_124 : memref<632x128xf32, #tpu.memory_space<vmem_shared>>) dst(%dma_wait3A_122 : memref<632x128xf32, #tpu.memory_space<hbm>>)
        tpu.yield
      }) : () -> ()
    } else {
    }
    "tpu.region"() ({
      %run_scoped3A = tpu.sem_alloc : memref<!tpu.dma_semaphore, #tpu.memory_space<semaphore_mem>>
      %dma_start3A = arith.constant 0 : i32
      %dma_start3A_119 = tpu.memref_slice %arg31[%mul3A_2, %dma_start3A] : memref<10112x128xf32, #tpu.memory_space<vmem_shared>> -> memref<632x128xf32, #tpu.memory_space<vmem_shared>>
      tpu.enqueue_dma source(%arg13 : memref<632x128xf32, #tpu.memory_space<hbm>>) target(%dma_start3A_119 : memref<632x128xf32, #tpu.memory_space<vmem_shared>>) target_semaphore(%run_scoped3A : memref<!tpu.dma_semaphore, #tpu.memory_space<semaphore_mem>>)
      %dma_wait3A = arith.constant 0 : i32
      %dma_wait3A_120 = tpu.memref_slice %arg31[%mul3A_2, %dma_wait3A] : memref<10112x128xf32, #tpu.memory_space<vmem_shared>> -> memref<632x128xf32, #tpu.memory_space<vmem_shared>>
      tpu.wait_dma2 semaphore(%run_scoped3A : memref<!tpu.dma_semaphore, #tpu.memory_space<semaphore_mem>>) src(%arg13 : memref<632x128xf32, #tpu.memory_space<hbm>>) dst(%dma_wait3A_120 : memref<632x128xf32, #tpu.memory_space<vmem_shared>>)
      tpu.yield
    }) : () -> ()
    %barrier3A_82 = arith.constant 0 : index
    tpu.barrier barrier_id(%barrier3A_82)
    "tpu.region"() ({
      %run_scoped3A = tpu.sem_alloc : memref<!tpu.dma_semaphore, #tpu.memory_space<semaphore_mem>>
      %dma_start3A = arith.constant 0 : i32
      %dma_start3A_119 = arith.constant 0 : i32
      %dma_start3A_120 = tpu.memref_slice %arg11[%add3A, %dma_start3A, %dma_start3A_119] : memref<32x40x128xi32, #tpu.memory_space<hbm>> -> memref<1x40x128xi32, #tpu.memory_space<hbm>>
      %dma_start3A_121 = tpu.memref_squeeze %dma_start3A_120 : memref<1x40x128xi32, #tpu.memory_space<hbm>> -> memref<40x128xi32, #tpu.memory_space<hbm>>
      %dma_start3A_122 = arith.constant 0 : i32
      %dma_start3A_123 = arith.constant 0 : i32
      %dma_start3A_124 = tpu.memref_slice %arg11[%add3A, %dma_start3A_122, %dma_start3A_123] : memref<32x40x128xi32, #tpu.memory_space<hbm>> -> memref<1x40x128xi32, #tpu.memory_space<hbm>>
      %dma_start3A_125 = tpu.memref_squeeze %dma_start3A_124 : memref<1x40x128xi32, #tpu.memory_space<hbm>> -> memref<40x128xi32, #tpu.memory_space<hbm>>
      tpu.enqueue_dma source(%dma_start3A_125 : memref<40x128xi32, #tpu.memory_space<hbm>>) target(%arg28 : memref<40x128xi32, #tpu.memory_space<vmem>>) target_semaphore(%run_scoped3A : memref<!tpu.dma_semaphore, #tpu.memory_space<semaphore_mem>>)
      %dma_wait3A = arith.constant 0 : i32
      %dma_wait3A_126 = arith.constant 0 : i32
      %dma_wait3A_127 = tpu.memref_slice %arg11[%add3A, %dma_wait3A, %dma_wait3A_126] : memref<32x40x128xi32, #tpu.memory_space<hbm>> -> memref<1x40x128xi32, #tpu.memory_space<hbm>>
      %dma_wait3A_128 = tpu.memref_squeeze %dma_wait3A_127 : memref<1x40x128xi32, #tpu.memory_space<hbm>> -> memref<40x128xi32, #tpu.memory_space<hbm>>
      %dma_wait3A_129 = arith.constant 0 : i32
      %dma_wait3A_130 = arith.constant 0 : i32
      %dma_wait3A_131 = tpu.memref_slice %arg11[%add3A, %dma_wait3A_129, %dma_wait3A_130] : memref<32x40x128xi32, #tpu.memory_space<hbm>> -> memref<1x40x128xi32, #tpu.memory_space<hbm>>
      %dma_wait3A_132 = tpu.memref_squeeze %dma_wait3A_131 : memref<1x40x128xi32, #tpu.memory_space<hbm>> -> memref<40x128xi32, #tpu.memory_space<hbm>>
      tpu.wait_dma2 semaphore(%run_scoped3A : memref<!tpu.dma_semaphore, #tpu.memory_space<semaphore_mem>>) src(%dma_wait3A_132 : memref<40x128xi32, #tpu.memory_space<hbm>>) dst(%arg28 : memref<40x128xi32, #tpu.memory_space<vmem>>)
      tpu.yield
    }) : () -> ()
    %scan3A_83 = arith.constant 0 : i32
    %scan3A_84 = arith.constant 0 : i32
    %scan3A_85 = arith.constant 40 : i32
    %scan3A_86 = arith.addi %scan3A_84, %scan3A_85 : i32
    %scan3A_87 = arith.constant 1 : i32
    scf.for %scan3A_119 = %scan3A_84 to %scan3A_86 step %scan3A_87  : i32 {
      "tpu.region"() ({
        %run_scoped3A = tpu.sem_alloc : memref<!tpu.dma_semaphore, #tpu.memory_space<semaphore_mem>>
        %dma_start3A = arith.constant 0 : i32
        %dma_start3A_120 = tpu.memref_slice %arg28[%scan3A_119, %dma_start3A] : memref<40x128xi32, #tpu.memory_space<vmem>> -> memref<1x128xi32, #tpu.memory_space<vmem>>
        %dma_start3A_121 = tpu.memref_squeeze %dma_start3A_120 : memref<1x128xi32, #tpu.memory_space<vmem>> -> memref<128xi32, #tpu.memory_space<vmem>>
        %dma_start3A_122 = arith.constant 0 : i32
        %dma_start3A_123 = arith.constant 0 : i32
        %dma_start3A_124 = tpu.memref_slice %arg31[%dma_start3A_122, %dma_start3A_123] : memref<10112x128xf32, #tpu.memory_space<vmem_shared>> -> memref<10112x128xf32, #tpu.memory_space<vmem_shared>>
        tpu.enqueue_indirect_dma source(%arg29 : memref<128x128xf32, #tpu.memory_space<vmem>>) target(%dma_start3A_124 : memref<10112x128xf32, #tpu.memory_space<vmem_shared>>) offsets(%dma_start3A_121 : memref<128xi32, #tpu.memory_space<vmem>>) semaphore(%run_scoped3A : memref<!tpu.dma_semaphore, #tpu.memory_space<semaphore_mem>>) {add = true}
        %dma_wait3A = arith.constant 0 : i32
        %dma_wait3A_125 = tpu.memref_slice %arg28[%scan3A_119, %dma_wait3A] : memref<40x128xi32, #tpu.memory_space<vmem>> -> memref<1x128xi32, #tpu.memory_space<vmem>>
        %dma_wait3A_126 = tpu.memref_squeeze %dma_wait3A_125 : memref<1x128xi32, #tpu.memory_space<vmem>> -> memref<128xi32, #tpu.memory_space<vmem>>
        %dma_wait3A_127 = arith.constant 0 : i32
        %dma_wait3A_128 = arith.constant 0 : i32
        %dma_wait3A_129 = tpu.memref_slice %arg31[%dma_wait3A_127, %dma_wait3A_128] : memref<10112x128xf32, #tpu.memory_space<vmem_shared>> -> memref<10112x128xf32, #tpu.memory_space<vmem_shared>>
        tpu.wait_indirect_dma semaphore(%run_scoped3A : memref<!tpu.dma_semaphore, #tpu.memory_space<semaphore_mem>>) src(%arg29 : memref<128x128xf32, #tpu.memory_space<vmem>>) dst(%dma_wait3A_129 : memref<10112x128xf32, #tpu.memory_space<vmem_shared>>)
        tpu.yield
      }) : () -> ()
    }
    %scan3A_88 = arith.constant 40 : i32
    %barrier3A_89 = arith.constant 0 : index
    tpu.barrier barrier_id(%barrier3A_89)
    %eq3A_90 = arith.constant 0 : i32
    %eq3A_91 = arith.cmpi eq, %arg0, %eq3A_90 : i32
    %convert_element_type3A_92 = arith.extui %eq3A_91 : i1 to i32
    %cond3A_93 = arith.constant 0 : i32
    %cond3A_94 = arith.cmpi ne, %convert_element_type3A_92, %cond3A_93 : i32
    scf.if %cond3A_94 {
      "tpu.region"() ({
        %run_scoped3A = tpu.sem_alloc : memref<!tpu.dma_semaphore, #tpu.memory_space<semaphore_mem>>
        %dma_start3A = arith.constant 0 : i32
        %dma_start3A_119 = tpu.memref_slice %arg23[%mul3A_2, %dma_start3A] : memref<10112x128xf32, #tpu.memory_space<hbm>> -> memref<632x128xf32, #tpu.memory_space<hbm>>
        %dma_start3A_120 = arith.constant 0 : i32
        %dma_start3A_121 = tpu.memref_slice %arg31[%mul3A_2, %dma_start3A_120] : memref<10112x128xf32, #tpu.memory_space<vmem_shared>> -> memref<632x128xf32, #tpu.memory_space<vmem_shared>>
        tpu.enqueue_dma source(%dma_start3A_121 : memref<632x128xf32, #tpu.memory_space<vmem_shared>>) target(%dma_start3A_119 : memref<632x128xf32, #tpu.memory_space<hbm>>) target_semaphore(%run_scoped3A : memref<!tpu.dma_semaphore, #tpu.memory_space<semaphore_mem>>)
        %dma_wait3A = arith.constant 0 : i32
        %dma_wait3A_122 = tpu.memref_slice %arg23[%mul3A_2, %dma_wait3A] : memref<10112x128xf32, #tpu.memory_space<hbm>> -> memref<632x128xf32, #tpu.memory_space<hbm>>
        %dma_wait3A_123 = arith.constant 0 : i32
        %dma_wait3A_124 = tpu.memref_slice %arg31[%mul3A_2, %dma_wait3A_123] : memref<10112x128xf32, #tpu.memory_space<vmem_shared>> -> memref<632x128xf32, #tpu.memory_space<vmem_shared>>
        tpu.wait_dma2 semaphore(%run_scoped3A : memref<!tpu.dma_semaphore, #tpu.memory_space<semaphore_mem>>) src(%dma_wait3A_124 : memref<632x128xf32, #tpu.memory_space<vmem_shared>>) dst(%dma_wait3A_122 : memref<632x128xf32, #tpu.memory_space<hbm>>)
        tpu.yield
      }) : () -> ()
    } else {
    }
    %eq3A_95 = arith.constant 1 : i32
    %eq3A_96 = arith.cmpi eq, %arg0, %eq3A_95 : i32
    %convert_element_type3A_97 = arith.extui %eq3A_96 : i1 to i32
    %cond3A_98 = arith.constant 0 : i32
    %cond3A_99 = arith.cmpi ne, %convert_element_type3A_97, %cond3A_98 : i32
    scf.if %cond3A_99 {
      "tpu.region"() ({
        %run_scoped3A = tpu.sem_alloc : memref<!tpu.dma_semaphore, #tpu.memory_space<semaphore_mem>>
        %dma_start3A = arith.constant 0 : i32
        %dma_start3A_119 = tpu.memref_slice %arg24[%mul3A_2, %dma_start3A] : memref<10112x128xf32, #tpu.memory_space<hbm>> -> memref<632x128xf32, #tpu.memory_space<hbm>>
        %dma_start3A_120 = arith.constant 0 : i32
        %dma_start3A_121 = tpu.memref_slice %arg31[%mul3A_2, %dma_start3A_120] : memref<10112x128xf32, #tpu.memory_space<vmem_shared>> -> memref<632x128xf32, #tpu.memory_space<vmem_shared>>
        tpu.enqueue_dma source(%dma_start3A_121 : memref<632x128xf32, #tpu.memory_space<vmem_shared>>) target(%dma_start3A_119 : memref<632x128xf32, #tpu.memory_space<hbm>>) target_semaphore(%run_scoped3A : memref<!tpu.dma_semaphore, #tpu.memory_space<semaphore_mem>>)
        %dma_wait3A = arith.constant 0 : i32
        %dma_wait3A_122 = tpu.memref_slice %arg24[%mul3A_2, %dma_wait3A] : memref<10112x128xf32, #tpu.memory_space<hbm>> -> memref<632x128xf32, #tpu.memory_space<hbm>>
        %dma_wait3A_123 = arith.constant 0 : i32
        %dma_wait3A_124 = tpu.memref_slice %arg31[%mul3A_2, %dma_wait3A_123] : memref<10112x128xf32, #tpu.memory_space<vmem_shared>> -> memref<632x128xf32, #tpu.memory_space<vmem_shared>>
        tpu.wait_dma2 semaphore(%run_scoped3A : memref<!tpu.dma_semaphore, #tpu.memory_space<semaphore_mem>>) src(%dma_wait3A_124 : memref<632x128xf32, #tpu.memory_space<vmem_shared>>) dst(%dma_wait3A_122 : memref<632x128xf32, #tpu.memory_space<hbm>>)
        tpu.yield
      }) : () -> ()
    } else {
    }
    "tpu.region"() ({
      %run_scoped3A = tpu.sem_alloc : memref<!tpu.dma_semaphore, #tpu.memory_space<semaphore_mem>>
      %dma_start3A = arith.constant 0 : i32
      %dma_start3A_119 = tpu.memref_slice %arg31[%mul3A_2, %dma_start3A] : memref<10112x128xf32, #tpu.memory_space<vmem_shared>> -> memref<632x128xf32, #tpu.memory_space<vmem_shared>>
      tpu.enqueue_dma source(%arg13 : memref<632x128xf32, #tpu.memory_space<hbm>>) target(%dma_start3A_119 : memref<632x128xf32, #tpu.memory_space<vmem_shared>>) target_semaphore(%run_scoped3A : memref<!tpu.dma_semaphore, #tpu.memory_space<semaphore_mem>>)
      %dma_wait3A = arith.constant 0 : i32
      %dma_wait3A_120 = tpu.memref_slice %arg31[%mul3A_2, %dma_wait3A] : memref<10112x128xf32, #tpu.memory_space<vmem_shared>> -> memref<632x128xf32, #tpu.memory_space<vmem_shared>>
      tpu.wait_dma2 semaphore(%run_scoped3A : memref<!tpu.dma_semaphore, #tpu.memory_space<semaphore_mem>>) src(%arg13 : memref<632x128xf32, #tpu.memory_space<hbm>>) dst(%dma_wait3A_120 : memref<632x128xf32, #tpu.memory_space<vmem_shared>>)
      tpu.yield
    }) : () -> ()
    %barrier3A_100 = arith.constant 0 : index
    tpu.barrier barrier_id(%barrier3A_100)
    "tpu.region"() ({
      %run_scoped3A = tpu.sem_alloc : memref<!tpu.dma_semaphore, #tpu.memory_space<semaphore_mem>>
      %dma_start3A = arith.constant 0 : i32
      %dma_start3A_119 = arith.constant 0 : i32
      %dma_start3A_120 = tpu.memref_slice %arg12[%add3A, %dma_start3A, %dma_start3A_119] : memref<32x40x128xi32, #tpu.memory_space<hbm>> -> memref<1x40x128xi32, #tpu.memory_space<hbm>>
      %dma_start3A_121 = tpu.memref_squeeze %dma_start3A_120 : memref<1x40x128xi32, #tpu.memory_space<hbm>> -> memref<40x128xi32, #tpu.memory_space<hbm>>
      %dma_start3A_122 = arith.constant 0 : i32
      %dma_start3A_123 = arith.constant 0 : i32
      %dma_start3A_124 = tpu.memref_slice %arg12[%add3A, %dma_start3A_122, %dma_start3A_123] : memref<32x40x128xi32, #tpu.memory_space<hbm>> -> memref<1x40x128xi32, #tpu.memory_space<hbm>>
      %dma_start3A_125 = tpu.memref_squeeze %dma_start3A_124 : memref<1x40x128xi32, #tpu.memory_space<hbm>> -> memref<40x128xi32, #tpu.memory_space<hbm>>
      tpu.enqueue_dma source(%dma_start3A_125 : memref<40x128xi32, #tpu.memory_space<hbm>>) target(%arg28 : memref<40x128xi32, #tpu.memory_space<vmem>>) target_semaphore(%run_scoped3A : memref<!tpu.dma_semaphore, #tpu.memory_space<semaphore_mem>>)
      %dma_wait3A = arith.constant 0 : i32
      %dma_wait3A_126 = arith.constant 0 : i32
      %dma_wait3A_127 = tpu.memref_slice %arg12[%add3A, %dma_wait3A, %dma_wait3A_126] : memref<32x40x128xi32, #tpu.memory_space<hbm>> -> memref<1x40x128xi32, #tpu.memory_space<hbm>>
      %dma_wait3A_128 = tpu.memref_squeeze %dma_wait3A_127 : memref<1x40x128xi32, #tpu.memory_space<hbm>> -> memref<40x128xi32, #tpu.memory_space<hbm>>
      %dma_wait3A_129 = arith.constant 0 : i32
      %dma_wait3A_130 = arith.constant 0 : i32
      %dma_wait3A_131 = tpu.memref_slice %arg12[%add3A, %dma_wait3A_129, %dma_wait3A_130] : memref<32x40x128xi32, #tpu.memory_space<hbm>> -> memref<1x40x128xi32, #tpu.memory_space<hbm>>
      %dma_wait3A_132 = tpu.memref_squeeze %dma_wait3A_131 : memref<1x40x128xi32, #tpu.memory_space<hbm>> -> memref<40x128xi32, #tpu.memory_space<hbm>>
      tpu.wait_dma2 semaphore(%run_scoped3A : memref<!tpu.dma_semaphore, #tpu.memory_space<semaphore_mem>>) src(%dma_wait3A_132 : memref<40x128xi32, #tpu.memory_space<hbm>>) dst(%arg28 : memref<40x128xi32, #tpu.memory_space<vmem>>)
      tpu.yield
    }) : () -> ()
    %scan3A_101 = arith.constant 0 : i32
    %scan3A_102 = arith.constant 0 : i32
    %scan3A_103 = arith.constant 40 : i32
    %scan3A_104 = arith.addi %scan3A_102, %scan3A_103 : i32
    %scan3A_105 = arith.constant 1 : i32
    scf.for %scan3A_119 = %scan3A_102 to %scan3A_104 step %scan3A_105  : i32 {
      "tpu.region"() ({
        %run_scoped3A = tpu.sem_alloc : memref<!tpu.dma_semaphore, #tpu.memory_space<semaphore_mem>>
        %dma_start3A = arith.constant 0 : i32
        %dma_start3A_120 = tpu.memref_slice %arg28[%scan3A_119, %dma_start3A] : memref<40x128xi32, #tpu.memory_space<vmem>> -> memref<1x128xi32, #tpu.memory_space<vmem>>
        %dma_start3A_121 = tpu.memref_squeeze %dma_start3A_120 : memref<1x128xi32, #tpu.memory_space<vmem>> -> memref<128xi32, #tpu.memory_space<vmem>>
        %dma_start3A_122 = arith.constant 0 : i32
        %dma_start3A_123 = arith.constant 0 : i32
        %dma_start3A_124 = tpu.memref_slice %arg31[%dma_start3A_122, %dma_start3A_123] : memref<10112x128xf32, #tpu.memory_space<vmem_shared>> -> memref<10112x128xf32, #tpu.memory_space<vmem_shared>>
        tpu.enqueue_indirect_dma source(%arg29 : memref<128x128xf32, #tpu.memory_space<vmem>>) target(%dma_start3A_124 : memref<10112x128xf32, #tpu.memory_space<vmem_shared>>) offsets(%dma_start3A_121 : memref<128xi32, #tpu.memory_space<vmem>>) semaphore(%run_scoped3A : memref<!tpu.dma_semaphore, #tpu.memory_space<semaphore_mem>>) {add = true}
        %dma_wait3A = arith.constant 0 : i32
        %dma_wait3A_125 = tpu.memref_slice %arg28[%scan3A_119, %dma_wait3A] : memref<40x128xi32, #tpu.memory_space<vmem>> -> memref<1x128xi32, #tpu.memory_space<vmem>>
        %dma_wait3A_126 = tpu.memref_squeeze %dma_wait3A_125 : memref<1x128xi32, #tpu.memory_space<vmem>> -> memref<128xi32, #tpu.memory_space<vmem>>
        %dma_wait3A_127 = arith.constant 0 : i32
        %dma_wait3A_128 = arith.constant 0 : i32
        %dma_wait3A_129 = tpu.memref_slice %arg31[%dma_wait3A_127, %dma_wait3A_128] : memref<10112x128xf32, #tpu.memory_space<vmem_shared>> -> memref<10112x128xf32, #tpu.memory_space<vmem_shared>>
        tpu.wait_indirect_dma semaphore(%run_scoped3A : memref<!tpu.dma_semaphore, #tpu.memory_space<semaphore_mem>>) src(%arg29 : memref<128x128xf32, #tpu.memory_space<vmem>>) dst(%dma_wait3A_129 : memref<10112x128xf32, #tpu.memory_space<vmem_shared>>)
        tpu.yield
      }) : () -> ()
    }
    %scan3A_106 = arith.constant 40 : i32
    %barrier3A_107 = arith.constant 0 : index
    tpu.barrier barrier_id(%barrier3A_107)
    %eq3A_108 = arith.constant 0 : i32
    %eq3A_109 = arith.cmpi eq, %arg0, %eq3A_108 : i32
    %convert_element_type3A_110 = arith.extui %eq3A_109 : i1 to i32
    %cond3A_111 = arith.constant 0 : i32
    %cond3A_112 = arith.cmpi ne, %convert_element_type3A_110, %cond3A_111 : i32
    scf.if %cond3A_112 {
      "tpu.region"() ({
        %run_scoped3A = tpu.sem_alloc : memref<!tpu.dma_semaphore, #tpu.memory_space<semaphore_mem>>
        %dma_start3A = arith.constant 0 : i32
        %dma_start3A_119 = tpu.memref_slice %arg25[%mul3A_2, %dma_start3A] : memref<10112x128xf32, #tpu.memory_space<hbm>> -> memref<632x128xf32, #tpu.memory_space<hbm>>
        %dma_start3A_120 = arith.constant 0 : i32
        %dma_start3A_121 = tpu.memref_slice %arg31[%mul3A_2, %dma_start3A_120] : memref<10112x128xf32, #tpu.memory_space<vmem_shared>> -> memref<632x128xf32, #tpu.memory_space<vmem_shared>>
        tpu.enqueue_dma source(%dma_start3A_121 : memref<632x128xf32, #tpu.memory_space<vmem_shared>>) target(%dma_start3A_119 : memref<632x128xf32, #tpu.memory_space<hbm>>) target_semaphore(%run_scoped3A : memref<!tpu.dma_semaphore, #tpu.memory_space<semaphore_mem>>)
        %dma_wait3A = arith.constant 0 : i32
        %dma_wait3A_122 = tpu.memref_slice %arg25[%mul3A_2, %dma_wait3A] : memref<10112x128xf32, #tpu.memory_space<hbm>> -> memref<632x128xf32, #tpu.memory_space<hbm>>
        %dma_wait3A_123 = arith.constant 0 : i32
        %dma_wait3A_124 = tpu.memref_slice %arg31[%mul3A_2, %dma_wait3A_123] : memref<10112x128xf32, #tpu.memory_space<vmem_shared>> -> memref<632x128xf32, #tpu.memory_space<vmem_shared>>
        tpu.wait_dma2 semaphore(%run_scoped3A : memref<!tpu.dma_semaphore, #tpu.memory_space<semaphore_mem>>) src(%dma_wait3A_124 : memref<632x128xf32, #tpu.memory_space<vmem_shared>>) dst(%dma_wait3A_122 : memref<632x128xf32, #tpu.memory_space<hbm>>)
        tpu.yield
      }) : () -> ()
    } else {
    }
    %eq3A_113 = arith.constant 1 : i32
    %eq3A_114 = arith.cmpi eq, %arg0, %eq3A_113 : i32
    %convert_element_type3A_115 = arith.extui %eq3A_114 : i1 to i32
    %cond3A_116 = arith.constant 0 : i32
    %cond3A_117 = arith.cmpi ne, %convert_element_type3A_115, %cond3A_116 : i32
    scf.if %cond3A_117 {
      "tpu.region"() ({
        %run_scoped3A = tpu.sem_alloc : memref<!tpu.dma_semaphore, #tpu.memory_space<semaphore_mem>>
        %dma_start3A = arith.constant 0 : i32
        %dma_start3A_119 = tpu.memref_slice %arg26[%mul3A_2, %dma_start3A] : memref<10112x128xf32, #tpu.memory_space<hbm>> -> memref<632x128xf32, #tpu.memory_space<hbm>>
        %dma_start3A_120 = arith.constant 0 : i32
        %dma_start3A_121 = tpu.memref_slice %arg31[%mul3A_2, %dma_start3A_120] : memref<10112x128xf32, #tpu.memory_space<vmem_shared>> -> memref<632x128xf32, #tpu.memory_space<vmem_shared>>
        tpu.enqueue_dma source(%dma_start3A_121 : memref<632x128xf32, #tpu.memory_space<vmem_shared>>) target(%dma_start3A_119 : memref<632x128xf32, #tpu.memory_space<hbm>>) target_semaphore(%run_scoped3A : memref<!tpu.dma_semaphore, #tpu.memory_space<semaphore_mem>>)
        %dma_wait3A = arith.constant 0 : i32
        %dma_wait3A_122 = tpu.memref_slice %arg26[%mul3A_2, %dma_wait3A] : memref<10112x128xf32, #tpu.memory_space<hbm>> -> memref<632x128xf32, #tpu.memory_space<hbm>>
        %dma_wait3A_123 = arith.constant 0 : i32
        %dma_wait3A_124 = tpu.memref_slice %arg31[%mul3A_2, %dma_wait3A_123] : memref<10112x128xf32, #tpu.memory_space<vmem_shared>> -> memref<632x128xf32, #tpu.memory_space<vmem_shared>>
        tpu.wait_dma2 semaphore(%run_scoped3A : memref<!tpu.dma_semaphore, #tpu.memory_space<semaphore_mem>>) src(%dma_wait3A_124 : memref<632x128xf32, #tpu.memory_space<vmem_shared>>) dst(%dma_wait3A_122 : memref<632x128xf32, #tpu.memory_space<hbm>>)
        tpu.yield
      }) : () -> ()
    } else {
    }
    "tpu.region"() ({
      %run_scoped3A = tpu.sem_alloc : memref<!tpu.dma_semaphore, #tpu.memory_space<semaphore_mem>>
      %dma_start3A = arith.constant 0 : i32
      %dma_start3A_119 = tpu.memref_slice %arg31[%mul3A_2, %dma_start3A] : memref<10112x128xf32, #tpu.memory_space<vmem_shared>> -> memref<632x128xf32, #tpu.memory_space<vmem_shared>>
      tpu.enqueue_dma source(%arg13 : memref<632x128xf32, #tpu.memory_space<hbm>>) target(%dma_start3A_119 : memref<632x128xf32, #tpu.memory_space<vmem_shared>>) target_semaphore(%run_scoped3A : memref<!tpu.dma_semaphore, #tpu.memory_space<semaphore_mem>>)
      %dma_wait3A = arith.constant 0 : i32
      %dma_wait3A_120 = tpu.memref_slice %arg31[%mul3A_2, %dma_wait3A] : memref<10112x128xf32, #tpu.memory_space<vmem_shared>> -> memref<632x128xf32, #tpu.memory_space<vmem_shared>>
      tpu.wait_dma2 semaphore(%run_scoped3A : memref<!tpu.dma_semaphore, #tpu.memory_space<semaphore_mem>>) src(%arg13 : memref<632x128xf32, #tpu.memory_space<hbm>>) dst(%dma_wait3A_120 : memref<632x128xf32, #tpu.memory_space<vmem_shared>>)
      tpu.yield
    }) : () -> ()
    %barrier3A_118 = arith.constant 0 : index
    tpu.barrier barrier_id(%barrier3A_118)
    return
  }
}

module attributes {stable_mosaic.version = 14 : i64} {
  func.func @_tc_body(%arg0: i32, %arg1: memref<1000x256xf32, #tpu.memory_space<vmem>>, %arg2: memref<1000x128xf32, #tpu.memory_space<vmem>>, %arg3: memref<1000x128xf32, #tpu.memory_space<vmem>>, %arg4: memref<1000x128xf32, #tpu.memory_space<vmem>>, %arg5: memref<1000x128xf32, #tpu.memory_space<vmem>>, %arg6: memref<1000x128xf32, #tpu.memory_space<vmem>>, %arg7: memref<1000x128xf32, #tpu.memory_space<vmem>>, %arg8: memref<1000x128xf32, #tpu.memory_space<vmem>>, %arg9: memref<1000x128xf32, #tpu.memory_space<vmem>>, %arg10: memref<1000x128xf32, #tpu.memory_space<vmem>>, %arg11: memref<1000x128xf32, #tpu.memory_space<vmem>>, %arg12: memref<1000x128xf32, #tpu.memory_space<vmem>>, %arg13: memref<1000x128xf32, #tpu.memory_space<vmem>>, %arg14: memref<256x768xf32, #tpu.memory_space<vmem>>, %arg15: memref<128x256xf32, #tpu.memory_space<vmem>>, %arg16: memref<128x256xf32, #tpu.memory_space<vmem>>, %arg17: memref<128x256xf32, #tpu.memory_space<vmem>>, %arg18: memref<128x256xf32, #tpu.memory_space<vmem>>, %arg19: memref<128x256xf32, #tpu.memory_space<vmem>>, %arg20: memref<128x256xf32, #tpu.memory_space<vmem>>, %arg21: memref<1024x256xf32, #tpu.memory_space<vmem>>, %arg22: memref<8x256xf32, #tpu.memory_space<vmem>>, %arg23: memref<1000x256xf32, #tpu.memory_space<vmem>>) attributes {dimension_semantics = [#tpu.dimension_semantics<arbitrary>], iteration_bounds = array<i64: 10>, scalar_prefetch = 0 : i64, scratch_operands = 0 : i64, tpu.core_type = #tpu.core_type<tc>, window_params = [{transform_indices = @transform_0, window_bounds = array<i64: 1000, 256>}, {transform_indices = @transform_1, window_bounds = array<i64: 1000, 128>}, {transform_indices = @transform_2, window_bounds = array<i64: 1000, 128>}, {transform_indices = @transform_3, window_bounds = array<i64: 1000, 128>}, {transform_indices = @transform_4, window_bounds = array<i64: 1000, 128>}, {transform_indices = @transform_5, window_bounds = array<i64: 1000, 128>}, {transform_indices = @transform_6, window_bounds = array<i64: 1000, 128>}, {transform_indices = @transform_7, window_bounds = array<i64: 1000, 128>}, {transform_indices = @transform_8, window_bounds = array<i64: 1000, 128>}, {transform_indices = @transform_9, window_bounds = array<i64: 1000, 128>}, {transform_indices = @transform_10, window_bounds = array<i64: 1000, 128>}, {transform_indices = @transform_11, window_bounds = array<i64: 1000, 128>}, {transform_indices = @transform_12, window_bounds = array<i64: 1000, 128>}, {pipeline_mode = #tpu.pipeline_mode<synchronous>, transform_indices = @transform_13, window_bounds = array<i64: 256, 768>}, {pipeline_mode = #tpu.pipeline_mode<synchronous>, transform_indices = @transform_14, window_bounds = array<i64: 128, 256>}, {pipeline_mode = #tpu.pipeline_mode<synchronous>, transform_indices = @transform_15, window_bounds = array<i64: 128, 256>}, {pipeline_mode = #tpu.pipeline_mode<synchronous>, transform_indices = @transform_16, window_bounds = array<i64: 128, 256>}, {pipeline_mode = #tpu.pipeline_mode<synchronous>, transform_indices = @transform_17, window_bounds = array<i64: 128, 256>}, {pipeline_mode = #tpu.pipeline_mode<synchronous>, transform_indices = @transform_18, window_bounds = array<i64: 128, 256>}, {pipeline_mode = #tpu.pipeline_mode<synchronous>, transform_indices = @transform_19, window_bounds = array<i64: 128, 256>}, {pipeline_mode = #tpu.pipeline_mode<synchronous>, transform_indices = @transform_20, window_bounds = array<i64: 1024, 256>}, {pipeline_mode = #tpu.pipeline_mode<synchronous>, transform_indices = @transform_21, window_bounds = array<i64: 8, 256>}, {transform_indices = @transform_22, window_bounds = array<i64: 1000, 256>}]} {
    %get3A = arith.constant 0 : index
    %get3A_0 = arith.constant 0 : index
    %get3A_1 = vector.load %arg1[%get3A, %get3A_0] : memref<1000x256xf32, #tpu.memory_space<vmem>>, vector<1000x256xf32>
    %get3A_2 = arith.constant 0 : index
    %get3A_3 = arith.constant 0 : index
    %get3A_4 = vector.load %arg14[%get3A_2, %get3A_3] : memref<256x768xf32, #tpu.memory_space<vmem>>, vector<256x768xf32>
    %dot_general3A = arith.constant dense<0.000000e+00> : vector<1000x768xf32>
    %dot_general3A_5 = tpu.matmul %get3A_1, %get3A_4, %dot_general3A {dimension_numbers = #tpu.dot_dimension_numbers<[1], [0], [0], [1], [0, 0, 1, 1], [], []>, transpose_lhs_hint = false} : vector<1000x256xf32>, vector<256x768xf32>, vector<1000x768xf32> -> vector<1000x768xf32>
    %get3A_6 = arith.constant 0 : index
    %get3A_7 = arith.constant 0 : index
    %get3A_8 = vector.load %arg21[%get3A_6, %get3A_7] : memref<1024x256xf32, #tpu.memory_space<vmem>>, vector<256x256xf32>
    %dot_general3A_9 = arith.constant dense<0.000000e+00> : vector<1000x256xf32>
    %dot_general3A_10 = tpu.matmul %get3A_1, %get3A_8, %dot_general3A_9 {dimension_numbers = #tpu.dot_dimension_numbers<[1], [0], [0], [1], [0, 0, 1, 1], [], []>, transpose_lhs_hint = false} : vector<1000x256xf32>, vector<256x256xf32>, vector<1000x256xf32> -> vector<1000x256xf32>
    %get3A_11 = arith.constant 3 : index
    %get3A_12 = arith.constant 0 : index
    %get3A_13 = vector.load %arg22[%get3A_11, %get3A_12] : memref<8x256xf32, #tpu.memory_space<vmem>>, vector<1x256xf32>
    %add3A = vector.broadcast %get3A_13 : vector<1x256xf32> to vector<1000x256xf32>
    %add3A_14 = arith.addf %dot_general3A_10, %add3A : vector<1000x256xf32>
    %get3A_15 = arith.constant 0 : index
    %get3A_16 = arith.constant 0 : index
    %get3A_17 = vector.load %arg2[%get3A_15, %get3A_16] : memref<1000x128xf32, #tpu.memory_space<vmem>>, vector<1000x128xf32>
    %get3A_18 = arith.constant 0 : index
    %get3A_19 = arith.constant 0 : index
    %get3A_20 = vector.load %arg15[%get3A_18, %get3A_19] : memref<128x256xf32, #tpu.memory_space<vmem>>, vector<128x256xf32>
    %dot_general3A_21 = arith.constant dense<0.000000e+00> : vector<1000x256xf32>
    %dot_general3A_22 = tpu.matmul %get3A_17, %get3A_20, %dot_general3A_21 {dimension_numbers = #tpu.dot_dimension_numbers<[1], [0], [0], [1], [0, 0, 1, 1], [], []>, transpose_lhs_hint = false} : vector<1000x128xf32>, vector<128x256xf32>, vector<1000x256xf32> -> vector<1000x256xf32>
    %get3A_23 = arith.constant 0 : index
    %get3A_24 = arith.constant 0 : index
    %get3A_25 = vector.load %arg3[%get3A_23, %get3A_24] : memref<1000x128xf32, #tpu.memory_space<vmem>>, vector<1000x128xf32>
    %get3A_26 = arith.constant 0 : index
    %get3A_27 = arith.constant 0 : index
    %get3A_28 = vector.load %arg16[%get3A_26, %get3A_27] : memref<128x256xf32, #tpu.memory_space<vmem>>, vector<128x256xf32>
    %dot_general3A_29 = arith.constant dense<0.000000e+00> : vector<1000x256xf32>
    %dot_general3A_30 = tpu.matmul %get3A_25, %get3A_28, %dot_general3A_29 {dimension_numbers = #tpu.dot_dimension_numbers<[1], [0], [0], [1], [0, 0, 1, 1], [], []>, transpose_lhs_hint = false} : vector<1000x128xf32>, vector<128x256xf32>, vector<1000x256xf32> -> vector<1000x256xf32>
    %add3A_31 = arith.addf %dot_general3A_22, %dot_general3A_30 : vector<1000x256xf32>
    %get3A_32 = arith.constant 0 : index
    %get3A_33 = arith.constant 0 : index
    %get3A_34 = vector.load %arg8[%get3A_32, %get3A_33] : memref<1000x128xf32, #tpu.memory_space<vmem>>, vector<1000x1xf32>
    %get3A_35 = arith.constant 0 : index
    %get3A_36 = arith.constant 0 : index
    %get3A_37 = vector.load %arg9[%get3A_35, %get3A_36] : memref<1000x128xf32, #tpu.memory_space<vmem>>, vector<1000x1xf32>
    %add3A_38 = arith.addf %get3A_34, %get3A_37 : vector<1000x1xf32>
    %max3A = arith.constant 1.000000e+00 : f32
    %max3A_39 = vector.broadcast %max3A : f32 to vector<1000x1xf32>
    %max3A_40 = arith.maximumf %add3A_38, %max3A_39 : vector<1000x1xf32>
    %div3A = arith.constant 1.000000e+00 : f32
    %div3A_41 = vector.broadcast %div3A : f32 to vector<1000x1xf32>
    %div3A_42 = arith.divf %div3A_41, %max3A_40 : vector<1000x1xf32>
    %min3A = arith.constant 1.000000e+00 : f32
    %min3A_43 = vector.broadcast %min3A : f32 to vector<1000x1xf32>
    %min3A_44 = arith.minimumf %add3A_38, %min3A_43 : vector<1000x1xf32>
    %mul3A = vector.broadcast %div3A_42 : vector<1000x1xf32> to vector<1000x256xf32>
    %mul3A_45 = arith.mulf %add3A_31, %mul3A : vector<1000x256xf32>
    %slice3A = vector.extract_strided_slice %dot_general3A_5 {offsets = [0, 0], sizes = [1000, 256], strides = [1, 1]} : vector<1000x768xf32> to vector<1000x256xf32>
    %get3A_46 = arith.constant 0 : index
    %get3A_47 = arith.constant 0 : index
    %get3A_48 = vector.load %arg22[%get3A_46, %get3A_47] : memref<8x256xf32, #tpu.memory_space<vmem>>, vector<1x256xf32>
    %add3A_49 = vector.broadcast %get3A_48 : vector<1x256xf32> to vector<1000x256xf32>
    %add3A_50 = arith.addf %slice3A, %add3A_49 : vector<1000x256xf32>
    %mul3A_51 = vector.broadcast %min3A_44 : vector<1000x1xf32> to vector<1000x256xf32>
    %mul3A_52 = arith.mulf %mul3A_51, %add3A_50 : vector<1000x256xf32>
    %add3A_53 = arith.addf %mul3A_45, %mul3A_52 : vector<1000x256xf32>
    %get3A_54 = arith.constant 256 : index
    %get3A_55 = arith.constant 0 : index
    %get3A_56 = vector.load %arg21[%get3A_54, %get3A_55] : memref<1024x256xf32, #tpu.memory_space<vmem>>, vector<256x256xf32>
    %dot_general3A_57 = arith.constant dense<0.000000e+00> : vector<1000x256xf32>
    %dot_general3A_58 = tpu.matmul %add3A_53, %get3A_56, %dot_general3A_57 {dimension_numbers = #tpu.dot_dimension_numbers<[1], [0], [0], [1], [0, 0, 1, 1], [], []>, transpose_lhs_hint = false} : vector<1000x256xf32>, vector<256x256xf32>, vector<1000x256xf32> -> vector<1000x256xf32>
    %add3A_59 = arith.addf %add3A_14, %dot_general3A_58 : vector<1000x256xf32>
    %get3A_60 = arith.constant 0 : index
    %get3A_61 = arith.constant 0 : index
    %get3A_62 = vector.load %arg4[%get3A_60, %get3A_61] : memref<1000x128xf32, #tpu.memory_space<vmem>>, vector<1000x128xf32>
    %get3A_63 = arith.constant 0 : index
    %get3A_64 = arith.constant 0 : index
    %get3A_65 = vector.load %arg17[%get3A_63, %get3A_64] : memref<128x256xf32, #tpu.memory_space<vmem>>, vector<128x256xf32>
    %dot_general3A_66 = arith.constant dense<0.000000e+00> : vector<1000x256xf32>
    %dot_general3A_67 = tpu.matmul %get3A_62, %get3A_65, %dot_general3A_66 {dimension_numbers = #tpu.dot_dimension_numbers<[1], [0], [0], [1], [0, 0, 1, 1], [], []>, transpose_lhs_hint = false} : vector<1000x128xf32>, vector<128x256xf32>, vector<1000x256xf32> -> vector<1000x256xf32>
    %get3A_68 = arith.constant 0 : index
    %get3A_69 = arith.constant 0 : index
    %get3A_70 = vector.load %arg5[%get3A_68, %get3A_69] : memref<1000x128xf32, #tpu.memory_space<vmem>>, vector<1000x128xf32>
    %get3A_71 = arith.constant 0 : index
    %get3A_72 = arith.constant 0 : index
    %get3A_73 = vector.load %arg18[%get3A_71, %get3A_72] : memref<128x256xf32, #tpu.memory_space<vmem>>, vector<128x256xf32>
    %dot_general3A_74 = arith.constant dense<0.000000e+00> : vector<1000x256xf32>
    %dot_general3A_75 = tpu.matmul %get3A_70, %get3A_73, %dot_general3A_74 {dimension_numbers = #tpu.dot_dimension_numbers<[1], [0], [0], [1], [0, 0, 1, 1], [], []>, transpose_lhs_hint = false} : vector<1000x128xf32>, vector<128x256xf32>, vector<1000x256xf32> -> vector<1000x256xf32>
    %add3A_76 = arith.addf %dot_general3A_67, %dot_general3A_75 : vector<1000x256xf32>
    %get3A_77 = arith.constant 0 : index
    %get3A_78 = arith.constant 0 : index
    %get3A_79 = vector.load %arg10[%get3A_77, %get3A_78] : memref<1000x128xf32, #tpu.memory_space<vmem>>, vector<1000x1xf32>
    %get3A_80 = arith.constant 0 : index
    %get3A_81 = arith.constant 0 : index
    %get3A_82 = vector.load %arg11[%get3A_80, %get3A_81] : memref<1000x128xf32, #tpu.memory_space<vmem>>, vector<1000x1xf32>
    %add3A_83 = arith.addf %get3A_79, %get3A_82 : vector<1000x1xf32>
    %max3A_84 = arith.constant 1.000000e+00 : f32
    %max3A_85 = vector.broadcast %max3A_84 : f32 to vector<1000x1xf32>
    %max3A_86 = arith.maximumf %add3A_83, %max3A_85 : vector<1000x1xf32>
    %div3A_87 = arith.constant 1.000000e+00 : f32
    %div3A_88 = vector.broadcast %div3A_87 : f32 to vector<1000x1xf32>
    %div3A_89 = arith.divf %div3A_88, %max3A_86 : vector<1000x1xf32>
    %min3A_90 = arith.constant 1.000000e+00 : f32
    %min3A_91 = vector.broadcast %min3A_90 : f32 to vector<1000x1xf32>
    %min3A_92 = arith.minimumf %add3A_83, %min3A_91 : vector<1000x1xf32>
    %mul3A_93 = vector.broadcast %div3A_89 : vector<1000x1xf32> to vector<1000x256xf32>
    %mul3A_94 = arith.mulf %add3A_76, %mul3A_93 : vector<1000x256xf32>
    %slice3A_95 = vector.extract_strided_slice %dot_general3A_5 {offsets = [0, 256], sizes = [1000, 256], strides = [1, 1]} : vector<1000x768xf32> to vector<1000x256xf32>
    %get3A_96 = arith.constant 1 : index
    %get3A_97 = arith.constant 0 : index
    %get3A_98 = vector.load %arg22[%get3A_96, %get3A_97] : memref<8x256xf32, #tpu.memory_space<vmem>>, vector<1x256xf32>
    %add3A_99 = vector.broadcast %get3A_98 : vector<1x256xf32> to vector<1000x256xf32>
    %add3A_100 = arith.addf %slice3A_95, %add3A_99 : vector<1000x256xf32>
    %mul3A_101 = vector.broadcast %min3A_92 : vector<1000x1xf32> to vector<1000x256xf32>
    %mul3A_102 = arith.mulf %mul3A_101, %add3A_100 : vector<1000x256xf32>
    %add3A_103 = arith.addf %mul3A_94, %mul3A_102 : vector<1000x256xf32>
    %get3A_104 = arith.constant 512 : index
    %get3A_105 = arith.constant 0 : index
    %get3A_106 = vector.load %arg21[%get3A_104, %get3A_105] : memref<1024x256xf32, #tpu.memory_space<vmem>>, vector<256x256xf32>
    %dot_general3A_107 = arith.constant dense<0.000000e+00> : vector<1000x256xf32>
    %dot_general3A_108 = tpu.matmul %add3A_103, %get3A_106, %dot_general3A_107 {dimension_numbers = #tpu.dot_dimension_numbers<[1], [0], [0], [1], [0, 0, 1, 1], [], []>, transpose_lhs_hint = false} : vector<1000x256xf32>, vector<256x256xf32>, vector<1000x256xf32> -> vector<1000x256xf32>
    %add3A_109 = arith.addf %add3A_59, %dot_general3A_108 : vector<1000x256xf32>
    %get3A_110 = arith.constant 0 : index
    %get3A_111 = arith.constant 0 : index
    %get3A_112 = vector.load %arg6[%get3A_110, %get3A_111] : memref<1000x128xf32, #tpu.memory_space<vmem>>, vector<1000x128xf32>
    %get3A_113 = arith.constant 0 : index
    %get3A_114 = arith.constant 0 : index
    %get3A_115 = vector.load %arg19[%get3A_113, %get3A_114] : memref<128x256xf32, #tpu.memory_space<vmem>>, vector<128x256xf32>
    %dot_general3A_116 = arith.constant dense<0.000000e+00> : vector<1000x256xf32>
    %dot_general3A_117 = tpu.matmul %get3A_112, %get3A_115, %dot_general3A_116 {dimension_numbers = #tpu.dot_dimension_numbers<[1], [0], [0], [1], [0, 0, 1, 1], [], []>, transpose_lhs_hint = false} : vector<1000x128xf32>, vector<128x256xf32>, vector<1000x256xf32> -> vector<1000x256xf32>
    %get3A_118 = arith.constant 0 : index
    %get3A_119 = arith.constant 0 : index
    %get3A_120 = vector.load %arg7[%get3A_118, %get3A_119] : memref<1000x128xf32, #tpu.memory_space<vmem>>, vector<1000x128xf32>
    %get3A_121 = arith.constant 0 : index
    %get3A_122 = arith.constant 0 : index
    %get3A_123 = vector.load %arg20[%get3A_121, %get3A_122] : memref<128x256xf32, #tpu.memory_space<vmem>>, vector<128x256xf32>
    %dot_general3A_124 = arith.constant dense<0.000000e+00> : vector<1000x256xf32>
    %dot_general3A_125 = tpu.matmul %get3A_120, %get3A_123, %dot_general3A_124 {dimension_numbers = #tpu.dot_dimension_numbers<[1], [0], [0], [1], [0, 0, 1, 1], [], []>, transpose_lhs_hint = false} : vector<1000x128xf32>, vector<128x256xf32>, vector<1000x256xf32> -> vector<1000x256xf32>
    %add3A_126 = arith.addf %dot_general3A_117, %dot_general3A_125 : vector<1000x256xf32>
    %get3A_127 = arith.constant 0 : index
    %get3A_128 = arith.constant 0 : index
    %get3A_129 = vector.load %arg12[%get3A_127, %get3A_128] : memref<1000x128xf32, #tpu.memory_space<vmem>>, vector<1000x1xf32>
    %get3A_130 = arith.constant 0 : index
    %get3A_131 = arith.constant 0 : index
    %get3A_132 = vector.load %arg13[%get3A_130, %get3A_131] : memref<1000x128xf32, #tpu.memory_space<vmem>>, vector<1000x1xf32>
    %add3A_133 = arith.addf %get3A_129, %get3A_132 : vector<1000x1xf32>
    %max3A_134 = arith.constant 1.000000e+00 : f32
    %max3A_135 = vector.broadcast %max3A_134 : f32 to vector<1000x1xf32>
    %max3A_136 = arith.maximumf %add3A_133, %max3A_135 : vector<1000x1xf32>
    %div3A_137 = arith.constant 1.000000e+00 : f32
    %div3A_138 = vector.broadcast %div3A_137 : f32 to vector<1000x1xf32>
    %div3A_139 = arith.divf %div3A_138, %max3A_136 : vector<1000x1xf32>
    %min3A_140 = arith.constant 1.000000e+00 : f32
    %min3A_141 = vector.broadcast %min3A_140 : f32 to vector<1000x1xf32>
    %min3A_142 = arith.minimumf %add3A_133, %min3A_141 : vector<1000x1xf32>
    %mul3A_143 = vector.broadcast %div3A_139 : vector<1000x1xf32> to vector<1000x256xf32>
    %mul3A_144 = arith.mulf %add3A_126, %mul3A_143 : vector<1000x256xf32>
    %slice3A_145 = vector.extract_strided_slice %dot_general3A_5 {offsets = [0, 512], sizes = [1000, 256], strides = [1, 1]} : vector<1000x768xf32> to vector<1000x256xf32>
    %get3A_146 = arith.constant 2 : index
    %get3A_147 = arith.constant 0 : index
    %get3A_148 = vector.load %arg22[%get3A_146, %get3A_147] : memref<8x256xf32, #tpu.memory_space<vmem>>, vector<1x256xf32>
    %add3A_149 = vector.broadcast %get3A_148 : vector<1x256xf32> to vector<1000x256xf32>
    %add3A_150 = arith.addf %slice3A_145, %add3A_149 : vector<1000x256xf32>
    %mul3A_151 = vector.broadcast %min3A_142 : vector<1000x1xf32> to vector<1000x256xf32>
    %mul3A_152 = arith.mulf %mul3A_151, %add3A_150 : vector<1000x256xf32>
    %add3A_153 = arith.addf %mul3A_144, %mul3A_152 : vector<1000x256xf32>
    %get3A_154 = arith.constant 768 : index
    %get3A_155 = arith.constant 0 : index
    %get3A_156 = vector.load %arg21[%get3A_154, %get3A_155] : memref<1024x256xf32, #tpu.memory_space<vmem>>, vector<256x256xf32>
    %dot_general3A_157 = arith.constant dense<0.000000e+00> : vector<1000x256xf32>
    %dot_general3A_158 = tpu.matmul %add3A_153, %get3A_156, %dot_general3A_157 {dimension_numbers = #tpu.dot_dimension_numbers<[1], [0], [0], [1], [0, 0, 1, 1], [], []>, transpose_lhs_hint = false} : vector<1000x256xf32>, vector<256x256xf32>, vector<1000x256xf32> -> vector<1000x256xf32>
    %add3A_159 = arith.addf %add3A_109, %dot_general3A_158 : vector<1000x256xf32>
    %max3A_160 = arith.constant 0.000000e+00 : f32
    %max3A_161 = vector.broadcast %max3A_160 : f32 to vector<1000x256xf32>
    %max3A_162 = arith.maximumf %add3A_159, %max3A_161 : vector<1000x256xf32>
    %swap3A = arith.constant 0 : index
    %swap3A_163 = arith.constant 0 : index
    %swap3A_164 = vector.load %arg23[%swap3A, %swap3A_163] : memref<1000x256xf32, #tpu.memory_space<vmem>>, vector<1000x256xf32>
    tpu.vector_store %arg23[%swap3A, %swap3A_163], %max3A_162 {strides = array<i32>} : memref<1000x256xf32, #tpu.memory_space<vmem>>, vector<1000x256xf32>,
    return
  }
  func.func @transform_0(%arg0: i32) -> (i32, i32) {
    %c0_i32 = arith.constant 0 : i32
    %c0_i32_0 = arith.constant 0 : i32
    return %arg0, %c0_i32 : i32, i32
  }
  func.func @transform_1(%arg0: i32) -> (i32, i32) {
    %c0_i32 = arith.constant 0 : i32
    %c0_i32_0 = arith.constant 0 : i32
    return %arg0, %c0_i32 : i32, i32
  }
  func.func @transform_2(%arg0: i32) -> (i32, i32) {
    %c0_i32 = arith.constant 0 : i32
    %c0_i32_0 = arith.constant 0 : i32
    return %arg0, %c0_i32 : i32, i32
  }
  func.func @transform_3(%arg0: i32) -> (i32, i32) {
    %c0_i32 = arith.constant 0 : i32
    %c0_i32_0 = arith.constant 0 : i32
    return %arg0, %c0_i32 : i32, i32
  }
  func.func @transform_4(%arg0: i32) -> (i32, i32) {
    %c0_i32 = arith.constant 0 : i32
    %c0_i32_0 = arith.constant 0 : i32
    return %arg0, %c0_i32 : i32, i32
  }
  func.func @transform_5(%arg0: i32) -> (i32, i32) {
    %c0_i32 = arith.constant 0 : i32
    %c0_i32_0 = arith.constant 0 : i32
    return %arg0, %c0_i32 : i32, i32
  }
  func.func @transform_6(%arg0: i32) -> (i32, i32) {
    %c0_i32 = arith.constant 0 : i32
    %c0_i32_0 = arith.constant 0 : i32
    return %arg0, %c0_i32 : i32, i32
  }
  func.func @transform_7(%arg0: i32) -> (i32, i32) {
    %c0_i32 = arith.constant 0 : i32
    %c0_i32_0 = arith.constant 0 : i32
    return %arg0, %c0_i32 : i32, i32
  }
  func.func @transform_8(%arg0: i32) -> (i32, i32) {
    %c0_i32 = arith.constant 0 : i32
    %c0_i32_0 = arith.constant 0 : i32
    return %arg0, %c0_i32 : i32, i32
  }
  func.func @transform_9(%arg0: i32) -> (i32, i32) {
    %c0_i32 = arith.constant 0 : i32
    %c0_i32_0 = arith.constant 0 : i32
    return %arg0, %c0_i32 : i32, i32
  }
  func.func @transform_10(%arg0: i32) -> (i32, i32) {
    %c0_i32 = arith.constant 0 : i32
    %c0_i32_0 = arith.constant 0 : i32
    return %arg0, %c0_i32 : i32, i32
  }
  func.func @transform_11(%arg0: i32) -> (i32, i32) {
    %c0_i32 = arith.constant 0 : i32
    %c0_i32_0 = arith.constant 0 : i32
    return %arg0, %c0_i32 : i32, i32
  }
  func.func @transform_12(%arg0: i32) -> (i32, i32) {
    %c0_i32 = arith.constant 0 : i32
    %c0_i32_0 = arith.constant 0 : i32
    return %arg0, %c0_i32 : i32, i32
  }
  func.func @transform_13(%arg0: i32) -> (i32, i32) {
    %c0_i32 = arith.constant 0 : i32
    %c0_i32_0 = arith.constant 0 : i32
    %c0_i32_1 = arith.constant 0 : i32
    return %c0_i32, %c0_i32_0 : i32, i32
  }
  func.func @transform_14(%arg0: i32) -> (i32, i32) {
    %c0_i32 = arith.constant 0 : i32
    %c0_i32_0 = arith.constant 0 : i32
    %c0_i32_1 = arith.constant 0 : i32
    return %c0_i32, %c0_i32_0 : i32, i32
  }
  func.func @transform_15(%arg0: i32) -> (i32, i32) {
    %c0_i32 = arith.constant 0 : i32
    %c0_i32_0 = arith.constant 0 : i32
    %c0_i32_1 = arith.constant 0 : i32
    return %c0_i32, %c0_i32_0 : i32, i32
  }
  func.func @transform_16(%arg0: i32) -> (i32, i32) {
    %c0_i32 = arith.constant 0 : i32
    %c0_i32_0 = arith.constant 0 : i32
    %c0_i32_1 = arith.constant 0 : i32
    return %c0_i32, %c0_i32_0 : i32, i32
  }
  func.func @transform_17(%arg0: i32) -> (i32, i32) {
    %c0_i32 = arith.constant 0 : i32
    %c0_i32_0 = arith.constant 0 : i32
    %c0_i32_1 = arith.constant 0 : i32
    return %c0_i32, %c0_i32_0 : i32, i32
  }
  func.func @transform_18(%arg0: i32) -> (i32, i32) {
    %c0_i32 = arith.constant 0 : i32
    %c0_i32_0 = arith.constant 0 : i32
    %c0_i32_1 = arith.constant 0 : i32
    return %c0_i32, %c0_i32_0 : i32, i32
  }
  func.func @transform_19(%arg0: i32) -> (i32, i32) {
    %c0_i32 = arith.constant 0 : i32
    %c0_i32_0 = arith.constant 0 : i32
    %c0_i32_1 = arith.constant 0 : i32
    return %c0_i32, %c0_i32_0 : i32, i32
  }
  func.func @transform_20(%arg0: i32) -> (i32, i32) {
    %c0_i32 = arith.constant 0 : i32
    %c0_i32_0 = arith.constant 0 : i32
    %c0_i32_1 = arith.constant 0 : i32
    return %c0_i32, %c0_i32_0 : i32, i32
  }
  func.func @transform_21(%arg0: i32) -> (i32, i32) {
    %c0_i32 = arith.constant 0 : i32
    %c0_i32_0 = arith.constant 0 : i32
    %c0_i32_1 = arith.constant 0 : i32
    return %c0_i32, %c0_i32_0 : i32, i32
  }
  func.func @transform_22(%arg0: i32) -> (i32, i32) {
    %c0_i32 = arith.constant 0 : i32
    %c0_i32_0 = arith.constant 0 : i32
    return %arg0, %c0_i32 : i32, i32
  }
}

</mosaic_0001>

<sc_bundles>
// kernel: kernel.4.cloned.1.call-start
scs
__scs_entry_jumppad:
0x0: {  	(pc) =	sbr.rel $0x88, $3  }
0x1: {  	(tag) =	ssettag $0x0;
	lr =	simm.s32 $0x1  }
0x2: {  	[smem:$0x3F95] =	sst lr;
	_ =	strace $0xD0000000  }
0x3: {  	_ = 	snop  }
0x4: {  	_ = 	snop  }
0x5: {  	_ = 	snop  }
0x6: {  	_ = 	snop  }
0x7: {  	_ = 	snop  }
__scs_overlays_trampoline_lowered:
0x8: {  	[smem:$0x3FA4] =	sst s0  }
0x9: {  	[smem:$0x3FA5] =	sst s1  }
0xa: {  	[smem:$0x3FA6] =	sst s2  }
0xb: {  	[smem:$0x3FA7] =	sst s3  }
0xc: {  	[smem:$0x3FA8] =	sst s4  }
0xd: {  	[smem:$0x3FA9] =	sst s5  }
0xe: {  	[smem:$0x3FAA] =	sst s6  }
0xf: {  	[smem:$0x3FAB] =	sst s7  }
0x10: {  	[smem:$0x3FAC] =	sst s8  }
0x11: {  	[smem:$0x3FAD] =	sst s9;
	s0 =	simm.s32 @!p0 $0x0  }
0x12: {  	s1 =	sld [smem:$0x3F93];
	s0 =	simm.s32 @p0 $0x1  }
0x13: {  	[smem:$0x3FAE] =	sst s0;
	s0 =	simm.s32 @!p1 $0x0  }
0x14: {  	s2 =	sld [smem:$0x3F92];
	s0 =	simm.s32 @p1 $0x1  }
0x15: {  	[smem:$0x3FAF] =	sst s0;
	s0 =	simm.s32 @!p2 $0x0  }
0x16: {  	s3 =	sld [smem:$0x3FDB];
	s0 =	simm.s32 @p2 $0x1  }
0x17: {  	s4 =	simm.s32 $0x1BF5;
	[smem:$0x3FB1] =	sst s0  }
0x18: {  	s0 =	sld [smem:$0x3F94];
	_ =	swait.ge [sflag:s4], $0x0  }
0x19: {  	s7 =	sld [smem:$0x3F95]  }
0x1a: {  	s8 =	sadd.s32 $0xFFFFE003, lr  }
0x1b: {  	s9 =	sadd.s32 $0xFFFFFEF7, lr;
	s5 =	simm.s32 $0xFFFFFFFF;
	p2 =	slt.u32 s8, $0xFFFFF086  }
0x1c: {  	p1 =	slt.u32 s9, $0xF7A;
	s5 =	simm.s32 @!p2 $0x0  }
0x1d: {  	s5 =	simm.s32 @p1 $0x1;
	p0 =	seq.s32 s7, s2  }
0x1e: {  	s7 =	smul.u32 @!p0 $0xF7A, s2;
	p2 =	seq.s32 @!p0 s5, $0x0  }
0x1f: {  	s9 =	smul.u32 $0xF7A, s1;
	s8 =	simm.s32 @!p0 $0x1BF5;
	p2 =	por !p2, p0  }
0x20: {  	[sflag:s8] =	ssyncset.s32 @!p0 $0xFFFFF086;
	s6 =	sadd.s32 @!p0 s3, s7;
	s7 =	simm.s32 @!p0 $0x108  }
0x21: {  	s3 =	sadd.s32 s3, s9;
	s6 =	sadd.s32 @!p0 $0x88, s6;
	s7 =	simm.s32 @p2 $0x1082  }
0x22: {  	[simem:s7], [sflag:s8] =	dma.local @!p0 [hbm:s6], $0xF7A  }
0x23: {  	s9 =	sor.u32 $0xD0000000, s2;
	s6 =	simm.s32 $0x108;
	_ =	swait.ge @!p0 [sflag:s8], $0x0  }
0x24: {  	s3 =	sadd.s32 $0x88, s3;
	s6 =	simm.s32 @!p1 $0x1082;
	[sflag:s4] =	ssyncset.s32 $0xFFFFF086  }
0x25: {  	[simem:s6], [sflag:s4] =	dma.local [hbm:s3], $0xF7A  }
0x26: {  	[smem:$0x3F95] =	sst s1;
	(tag) =	ssettag s2;
	_ =	strace s9  }
0x27: {  	s1 =	sld [smem:$0x3FA5]  }
0x28: {  	s2 =	sld [smem:$0x3FA6]  }
0x29: {  	s4 =	sld [smem:$0x3FA8]  }
0x2a: {  	p0 =	seq.s32 s5, $0x0;
	s5 =	sld [smem:$0x3FA9]  }
0x2b: {  	s6 =	sld [smem:$0x3FAA]  }
0x2c: {  	s7 =	sld [smem:$0x3FAB]  }
0x2d: {  	s3 =	simm.s32 $0x108;
	s8 =	sld [smem:$0x3FAC]  }
0x2e: {  	s3 =	simm.s32 @!p0 $0x1082;
	s9 =	sld [smem:$0x3FAD]  }
0x2f: {  	lr =	sadd.s32 s0, s3;
	s0 =	sld [smem:$0x3FA4]  }
0x30: {  	s3 =	sld [smem:$0x3FA7]  }
0x31: {  	[smem:$0x3FB0] =	sst s10  }
0x32: {  	s10 =	sld [smem:$0x3FAE];
	_ =	sdelay $0x3  }
0x33: {  	p0 =	seq.s32 s10, $0x1;
	s10 =	sld [smem:$0x3FB0];
	_ =	sdelay $0x3  }
0x34: {  	[smem:$0x3FB0] =	sst s10  }
0x35: {  	s10 =	sld [smem:$0x3FAF];
	_ =	sdelay $0x3  }
0x36: {  	p1 =	seq.s32 s10, $0x1;
	s10 =	sld [smem:$0x3FB0];
	_ =	sdelay $0x3  }
0x37: {  	[smem:$0x3FB0] =	sst s10  }
0x38: {  	s10 =	sld [smem:$0x3FB1]  }
0x39: {  	_ = 	snop;
	(pc) =	sbr.ind lr, $3  }
0x3a: {  	_ = 	snop  }
0x3b: {  	_ = 	snop  }
0x3c: {  	p2 =	seq.s32 s10, $0x1;
	s10 =	sld [smem:$0x3FB0]  }
0x3d: {  	_ =	shalt  }
0x3e: {  	_ =	shalt  }
0x3f: {  	_ =	shalt  }
0x40: {  	_ =	shalt  }
0x41: {  	_ =	shalt  }
0x42: {  	_ =	shalt  }
0x43: {  	_ =	shalt  }
0x44: {  	_ =	shalt  }
0x45: {  	_ =	shalt  }
0x46: {  	_ =	shalt  }
0x47: {  	_ =	shalt  }
0x48: {  	_ =	shalt  }
0x49: {  	_ =	shalt  }
0x4a: {  	_ =	shalt  }
0x4b: {  	_ =	shalt  }
0x4c: {  	_ =	shalt  }
0x4d: {  	_ =	shalt  }
0x4e: {  	_ =	shalt  }
0x4f: {  	_ =	shalt  }
0x50: {  	_ =	shalt  }
0x51: {  	_ =	shalt  }
0x52: {  	_ =	shalt  }
0x53: {  	_ =	shalt  }
0x54: {  	_ =	shalt  }
0x55: {  	_ =	shalt  }
0x56: {  	_ =	shalt  }
0x57: {  	_ =	shalt  }
0x58: {  	_ =	shalt  }
0x59: {  	_ =	shalt  }
0x5a: {  	_ =	shalt  }
0x5b: {  	_ =	shalt  }
0x5c: {  	_ =	shalt  }
0x5d: {  	_ =	shalt  }
0x5e: {  	_ =	shalt  }
0x5f: {  	_ =	shalt  }
0x60: {  	_ =	shalt  }
0x61: {  	_ =	shalt  }
0x62: {  	_ =	shalt  }
0x63: {  	_ =	shalt  }
0x64: {  	_ =	shalt  }
0x65: {  	_ =	shalt  }
0x66: {  	_ =	shalt  }
0x67: {  	_ =	shalt  }
0x68: {  	_ =	shalt  }
0x69: {  	_ =	shalt  }
0x6a: {  	_ =	shalt  }
0x6b: {  	_ =	shalt  }
0x6c: {  	_ =	shalt  }
0x6d: {  	_ =	shalt  }
0x6e: {  	_ =	shalt  }
0x6f: {  	_ =	shalt  }
0x70: {  	_ =	shalt  }
0x71: {  	_ =	shalt  }
0x72: {  	_ =	shalt  }
0x73: {  	_ =	shalt  }
0x74: {  	_ =	shalt  }
0x75: {  	_ =	shalt  }
0x76: {  	_ =	shalt  }
0x77: {  	_ =	shalt  }
0x78: {  	_ =	shalt  }
0x79: {  	_ =	shalt  }
0x7a: {  	_ =	shalt  }
0x7b: {  	_ =	shalt  }
0x7c: {  	_ =	shalt  }
0x7d: {  	_ =	shalt  }
0x7e: {  	_ =	shalt  }
0x7f: {  	_ =	shalt  }
0x80: {  	_ =	shalt  }
0x81: {  	_ =	shalt  }
0x82: {  	_ =	shalt  }
0x83: {  	_ =	shalt  }
0x84: {  	_ =	shalt  }
0x85: {  	_ =	shalt  }
0x86: {  	_ =	shalt  }
0x87: {  	_ =	shalt  }
.Lfunc_end0:
.L_simem_size_0:
called_computation_lowered:
.L_overlay_start_0:
0x88: {  	s2 =	sld [smem:$0x3FD9]  }
0x89: {  	s3 =	sld [smem:$0x3FFE];
	_ =	sdelay $0x1  }
0x8a: {  	s1 =	srdreg.scid  }
0x8b: {  	s0 =	sand.u32 $0x1, s1  }
0x8c: {  	s17 =	sshll.u32 s0, $0xA;
	s2 =	sadd.s32 s3, s2  }
0x8d: {  	s2 =	sadd.s32 s2, s17  }
0x8e: {  	[smem:$0x3FBC] =	sst s2  }
0x8f: {  	_ = 	snop  }
0x90: {  	s2 =	sld [smem:$0x3FD0];
	(tm) =	ssettm $0x1  }
0x91: {  	s18 =	sld [smem:$0x3FFB];
	_ =	sdelay $0x3  }
0x92: {  	_ =	strace s18  }
0x93: {  	s3 =	sld [smem:$0x3FFC];
	_ =	sdelay $0x3  }
0x94: {  	_ =	strace s3  }
0x95: {  	s3 =	sld [smem:$0x3FFD];
	_ =	sdelay $0x3  }
0x96: {  	_ =	strace s3  }
0x97: {  	_ =	strace $0x8FFFFFFF  }
0x98: {  	s19 =	sld [smem:$0x3FDB];
	_ =	sdelay $0x1  }
0x99: {  	s4 =	simm.s32 $_scs_section_size  }
0x9a: {  	s5 =	simm.s32 $_size__tile_overlayer_lowered;
	s6 =	simm.s32 $_tile_overlayer_lowered  }
0x9b: {  	s22 =	simm.s32 $0x1BFF;
	s21 =	sshll.u32 s6, $0x1;
	s3 =	sadd.s32 s4, s19  }
0x9c: {  	s7 =	simm.s32 $0x0;
	s20 =	sshll.u32 s5, $0x1;
	s5 =	sadd.s32 s21, s3  }
0x9d: {  	[timem:s7], [sflag:s22] =	dma.local [hbm:s5], s20  }
0x9e: {  	_ =	swait.ge [sflag:s22], s20  }
0x9f: {  	s4 =	ssub.s32 $0x0, s20;
	[sflag:s22] =	ssyncset.done $0x0  }
0xa0: {  	[sflag:s22] =	ssyncadd.s32 s4;
	_ =	sdelay $0x1  }
0xa1: {  	s23 =	simm.s32 $0x1B8B  }
0xa2: {  	_ =	swait.ge [sflag:s23], $0x1  }
0xa3: {  	[sflag:s23] =	ssyncset.done $0x0  }
0xa4: {  	s25 =	simm.s32 $0x1B8E;
	s24 =	sld [smem:$0x3FFE];
	[sflag:s23] =	ssyncadd.s32 $0xFFFFFFFF  }
0xa5: {  	s26 =	simm.s32 $execute0_lowered;
	[smem:$0x3FD2] =	sst s25  }
0xa6: {  	s5 =	sshll.u32 s26, $0x1;
	_ =	strace $0x80000046;
	[dreg:$0x1] =	wrdreg $0xFFFFFFFF  }
0xa7: {  	s28 =	simm.s32 $_size_execute0_lowered;
	s3 =	sadd.s32 s3, s5;
	[dreg:$0x0] =	wrdreg $0x0  }
0xa8: {  	s5 =	sshll.u32 s28, $0x1;
	[dreg:$0x2] =	wrdreg s3  }
0xa9: {  	[dreg:$0x3] =	wrdreg s5  }
0xaa: {  	[dreg:$0x4] =	wrdreg $0xC0  }
0xab: {  	_ =	task [dreg:s7], $0x5FFFF  }
0xac: {  	[dreg:$0x1] =	wrdreg $0xFFFFFFFF  }
0xad: {  	[dreg:$0x0] =	wrdreg $0x60  }
0xae: {  	[dreg:$0x2] =	wrdreg s24  }
0xaf: {  	[dreg:$0x3] =	wrdreg s2  }
0xb0: {  	[dreg:$0x4] =	wrdreg $0xA8000  }
0xb1: {  	[dreg:$0x5] =	wrdreg $0x9  }
0xb2: {  	_ =	task.clear_ibuf [dreg:s7], $0x6FFFF;
	_ =	strace $0x90000046  }
0xb3: {  	s29 =	simm.s32 $0x9;
	_ =	strace $0x80000048  }
0xb4: {  	_ =	swait.ge [sflag:s29], $0x1  }
0xb5: {  	[sflag:s29] =	ssyncadd.s32 $0xFFFFFFFF  }
0xb6: {  	_ =	strace $0x90000048  }
0xb7: {  	_ =	sfence  }
0xb8: {  	s30 =	sld [smem:$0x0];
	_ =	sdelay $0x2  }
0xb9: {  	s31 =	sshll.u32 s1, $0xD;
	s1 =	sshrl.u32 s1, $0x2  }
0xba: {  	s3 =	sand.u32 $0x4000, s31;
	s1 =	sadd.s32 s1, s30  }
0xbb: {  	s0 =	sor.u32 s3, s0;
	s1 =	sshll.u32 s1, $0x11  }
0xbc: {  	s0 =	sor.u32 s1, s0  }
0xbd: {  	s0 =	sadd.s32 $0x8F2B, s0  }
0xbe: {  	[sflag:s0] =	ssyncadd.remote.s32 $0x1  }
0xbf: {  	_ =	sfence.sel $0xFFFF  }
0xc0: {  	[dreg:$0x0] =	wrdreg $0xFFFFFFFF;
	(pc) =	sbr.abs _section_cstart, $3  }
0xc1: {  	[dreg:$0x1] =	wrdreg $0xFFFFFFFF  }
0xc2: {  	_ =	task.clear_ibuf [dreg:s7], $0x2FFFF;
	_ =	strace $0x9FFFFFFF  }
0xc3: {  	(tm) =	ssettm $0x7FFFFFFF  }
tec
execute0_lowered:
.L_overlay_start_1:
0x0: {  	(tag) =	ssettag $0x1  }
0x1: {  	s0 =	rddreg [dreg:$0x0]  }
0x2: {  	s2 =	rddreg [dreg:$0x2];
	s3 =	simm.s32 $0x0;
	s4 =	srdreg.scid  }
0x3: {  	s20 =	stileid.u32;
	[smem:$0x7FF] =	sst s3  }
0x4: {  	s1 =	sadd.s32 $0x59C00, s0;
	s5 =	sadd.s32 $0x63C00, s0;
	s4 =	sand.u32 $0x1, s4  }
0x5: {  	s7 =	sadd.s32 $0x1800, s0;
	s8 =	sadd.s32 $0x72C00, s0;
	s9 =	sadd.s32 $0x6800, s0  }
0x6: {  	s10 =	sadd.s32 $0x68C00, s0;
	s11 =	sadd.s32 $0x145400, s0;
	s13 =	smul.u32 $0x2800, s20  }
0x7: {  	s6 =	sshll.u32 s20, $0x1;
	s14 =	sadd.s32 $0x16CC00, s0;
	s15 =	sadd.s32 $0x194400, s0  }
0x8: {  	s21 =	sadd.s32 $0x1BBC00, s0;
	s17 =	sadd.s32 $0x32A00, s0;
	s29 =	smul.u32 $0x2780, s20  }
0x9: {  	_ =	strace $0x80000047;
	s6 =	sor.u32 s4, s6;
	p0 =	seq.s32 s4, $0x0  }
0xa: {  	s13 =	sshrl.u32 s13, $0x3;
	s21 =	smov.u32 @p0 s15;
	s15 =	sadd.s32 $0x7FC00, s0  }
0xb: {  	s12 =	ssub.s32 $0x2, s4;
	s18 =	sadd.s32 s1, s13;
	[dreg:$0x11] =	wrdreg s15  }
0xc: {  	s6 =	smul.u32 $0x280, s6;
	s19 =	sadd.s32 s5, s13;
	[dreg:$0x4] =	wrdreg s18  }
0xd: {  	s16 =	sshrl.u32 s12, $0x1;
	s24 =	sadd.s32 s7, s13;
	[dreg:$0x5] =	wrdreg s19  }
0xe: {  	s22 =	sadd.s32 $0x280, s13;
	s25 =	sadd.s32 s8, s13;
	[dreg:$0x8] =	wrdreg s24  }
0xf: {  	s14 =	smov.u32 @p0 s11;
	s1 =	sadd.s32 s1, s22;
	[dreg:$0x9] =	wrdreg s25  }
0x10: {  	s12 =	ssub.s32 s12, s16;
	s23 =	sadd.s32 s5, s22;
	[dreg:$0x6] =	wrdreg s1  }
0x11: {  	s16 =	smul.u32 $0x4F000, s20;
	s26 =	sadd.s32 s7, s22;
	[dreg:$0x7] =	wrdreg s23  }
0x12: {  	s21 =	sadd.s32 s21, s29;
	s5 =	sadd.s32 s8, s22;
	[dreg:$0xa] =	wrdreg s26  }
0x13: {  	s7 =	sadd.s32 s9, s13;
	s8 =	sadd.s32 s10, s13;
	[dreg:$0xb] =	wrdreg s5  }
0x14: {  	s9 =	sadd.s32 s9, s22;
	s10 =	sadd.s32 s10, s22;
	[dreg:$0xc] =	wrdreg s7  }
0x15: {  	s18 =	sadd.s32 $0xB800, s0;
	s11 =	sadd.s32 s6, s0;
	[dreg:$0xd] =	wrdreg s8  }
0x16: {  	s19 =	sadd.s32 $0x7CC00, s0;
	s13 =	sadd.s32 $0x7F400, s0;
	[dreg:$0xe] =	wrdreg s9  }
0x17: {  	s22 =	sadd.s32 $0xA7400, s0;
	s24 =	sadd.s32 $0xF6400, s0;
	[dreg:$0xf] =	wrdreg s10  }
0x18: {  	s6 =	simm.s32 $0x6800;
	s1 =	sadd.s32 $0x1E3400, s0;
	[dreg:$0x10] =	wrdreg s13  }
0x19: {  	s5 =	sadd.s32 $0x20AC00, s0;
	[dreg:$0x12] =	wrdreg s22;
	s23 =	sadd.s32 $0xCEC00, s0  }
0x1a: {  	[dreg:$0x14] =	wrdreg s24;
	s0 =	sadd.s32 $0x11DC00, s0;
	s25 =	sshrl.u32 s16, $0x2  }
0x1b: {  	s26 =	sshll.u32 s20, $0x6;
	s30 =	sadd.s32 $0x5EC00, s11;
	s31 =	sadd.s32 $0x77C00, s11  }
0x1c: {  	s24 =	simm.s32 $0x1400;
	s7 =	simm.s32 $0x1;
	s8 =	simm.s32 $0x2  }
0x1d: {  	s9 =	simm.s32 $0x1380;
	s10 =	simm.s32 $0x2700;
	[dreg:$0x13] =	wrdreg s23  }
0x1e: {  	s5 =	smov.u32 @p0 s1;
	p0 =	sne.s32 s4, $0x0;
	[dreg:$0x15] =	wrdreg s0  }
0x1f: {  	s0 =	sadd.s32 s25, s2;
	s28 =	sor.u32 $0x1C03, s26;
	s4 =	smax.u32 s12, $0x1  }
0x20: {  	s1 =	sadd.s32 s14, s29;
	s23 =	simm.s32 $0x3;
	s25 =	simm.s32 $0x80  }
0x21: {  	s12 =	simm.s32 $0x0;
	[dreg:$0x16] =	wrdreg s0;
	s0 =	sadd.s32 $0x6DC00, s11  }
0x22: {  	s22 =	sadd.s32 s5, s29;
	s5 =	simm.s32 $0x2800;
	s11 =	simm.s32 $0x2780  }
.LBB2_1:
0x23: {  	s13 =	rddreg [dreg:$0x16]  }
0x24: {  	s13 =	sshrl.u32 s13, $0x3  }
0x25: {  	[spmem:s13], [sflag:s28] =	dma.local [hbm:s19], $0x2780  }
0x26: {  	_ =	swait.ge [sflag:s23], $0x2780  }
0x27: {  	[sflag:s23] =	ssyncset.done $0x0  }
0x28: {  	[sflag:s23] =	ssyncadd.s32 $0xFFFFD880  }
0x29: {  	[bflag:$0x0] =	sbarrier.arrive $0xFFFF  }
0x2a: {  	s14 =	rddreg [dreg:$0x4]  }
0x2b: {  	[tilespmem:s3], [sflag:$0x3] =	stream.linear.gather [hbm4b:s14+s3], $0x1400, $0x38;
	[tilespmem:$0x1E400] =	vst v63  }
0x2c: {  	_ =	swait.ge [sflag:s23], $0x1400  }
0x2d: {  	[sflag:s23] =	ssyncset.done $0x0  }
.Ltmp0:
0x2e: {  	s26 =	rddreg [dreg:$0x5];
	[sflag:s23] =	ssyncadd.s32 $0xFFFFEC00;
	(pc) =	sbr.rel @p0 .LBB2_7-.Ltmp0, $4  }
0x2f: {  	[tilespmem:s24], [sflag:$0x3] =	stream.linear.gather [hbm4b:s26+s3], $0x1400, $0x38;
	[tilespmem:$0x1E400] =	vst v63  }
0x30: {  	_ =	swait.ge [sflag:s23], $0x1400  }
0x31: {  	[sflag:s23] =	ssyncset.done $0x0  }
0x32: {  	s14 =	simm.s32 $0x0;
	[sflag:s23] =	ssyncadd.s32 $0xFFFFEC00  }
0x33: {  	[tilespmem:s5], [sflag:$0x1] =	stream.indirect.gather [hbm4b:s17+s25], $0x80, s14, s25, $0xb8;
	[tilespmem:$0x1E400] =	vst v63  }
0x34: {  	s15 =	simm.s32 $0x80  }
0x35: {  	[tilespmem:s6], [sflag:$0x2] =	stream.indirect.gather [hbm4b:s17+s25], $0x80, s15, s25, $0xb8;
	[tilespmem:$0x1E400] =	vst v63  }
0x36: {  	_ =	swait.ge [sflag:s7], $0x4000  }
0x37: {  	[sflag:s7] =	ssyncset.done $0x0  }
0x38: {  	s16 =	simm.s32 $0x1400;
	[sflag:s7] =	ssyncadd.s32 $0xFFFFC000  }
0x39: {  	[spmem:s2] =	stream.indirect.scatter.add.f32 [tilespmem:s5], [sflag:$0x3], $0x80, s16, s25, $0xb8;
	[tilespmem:$0x1E400] =	vst v63  }
0x3a: {  	_ =	swait.ge [sflag:s23], $0x4000  }
0x3b: {  	[sflag:s23] =	ssyncset.done $0x0  }
0x3c: {  	s20 =	simm.s32 $0x100;
	[sflag:s23] =	ssyncadd.s32 $0xFFFFC000  }
0x3d: {  	[tilespmem:s5], [sflag:$0x1] =	stream.indirect.gather [hbm4b:s17+s25], $0x80, s20, s25, $0xb8;
	[tilespmem:$0x1E400] =	vst v63  }
0x3e: {  	_ =	swait.ge [sflag:s8], $0x4000  }
0x3f: {  	[sflag:s8] =	ssyncset.done $0x0  }
0x40: {  	s26 =	simm.s32 $0x1480;
	[sflag:s8] =	ssyncadd.s32 $0xFFFFC000  }
0x41: {  	[spmem:s2] =	stream.indirect.scatter.add.f32 [tilespmem:s6], [sflag:$0x3], $0x80, s26, s25, $0xb8;
	[tilespmem:$0x1E400] =	vst v63  }
0x42: {  	_ =	swait.ge [sflag:s23], $0x4000  }
0x43: {  	s14 =	simm.s32 $0x100;
	s15 =	simm.s32 $0x800;
	[sflag:s23] =	ssyncset.done $0x0  }
.LBB2_3:
0x44: {  	s16 =	sadd.s32 $0x80, s14  }
0x45: {  	[sflag:s23] =	ssyncadd.s32 $0xFFFFC000;
	s20 =	smov.u32 s15;
	s26 =	sadd.s32 $0x400, s15  }
0x46: {  	[tilespmem:s6], [sflag:$0x2] =	stream.indirect.gather [hbm4b:s17+s25], $0x80, s16, s25, $0xb8;
	[tilespmem:$0x1E400] =	vst v63  }
0x47: {  	p1 =	sne.s32 s15, $0x4800;
	_ =	swait.ge [sflag:s7], $0x4000  }
0x48: {  	[sflag:s7] =	ssyncset.done $0x0  }
0x49: {  	s15 =	sadd.s32 $0x1400, s14;
	[sflag:s7] =	ssyncadd.s32 $0xFFFFC000  }
0x4a: {  	[spmem:s2] =	stream.indirect.scatter.add.f32 [tilespmem:s5], [sflag:$0x3], $0x80, s15, s25, $0xb8;
	[tilespmem:$0x1E400] =	vst v63  }
0x4b: {  	_ =	swait.ge [sflag:s23], $0x4000  }
0x4c: {  	[sflag:s23] =	ssyncset.done $0x0  }
0x4d: {  	s15 =	sadd.s32 $0x100, s14;
	[sflag:s23] =	ssyncadd.s32 $0xFFFFC000  }
0x4e: {  	[tilespmem:s5], [sflag:$0x1] =	stream.indirect.gather [hbm4b:s17+s25], $0x80, s15, s25, $0xb8;
	[tilespmem:$0x1E400] =	vst v63  }
0x4f: {  	_ =	swait.ge [sflag:s8], $0x4000  }
.Ltmp1:
0x50: {  	[sflag:s8] =	ssyncset.done $0x0;
	(pc) =	sbr.rel @p1 .LBB2_3-.Ltmp1, $4  }
0x51: {  	s14 =	sadd.s32 $0x1480, s14;
	[sflag:s8] =	ssyncadd.s32 $0xFFFFC000  }
0x52: {  	[spmem:s2] =	stream.indirect.scatter.add.f32 [tilespmem:s6], [sflag:$0x3], $0x80, s14, s25, $0xb8;
	[tilespmem:$0x1E400] =	vst v63  }
0x53: {  	_ =	swait.ge [sflag:s23], $0x4000  }
0x54: {  	s15 =	smov.u32 s26;
	s14 =	sshra.s32 s20, $0x2;
	[sflag:s23] =	ssyncset.done $0x0  }
0x55: {  	s15 =	sadd.s32 $0x80, s14;
	[sflag:s23] =	ssyncadd.s32 $0xFFFFC000  }
0x56: {  	[tilespmem:s6], [sflag:$0x2] =	stream.indirect.gather [hbm4b:s17+s25], $0x80, s15, s25, $0xb8;
	[tilespmem:$0x1E400] =	vst v63  }
0x57: {  	_ =	swait.ge [sflag:s7], $0x4000  }
0x58: {  	[sflag:s7] =	ssyncset.done $0x0  }
0x59: {  	s20 =	sadd.s32 $0x1400, s14;
	[sflag:s7] =	ssyncadd.s32 $0xFFFFC000  }
0x5a: {  	[spmem:s2] =	stream.indirect.scatter.add.f32 [tilespmem:s5], [sflag:$0x3], $0x80, s20, s25, $0xb8;
	[tilespmem:$0x1E400] =	vst v63  }
0x5b: {  	_ =	swait.ge [sflag:s23], $0x4000  }
0x5c: {  	[sflag:s23] =	ssyncset.done $0x0  }
0x5d: {  	s26 =	sadd.s32 $0x100, s14;
	[sflag:s23] =	ssyncadd.s32 $0xFFFFC000  }
0x5e: {  	[tilespmem:s5], [sflag:$0x1] =	stream.indirect.gather [hbm4b:s17+s25], $0x80, s26, s25, $0xb8;
	[tilespmem:$0x1E400] =	vst v63  }
0x5f: {  	_ =	swait.ge [sflag:s8], $0x4000  }
0x60: {  	[sflag:s8] =	ssyncset.done $0x0  }
0x61: {  	s15 =	sadd.s32 $0x1480, s14;
	[sflag:s8] =	ssyncadd.s32 $0xFFFFC000  }
0x62: {  	[spmem:s2] =	stream.indirect.scatter.add.f32 [tilespmem:s6], [sflag:$0x3], $0x80, s15, s25, $0xb8;
	[tilespmem:$0x1E400] =	vst v63  }
0x63: {  	_ =	swait.ge [sflag:s23], $0x4000  }
0x64: {  	[sflag:s23] =	ssyncset.done $0x0  }
0x65: {  	[sflag:s23] =	ssyncadd.s32 $0xFFFFC000  }
0x66: {  	[tilespmem:s6], [sflag:$0x2] =	stream.indirect.gather [hbm4b:s17+s25], $0x80, s9, s25, $0xb8;
	[tilespmem:$0x1E400] =	vst v63  }
0x67: {  	_ =	swait.ge [sflag:s7], $0x4000  }
0x68: {  	[sflag:s7] =	ssyncset.done $0x0  }
0x69: {  	[sflag:s7] =	ssyncadd.s32 $0xFFFFC000  }
0x6a: {  	[spmem:s2] =	stream.indirect.scatter.add.f32 [tilespmem:s5], [sflag:$0x3], $0x80, s10, s25, $0xb8;
	[tilespmem:$0x1E400] =	vst v63  }
0x6b: {  	_ =	swait.ge [sflag:s23], $0x4000  }
0x6c: {  	[sflag:s23] =	ssyncset.done $0x0  }
0x6d: {  	[sflag:s23] =	ssyncadd.s32 $0xFFFFC000  }
0x6e: {  	_ =	swait.ge [sflag:s8], $0x4000  }
0x6f: {  	[sflag:s8] =	ssyncset.done $0x0  }
0x70: {  	[sflag:s8] =	ssyncadd.s32 $0xFFFFC000  }
0x71: {  	[spmem:s2] =	stream.indirect.scatter.add.f32 [tilespmem:s6], [sflag:$0x3], $0x80, s11, s25, $0xb8;
	[tilespmem:$0x1E400] =	vst v63  }
0x72: {  	_ =	swait.ge [sflag:s23], $0x4000  }
0x73: {  	[sflag:s23] =	ssyncset.done $0x0  }
0x74: {  	s16 =	simm.s32 $0x0;
	s20 =	rddreg [dreg:$0x6];
	[sflag:s23] =	ssyncadd.s32 $0xFFFFC000  }
0x75: {  	[tilespmem:s16], [sflag:$0x3] =	stream.linear.gather [hbm4b:s20+s16], $0x1400, $0x38;
	[tilespmem:$0x1E400] =	vst v63  }
0x76: {  	_ =	swait.ge [sflag:s23], $0x1400  }
0x77: {  	[sflag:s23] =	ssyncset.done $0x0  }
0x78: {  	s26 =	rddreg [dreg:$0x7];
	[sflag:s23] =	ssyncadd.s32 $0xFFFFEC00  }
0x79: {  	[tilespmem:s24], [sflag:$0x3] =	stream.linear.gather [hbm4b:s26+s16], $0x1400, $0x38;
	[tilespmem:$0x1E400] =	vst v63  }
0x7a: {  	_ =	swait.ge [sflag:s23], $0x1400  }
0x7b: {  	[sflag:s23] =	ssyncset.done $0x0  }
0x7c: {  	[sflag:s23] =	ssyncadd.s32 $0xFFFFEC00  }
0x7d: {  	[tilespmem:s5], [sflag:$0x1] =	stream.indirect.gather [hbm4b:s17+s25], $0x80, s16, s25, $0xb8;
	[tilespmem:$0x1E400] =	vst v63  }
0x7e: {  	s15 =	simm.s32 $0x80  }
0x7f: {  	[tilespmem:s6], [sflag:$0x2] =	stream.indirect.gather [hbm4b:s17+s25], $0x80, s15, s25, $0xb8;
	[tilespmem:$0x1E400] =	vst v63  }
0x80: {  	_ =	swait.ge [sflag:s7], $0x4000  }
0x81: {  	[sflag:s7] =	ssyncset.done $0x0  }
0x82: {  	s16 =	simm.s32 $0x1400;
	[sflag:s7] =	ssyncadd.s32 $0xFFFFC000  }
0x83: {  	[spmem:s2] =	stream.indirect.scatter.add.f32 [tilespmem:s5], [sflag:$0x3], $0x80, s16, s25, $0xb8;
	[tilespmem:$0x1E400] =	vst v63  }
0x84: {  	_ =	swait.ge [sflag:s23], $0x4000  }
0x85: {  	[sflag:s23] =	ssyncset.done $0x0  }
0x86: {  	s20 =	simm.s32 $0x100;
	[sflag:s23] =	ssyncadd.s32 $0xFFFFC000  }
0x87: {  	[tilespmem:s5], [sflag:$0x1] =	stream.indirect.gather [hbm4b:s17+s25], $0x80, s20, s25, $0xb8;
	[tilespmem:$0x1E400] =	vst v63  }
0x88: {  	_ =	swait.ge [sflag:s8], $0x4000  }
0x89: {  	[sflag:s8] =	ssyncset.done $0x0  }
0x8a: {  	s26 =	simm.s32 $0x1480;
	[sflag:s8] =	ssyncadd.s32 $0xFFFFC000  }
0x8b: {  	[spmem:s2] =	stream.indirect.scatter.add.f32 [tilespmem:s6], [sflag:$0x3], $0x80, s26, s25, $0xb8;
	[tilespmem:$0x1E400] =	vst v63  }
0x8c: {  	_ =	swait.ge [sflag:s23], $0x4000  }
0x8d: {  	s14 =	simm.s32 $0x100;
	s15 =	simm.s32 $0x800;
	[sflag:s23] =	ssyncset.done $0x0  }
.LBB2_5:
0x8e: {  	s16 =	sadd.s32 $0x80, s14  }
0x8f: {  	[sflag:s23] =	ssyncadd.s32 $0xFFFFC000;
	s20 =	smov.u32 s15;
	s26 =	sadd.s32 $0x400, s15  }
0x90: {  	[tilespmem:s6], [sflag:$0x2] =	stream.indirect.gather [hbm4b:s17+s25], $0x80, s16, s25, $0xb8;
	[tilespmem:$0x1E400] =	vst v63  }
0x91: {  	p1 =	sne.s32 s15, $0x4800;
	_ =	swait.ge [sflag:s7], $0x4000  }
0x92: {  	[sflag:s7] =	ssyncset.done $0x0  }
0x93: {  	s15 =	sadd.s32 $0x1400, s14;
	[sflag:s7] =	ssyncadd.s32 $0xFFFFC000  }
0x94: {  	[spmem:s2] =	stream.indirect.scatter.add.f32 [tilespmem:s5], [sflag:$0x3], $0x80, s15, s25, $0xb8;
	[tilespmem:$0x1E400] =	vst v63  }
0x95: {  	_ =	swait.ge [sflag:s23], $0x4000  }
0x96: {  	[sflag:s23] =	ssyncset.done $0x0  }
0x97: {  	s15 =	sadd.s32 $0x100, s14;
	[sflag:s23] =	ssyncadd.s32 $0xFFFFC000  }
0x98: {  	[tilespmem:s5], [sflag:$0x1] =	stream.indirect.gather [hbm4b:s17+s25], $0x80, s15, s25, $0xb8;
	[tilespmem:$0x1E400] =	vst v63  }
0x99: {  	_ =	swait.ge [sflag:s8], $0x4000  }
.Ltmp2:
0x9a: {  	[sflag:s8] =	ssyncset.done $0x0;
	(pc) =	sbr.rel @p1 .LBB2_5-.Ltmp2, $4  }
0x9b: {  	s14 =	sadd.s32 $0x1480, s14;
	[sflag:s8] =	ssyncadd.s32 $0xFFFFC000  }
0x9c: {  	[spmem:s2] =	stream.indirect.scatter.add.f32 [tilespmem:s6], [sflag:$0x3], $0x80, s14, s25, $0xb8;
	[tilespmem:$0x1E400] =	vst v63  }
0x9d: {  	_ =	swait.ge [sflag:s23], $0x4000  }
0x9e: {  	s15 =	smov.u32 s26;
	s14 =	sshra.s32 s20, $0x2;
	[sflag:s23] =	ssyncset.done $0x0  }
0x9f: {  	s15 =	sadd.s32 $0x80, s14;
	[sflag:s23] =	ssyncadd.s32 $0xFFFFC000  }
0xa0: {  	[tilespmem:s6], [sflag:$0x2] =	stream.indirect.gather [hbm4b:s17+s25], $0x80, s15, s25, $0xb8;
	[tilespmem:$0x1E400] =	vst v63  }
0xa1: {  	_ =	swait.ge [sflag:s7], $0x4000  }
0xa2: {  	[sflag:s7] =	ssyncset.done $0x0  }
0xa3: {  	s16 =	sadd.s32 $0x1400, s14;
	[sflag:s7] =	ssyncadd.s32 $0xFFFFC000  }
0xa4: {  	[spmem:s2] =	stream.indirect.scatter.add.f32 [tilespmem:s5], [sflag:$0x3], $0x80, s16, s25, $0xb8;
	[tilespmem:$0x1E400] =	vst v63  }
0xa5: {  	_ =	swait.ge [sflag:s23], $0x4000  }
0xa6: {  	[sflag:s23] =	ssyncset.done $0x0  }
0xa7: {  	s20 =	sadd.s32 $0x100, s14;
	[sflag:s23] =	ssyncadd.s32 $0xFFFFC000  }
0xa8: {  	[tilespmem:s5], [sflag:$0x1] =	stream.indirect.gather [hbm4b:s17+s25], $0x80, s20, s25, $0xb8;
	[tilespmem:$0x1E400] =	vst v63  }
0xa9: {  	_ =	swait.ge [sflag:s8], $0x4000  }
0xaa: {  	[sflag:s8] =	ssyncset.done $0x0  }
0xab: {  	s26 =	sadd.s32 $0x1480, s14;
	[sflag:s8] =	ssyncadd.s32 $0xFFFFC000  }
0xac: {  	[spmem:s2] =	stream.indirect.scatter.add.f32 [tilespmem:s6], [sflag:$0x3], $0x80, s26, s25, $0xb8;
	[tilespmem:$0x1E400] =	vst v63  }
.Ltmp3:
0xad: {  	_ =	swait.ge [sflag:s23], $0x4000;
	(pc) =	sbr.rel .LBB2_12-.Ltmp3, $4  }
0xae: {  	[sflag:s23] =	ssyncset.done $0x0  }
0xaf: {  	[sflag:s23] =	ssyncadd.s32 $0xFFFFC000  }
0xb0: {  	[tilespmem:s6], [sflag:$0x2] =	stream.indirect.gather [hbm4b:s17+s25], $0x80, s9, s25, $0xb8;
	[tilespmem:$0x1E400] =	vst v63  }
0xb1: {  	s14 =	rddreg [dreg:$0x1]  }
.LBB2_7:
0xb2: {  	[tilespmem:s5], [sflag:$0x1] =	stream.indirect.gather [hbm4b:s18+s25], $0x80, s14, s25, $0xb8;
	[tilespmem:$0x1E400] =	vst v63  }
0xb3: {  	s15 =	simm.s32 $0x80  }
0xb4: {  	[tilespmem:s6], [sflag:$0x2] =	stream.indirect.gather [hbm4b:s18+s25], $0x80, s15, s25, $0xb8;
	[tilespmem:$0x1E400] =	vst v63  }
0xb5: {  	_ =	swait.ge [sflag:s7], $0x4000  }
0xb6: {  	[sflag:s7] =	ssyncset.done $0x0  }
0xb7: {  	s16 =	simm.s32 $0x1400;
	[sflag:s7] =	ssyncadd.s32 $0xFFFFC000  }
0xb8: {  	[spmem:s2] =	stream.indirect.scatter.add.f32 [tilespmem:s5], [sflag:$0x3], $0x80, s16, s25, $0xb8;
	[tilespmem:$0x1E400] =	vst v63  }
0xb9: {  	_ =	swait.ge [sflag:s23], $0x4000  }
0xba: {  	[sflag:s23] =	ssyncset.done $0x0  }
0xbb: {  	s20 =	simm.s32 $0x100;
	[sflag:s23] =	ssyncadd.s32 $0xFFFFC000  }
0xbc: {  	[tilespmem:s5], [sflag:$0x1] =	stream.indirect.gather [hbm4b:s18+s25], $0x80, s20, s25, $0xb8;
	[tilespmem:$0x1E400] =	vst v63  }
0xbd: {  	_ =	swait.ge [sflag:s8], $0x4000  }
0xbe: {  	[sflag:s8] =	ssyncset.done $0x0  }
0xbf: {  	s26 =	simm.s32 $0x1480;
	[sflag:s8] =	ssyncadd.s32 $0xFFFFC000  }
0xc0: {  	[spmem:s2] =	stream.indirect.scatter.add.f32 [tilespmem:s6], [sflag:$0x3], $0x80, s26, s25, $0xb8;
	[tilespmem:$0x1E400] =	vst v63  }
0xc1: {  	_ =	swait.ge [sflag:s23], $0x4000  }
0xc2: {  	s14 =	simm.s32 $0x100;
	s15 =	simm.s32 $0x800;
	[sflag:s23] =	ssyncset.done $0x0  }
.LBB2_8:
0xc3: {  	s16 =	sadd.s32 $0x80, s14  }
0xc4: {  	[sflag:s23] =	ssyncadd.s32 $0xFFFFC000;
	s20 =	smov.u32 s15;
	s26 =	sadd.s32 $0x400, s15  }
0xc5: {  	[tilespmem:s6], [sflag:$0x2] =	stream.indirect.gather [hbm4b:s18+s25], $0x80, s16, s25, $0xb8;
	[tilespmem:$0x1E400] =	vst v63  }
0xc6: {  	p1 =	sne.s32 s15, $0x4800;
	_ =	swait.ge [sflag:s7], $0x4000  }
0xc7: {  	[sflag:s7] =	ssyncset.done $0x0  }
0xc8: {  	s15 =	sadd.s32 $0x1400, s14;
	[sflag:s7] =	ssyncadd.s32 $0xFFFFC000  }
0xc9: {  	[spmem:s2] =	stream.indirect.scatter.add.f32 [tilespmem:s5], [sflag:$0x3], $0x80, s15, s25, $0xb8;
	[tilespmem:$0x1E400] =	vst v63  }
0xca: {  	_ =	swait.ge [sflag:s23], $0x4000  }
0xcb: {  	[sflag:s23] =	ssyncset.done $0x0  }
0xcc: {  	s15 =	sadd.s32 $0x100, s14;
	[sflag:s23] =	ssyncadd.s32 $0xFFFFC000  }
0xcd: {  	[tilespmem:s5], [sflag:$0x1] =	stream.indirect.gather [hbm4b:s18+s25], $0x80, s15, s25, $0xb8;
	[tilespmem:$0x1E400] =	vst v63  }
0xce: {  	_ =	swait.ge [sflag:s8], $0x4000  }
.Ltmp4:
0xcf: {  	[sflag:s8] =	ssyncset.done $0x0;
	(pc) =	sbr.rel @p1 .LBB2_8-.Ltmp4, $4  }
0xd0: {  	s14 =	sadd.s32 $0x1480, s14;
	[sflag:s8] =	ssyncadd.s32 $0xFFFFC000  }
0xd1: {  	[spmem:s2] =	stream.indirect.scatter.add.f32 [tilespmem:s6], [sflag:$0x3], $0x80, s14, s25, $0xb8;
	[tilespmem:$0x1E400] =	vst v63  }
0xd2: {  	_ =	swait.ge [sflag:s23], $0x4000  }
0xd3: {  	s15 =	smov.u32 s26;
	s14 =	sshra.s32 s20, $0x2;
	[sflag:s23] =	ssyncset.done $0x0  }
0xd4: {  	s15 =	sadd.s32 $0x80, s14;
	[sflag:s23] =	ssyncadd.s32 $0xFFFFC000  }
0xd5: {  	[tilespmem:s6], [sflag:$0x2] =	stream.indirect.gather [hbm4b:s18+s25], $0x80, s15, s25, $0xb8;
	[tilespmem:$0x1E400] =	vst v63  }
0xd6: {  	_ =	swait.ge [sflag:s7], $0x4000  }
0xd7: {  	[sflag:s7] =	ssyncset.done $0x0  }
0xd8: {  	s20 =	sadd.s32 $0x1400, s14;
	[sflag:s7] =	ssyncadd.s32 $0xFFFFC000  }
0xd9: {  	[spmem:s2] =	stream.indirect.scatter.add.f32 [tilespmem:s5], [sflag:$0x3], $0x80, s20, s25, $0xb8;
	[tilespmem:$0x1E400] =	vst v63  }
0xda: {  	_ =	swait.ge [sflag:s23], $0x4000  }
0xdb: {  	[sflag:s23] =	ssyncset.done $0x0  }
0xdc: {  	s26 =	sadd.s32 $0x100, s14;
	[sflag:s23] =	ssyncadd.s32 $0xFFFFC000  }
0xdd: {  	[tilespmem:s5], [sflag:$0x1] =	stream.indirect.gather [hbm4b:s18+s25], $0x80, s26, s25, $0xb8;
	[tilespmem:$0x1E400] =	vst v63  }
0xde: {  	_ =	swait.ge [sflag:s8], $0x4000  }
0xdf: {  	[sflag:s8] =	ssyncset.done $0x0  }
0xe0: {  	s15 =	sadd.s32 $0x1480, s14;
	[sflag:s8] =	ssyncadd.s32 $0xFFFFC000  }
0xe1: {  	[spmem:s2] =	stream.indirect.scatter.add.f32 [tilespmem:s6], [sflag:$0x3], $0x80, s15, s25, $0xb8;
	[tilespmem:$0x1E400] =	vst v63  }
0xe2: {  	_ =	swait.ge [sflag:s23], $0x4000  }
0xe3: {  	[sflag:s23] =	ssyncset.done $0x0  }
0xe4: {  	[sflag:s23] =	ssyncadd.s32 $0xFFFFC000  }
0xe5: {  	[tilespmem:s6], [sflag:$0x2] =	stream.indirect.gather [hbm4b:s18+s25], $0x80, s9, s25, $0xb8;
	[tilespmem:$0x1E400] =	vst v63  }
0xe6: {  	_ =	swait.ge [sflag:s7], $0x4000  }
0xe7: {  	[sflag:s7] =	ssyncset.done $0x0  }
0xe8: {  	[sflag:s7] =	ssyncadd.s32 $0xFFFFC000  }
0xe9: {  	[spmem:s2] =	stream.indirect.scatter.add.f32 [tilespmem:s5], [sflag:$0x3], $0x80, s10, s25, $0xb8;
	[tilespmem:$0x1E400] =	vst v63  }
0xea: {  	_ =	swait.ge [sflag:s23], $0x4000  }
0xeb: {  	[sflag:s23] =	ssyncset.done $0x0  }
0xec: {  	[sflag:s23] =	ssyncadd.s32 $0xFFFFC000  }
0xed: {  	_ =	swait.ge [sflag:s8], $0x4000  }
0xee: {  	[sflag:s8] =	ssyncset.done $0x0  }
0xef: {  	[sflag:s8] =	ssyncadd.s32 $0xFFFFC000  }
0xf0: {  	[spmem:s2] =	stream.indirect.scatter.add.f32 [tilespmem:s6], [sflag:$0x3], $0x80, s11, s25, $0xb8;
	[tilespmem:$0x1E400] =	vst v63  }
0xf1: {  	_ =	swait.ge [sflag:s23], $0x4000  }
0xf2: {  	[sflag:s23] =	ssyncset.done $0x0  }
0xf3: {  	s16 =	simm.s32 $0x0;
	s20 =	rddreg [dreg:$0x6];
	[sflag:s23] =	ssyncadd.s32 $0xFFFFC000  }
0xf4: {  	[tilespmem:s16], [sflag:$0x3] =	stream.linear.gather [hbm4b:s20+s16], $0x1400, $0x38;
	[tilespmem:$0x1E400] =	vst v63  }
0xf5: {  	_ =	swait.ge [sflag:s23], $0x1400  }
0xf6: {  	[sflag:s23] =	ssyncset.done $0x0  }
0xf7: {  	s26 =	rddreg [dreg:$0x7];
	[sflag:s23] =	ssyncadd.s32 $0xFFFFEC00  }
0xf8: {  	[tilespmem:s24], [sflag:$0x3] =	stream.linear.gather [hbm4b:s26+s16], $0x1400, $0x38;
	[tilespmem:$0x1E400] =	vst v63  }
0xf9: {  	_ =	swait.ge [sflag:s23], $0x1400  }
0xfa: {  	[sflag:s23] =	ssyncset.done $0x0  }
0xfb: {  	[sflag:s23] =	ssyncadd.s32 $0xFFFFEC00  }
0xfc: {  	[tilespmem:s5], [sflag:$0x1] =	stream.indirect.gather [hbm4b:s18+s25], $0x80, s16, s25, $0xb8;
	[tilespmem:$0x1E400] =	vst v63  }
0xfd: {  	s15 =	simm.s32 $0x80  }
0xfe: {  	[tilespmem:s6], [sflag:$0x2] =	stream.indirect.gather [hbm4b:s18+s25], $0x80, s15, s25, $0xb8;
	[tilespmem:$0x1E400] =	vst v63  }
0xff: {  	_ =	swait.ge [sflag:s7], $0x4000  }
0x100: {  	[sflag:s7] =	ssyncset.done $0x0  }
0x101: {  	s16 =	simm.s32 $0x1400;
	[sflag:s7] =	ssyncadd.s32 $0xFFFFC000  }
0x102: {  	[spmem:s2] =	stream.indirect.scatter.add.f32 [tilespmem:s5], [sflag:$0x3], $0x80, s16, s25, $0xb8;
	[tilespmem:$0x1E400] =	vst v63  }
0x103: {  	_ =	swait.ge [sflag:s23], $0x4000  }
0x104: {  	[sflag:s23] =	ssyncset.done $0x0  }
0x105: {  	s20 =	simm.s32 $0x100;
	[sflag:s23] =	ssyncadd.s32 $0xFFFFC000  }
0x106: {  	[tilespmem:s5], [sflag:$0x1] =	stream.indirect.gather [hbm4b:s18+s25], $0x80, s20, s25, $0xb8;
	[tilespmem:$0x1E400] =	vst v63  }
0x107: {  	_ =	swait.ge [sflag:s8], $0x4000  }
0x108: {  	[sflag:s8] =	ssyncset.done $0x0  }
0x109: {  	s26 =	simm.s32 $0x1480;
	[sflag:s8] =	ssyncadd.s32 $0xFFFFC000  }
0x10a: {  	[spmem:s2] =	stream.indirect.scatter.add.f32 [tilespmem:s6], [sflag:$0x3], $0x80, s26, s25, $0xb8;
	[tilespmem:$0x1E400] =	vst v63  }
0x10b: {  	_ =	swait.ge [sflag:s23], $0x4000  }
0x10c: {  	s14 =	simm.s32 $0x100;
	s15 =	simm.s32 $0x800;
	[sflag:s23] =	ssyncset.done $0x0  }
.LBB2_10:
0x10d: {  	s16 =	sadd.s32 $0x80, s14  }
0x10e: {  	[sflag:s23] =	ssyncadd.s32 $0xFFFFC000;
	s20 =	smov.u32 s15;
	s26 =	sadd.s32 $0x400, s15  }
0x10f: {  	[tilespmem:s6], [sflag:$0x2] =	stream.indirect.gather [hbm4b:s18+s25], $0x80, s16, s25, $0xb8;
	[tilespmem:$0x1E400] =	vst v63  }
0x110: {  	p1 =	sne.s32 s15, $0x4800;
	_ =	swait.ge [sflag:s7], $0x4000  }
0x111: {  	[sflag:s7] =	ssyncset.done $0x0  }
0x112: {  	s15 =	sadd.s32 $0x1400, s14;
	[sflag:s7] =	ssyncadd.s32 $0xFFFFC000  }
0x113: {  	[spmem:s2] =	stream.indirect.scatter.add.f32 [tilespmem:s5], [sflag:$0x3], $0x80, s15, s25, $0xb8;
	[tilespmem:$0x1E400] =	vst v63  }
0x114: {  	_ =	swait.ge [sflag:s23], $0x4000  }
0x115: {  	[sflag:s23] =	ssyncset.done $0x0  }
0x116: {  	s15 =	sadd.s32 $0x100, s14;
	[sflag:s23] =	ssyncadd.s32 $0xFFFFC000  }
0x117: {  	[tilespmem:s5], [sflag:$0x1] =	stream.indirect.gather [hbm4b:s18+s25], $0x80, s15, s25, $0xb8;
	[tilespmem:$0x1E400] =	vst v63  }
0x118: {  	_ =	swait.ge [sflag:s8], $0x4000  }
.Ltmp5:
0x119: {  	[sflag:s8] =	ssyncset.done $0x0;
	(pc) =	sbr.rel @p1 .LBB2_10-.Ltmp5, $4  }
0x11a: {  	s14 =	sadd.s32 $0x1480, s14;
	[sflag:s8] =	ssyncadd.s32 $0xFFFFC000  }
0x11b: {  	[spmem:s2] =	stream.indirect.scatter.add.f32 [tilespmem:s6], [sflag:$0x3], $0x80, s14, s25, $0xb8;
	[tilespmem:$0x1E400] =	vst v63  }
0x11c: {  	_ =	swait.ge [sflag:s23], $0x4000  }
0x11d: {  	s15 =	smov.u32 s26;
	s14 =	sshra.s32 s20, $0x2;
	[sflag:s23] =	ssyncset.done $0x0  }
0x11e: {  	s15 =	sadd.s32 $0x80, s14;
	[sflag:s23] =	ssyncadd.s32 $0xFFFFC000  }
0x11f: {  	[tilespmem:s6], [sflag:$0x2] =	stream.indirect.gather [hbm4b:s18+s25], $0x80, s15, s25, $0xb8;
	[tilespmem:$0x1E400] =	vst v63  }
0x120: {  	_ =	swait.ge [sflag:s7], $0x4000  }
0x121: {  	[sflag:s7] =	ssyncset.done $0x0  }
0x122: {  	s16 =	sadd.s32 $0x1400, s14;
	[sflag:s7] =	ssyncadd.s32 $0xFFFFC000  }
0x123: {  	[spmem:s2] =	stream.indirect.scatter.add.f32 [tilespmem:s5], [sflag:$0x3], $0x80, s16, s25, $0xb8;
	[tilespmem:$0x1E400] =	vst v63  }
0x124: {  	_ =	swait.ge [sflag:s23], $0x4000  }
0x125: {  	[sflag:s23] =	ssyncset.done $0x0  }
0x126: {  	s20 =	sadd.s32 $0x100, s14;
	[sflag:s23] =	ssyncadd.s32 $0xFFFFC000  }
0x127: {  	[tilespmem:s5], [sflag:$0x1] =	stream.indirect.gather [hbm4b:s18+s25], $0x80, s20, s25, $0xb8;
	[tilespmem:$0x1E400] =	vst v63  }
0x128: {  	_ =	swait.ge [sflag:s8], $0x4000  }
0x129: {  	[sflag:s8] =	ssyncset.done $0x0  }
0x12a: {  	s26 =	sadd.s32 $0x1480, s14;
	[sflag:s8] =	ssyncadd.s32 $0xFFFFC000  }
0x12b: {  	[spmem:s2] =	stream.indirect.scatter.add.f32 [tilespmem:s6], [sflag:$0x3], $0x80, s26, s25, $0xb8;
	[tilespmem:$0x1E400] =	vst v63  }
0x12c: {  	_ =	swait.ge [sflag:s23], $0x4000  }
0x12d: {  	[sflag:s23] =	ssyncset.done $0x0  }
0x12e: {  	s14 =	rddreg [dreg:$0x11];
	[sflag:s23] =	ssyncadd.s32 $0xFFFFC000  }
0x12f: {  	[tilespmem:s6], [sflag:$0x2] =	stream.indirect.gather [hbm4b:s18+s25], $0x80, s9, s25, $0xb8;
	[tilespmem:$0x1E400] =	vst v63  }
.LBB2_12:
0x130: {  	_ =	swait.ge [sflag:s7], $0x4000  }
0x131: {  	[sflag:s7] =	ssyncset.done $0x0  }
0x132: {  	[sflag:s7] =	ssyncadd.s32 $0xFFFFC000  }
0x133: {  	[spmem:s2] =	stream.indirect.scatter.add.f32 [tilespmem:s5], [sflag:$0x3], $0x80, s10, s25, $0xb8;
	[tilespmem:$0x1E400] =	vst v63  }
0x134: {  	_ =	swait.ge [sflag:s23], $0x4000  }
0x135: {  	[sflag:s23] =	ssyncset.done $0x0  }
0x136: {  	[sflag:s23] =	ssyncadd.s32 $0xFFFFC000  }
0x137: {  	_ =	swait.ge [sflag:s8], $0x4000  }
0x138: {  	[sflag:s8] =	ssyncset.done $0x0  }
0x139: {  	[sflag:s8] =	ssyncadd.s32 $0xFFFFC000  }
0x13a: {  	[spmem:s2] =	stream.indirect.scatter.add.f32 [tilespmem:s6], [sflag:$0x3], $0x80, s11, s25, $0xb8;
	[tilespmem:$0x1E400] =	vst v63  }
0x13b: {  	_ =	swait.ge [sflag:s23], $0x4000  }
0x13c: {  	[sflag:s23] =	ssyncset.done $0x0  }
0x13d: {  	[sflag:s23] =	ssyncadd.s32 $0xFFFFC000  }
0x13e: {  	s14 =	sadd.s32 s14, s29;
	[bflag:$0x0] =	sbarrier.arrive $0xFFFF  }
0x13f: {  	[hbm:s14], [sflag:s28] =	dma.local [spmem:s13], $0x2780  }
0x140: {  	_ =	swait.ge [sflag:s23], $0x2780  }
0x141: {  	[sflag:s23] =	ssyncset.done $0x0  }
0x142: {  	[sflag:s23] =	ssyncadd.s32 $0xFFFFD880  }
0x143: {  	[spmem:s13], [sflag:s28] =	dma.local [hbm:s19], $0x2780  }
0x144: {  	_ =	swait.ge [sflag:s23], $0x2780  }
0x145: {  	[sflag:s23] =	ssyncset.done $0x0  }
0x146: {  	[sflag:s23] =	ssyncadd.s32 $0xFFFFD880  }
0x147: {  	[bflag:$0x0] =	sbarrier.arrive $0xFFFF  }
0x148: {  	s20 =	rddreg [dreg:$0x8]  }
0x149: {  	[tilespmem:s3], [sflag:$0x3] =	stream.linear.gather [hbm4b:s20+s3], $0x1400, $0x38;
	[tilespmem:$0x1E400] =	vst v63  }
0x14a: {  	_ =	swait.ge [sflag:s23], $0x1400  }
0x14b: {  	[sflag:s23] =	ssyncset.done $0x0  }
.Ltmp6:
0x14c: {  	s26 =	rddreg [dreg:$0x9];
	[sflag:s23] =	ssyncadd.s32 $0xFFFFEC00;
	(pc) =	sbr.rel @p0 .LBB2_18-.Ltmp6, $4  }
0x14d: {  	[tilespmem:s24], [sflag:$0x3] =	stream.linear.gather [hbm4b:s26+s3], $0x1400, $0x38;
	[tilespmem:$0x1E400] =	vst v63  }
0x14e: {  	_ =	swait.ge [sflag:s23], $0x1400  }
0x14f: {  	[sflag:s23] =	ssyncset.done $0x0  }
0x150: {  	s14 =	simm.s32 $0x0;
	[sflag:s23] =	ssyncadd.s32 $0xFFFFEC00  }
0x151: {  	[tilespmem:s5], [sflag:$0x1] =	stream.indirect.gather [hbm4b:s17+s25], $0x80, s14, s25, $0xb8;
	[tilespmem:$0x1E400] =	vst v63  }
0x152: {  	s15 =	simm.s32 $0x80  }
0x153: {  	[tilespmem:s6], [sflag:$0x2] =	stream.indirect.gather [hbm4b:s17+s25], $0x80, s15, s25, $0xb8;
	[tilespmem:$0x1E400] =	vst v63  }
0x154: {  	_ =	swait.ge [sflag:s7], $0x4000  }
0x155: {  	[sflag:s7] =	ssyncset.done $0x0  }
0x156: {  	s16 =	simm.s32 $0x1400;
	[sflag:s7] =	ssyncadd.s32 $0xFFFFC000  }
0x157: {  	[spmem:s2] =	stream.indirect.scatter.add.f32 [tilespmem:s5], [sflag:$0x3], $0x80, s16, s25, $0xb8;
	[tilespmem:$0x1E400] =	vst v63  }
0x158: {  	_ =	swait.ge [sflag:s23], $0x4000  }
0x159: {  	[sflag:s23] =	ssyncset.done $0x0  }
0x15a: {  	s20 =	simm.s32 $0x100;
	[sflag:s23] =	ssyncadd.s32 $0xFFFFC000  }
0x15b: {  	[tilespmem:s5], [sflag:$0x1] =	stream.indirect.gather [hbm4b:s17+s25], $0x80, s20, s25, $0xb8;
	[tilespmem:$0x1E400] =	vst v63  }
0x15c: {  	_ =	swait.ge [sflag:s8], $0x4000  }
0x15d: {  	[sflag:s8] =	ssyncset.done $0x0  }
0x15e: {  	s26 =	simm.s32 $0x1480;
	[sflag:s8] =	ssyncadd.s32 $0xFFFFC000  }
0x15f: {  	[spmem:s2] =	stream.indirect.scatter.add.f32 [tilespmem:s6], [sflag:$0x3], $0x80, s26, s25, $0xb8;
	[tilespmem:$0x1E400] =	vst v63  }
0x160: {  	_ =	swait.ge [sflag:s23], $0x4000  }
0x161: {  	s14 =	simm.s32 $0x100;
	s15 =	simm.s32 $0x800;
	[sflag:s23] =	ssyncset.done $0x0  }
.LBB2_14:
0x162: {  	s16 =	sadd.s32 $0x80, s14  }
0x163: {  	[sflag:s23] =	ssyncadd.s32 $0xFFFFC000;
	s20 =	smov.u32 s15;
	s26 =	sadd.s32 $0x400, s15  }
0x164: {  	[tilespmem:s6], [sflag:$0x2] =	stream.indirect.gather [hbm4b:s17+s25], $0x80, s16, s25, $0xb8;
	[tilespmem:$0x1E400] =	vst v63  }
0x165: {  	p1 =	sne.s32 s15, $0x4800;
	_ =	swait.ge [sflag:s7], $0x4000  }
0x166: {  	[sflag:s7] =	ssyncset.done $0x0  }
0x167: {  	s15 =	sadd.s32 $0x1400, s14;
	[sflag:s7] =	ssyncadd.s32 $0xFFFFC000  }
0x168: {  	[spmem:s2] =	stream.indirect.scatter.add.f32 [tilespmem:s5], [sflag:$0x3], $0x80, s15, s25, $0xb8;
	[tilespmem:$0x1E400] =	vst v63  }
0x169: {  	_ =	swait.ge [sflag:s23], $0x4000  }
0x16a: {  	[sflag:s23] =	ssyncset.done $0x0  }
0x16b: {  	s15 =	sadd.s32 $0x100, s14;
	[sflag:s23] =	ssyncadd.s32 $0xFFFFC000  }
0x16c: {  	[tilespmem:s5], [sflag:$0x1] =	stream.indirect.gather [hbm4b:s17+s25], $0x80, s15, s25, $0xb8;
	[tilespmem:$0x1E400] =	vst v63  }
0x16d: {  	_ =	swait.ge [sflag:s8], $0x4000  }
.Ltmp7:
0x16e: {  	[sflag:s8] =	ssyncset.done $0x0;
	(pc) =	sbr.rel @p1 .LBB2_14-.Ltmp7, $4  }
0x16f: {  	s14 =	sadd.s32 $0x1480, s14;
	[sflag:s8] =	ssyncadd.s32 $0xFFFFC000  }
0x170: {  	[spmem:s2] =	stream.indirect.scatter.add.f32 [tilespmem:s6], [sflag:$0x3], $0x80, s14, s25, $0xb8;
	[tilespmem:$0x1E400] =	vst v63  }
0x171: {  	_ =	swait.ge [sflag:s23], $0x4000  }
0x172: {  	s15 =	smov.u32 s26;
	s14 =	sshra.s32 s20, $0x2;
	[sflag:s23] =	ssyncset.done $0x0  }
0x173: {  	s15 =	sadd.s32 $0x80, s14;
	[sflag:s23] =	ssyncadd.s32 $0xFFFFC000  }
0x174: {  	[tilespmem:s6], [sflag:$0x2] =	stream.indirect.gather [hbm4b:s17+s25], $0x80, s15, s25, $0xb8;
	[tilespmem:$0x1E400] =	vst v63  }
0x175: {  	_ =	swait.ge [sflag:s7], $0x4000  }
0x176: {  	[sflag:s7] =	ssyncset.done $0x0  }
0x177: {  	s20 =	sadd.s32 $0x1400, s14;
	[sflag:s7] =	ssyncadd.s32 $0xFFFFC000  }
0x178: {  	[spmem:s2] =	stream.indirect.scatter.add.f32 [tilespmem:s5], [sflag:$0x3], $0x80, s20, s25, $0xb8;
	[tilespmem:$0x1E400] =	vst v63  }
0x179: {  	_ =	swait.ge [sflag:s23], $0x4000  }
0x17a: {  	[sflag:s23] =	ssyncset.done $0x0  }
0x17b: {  	s26 =	sadd.s32 $0x100, s14;
	[sflag:s23] =	ssyncadd.s32 $0xFFFFC000  }
0x17c: {  	[tilespmem:s5], [sflag:$0x1] =	stream.indirect.gather [hbm4b:s17+s25], $0x80, s26, s25, $0xb8;
	[tilespmem:$0x1E400] =	vst v63  }
0x17d: {  	_ =	swait.ge [sflag:s8], $0x4000  }
0x17e: {  	[sflag:s8] =	ssyncset.done $0x0  }
0x17f: {  	s15 =	sadd.s32 $0x1480, s14;
	[sflag:s8] =	ssyncadd.s32 $0xFFFFC000  }
0x180: {  	[spmem:s2] =	stream.indirect.scatter.add.f32 [tilespmem:s6], [sflag:$0x3], $0x80, s15, s25, $0xb8;
	[tilespmem:$0x1E400] =	vst v63  }
0x181: {  	_ =	swait.ge [sflag:s23], $0x4000  }
0x182: {  	[sflag:s23] =	ssyncset.done $0x0  }
0x183: {  	[sflag:s23] =	ssyncadd.s32 $0xFFFFC000  }
0x184: {  	[tilespmem:s6], [sflag:$0x2] =	stream.indirect.gather [hbm4b:s17+s25], $0x80, s9, s25, $0xb8;
	[tilespmem:$0x1E400] =	vst v63  }
0x185: {  	_ =	swait.ge [sflag:s7], $0x4000  }
0x186: {  	[sflag:s7] =	ssyncset.done $0x0  }
0x187: {  	[sflag:s7] =	ssyncadd.s32 $0xFFFFC000  }
0x188: {  	[spmem:s2] =	stream.indirect.scatter.add.f32 [tilespmem:s5], [sflag:$0x3], $0x80, s10, s25, $0xb8;
	[tilespmem:$0x1E400] =	vst v63  }
0x189: {  	_ =	swait.ge [sflag:s23], $0x4000  }
0x18a: {  	[sflag:s23] =	ssyncset.done $0x0  }
0x18b: {  	[sflag:s23] =	ssyncadd.s32 $0xFFFFC000  }
0x18c: {  	_ =	swait.ge [sflag:s8], $0x4000  }
0x18d: {  	[sflag:s8] =	ssyncset.done $0x0  }
0x18e: {  	[sflag:s8] =	ssyncadd.s32 $0xFFFFC000  }
0x18f: {  	[spmem:s2] =	stream.indirect.scatter.add.f32 [tilespmem:s6], [sflag:$0x3], $0x80, s11, s25, $0xb8;
	[tilespmem:$0x1E400] =	vst v63  }
0x190: {  	_ =	swait.ge [sflag:s23], $0x4000  }
0x191: {  	[sflag:s23] =	ssyncset.done $0x0  }
0x192: {  	s16 =	simm.s32 $0x0;
	s20 =	rddreg [dreg:$0xa];
	[sflag:s23] =	ssyncadd.s32 $0xFFFFC000  }
0x193: {  	[tilespmem:s16], [sflag:$0x3] =	stream.linear.gather [hbm4b:s20+s16], $0x1400, $0x38;
	[tilespmem:$0x1E400] =	vst v63  }
0x194: {  	_ =	swait.ge [sflag:s23], $0x1400  }
0x195: {  	[sflag:s23] =	ssyncset.done $0x0  }
0x196: {  	s26 =	rddreg [dreg:$0xb];
	[sflag:s23] =	ssyncadd.s32 $0xFFFFEC00  }
0x197: {  	[tilespmem:s24], [sflag:$0x3] =	stream.linear.gather [hbm4b:s26+s16], $0x1400, $0x38;
	[tilespmem:$0x1E400] =	vst v63  }
0x198: {  	_ =	swait.ge [sflag:s23], $0x1400  }
0x199: {  	[sflag:s23] =	ssyncset.done $0x0  }
0x19a: {  	[sflag:s23] =	ssyncadd.s32 $0xFFFFEC00  }
0x19b: {  	[tilespmem:s5], [sflag:$0x1] =	stream.indirect.gather [hbm4b:s17+s25], $0x80, s16, s25, $0xb8;
	[tilespmem:$0x1E400] =	vst v63  }
0x19c: {  	s15 =	simm.s32 $0x80  }
0x19d: {  	[tilespmem:s6], [sflag:$0x2] =	stream.indirect.gather [hbm4b:s17+s25], $0x80, s15, s25, $0xb8;
	[tilespmem:$0x1E400] =	vst v63  }
0x19e: {  	_ =	swait.ge [sflag:s7], $0x4000  }
0x19f: {  	[sflag:s7] =	ssyncset.done $0x0  }
0x1a0: {  	s16 =	simm.s32 $0x1400;
	[sflag:s7] =	ssyncadd.s32 $0xFFFFC000  }
0x1a1: {  	[spmem:s2] =	stream.indirect.scatter.add.f32 [tilespmem:s5], [sflag:$0x3], $0x80, s16, s25, $0xb8;
	[tilespmem:$0x1E400] =	vst v63  }
0x1a2: {  	_ =	swait.ge [sflag:s23], $0x4000  }
0x1a3: {  	[sflag:s23] =	ssyncset.done $0x0  }
0x1a4: {  	s20 =	simm.s32 $0x100;
	[sflag:s23] =	ssyncadd.s32 $0xFFFFC000  }
0x1a5: {  	[tilespmem:s5], [sflag:$0x1] =	stream.indirect.gather [hbm4b:s17+s25], $0x80, s20, s25, $0xb8;
	[tilespmem:$0x1E400] =	vst v63  }
0x1a6: {  	_ =	swait.ge [sflag:s8], $0x4000  }
0x1a7: {  	[sflag:s8] =	ssyncset.done $0x0  }
0x1a8: {  	s26 =	simm.s32 $0x1480;
	[sflag:s8] =	ssyncadd.s32 $0xFFFFC000  }
0x1a9: {  	[spmem:s2] =	stream.indirect.scatter.add.f32 [tilespmem:s6], [sflag:$0x3], $0x80, s26, s25, $0xb8;
	[tilespmem:$0x1E400] =	vst v63  }
0x1aa: {  	_ =	swait.ge [sflag:s23], $0x4000  }
0x1ab: {  	s14 =	simm.s32 $0x100;
	s15 =	simm.s32 $0x800;
	[sflag:s23] =	ssyncset.done $0x0  }
.LBB2_16:
0x1ac: {  	s16 =	sadd.s32 $0x80, s14  }
0x1ad: {  	[sflag:s23] =	ssyncadd.s32 $0xFFFFC000;
	s20 =	smov.u32 s15;
	s26 =	sadd.s32 $0x400, s15  }
0x1ae: {  	[tilespmem:s6], [sflag:$0x2] =	stream.indirect.gather [hbm4b:s17+s25], $0x80, s16, s25, $0xb8;
	[tilespmem:$0x1E400] =	vst v63  }
0x1af: {  	p1 =	sne.s32 s15, $0x4800;
	_ =	swait.ge [sflag:s7], $0x4000  }
0x1b0: {  	[sflag:s7] =	ssyncset.done $0x0  }
0x1b1: {  	s15 =	sadd.s32 $0x1400, s14;
	[sflag:s7] =	ssyncadd.s32 $0xFFFFC000  }
0x1b2: {  	[spmem:s2] =	stream.indirect.scatter.add.f32 [tilespmem:s5], [sflag:$0x3], $0x80, s15, s25, $0xb8;
	[tilespmem:$0x1E400] =	vst v63  }
0x1b3: {  	_ =	swait.ge [sflag:s23], $0x4000  }
0x1b4: {  	[sflag:s23] =	ssyncset.done $0x0  }
0x1b5: {  	s15 =	sadd.s32 $0x100, s14;
	[sflag:s23] =	ssyncadd.s32 $0xFFFFC000  }
0x1b6: {  	[tilespmem:s5], [sflag:$0x1] =	stream.indirect.gather [hbm4b:s17+s25], $0x80, s15, s25, $0xb8;
	[tilespmem:$0x1E400] =	vst v63  }
0x1b7: {  	_ =	swait.ge [sflag:s8], $0x4000  }
.Ltmp8:
0x1b8: {  	[sflag:s8] =	ssyncset.done $0x0;
	(pc) =	sbr.rel @p1 .LBB2_16-.Ltmp8, $4  }
0x1b9: {  	s14 =	sadd.s32 $0x1480, s14;
	[sflag:s8] =	ssyncadd.s32 $0xFFFFC000  }
0x1ba: {  	[spmem:s2] =	stream.indirect.scatter.add.f32 [tilespmem:s6], [sflag:$0x3], $0x80, s14, s25, $0xb8;
	[tilespmem:$0x1E400] =	vst v63  }
0x1bb: {  	_ =	swait.ge [sflag:s23], $0x4000  }
0x1bc: {  	s15 =	smov.u32 s26;
	s14 =	sshra.s32 s20, $0x2;
	[sflag:s23] =	ssyncset.done $0x0  }
0x1bd: {  	s15 =	sadd.s32 $0x80, s14;
	[sflag:s23] =	ssyncadd.s32 $0xFFFFC000  }
0x1be: {  	[tilespmem:s6], [sflag:$0x2] =	stream.indirect.gather [hbm4b:s17+s25], $0x80, s15, s25, $0xb8;
	[tilespmem:$0x1E400] =	vst v63  }
0x1bf: {  	_ =	swait.ge [sflag:s7], $0x4000  }
0x1c0: {  	[sflag:s7] =	ssyncset.done $0x0  }
0x1c1: {  	s16 =	sadd.s32 $0x1400, s14;
	[sflag:s7] =	ssyncadd.s32 $0xFFFFC000  }
0x1c2: {  	[spmem:s2] =	stream.indirect.scatter.add.f32 [tilespmem:s5], [sflag:$0x3], $0x80, s16, s25, $0xb8;
	[tilespmem:$0x1E400] =	vst v63  }
0x1c3: {  	_ =	swait.ge [sflag:s23], $0x4000  }
0x1c4: {  	[sflag:s23] =	ssyncset.done $0x0  }
0x1c5: {  	s20 =	sadd.s32 $0x100, s14;
	[sflag:s23] =	ssyncadd.s32 $0xFFFFC000  }
0x1c6: {  	[tilespmem:s5], [sflag:$0x1] =	stream.indirect.gather [hbm4b:s17+s25], $0x80, s20, s25, $0xb8;
	[tilespmem:$0x1E400] =	vst v63  }
0x1c7: {  	_ =	swait.ge [sflag:s8], $0x4000  }
0x1c8: {  	[sflag:s8] =	ssyncset.done $0x0  }
0x1c9: {  	s26 =	sadd.s32 $0x1480, s14;
	[sflag:s8] =	ssyncadd.s32 $0xFFFFC000  }
0x1ca: {  	[spmem:s2] =	stream.indirect.scatter.add.f32 [tilespmem:s6], [sflag:$0x3], $0x80, s26, s25, $0xb8;
	[tilespmem:$0x1E400] =	vst v63  }
.Ltmp9:
0x1cb: {  	_ = 	snop;
	(pc) =	sbr.rel .LBB2_23-.Ltmp9, $4  }
0x1cc: {  	_ =	swait.ge [sflag:s23], $0x4000  }
0x1cd: {  	[sflag:s23] =	ssyncset.done $0x0  }
0x1ce: {  	s14 =	rddreg [dreg:$0x12];
	[sflag:s23] =	ssyncadd.s32 $0xFFFFC000  }
0x1cf: {  	[tilespmem:s6], [sflag:$0x2] =	stream.indirect.gather [hbm4b:s17+s25], $0x80, s9, s25, $0xb8;
	[tilespmem:$0x1E400] =	vst v63  }
.LBB2_18:
0x1d0: {  	[tilespmem:s5], [sflag:$0x1] =	stream.indirect.gather [hbm4b:s18+s25], $0x80, s14, s25, $0xb8;
	[tilespmem:$0x1E400] =	vst v63  }
0x1d1: {  	s15 =	simm.s32 $0x80  }
0x1d2: {  	[tilespmem:s6], [sflag:$0x2] =	stream.indirect.gather [hbm4b:s18+s25], $0x80, s15, s25, $0xb8;
	[tilespmem:$0x1E400] =	vst v63  }
0x1d3: {  	_ =	swait.ge [sflag:s7], $0x4000  }
0x1d4: {  	[sflag:s7] =	ssyncset.done $0x0  }
0x1d5: {  	s16 =	simm.s32 $0x1400;
	[sflag:s7] =	ssyncadd.s32 $0xFFFFC000  }
0x1d6: {  	[spmem:s2] =	stream.indirect.scatter.add.f32 [tilespmem:s5], [sflag:$0x3], $0x80, s16, s25, $0xb8;
	[tilespmem:$0x1E400] =	vst v63  }
0x1d7: {  	_ =	swait.ge [sflag:s23], $0x4000  }
0x1d8: {  	[sflag:s23] =	ssyncset.done $0x0  }
0x1d9: {  	s20 =	simm.s32 $0x100;
	[sflag:s23] =	ssyncadd.s32 $0xFFFFC000  }
0x1da: {  	[tilespmem:s5], [sflag:$0x1] =	stream.indirect.gather [hbm4b:s18+s25], $0x80, s20, s25, $0xb8;
	[tilespmem:$0x1E400] =	vst v63  }
0x1db: {  	_ =	swait.ge [sflag:s8], $0x4000  }
0x1dc: {  	[sflag:s8] =	ssyncset.done $0x0  }
0x1dd: {  	s26 =	simm.s32 $0x1480;
	[sflag:s8] =	ssyncadd.s32 $0xFFFFC000  }
0x1de: {  	[spmem:s2] =	stream.indirect.scatter.add.f32 [tilespmem:s6], [sflag:$0x3], $0x80, s26, s25, $0xb8;
	[tilespmem:$0x1E400] =	vst v63  }
0x1df: {  	_ =	swait.ge [sflag:s23], $0x4000  }
0x1e0: {  	s14 =	simm.s32 $0x100;
	s15 =	simm.s32 $0x800;
	[sflag:s23] =	ssyncset.done $0x0  }
.LBB2_19:
0x1e1: {  	s16 =	sadd.s32 $0x80, s14  }
0x1e2: {  	[sflag:s23] =	ssyncadd.s32 $0xFFFFC000;
	s20 =	smov.u32 s15;
	s26 =	sadd.s32 $0x400, s15  }
0x1e3: {  	[tilespmem:s6], [sflag:$0x2] =	stream.indirect.gather [hbm4b:s18+s25], $0x80, s16, s25, $0xb8;
	[tilespmem:$0x1E400] =	vst v63  }
0x1e4: {  	p1 =	sne.s32 s15, $0x4800;
	_ =	swait.ge [sflag:s7], $0x4000  }
0x1e5: {  	[sflag:s7] =	ssyncset.done $0x0  }
0x1e6: {  	s15 =	sadd.s32 $0x1400, s14;
	[sflag:s7] =	ssyncadd.s32 $0xFFFFC000  }
0x1e7: {  	[spmem:s2] =	stream.indirect.scatter.add.f32 [tilespmem:s5], [sflag:$0x3], $0x80, s15, s25, $0xb8;
	[tilespmem:$0x1E400] =	vst v63  }
0x1e8: {  	_ =	swait.ge [sflag:s23], $0x4000  }
0x1e9: {  	[sflag:s23] =	ssyncset.done $0x0  }
0x1ea: {  	s15 =	sadd.s32 $0x100, s14;
	[sflag:s23] =	ssyncadd.s32 $0xFFFFC000  }
0x1eb: {  	[tilespmem:s5], [sflag:$0x1] =	stream.indirect.gather [hbm4b:s18+s25], $0x80, s15, s25, $0xb8;
	[tilespmem:$0x1E400] =	vst v63  }
0x1ec: {  	_ =	swait.ge [sflag:s8], $0x4000  }
.Ltmp10:
0x1ed: {  	[sflag:s8] =	ssyncset.done $0x0;
	(pc) =	sbr.rel @p1 .LBB2_19-.Ltmp10, $4  }
0x1ee: {  	s14 =	sadd.s32 $0x1480, s14;
	[sflag:s8] =	ssyncadd.s32 $0xFFFFC000  }
0x1ef: {  	[spmem:s2] =	stream.indirect.scatter.add.f32 [tilespmem:s6], [sflag:$0x3], $0x80, s14, s25, $0xb8;
	[tilespmem:$0x1E400] =	vst v63  }
0x1f0: {  	_ =	swait.ge [sflag:s23], $0x4000  }
0x1f1: {  	s15 =	smov.u32 s26;
	s14 =	sshra.s32 s20, $0x2;
	[sflag:s23] =	ssyncset.done $0x0  }
0x1f2: {  	s15 =	sadd.s32 $0x80, s14;
	[sflag:s23] =	ssyncadd.s32 $0xFFFFC000  }
0x1f3: {  	[tilespmem:s6], [sflag:$0x2] =	stream.indirect.gather [hbm4b:s18+s25], $0x80, s15, s25, $0xb8;
	[tilespmem:$0x1E400] =	vst v63  }
0x1f4: {  	_ =	swait.ge [sflag:s7], $0x4000  }
0x1f5: {  	[sflag:s7] =	ssyncset.done $0x0  }
0x1f6: {  	s20 =	sadd.s32 $0x1400, s14;
	[sflag:s7] =	ssyncadd.s32 $0xFFFFC000  }
0x1f7: {  	[spmem:s2] =	stream.indirect.scatter.add.f32 [tilespmem:s5], [sflag:$0x3], $0x80, s20, s25, $0xb8;
	[tilespmem:$0x1E400] =	vst v63  }
0x1f8: {  	_ =	swait.ge [sflag:s23], $0x4000  }
0x1f9: {  	[sflag:s23] =	ssyncset.done $0x0  }
0x1fa: {  	s26 =	sadd.s32 $0x100, s14;
	[sflag:s23] =	ssyncadd.s32 $0xFFFFC000  }
0x1fb: {  	[tilespmem:s5], [sflag:$0x1] =	stream.indirect.gather [hbm4b:s18+s25], $0x80, s26, s25, $0xb8;
	[tilespmem:$0x1E400] =	vst v63  }
0x1fc: {  	_ =	swait.ge [sflag:s8], $0x4000  }
0x1fd: {  	[sflag:s8] =	ssyncset.done $0x0  }
0x1fe: {  	s15 =	sadd.s32 $0x1480, s14;
	[sflag:s8] =	ssyncadd.s32 $0xFFFFC000  }
0x1ff: {  	[spmem:s2] =	stream.indirect.scatter.add.f32 [tilespmem:s6], [sflag:$0x3], $0x80, s15, s25, $0xb8;
	[tilespmem:$0x1E400] =	vst v63  }
0x200: {  	_ =	swait.ge [sflag:s23], $0x4000  }
0x201: {  	[sflag:s23] =	ssyncset.done $0x0  }
0x202: {  	[sflag:s23] =	ssyncadd.s32 $0xFFFFC000  }
0x203: {  	[tilespmem:s6], [sflag:$0x2] =	stream.indirect.gather [hbm4b:s18+s25], $0x80, s9, s25, $0xb8;
	[tilespmem:$0x1E400] =	vst v63  }
0x204: {  	_ =	swait.ge [sflag:s7], $0x4000  }
0x205: {  	[sflag:s7] =	ssyncset.done $0x0  }
0x206: {  	[sflag:s7] =	ssyncadd.s32 $0xFFFFC000  }
0x207: {  	[spmem:s2] =	stream.indirect.scatter.add.f32 [tilespmem:s5], [sflag:$0x3], $0x80, s10, s25, $0xb8;
	[tilespmem:$0x1E400] =	vst v63  }
0x208: {  	_ =	swait.ge [sflag:s23], $0x4000  }
0x209: {  	[sflag:s23] =	ssyncset.done $0x0  }
0x20a: {  	[sflag:s23] =	ssyncadd.s32 $0xFFFFC000  }
0x20b: {  	_ =	swait.ge [sflag:s8], $0x4000  }
0x20c: {  	[sflag:s8] =	ssyncset.done $0x0  }
0x20d: {  	[sflag:s8] =	ssyncadd.s32 $0xFFFFC000  }
0x20e: {  	[spmem:s2] =	stream.indirect.scatter.add.f32 [tilespmem:s6], [sflag:$0x3], $0x80, s11, s25, $0xb8;
	[tilespmem:$0x1E400] =	vst v63  }
0x20f: {  	_ =	swait.ge [sflag:s23], $0x4000  }
0x210: {  	[sflag:s23] =	ssyncset.done $0x0  }
0x211: {  	s16 =	simm.s32 $0x0;
	s20 =	rddreg [dreg:$0xa];
	[sflag:s23] =	ssyncadd.s32 $0xFFFFC000  }
0x212: {  	[tilespmem:s16], [sflag:$0x3] =	stream.linear.gather [hbm4b:s20+s16], $0x1400, $0x38;
	[tilespmem:$0x1E400] =	vst v63  }
0x213: {  	_ =	swait.ge [sflag:s23], $0x1400  }
0x214: {  	[sflag:s23] =	ssyncset.done $0x0  }
0x215: {  	s26 =	rddreg [dreg:$0xb];
	[sflag:s23] =	ssyncadd.s32 $0xFFFFEC00  }
0x216: {  	[tilespmem:s24], [sflag:$0x3] =	stream.linear.gather [hbm4b:s26+s16], $0x1400, $0x38;
	[tilespmem:$0x1E400] =	vst v63  }
0x217: {  	_ =	swait.ge [sflag:s23], $0x1400  }
0x218: {  	[sflag:s23] =	ssyncset.done $0x0  }
0x219: {  	[sflag:s23] =	ssyncadd.s32 $0xFFFFEC00  }
0x21a: {  	[tilespmem:s5], [sflag:$0x1] =	stream.indirect.gather [hbm4b:s18+s25], $0x80, s16, s25, $0xb8;
	[tilespmem:$0x1E400] =	vst v63  }
0x21b: {  	s15 =	simm.s32 $0x80  }
0x21c: {  	[tilespmem:s6], [sflag:$0x2] =	stream.indirect.gather [hbm4b:s18+s25], $0x80, s15, s25, $0xb8;
	[tilespmem:$0x1E400] =	vst v63  }
0x21d: {  	_ =	swait.ge [sflag:s7], $0x4000  }
0x21e: {  	[sflag:s7] =	ssyncset.done $0x0  }
0x21f: {  	s16 =	simm.s32 $0x1400;
	[sflag:s7] =	ssyncadd.s32 $0xFFFFC000  }
0x220: {  	[spmem:s2] =	stream.indirect.scatter.add.f32 [tilespmem:s5], [sflag:$0x3], $0x80, s16, s25, $0xb8;
	[tilespmem:$0x1E400] =	vst v63  }
0x221: {  	_ =	swait.ge [sflag:s23], $0x4000  }
0x222: {  	[sflag:s23] =	ssyncset.done $0x0  }
0x223: {  	s20 =	simm.s32 $0x100;
	[sflag:s23] =	ssyncadd.s32 $0xFFFFC000  }
0x224: {  	[tilespmem:s5], [sflag:$0x1] =	stream.indirect.gather [hbm4b:s18+s25], $0x80, s20, s25, $0xb8;
	[tilespmem:$0x1E400] =	vst v63  }
0x225: {  	_ =	swait.ge [sflag:s8], $0x4000  }
0x226: {  	[sflag:s8] =	ssyncset.done $0x0  }
0x227: {  	s26 =	simm.s32 $0x1480;
	[sflag:s8] =	ssyncadd.s32 $0xFFFFC000  }
0x228: {  	[spmem:s2] =	stream.indirect.scatter.add.f32 [tilespmem:s6], [sflag:$0x3], $0x80, s26, s25, $0xb8;
	[tilespmem:$0x1E400] =	vst v63  }
0x229: {  	_ =	swait.ge [sflag:s23], $0x4000  }
0x22a: {  	s14 =	simm.s32 $0x100;
	s15 =	simm.s32 $0x800;
	[sflag:s23] =	ssyncset.done $0x0  }
.LBB2_21:
0x22b: {  	s16 =	sadd.s32 $0x80, s14  }
0x22c: {  	[sflag:s23] =	ssyncadd.s32 $0xFFFFC000;
	s20 =	smov.u32 s15;
	s26 =	sadd.s32 $0x400, s15  }
0x22d: {  	[tilespmem:s6], [sflag:$0x2] =	stream.indirect.gather [hbm4b:s18+s25], $0x80, s16, s25, $0xb8;
	[tilespmem:$0x1E400] =	vst v63  }
0x22e: {  	p1 =	sne.s32 s15, $0x4800;
	_ =	swait.ge [sflag:s7], $0x4000  }
0x22f: {  	[sflag:s7] =	ssyncset.done $0x0  }
0x230: {  	s15 =	sadd.s32 $0x1400, s14;
	[sflag:s7] =	ssyncadd.s32 $0xFFFFC000  }
0x231: {  	[spmem:s2] =	stream.indirect.scatter.add.f32 [tilespmem:s5], [sflag:$0x3], $0x80, s15, s25, $0xb8;
	[tilespmem:$0x1E400] =	vst v63  }
0x232: {  	_ =	swait.ge [sflag:s23], $0x4000  }
0x233: {  	[sflag:s23] =	ssyncset.done $0x0  }
0x234: {  	s15 =	sadd.s32 $0x100, s14;
	[sflag:s23] =	ssyncadd.s32 $0xFFFFC000  }
0x235: {  	[tilespmem:s5], [sflag:$0x1] =	stream.indirect.gather [hbm4b:s18+s25], $0x80, s15, s25, $0xb8;
	[tilespmem:$0x1E400] =	vst v63  }
0x236: {  	_ =	swait.ge [sflag:s8], $0x4000  }
.Ltmp11:
0x237: {  	[sflag:s8] =	ssyncset.done $0x0;
	(pc) =	sbr.rel @p1 .LBB2_21-.Ltmp11, $4  }
0x238: {  	s14 =	sadd.s32 $0x1480, s14;
	[sflag:s8] =	ssyncadd.s32 $0xFFFFC000  }
0x239: {  	[spmem:s2] =	stream.indirect.scatter.add.f32 [tilespmem:s6], [sflag:$0x3], $0x80, s14, s25, $0xb8;
	[tilespmem:$0x1E400] =	vst v63  }
0x23a: {  	_ =	swait.ge [sflag:s23], $0x4000  }
0x23b: {  	s15 =	smov.u32 s26;
	s14 =	sshra.s32 s20, $0x2;
	[sflag:s23] =	ssyncset.done $0x0  }
0x23c: {  	s15 =	sadd.s32 $0x80, s14;
	[sflag:s23] =	ssyncadd.s32 $0xFFFFC000  }
0x23d: {  	[tilespmem:s6], [sflag:$0x2] =	stream.indirect.gather [hbm4b:s18+s25], $0x80, s15, s25, $0xb8;
	[tilespmem:$0x1E400] =	vst v63  }
0x23e: {  	_ =	swait.ge [sflag:s7], $0x4000  }
0x23f: {  	[sflag:s7] =	ssyncset.done $0x0  }
0x240: {  	s16 =	sadd.s32 $0x1400, s14;
	[sflag:s7] =	ssyncadd.s32 $0xFFFFC000  }
0x241: {  	[spmem:s2] =	stream.indirect.scatter.add.f32 [tilespmem:s5], [sflag:$0x3], $0x80, s16, s25, $0xb8;
	[tilespmem:$0x1E400] =	vst v63  }
0x242: {  	_ =	swait.ge [sflag:s23], $0x4000  }
0x243: {  	[sflag:s23] =	ssyncset.done $0x0  }
0x244: {  	s20 =	sadd.s32 $0x100, s14;
	[sflag:s23] =	ssyncadd.s32 $0xFFFFC000  }
0x245: {  	[tilespmem:s5], [sflag:$0x1] =	stream.indirect.gather [hbm4b:s18+s25], $0x80, s20, s25, $0xb8;
	[tilespmem:$0x1E400] =	vst v63  }
0x246: {  	_ =	swait.ge [sflag:s8], $0x4000  }
0x247: {  	[sflag:s8] =	ssyncset.done $0x0  }
0x248: {  	s26 =	sadd.s32 $0x1480, s14;
	[sflag:s8] =	ssyncadd.s32 $0xFFFFC000  }
0x249: {  	[spmem:s2] =	stream.indirect.scatter.add.f32 [tilespmem:s6], [sflag:$0x3], $0x80, s26, s25, $0xb8;
	[tilespmem:$0x1E400] =	vst v63  }
0x24a: {  	_ =	swait.ge [sflag:s23], $0x4000  }
0x24b: {  	[sflag:s23] =	ssyncset.done $0x0  }
0x24c: {  	s14 =	rddreg [dreg:$0x13];
	[sflag:s23] =	ssyncadd.s32 $0xFFFFC000  }
0x24d: {  	[tilespmem:s6], [sflag:$0x2] =	stream.indirect.gather [hbm4b:s18+s25], $0x80, s9, s25, $0xb8;
	[tilespmem:$0x1E400] =	vst v63  }
.LBB2_23:
0x24e: {  	_ =	swait.ge [sflag:s7], $0x4000  }
0x24f: {  	[sflag:s7] =	ssyncset.done $0x0  }
0x250: {  	[sflag:s7] =	ssyncadd.s32 $0xFFFFC000  }
0x251: {  	[spmem:s2] =	stream.indirect.scatter.add.f32 [tilespmem:s5], [sflag:$0x3], $0x80, s10, s25, $0xb8;
	[tilespmem:$0x1E400] =	vst v63  }
0x252: {  	_ =	swait.ge [sflag:s23], $0x4000  }
0x253: {  	[sflag:s23] =	ssyncset.done $0x0  }
0x254: {  	[sflag:s23] =	ssyncadd.s32 $0xFFFFC000  }
0x255: {  	_ =	swait.ge [sflag:s8], $0x4000  }
0x256: {  	[sflag:s8] =	ssyncset.done $0x0  }
0x257: {  	[sflag:s8] =	ssyncadd.s32 $0xFFFFC000  }
0x258: {  	[spmem:s2] =	stream.indirect.scatter.add.f32 [tilespmem:s6], [sflag:$0x3], $0x80, s11, s25, $0xb8;
	[tilespmem:$0x1E400] =	vst v63  }
0x259: {  	_ =	swait.ge [sflag:s23], $0x4000  }
0x25a: {  	[sflag:s23] =	ssyncset.done $0x0  }
0x25b: {  	[sflag:s23] =	ssyncadd.s32 $0xFFFFC000  }
0x25c: {  	s14 =	sadd.s32 s14, s29;
	[bflag:$0x0] =	sbarrier.arrive $0xFFFF  }
0x25d: {  	[hbm:s14], [sflag:s28] =	dma.local [spmem:s13], $0x2780  }
0x25e: {  	_ =	swait.ge [sflag:s23], $0x2780  }
0x25f: {  	[sflag:s23] =	ssyncset.done $0x0  }
0x260: {  	[sflag:s23] =	ssyncadd.s32 $0xFFFFD880  }
0x261: {  	[spmem:s13], [sflag:s28] =	dma.local [hbm:s19], $0x2780  }
0x262: {  	_ =	swait.ge [sflag:s23], $0x2780  }
0x263: {  	[sflag:s23] =	ssyncset.done $0x0  }
0x264: {  	[sflag:s23] =	ssyncadd.s32 $0xFFFFD880  }
0x265: {  	[bflag:$0x0] =	sbarrier.arrive $0xFFFF  }
0x266: {  	s20 =	rddreg [dreg:$0xc]  }
0x267: {  	[tilespmem:s3], [sflag:$0x3] =	stream.linear.gather [hbm4b:s20+s3], $0x1400, $0x38;
	[tilespmem:$0x1E400] =	vst v63  }
0x268: {  	_ =	swait.ge [sflag:s23], $0x1400  }
0x269: {  	[sflag:s23] =	ssyncset.done $0x0  }
.Ltmp12:
0x26a: {  	s26 =	rddreg [dreg:$0xd];
	[sflag:s23] =	ssyncadd.s32 $0xFFFFEC00;
	(pc) =	sbr.rel @p0 .LBB2_29-.Ltmp12, $4  }
0x26b: {  	[tilespmem:s24], [sflag:$0x3] =	stream.linear.gather [hbm4b:s26+s3], $0x1400, $0x38;
	[tilespmem:$0x1E400] =	vst v63  }
0x26c: {  	_ =	swait.ge [sflag:s23], $0x1400  }
0x26d: {  	[sflag:s23] =	ssyncset.done $0x0  }
0x26e: {  	s14 =	simm.s32 $0x0;
	[sflag:s23] =	ssyncadd.s32 $0xFFFFEC00  }
0x26f: {  	[tilespmem:s5], [sflag:$0x1] =	stream.indirect.gather [hbm4b:s17+s25], $0x80, s14, s25, $0xb8;
	[tilespmem:$0x1E400] =	vst v63  }
0x270: {  	s15 =	simm.s32 $0x80  }
0x271: {  	[tilespmem:s6], [sflag:$0x2] =	stream.indirect.gather [hbm4b:s17+s25], $0x80, s15, s25, $0xb8;
	[tilespmem:$0x1E400] =	vst v63  }
0x272: {  	_ =	swait.ge [sflag:s7], $0x4000  }
0x273: {  	[sflag:s7] =	ssyncset.done $0x0  }
0x274: {  	s16 =	simm.s32 $0x1400;
	[sflag:s7] =	ssyncadd.s32 $0xFFFFC000  }
0x275: {  	[spmem:s2] =	stream.indirect.scatter.add.f32 [tilespmem:s5], [sflag:$0x3], $0x80, s16, s25, $0xb8;
	[tilespmem:$0x1E400] =	vst v63  }
0x276: {  	_ =	swait.ge [sflag:s23], $0x4000  }
0x277: {  	[sflag:s23] =	ssyncset.done $0x0  }
0x278: {  	s20 =	simm.s32 $0x100;
	[sflag:s23] =	ssyncadd.s32 $0xFFFFC000  }
0x279: {  	[tilespmem:s5], [sflag:$0x1] =	stream.indirect.gather [hbm4b:s17+s25], $0x80, s20, s25, $0xb8;
	[tilespmem:$0x1E400] =	vst v63  }
0x27a: {  	_ =	swait.ge [sflag:s8], $0x4000  }
0x27b: {  	[sflag:s8] =	ssyncset.done $0x0  }
0x27c: {  	s26 =	simm.s32 $0x1480;
	[sflag:s8] =	ssyncadd.s32 $0xFFFFC000  }
0x27d: {  	[spmem:s2] =	stream.indirect.scatter.add.f32 [tilespmem:s6], [sflag:$0x3], $0x80, s26, s25, $0xb8;
	[tilespmem:$0x1E400] =	vst v63  }
0x27e: {  	_ =	swait.ge [sflag:s23], $0x4000  }
0x27f: {  	s14 =	simm.s32 $0x100;
	s15 =	simm.s32 $0x800;
	[sflag:s23] =	ssyncset.done $0x0  }
.LBB2_25:
0x280: {  	s16 =	sadd.s32 $0x80, s14  }
0x281: {  	[sflag:s23] =	ssyncadd.s32 $0xFFFFC000;
	s20 =	smov.u32 s15;
	s26 =	sadd.s32 $0x400, s15  }
0x282: {  	[tilespmem:s6], [sflag:$0x2] =	stream.indirect.gather [hbm4b:s17+s25], $0x80, s16, s25, $0xb8;
	[tilespmem:$0x1E400] =	vst v63  }
0x283: {  	p1 =	sne.s32 s15, $0x4800;
	_ =	swait.ge [sflag:s7], $0x4000  }
0x284: {  	[sflag:s7] =	ssyncset.done $0x0  }
0x285: {  	s15 =	sadd.s32 $0x1400, s14;
	[sflag:s7] =	ssyncadd.s32 $0xFFFFC000  }
0x286: {  	[spmem:s2] =	stream.indirect.scatter.add.f32 [tilespmem:s5], [sflag:$0x3], $0x80, s15, s25, $0xb8;
	[tilespmem:$0x1E400] =	vst v63  }
0x287: {  	_ =	swait.ge [sflag:s23], $0x4000  }
0x288: {  	[sflag:s23] =	ssyncset.done $0x0  }
0x289: {  	s15 =	sadd.s32 $0x100, s14;
	[sflag:s23] =	ssyncadd.s32 $0xFFFFC000  }
0x28a: {  	[tilespmem:s5], [sflag:$0x1] =	stream.indirect.gather [hbm4b:s17+s25], $0x80, s15, s25, $0xb8;
	[tilespmem:$0x1E400] =	vst v63  }
0x28b: {  	_ =	swait.ge [sflag:s8], $0x4000  }
.Ltmp13:
0x28c: {  	[sflag:s8] =	ssyncset.done $0x0;
	(pc) =	sbr.rel @p1 .LBB2_25-.Ltmp13, $4  }
0x28d: {  	s14 =	sadd.s32 $0x1480, s14;
	[sflag:s8] =	ssyncadd.s32 $0xFFFFC000  }
0x28e: {  	[spmem:s2] =	stream.indirect.scatter.add.f32 [tilespmem:s6], [sflag:$0x3], $0x80, s14, s25, $0xb8;
	[tilespmem:$0x1E400] =	vst v63  }
0x28f: {  	_ =	swait.ge [sflag:s23], $0x4000  }
0x290: {  	s15 =	smov.u32 s26;
	s14 =	sshra.s32 s20, $0x2;
	[sflag:s23] =	ssyncset.done $0x0  }
0x291: {  	s15 =	sadd.s32 $0x80, s14;
	[sflag:s23] =	ssyncadd.s32 $0xFFFFC000  }
0x292: {  	[tilespmem:s6], [sflag:$0x2] =	stream.indirect.gather [hbm4b:s17+s25], $0x80, s15, s25, $0xb8;
	[tilespmem:$0x1E400] =	vst v63  }
0x293: {  	_ =	swait.ge [sflag:s7], $0x4000  }
0x294: {  	[sflag:s7] =	ssyncset.done $0x0  }
0x295: {  	s20 =	sadd.s32 $0x1400, s14;
	[sflag:s7] =	ssyncadd.s32 $0xFFFFC000  }
0x296: {  	[spmem:s2] =	stream.indirect.scatter.add.f32 [tilespmem:s5], [sflag:$0x3], $0x80, s20, s25, $0xb8;
	[tilespmem:$0x1E400] =	vst v63  }
0x297: {  	_ =	swait.ge [sflag:s23], $0x4000  }
0x298: {  	[sflag:s23] =	ssyncset.done $0x0  }
0x299: {  	s26 =	sadd.s32 $0x100, s14;
	[sflag:s23] =	ssyncadd.s32 $0xFFFFC000  }
0x29a: {  	[tilespmem:s5], [sflag:$0x1] =	stream.indirect.gather [hbm4b:s17+s25], $0x80, s26, s25, $0xb8;
	[tilespmem:$0x1E400] =	vst v63  }
0x29b: {  	_ =	swait.ge [sflag:s8], $0x4000  }
0x29c: {  	[sflag:s8] =	ssyncset.done $0x0  }
0x29d: {  	s15 =	sadd.s32 $0x1480, s14;
	[sflag:s8] =	ssyncadd.s32 $0xFFFFC000  }
0x29e: {  	[spmem:s2] =	stream.indirect.scatter.add.f32 [tilespmem:s6], [sflag:$0x3], $0x80, s15, s25, $0xb8;
	[tilespmem:$0x1E400] =	vst v63  }
0x29f: {  	_ =	swait.ge [sflag:s23], $0x4000  }
0x2a0: {  	[sflag:s23] =	ssyncset.done $0x0  }
0x2a1: {  	[sflag:s23] =	ssyncadd.s32 $0xFFFFC000  }
0x2a2: {  	[tilespmem:s6], [sflag:$0x2] =	stream.indirect.gather [hbm4b:s17+s25], $0x80, s9, s25, $0xb8;
	[tilespmem:$0x1E400] =	vst v63  }
0x2a3: {  	_ =	swait.ge [sflag:s7], $0x4000  }
0x2a4: {  	[sflag:s7] =	ssyncset.done $0x0  }
0x2a5: {  	[sflag:s7] =	ssyncadd.s32 $0xFFFFC000  }
0x2a6: {  	[spmem:s2] =	stream.indirect.scatter.add.f32 [tilespmem:s5], [sflag:$0x3], $0x80, s10, s25, $0xb8;
	[tilespmem:$0x1E400] =	vst v63  }
0x2a7: {  	_ =	swait.ge [sflag:s23], $0x4000  }
0x2a8: {  	[sflag:s23] =	ssyncset.done $0x0  }
0x2a9: {  	[sflag:s23] =	ssyncadd.s32 $0xFFFFC000  }
0x2aa: {  	_ =	swait.ge [sflag:s8], $0x4000  }
0x2ab: {  	[sflag:s8] =	ssyncset.done $0x0  }
0x2ac: {  	[sflag:s8] =	ssyncadd.s32 $0xFFFFC000  }
0x2ad: {  	[spmem:s2] =	stream.indirect.scatter.add.f32 [tilespmem:s6], [sflag:$0x3], $0x80, s11, s25, $0xb8;
	[tilespmem:$0x1E400] =	vst v63  }
0x2ae: {  	_ =	swait.ge [sflag:s23], $0x4000  }
0x2af: {  	[sflag:s23] =	ssyncset.done $0x0  }
0x2b0: {  	s16 =	simm.s32 $0x0;
	s20 =	rddreg [dreg:$0xe];
	[sflag:s23] =	ssyncadd.s32 $0xFFFFC000  }
0x2b1: {  	[tilespmem:s16], [sflag:$0x3] =	stream.linear.gather [hbm4b:s20+s16], $0x1400, $0x38;
	[tilespmem:$0x1E400] =	vst v63  }
0x2b2: {  	_ =	swait.ge [sflag:s23], $0x1400  }
0x2b3: {  	[sflag:s23] =	ssyncset.done $0x0  }
0x2b4: {  	s26 =	rddreg [dreg:$0xf];
	[sflag:s23] =	ssyncadd.s32 $0xFFFFEC00  }
0x2b5: {  	[tilespmem:s24], [sflag:$0x3] =	stream.linear.gather [hbm4b:s26+s16], $0x1400, $0x38;
	[tilespmem:$0x1E400] =	vst v63  }
0x2b6: {  	_ =	swait.ge [sflag:s23], $0x1400  }
0x2b7: {  	[sflag:s23] =	ssyncset.done $0x0  }
0x2b8: {  	[sflag:s23] =	ssyncadd.s32 $0xFFFFEC00  }
0x2b9: {  	[tilespmem:s5], [sflag:$0x1] =	stream.indirect.gather [hbm4b:s17+s25], $0x80, s16, s25, $0xb8;
	[tilespmem:$0x1E400] =	vst v63  }
0x2ba: {  	s15 =	simm.s32 $0x80  }
0x2bb: {  	[tilespmem:s6], [sflag:$0x2] =	stream.indirect.gather [hbm4b:s17+s25], $0x80, s15, s25, $0xb8;
	[tilespmem:$0x1E400] =	vst v63  }
0x2bc: {  	_ =	swait.ge [sflag:s7], $0x4000  }
0x2bd: {  	[sflag:s7] =	ssyncset.done $0x0  }
0x2be: {  	s16 =	simm.s32 $0x1400;
	[sflag:s7] =	ssyncadd.s32 $0xFFFFC000  }
0x2bf: {  	[spmem:s2] =	stream.indirect.scatter.add.f32 [tilespmem:s5], [sflag:$0x3], $0x80, s16, s25, $0xb8;
	[tilespmem:$0x1E400] =	vst v63  }
0x2c0: {  	_ =	swait.ge [sflag:s23], $0x4000  }
0x2c1: {  	[sflag:s23] =	ssyncset.done $0x0  }
0x2c2: {  	s20 =	simm.s32 $0x100;
	[sflag:s23] =	ssyncadd.s32 $0xFFFFC000  }
0x2c3: {  	[tilespmem:s5], [sflag:$0x1] =	stream.indirect.gather [hbm4b:s17+s25], $0x80, s20, s25, $0xb8;
	[tilespmem:$0x1E400] =	vst v63  }
0x2c4: {  	_ =	swait.ge [sflag:s8], $0x4000  }
0x2c5: {  	[sflag:s8] =	ssyncset.done $0x0  }
0x2c6: {  	s26 =	simm.s32 $0x1480;
	[sflag:s8] =	ssyncadd.s32 $0xFFFFC000  }
0x2c7: {  	[spmem:s2] =	stream.indirect.scatter.add.f32 [tilespmem:s6], [sflag:$0x3], $0x80, s26, s25, $0xb8;
	[tilespmem:$0x1E400] =	vst v63  }
0x2c8: {  	_ =	swait.ge [sflag:s23], $0x4000  }
0x2c9: {  	s14 =	simm.s32 $0x100;
	s15 =	simm.s32 $0x800;
	[sflag:s23] =	ssyncset.done $0x0  }
.LBB2_27:
0x2ca: {  	s16 =	sadd.s32 $0x80, s14  }
0x2cb: {  	[sflag:s23] =	ssyncadd.s32 $0xFFFFC000;
	s20 =	smov.u32 s15;
	s26 =	sadd.s32 $0x400, s15  }
0x2cc: {  	[tilespmem:s6], [sflag:$0x2] =	stream.indirect.gather [hbm4b:s17+s25], $0x80, s16, s25, $0xb8;
	[tilespmem:$0x1E400] =	vst v63  }
0x2cd: {  	p1 =	sne.s32 s15, $0x4800;
	_ =	swait.ge [sflag:s7], $0x4000  }
0x2ce: {  	[sflag:s7] =	ssyncset.done $0x0  }
0x2cf: {  	s15 =	sadd.s32 $0x1400, s14;
	[sflag:s7] =	ssyncadd.s32 $0xFFFFC000  }
0x2d0: {  	[spmem:s2] =	stream.indirect.scatter.add.f32 [tilespmem:s5], [sflag:$0x3], $0x80, s15, s25, $0xb8;
	[tilespmem:$0x1E400] =	vst v63  }
0x2d1: {  	_ =	swait.ge [sflag:s23], $0x4000  }
0x2d2: {  	[sflag:s23] =	ssyncset.done $0x0  }
0x2d3: {  	s15 =	sadd.s32 $0x100, s14;
	[sflag:s23] =	ssyncadd.s32 $0xFFFFC000  }
0x2d4: {  	[tilespmem:s5], [sflag:$0x1] =	stream.indirect.gather [hbm4b:s17+s25], $0x80, s15, s25, $0xb8;
	[tilespmem:$0x1E400] =	vst v63  }
0x2d5: {  	_ =	swait.ge [sflag:s8], $0x4000  }
.Ltmp14:
0x2d6: {  	[sflag:s8] =	ssyncset.done $0x0;
	(pc) =	sbr.rel @p1 .LBB2_27-.Ltmp14, $4  }
0x2d7: {  	s14 =	sadd.s32 $0x1480, s14;
	[sflag:s8] =	ssyncadd.s32 $0xFFFFC000  }
0x2d8: {  	[spmem:s2] =	stream.indirect.scatter.add.f32 [tilespmem:s6], [sflag:$0x3], $0x80, s14, s25, $0xb8;
	[tilespmem:$0x1E400] =	vst v63  }
0x2d9: {  	_ =	swait.ge [sflag:s23], $0x4000  }
0x2da: {  	s15 =	smov.u32 s26;
	s14 =	sshra.s32 s20, $0x2;
	[sflag:s23] =	ssyncset.done $0x0  }
0x2db: {  	s15 =	sadd.s32 $0x80, s14;
	[sflag:s23] =	ssyncadd.s32 $0xFFFFC000  }
0x2dc: {  	[tilespmem:s6], [sflag:$0x2] =	stream.indirect.gather [hbm4b:s17+s25], $0x80, s15, s25, $0xb8;
	[tilespmem:$0x1E400] =	vst v63  }
0x2dd: {  	_ =	swait.ge [sflag:s7], $0x4000  }
0x2de: {  	[sflag:s7] =	ssyncset.done $0x0  }
0x2df: {  	s16 =	sadd.s32 $0x1400, s14;
	[sflag:s7] =	ssyncadd.s32 $0xFFFFC000  }
0x2e0: {  	[spmem:s2] =	stream.indirect.scatter.add.f32 [tilespmem:s5], [sflag:$0x3], $0x80, s16, s25, $0xb8;
	[tilespmem:$0x1E400] =	vst v63  }
0x2e1: {  	_ =	swait.ge [sflag:s23], $0x4000  }
0x2e2: {  	[sflag:s23] =	ssyncset.done $0x0  }
0x2e3: {  	s20 =	sadd.s32 $0x100, s14;
	[sflag:s23] =	ssyncadd.s32 $0xFFFFC000  }
0x2e4: {  	[tilespmem:s5], [sflag:$0x1] =	stream.indirect.gather [hbm4b:s17+s25], $0x80, s20, s25, $0xb8;
	[tilespmem:$0x1E400] =	vst v63  }
0x2e5: {  	_ =	swait.ge [sflag:s8], $0x4000  }
0x2e6: {  	[sflag:s8] =	ssyncset.done $0x0  }
0x2e7: {  	s26 =	sadd.s32 $0x1480, s14;
	[sflag:s8] =	ssyncadd.s32 $0xFFFFC000  }
0x2e8: {  	[spmem:s2] =	stream.indirect.scatter.add.f32 [tilespmem:s6], [sflag:$0x3], $0x80, s26, s25, $0xb8;
	[tilespmem:$0x1E400] =	vst v63  }
.Ltmp15:
0x2e9: {  	_ = 	snop;
	(pc) =	sbr.rel .LBB2_34-.Ltmp15, $4  }
0x2ea: {  	_ =	swait.ge [sflag:s23], $0x4000  }
0x2eb: {  	[sflag:s23] =	ssyncset.done $0x0  }
0x2ec: {  	s14 =	rddreg [dreg:$0x14];
	[sflag:s23] =	ssyncadd.s32 $0xFFFFC000  }
0x2ed: {  	[tilespmem:s6], [sflag:$0x2] =	stream.indirect.gather [hbm4b:s17+s25], $0x80, s9, s25, $0xb8;
	[tilespmem:$0x1E400] =	vst v63  }
.LBB2_29:
0x2ee: {  	[tilespmem:s5], [sflag:$0x1] =	stream.indirect.gather [hbm4b:s18+s25], $0x80, s14, s25, $0xb8;
	[tilespmem:$0x1E400] =	vst v63  }
0x2ef: {  	s15 =	simm.s32 $0x80  }
0x2f0: {  	[tilespmem:s6], [sflag:$0x2] =	stream.indirect.gather [hbm4b:s18+s25], $0x80, s15, s25, $0xb8;
	[tilespmem:$0x1E400] =	vst v63  }
0x2f1: {  	_ =	swait.ge [sflag:s7], $0x4000  }
0x2f2: {  	[sflag:s7] =	ssyncset.done $0x0  }
0x2f3: {  	s16 =	simm.s32 $0x1400;
	[sflag:s7] =	ssyncadd.s32 $0xFFFFC000  }
0x2f4: {  	[spmem:s2] =	stream.indirect.scatter.add.f32 [tilespmem:s5], [sflag:$0x3], $0x80, s16, s25, $0xb8;
	[tilespmem:$0x1E400] =	vst v63  }
0x2f5: {  	_ =	swait.ge [sflag:s23], $0x4000  }
0x2f6: {  	[sflag:s23] =	ssyncset.done $0x0  }
0x2f7: {  	s20 =	simm.s32 $0x100;
	[sflag:s23] =	ssyncadd.s32 $0xFFFFC000  }
0x2f8: {  	[tilespmem:s5], [sflag:$0x1] =	stream.indirect.gather [hbm4b:s18+s25], $0x80, s20, s25, $0xb8;
	[tilespmem:$0x1E400] =	vst v63  }
0x2f9: {  	_ =	swait.ge [sflag:s8], $0x4000  }
0x2fa: {  	[sflag:s8] =	ssyncset.done $0x0  }
0x2fb: {  	s26 =	simm.s32 $0x1480;
	[sflag:s8] =	ssyncadd.s32 $0xFFFFC000  }
0x2fc: {  	[spmem:s2] =	stream.indirect.scatter.add.f32 [tilespmem:s6], [sflag:$0x3], $0x80, s26, s25, $0xb8;
	[tilespmem:$0x1E400] =	vst v63  }
0x2fd: {  	_ =	swait.ge [sflag:s23], $0x4000  }
0x2fe: {  	s14 =	simm.s32 $0x100;
	s15 =	simm.s32 $0x800;
	[sflag:s23] =	ssyncset.done $0x0  }
.LBB2_30:
0x2ff: {  	s16 =	sadd.s32 $0x80, s14  }
0x300: {  	[sflag:s23] =	ssyncadd.s32 $0xFFFFC000;
	s20 =	smov.u32 s15;
	s26 =	sadd.s32 $0x400, s15  }
0x301: {  	[tilespmem:s6], [sflag:$0x2] =	stream.indirect.gather [hbm4b:s18+s25], $0x80, s16, s25, $0xb8;
	[tilespmem:$0x1E400] =	vst v63  }
0x302: {  	p1 =	sne.s32 s15, $0x4800;
	_ =	swait.ge [sflag:s7], $0x4000  }
0x303: {  	[sflag:s7] =	ssyncset.done $0x0  }
0x304: {  	s15 =	sadd.s32 $0x1400, s14;
	[sflag:s7] =	ssyncadd.s32 $0xFFFFC000  }
0x305: {  	[spmem:s2] =	stream.indirect.scatter.add.f32 [tilespmem:s5], [sflag:$0x3], $0x80, s15, s25, $0xb8;
	[tilespmem:$0x1E400] =	vst v63  }
0x306: {  	_ =	swait.ge [sflag:s23], $0x4000  }
0x307: {  	[sflag:s23] =	ssyncset.done $0x0  }
0x308: {  	s15 =	sadd.s32 $0x100, s14;
	[sflag:s23] =	ssyncadd.s32 $0xFFFFC000  }
0x309: {  	[tilespmem:s5], [sflag:$0x1] =	stream.indirect.gather [hbm4b:s18+s25], $0x80, s15, s25, $0xb8;
	[tilespmem:$0x1E400] =	vst v63  }
0x30a: {  	_ =	swait.ge [sflag:s8], $0x4000  }
.Ltmp16:
0x30b: {  	[sflag:s8] =	ssyncset.done $0x0;
	(pc) =	sbr.rel @p1 .LBB2_30-.Ltmp16, $4  }
0x30c: {  	s14 =	sadd.s32 $0x1480, s14;
	[sflag:s8] =	ssyncadd.s32 $0xFFFFC000  }
0x30d: {  	[spmem:s2] =	stream.indirect.scatter.add.f32 [tilespmem:s6], [sflag:$0x3], $0x80, s14, s25, $0xb8;
	[tilespmem:$0x1E400] =	vst v63  }
0x30e: {  	_ =	swait.ge [sflag:s23], $0x4000  }
0x30f: {  	s15 =	smov.u32 s26;
	s14 =	sshra.s32 s20, $0x2;
	[sflag:s23] =	ssyncset.done $0x0  }
0x310: {  	s15 =	sadd.s32 $0x80, s14;
	[sflag:s23] =	ssyncadd.s32 $0xFFFFC000  }
0x311: {  	[tilespmem:s6], [sflag:$0x2] =	stream.indirect.gather [hbm4b:s18+s25], $0x80, s15, s25, $0xb8;
	[tilespmem:$0x1E400] =	vst v63  }
0x312: {  	_ =	swait.ge [sflag:s7], $0x4000  }
0x313: {  	[sflag:s7] =	ssyncset.done $0x0  }
0x314: {  	s20 =	sadd.s32 $0x1400, s14;
	[sflag:s7] =	ssyncadd.s32 $0xFFFFC000  }
0x315: {  	[spmem:s2] =	stream.indirect.scatter.add.f32 [tilespmem:s5], [sflag:$0x3], $0x80, s20, s25, $0xb8;
	[tilespmem:$0x1E400] =	vst v63  }
0x316: {  	_ =	swait.ge [sflag:s23], $0x4000  }
0x317: {  	[sflag:s23] =	ssyncset.done $0x0  }
0x318: {  	s26 =	sadd.s32 $0x100, s14;
	[sflag:s23] =	ssyncadd.s32 $0xFFFFC000  }
0x319: {  	[tilespmem:s5], [sflag:$0x1] =	stream.indirect.gather [hbm4b:s18+s25], $0x80, s26, s25, $0xb8;
	[tilespmem:$0x1E400] =	vst v63  }
0x31a: {  	_ =	swait.ge [sflag:s8], $0x4000  }
0x31b: {  	[sflag:s8] =	ssyncset.done $0x0  }
0x31c: {  	s15 =	sadd.s32 $0x1480, s14;
	[sflag:s8] =	ssyncadd.s32 $0xFFFFC000  }
0x31d: {  	[spmem:s2] =	stream.indirect.scatter.add.f32 [tilespmem:s6], [sflag:$0x3], $0x80, s15, s25, $0xb8;
	[tilespmem:$0x1E400] =	vst v63  }
0x31e: {  	_ =	swait.ge [sflag:s23], $0x4000  }
0x31f: {  	[sflag:s23] =	ssyncset.done $0x0  }
0x320: {  	[sflag:s23] =	ssyncadd.s32 $0xFFFFC000  }
0x321: {  	[tilespmem:s6], [sflag:$0x2] =	stream.indirect.gather [hbm4b:s18+s25], $0x80, s9, s25, $0xb8;
	[tilespmem:$0x1E400] =	vst v63  }
0x322: {  	_ =	swait.ge [sflag:s7], $0x4000  }
0x323: {  	[sflag:s7] =	ssyncset.done $0x0  }
0x324: {  	[sflag:s7] =	ssyncadd.s32 $0xFFFFC000  }
0x325: {  	[spmem:s2] =	stream.indirect.scatter.add.f32 [tilespmem:s5], [sflag:$0x3], $0x80, s10, s25, $0xb8;
	[tilespmem:$0x1E400] =	vst v63  }
0x326: {  	_ =	swait.ge [sflag:s23], $0x4000  }
0x327: {  	[sflag:s23] =	ssyncset.done $0x0  }
0x328: {  	[sflag:s23] =	ssyncadd.s32 $0xFFFFC000  }
0x329: {  	_ =	swait.ge [sflag:s8], $0x4000  }
0x32a: {  	[sflag:s8] =	ssyncset.done $0x0  }
0x32b: {  	[sflag:s8] =	ssyncadd.s32 $0xFFFFC000  }
0x32c: {  	[spmem:s2] =	stream.indirect.scatter.add.f32 [tilespmem:s6], [sflag:$0x3], $0x80, s11, s25, $0xb8;
	[tilespmem:$0x1E400] =	vst v63  }
0x32d: {  	_ =	swait.ge [sflag:s23], $0x4000  }
0x32e: {  	[sflag:s23] =	ssyncset.done $0x0  }
0x32f: {  	s16 =	simm.s32 $0x0;
	s20 =	rddreg [dreg:$0xe];
	[sflag:s23] =	ssyncadd.s32 $0xFFFFC000  }
0x330: {  	[tilespmem:s16], [sflag:$0x3] =	stream.linear.gather [hbm4b:s20+s16], $0x1400, $0x38;
	[tilespmem:$0x1E400] =	vst v63  }
0x331: {  	_ =	swait.ge [sflag:s23], $0x1400  }
0x332: {  	[sflag:s23] =	ssyncset.done $0x0  }
0x333: {  	s26 =	rddreg [dreg:$0xf];
	[sflag:s23] =	ssyncadd.s32 $0xFFFFEC00  }
0x334: {  	[tilespmem:s24], [sflag:$0x3] =	stream.linear.gather [hbm4b:s26+s16], $0x1400, $0x38;
	[tilespmem:$0x1E400] =	vst v63  }
0x335: {  	_ =	swait.ge [sflag:s23], $0x1400  }
0x336: {  	[sflag:s23] =	ssyncset.done $0x0  }
0x337: {  	[sflag:s23] =	ssyncadd.s32 $0xFFFFEC00  }
0x338: {  	[tilespmem:s5], [sflag:$0x1] =	stream.indirect.gather [hbm4b:s18+s25], $0x80, s16, s25, $0xb8;
	[tilespmem:$0x1E400] =	vst v63  }
0x339: {  	s15 =	simm.s32 $0x80  }
0x33a: {  	[tilespmem:s6], [sflag:$0x2] =	stream.indirect.gather [hbm4b:s18+s25], $0x80, s15, s25, $0xb8;
	[tilespmem:$0x1E400] =	vst v63  }
0x33b: {  	_ =	swait.ge [sflag:s7], $0x4000  }
0x33c: {  	[sflag:s7] =	ssyncset.done $0x0  }
0x33d: {  	s16 =	simm.s32 $0x1400;
	[sflag:s7] =	ssyncadd.s32 $0xFFFFC000  }
0x33e: {  	[spmem:s2] =	stream.indirect.scatter.add.f32 [tilespmem:s5], [sflag:$0x3], $0x80, s16, s25, $0xb8;
	[tilespmem:$0x1E400] =	vst v63  }
0x33f: {  	_ =	swait.ge [sflag:s23], $0x4000  }
0x340: {  	[sflag:s23] =	ssyncset.done $0x0  }
0x341: {  	s20 =	simm.s32 $0x100;
	[sflag:s23] =	ssyncadd.s32 $0xFFFFC000  }
0x342: {  	[tilespmem:s5], [sflag:$0x1] =	stream.indirect.gather [hbm4b:s18+s25], $0x80, s20, s25, $0xb8;
	[tilespmem:$0x1E400] =	vst v63  }
0x343: {  	_ =	swait.ge [sflag:s8], $0x4000  }
0x344: {  	[sflag:s8] =	ssyncset.done $0x0  }
0x345: {  	s26 =	simm.s32 $0x1480;
	[sflag:s8] =	ssyncadd.s32 $0xFFFFC000  }
0x346: {  	[spmem:s2] =	stream.indirect.scatter.add.f32 [tilespmem:s6], [sflag:$0x3], $0x80, s26, s25, $0xb8;
	[tilespmem:$0x1E400] =	vst v63  }
0x347: {  	_ =	swait.ge [sflag:s23], $0x4000  }
0x348: {  	s14 =	simm.s32 $0x100;
	s15 =	simm.s32 $0x800;
	[sflag:s23] =	ssyncset.done $0x0  }
.LBB2_32:
0x349: {  	s16 =	sadd.s32 $0x80, s14  }
0x34a: {  	[sflag:s23] =	ssyncadd.s32 $0xFFFFC000;
	s20 =	smov.u32 s15;
	s26 =	sadd.s32 $0x400, s15  }
0x34b: {  	[tilespmem:s6], [sflag:$0x2] =	stream.indirect.gather [hbm4b:s18+s25], $0x80, s16, s25, $0xb8;
	[tilespmem:$0x1E400] =	vst v63  }
0x34c: {  	p1 =	sne.s32 s15, $0x4800;
	_ =	swait.ge [sflag:s7], $0x4000  }
0x34d: {  	[sflag:s7] =	ssyncset.done $0x0  }
0x34e: {  	s15 =	sadd.s32 $0x1400, s14;
	[sflag:s7] =	ssyncadd.s32 $0xFFFFC000  }
0x34f: {  	[spmem:s2] =	stream.indirect.scatter.add.f32 [tilespmem:s5], [sflag:$0x3], $0x80, s15, s25, $0xb8;
	[tilespmem:$0x1E400] =	vst v63  }
0x350: {  	_ =	swait.ge [sflag:s23], $0x4000  }
0x351: {  	[sflag:s23] =	ssyncset.done $0x0  }
0x352: {  	s15 =	sadd.s32 $0x100, s14;
	[sflag:s23] =	ssyncadd.s32 $0xFFFFC000  }
0x353: {  	[tilespmem:s5], [sflag:$0x1] =	stream.indirect.gather [hbm4b:s18+s25], $0x80, s15, s25, $0xb8;
	[tilespmem:$0x1E400] =	vst v63  }
0x354: {  	_ =	swait.ge [sflag:s8], $0x4000  }
.Ltmp17:
0x355: {  	[sflag:s8] =	ssyncset.done $0x0;
	(pc) =	sbr.rel @p1 .LBB2_32-.Ltmp17, $4  }
0x356: {  	s14 =	sadd.s32 $0x1480, s14;
	[sflag:s8] =	ssyncadd.s32 $0xFFFFC000  }
0x357: {  	[spmem:s2] =	stream.indirect.scatter.add.f32 [tilespmem:s6], [sflag:$0x3], $0x80, s14, s25, $0xb8;
	[tilespmem:$0x1E400] =	vst v63  }
0x358: {  	_ =	swait.ge [sflag:s23], $0x4000  }
0x359: {  	s15 =	smov.u32 s26;
	s14 =	sshra.s32 s20, $0x2;
	[sflag:s23] =	ssyncset.done $0x0  }
0x35a: {  	s15 =	sadd.s32 $0x80, s14;
	[sflag:s23] =	ssyncadd.s32 $0xFFFFC000  }
0x35b: {  	[tilespmem:s6], [sflag:$0x2] =	stream.indirect.gather [hbm4b:s18+s25], $0x80, s15, s25, $0xb8;
	[tilespmem:$0x1E400] =	vst v63  }
0x35c: {  	_ =	swait.ge [sflag:s7], $0x4000  }
0x35d: {  	[sflag:s7] =	ssyncset.done $0x0  }
0x35e: {  	s16 =	sadd.s32 $0x1400, s14;
	[sflag:s7] =	ssyncadd.s32 $0xFFFFC000  }
0x35f: {  	[spmem:s2] =	stream.indirect.scatter.add.f32 [tilespmem:s5], [sflag:$0x3], $0x80, s16, s25, $0xb8;
	[tilespmem:$0x1E400] =	vst v63  }
0x360: {  	_ =	swait.ge [sflag:s23], $0x4000  }
0x361: {  	[sflag:s23] =	ssyncset.done $0x0  }
0x362: {  	s20 =	sadd.s32 $0x100, s14;
	[sflag:s23] =	ssyncadd.s32 $0xFFFFC000  }
0x363: {  	[tilespmem:s5], [sflag:$0x1] =	stream.indirect.gather [hbm4b:s18+s25], $0x80, s20, s25, $0xb8;
	[tilespmem:$0x1E400] =	vst v63  }
0x364: {  	_ =	swait.ge [sflag:s8], $0x4000  }
0x365: {  	[sflag:s8] =	ssyncset.done $0x0  }
0x366: {  	s26 =	sadd.s32 $0x1480, s14;
	[sflag:s8] =	ssyncadd.s32 $0xFFFFC000  }
0x367: {  	[spmem:s2] =	stream.indirect.scatter.add.f32 [tilespmem:s6], [sflag:$0x3], $0x80, s26, s25, $0xb8;
	[tilespmem:$0x1E400] =	vst v63  }
0x368: {  	_ =	swait.ge [sflag:s23], $0x4000  }
0x369: {  	[sflag:s23] =	ssyncset.done $0x0  }
0x36a: {  	s14 =	rddreg [dreg:$0x15];
	[sflag:s23] =	ssyncadd.s32 $0xFFFFC000  }
0x36b: {  	[tilespmem:s6], [sflag:$0x2] =	stream.indirect.gather [hbm4b:s18+s25], $0x80, s9, s25, $0xb8;
	[tilespmem:$0x1E400] =	vst v63  }
.LBB2_34:
0x36c: {  	_ =	swait.ge [sflag:s7], $0x4000  }
0x36d: {  	[sflag:s7] =	ssyncset.done $0x0  }
0x36e: {  	[sflag:s7] =	ssyncadd.s32 $0xFFFFC000  }
0x36f: {  	[spmem:s2] =	stream.indirect.scatter.add.f32 [tilespmem:s5], [sflag:$0x3], $0x80, s10, s25, $0xb8;
	[tilespmem:$0x1E400] =	vst v63  }
0x370: {  	_ =	swait.ge [sflag:s23], $0x4000  }
0x371: {  	[sflag:s23] =	ssyncset.done $0x0  }
0x372: {  	[sflag:s23] =	ssyncadd.s32 $0xFFFFC000  }
0x373: {  	_ =	swait.ge [sflag:s8], $0x4000  }
0x374: {  	[sflag:s8] =	ssyncset.done $0x0  }
0x375: {  	[sflag:s8] =	ssyncadd.s32 $0xFFFFC000  }
0x376: {  	[spmem:s2] =	stream.indirect.scatter.add.f32 [tilespmem:s6], [sflag:$0x3], $0x80, s11, s25, $0xb8;
	[tilespmem:$0x1E400] =	vst v63  }
0x377: {  	_ =	swait.ge [sflag:s23], $0x4000  }
0x378: {  	[sflag:s23] =	ssyncset.done $0x0  }
0x379: {  	[sflag:s23] =	ssyncadd.s32 $0xFFFFC000  }
0x37a: {  	s14 =	sadd.s32 s14, s29;
	[bflag:$0x0] =	sbarrier.arrive $0xFFFF  }
0x37b: {  	[hbm:s14], [sflag:s28] =	dma.local [spmem:s13], $0x2780  }
0x37c: {  	_ =	swait.ge [sflag:s23], $0x2780  }
0x37d: {  	[sflag:s23] =	ssyncset.done $0x0  }
0x37e: {  	[sflag:s23] =	ssyncadd.s32 $0xFFFFD880  }
0x37f: {  	[spmem:s13], [sflag:s28] =	dma.local [hbm:s19], $0x2780  }
0x380: {  	_ =	swait.ge [sflag:s23], $0x2780  }
0x381: {  	[sflag:s23] =	ssyncset.done $0x0  }
0x382: {  	[sflag:s23] =	ssyncadd.s32 $0xFFFFD880  }
0x383: {  	[bflag:$0x0] =	sbarrier.arrive $0xFFFF  }
0x384: {  	s20 =	simm.s32 $0x0;
	s15 =	rddreg [dreg:$0x10]  }
0x385: {  	[tilespmem:s5], [sflag:$0x3] =	stream.linear.gather [hbm4b:s15+s20], $0x4000, $0x38;
	[tilespmem:$0x1E400] =	vst v63  }
0x386: {  	_ =	swait.ge [sflag:s23], $0x4000  }
0x387: {  	[sflag:s23] =	ssyncset.done $0x0  }
0x388: {  	[sflag:s23] =	ssyncadd.s32 $0xFFFFC000  }
0x389: {  	[tilespmem:s24], [sflag:$0x3] =	stream.linear.gather [hbm4b:s30+s20], $0x1400, $0x38;
	[tilespmem:$0x1E400] =	vst v63  }
0x38a: {  	_ =	swait.ge [sflag:s23], $0x1400  }
0x38b: {  	[sflag:s23] =	ssyncset.done $0x0  }
0x38c: {  	s26 =	simm.s32 $0x1400;
	[sflag:s23] =	ssyncadd.s32 $0xFFFFEC00  }
0x38d: {  	[spmem:s2] =	stream.indirect.scatter.add.f32 [tilespmem:s5], [sflag:$0x3], $0x80, s26, s25, $0xb8;
	[tilespmem:$0x1E400] =	vst v63  }
0x38e: {  	s14 =	simm.s32 $0x200;
	_ =	swait.ge [sflag:s23], $0x4000  }
.LBB2_35:
0x38f: {  	s15 =	sshra.s32 s14, $0x2;
	[sflag:s23] =	ssyncset.done $0x0;
	p1 =	sne.s32 s14, $0x4E00  }
.Ltmp18:
0x390: {  	s15 =	sadd.s32 $0x1400, s15;
	[sflag:s23] =	ssyncadd.s32 $0xFFFFC000;
	(pc) =	sbr.rel @p1 .LBB2_35-.Ltmp18, $3  }
0x391: {  	[spmem:s2] =	stream.indirect.scatter.add.f32 [tilespmem:s5], [sflag:$0x3], $0x80, s15, s25, $0xb8;
	[tilespmem:$0x1E400] =	vst v63  }
0x392: {  	s14 =	sadd.s32 $0x200, s14;
	_ =	sdelay $0x1  }
0x393: {  	_ =	swait.ge [sflag:s23], $0x4000  }
0x394: {  	[sflag:s23] =	ssyncset.done $0x0  }
0x395: {  	[sflag:s23] =	ssyncadd.s32 $0xFFFFC000  }
0x396: {  	[bflag:$0x0] =	sbarrier.arrive $0xFFFF  }
0x397: {  	[hbm:s1], [sflag:s28] =	dma.local [spmem:s13], $0x2780  }
0x398: {  	_ =	swait.ge [sflag:s23], $0x2780  }
0x399: {  	[sflag:s23] =	ssyncset.done $0x0  }
0x39a: {  	[sflag:s23] =	ssyncadd.s32 $0xFFFFD880  }
0x39b: {  	[spmem:s13], [sflag:s28] =	dma.local [hbm:s19], $0x2780  }
0x39c: {  	_ =	swait.ge [sflag:s23], $0x2780  }
0x39d: {  	[sflag:s23] =	ssyncset.done $0x0  }
0x39e: {  	[sflag:s23] =	ssyncadd.s32 $0xFFFFD880  }
0x39f: {  	s14 =	simm.s32 $0x0;
	[bflag:$0x0] =	sbarrier.arrive $0xFFFF  }
0x3a0: {  	[tilespmem:s24], [sflag:$0x3] =	stream.linear.gather [hbm4b:s31+s14], $0x1400, $0x38;
	[tilespmem:$0x1E400] =	vst v63  }
0x3a1: {  	_ =	swait.ge [sflag:s23], $0x1400  }
0x3a2: {  	[sflag:s23] =	ssyncset.done $0x0  }
0x3a3: {  	s26 =	simm.s32 $0x1400;
	[sflag:s23] =	ssyncadd.s32 $0xFFFFEC00  }
0x3a4: {  	[spmem:s2] =	stream.indirect.scatter.add.f32 [tilespmem:s5], [sflag:$0x3], $0x80, s26, s25, $0xb8;
	[tilespmem:$0x1E400] =	vst v63  }
0x3a5: {  	s14 =	simm.s32 $0x200;
	_ =	swait.ge [sflag:s23], $0x4000  }
.LBB2_37:
0x3a6: {  	s15 =	sshra.s32 s14, $0x2;
	[sflag:s23] =	ssyncset.done $0x0;
	p1 =	sne.s32 s14, $0x4E00  }
.Ltmp19:
0x3a7: {  	s15 =	sadd.s32 $0x1400, s15;
	[sflag:s23] =	ssyncadd.s32 $0xFFFFC000;
	(pc) =	sbr.rel @p1 .LBB2_37-.Ltmp19, $3  }
0x3a8: {  	[spmem:s2] =	stream.indirect.scatter.add.f32 [tilespmem:s5], [sflag:$0x3], $0x80, s15, s25, $0xb8;
	[tilespmem:$0x1E400] =	vst v63  }
0x3a9: {  	s14 =	sadd.s32 $0x200, s14;
	_ =	sdelay $0x1  }
0x3aa: {  	_ =	swait.ge [sflag:s23], $0x4000  }
0x3ab: {  	[sflag:s23] =	ssyncset.done $0x0  }
0x3ac: {  	[sflag:s23] =	ssyncadd.s32 $0xFFFFC000  }
0x3ad: {  	[bflag:$0x0] =	sbarrier.arrive $0xFFFF  }
0x3ae: {  	[hbm:s21], [sflag:s28] =	dma.local [spmem:s13], $0x2780  }
0x3af: {  	_ =	swait.ge [sflag:s23], $0x2780  }
0x3b0: {  	[sflag:s23] =	ssyncset.done $0x0  }
0x3b1: {  	[sflag:s23] =	ssyncadd.s32 $0xFFFFD880  }
0x3b2: {  	[spmem:s13], [sflag:s28] =	dma.local [hbm:s19], $0x2780  }
0x3b3: {  	_ =	swait.ge [sflag:s23], $0x2780  }
0x3b4: {  	[sflag:s23] =	ssyncset.done $0x0  }
0x3b5: {  	[sflag:s23] =	ssyncadd.s32 $0xFFFFD880  }
0x3b6: {  	s14 =	simm.s32 $0x0;
	[bflag:$0x0] =	sbarrier.arrive $0xFFFF  }
0x3b7: {  	[tilespmem:s24], [sflag:$0x3] =	stream.linear.gather [hbm4b:s0+s14], $0x1400, $0x38;
	[tilespmem:$0x1E400] =	vst v63  }
0x3b8: {  	_ =	swait.ge [sflag:s23], $0x1400  }
0x3b9: {  	[sflag:s23] =	ssyncset.done $0x0  }
0x3ba: {  	s26 =	simm.s32 $0x1400;
	[sflag:s23] =	ssyncadd.s32 $0xFFFFEC00  }
0x3bb: {  	[spmem:s2] =	stream.indirect.scatter.add.f32 [tilespmem:s5], [sflag:$0x3], $0x80, s26, s25, $0xb8;
	[tilespmem:$0x1E400] =	vst v63  }
0x3bc: {  	s14 =	simm.s32 $0x200;
	_ =	swait.ge [sflag:s23], $0x4000  }
.LBB2_39:
0x3bd: {  	s15 =	sshra.s32 s14, $0x2;
	[sflag:s23] =	ssyncset.done $0x0;
	p1 =	sne.s32 s14, $0x4E00  }
.Ltmp20:
0x3be: {  	s15 =	sadd.s32 $0x1400, s15;
	[sflag:s23] =	ssyncadd.s32 $0xFFFFC000;
	(pc) =	sbr.rel @p1 .LBB2_39-.Ltmp20, $3  }
0x3bf: {  	[spmem:s2] =	stream.indirect.scatter.add.f32 [tilespmem:s5], [sflag:$0x3], $0x80, s15, s25, $0xb8;
	[tilespmem:$0x1E400] =	vst v63  }
0x3c0: {  	s14 =	sadd.s32 $0x200, s14;
	_ =	sdelay $0x1  }
0x3c1: {  	_ =	swait.ge [sflag:s23], $0x4000  }
0x3c2: {  	[sflag:s23] =	ssyncset.done $0x0  }
0x3c3: {  	[sflag:s23] =	ssyncadd.s32 $0xFFFFC000  }
0x3c4: {  	[bflag:$0x0] =	sbarrier.arrive $0xFFFF  }
0x3c5: {  	[hbm:s22], [sflag:s28] =	dma.local [spmem:s13], $0x2780  }
0x3c6: {  	_ =	swait.ge [sflag:s23], $0x2780  }
0x3c7: {  	s12 =	sadd.s32 $0x1, s12;
	[sflag:s23] =	ssyncset.done $0x0  }
0x3c8: {  	p1 =	sne.s32 s12, s4;
	[sflag:s23] =	ssyncadd.s32 $0xFFFFD880  }
0x3c9: {  	[spmem:s13], [sflag:s28] =	dma.local [hbm:s19], $0x2780  }
.Ltmp21:
0x3ca: {  	_ =	swait.ge [sflag:s23], $0x2780;
	(pc) =	sbr.rel @p1 .LBB2_1-.Ltmp21, $3  }
0x3cb: {  	[sflag:s23] =	ssyncset.done $0x0  }
0x3cc: {  	[sflag:s23] =	ssyncadd.s32 $0xFFFFD880  }
0x3cd: {  	[bflag:$0x0] =	sbarrier.arrive $0xFFFF;
	_ =	sdelay $0x1  }
0x3ce: {  	_ =	sfence.sel $0x180000  }
0x3cf: {  	[bflag:$0x0] =	sbarrier.arrive $0xFFFF  }
0x3d0: {  	_ =	strace $0x90000047  }
0x3d1: {  	s0 =	stileid.u32;
	[bflag:$0x2] =	sbarrier.arrive $0xFFFF  }
0x3d2: {  	p0 =	sne.s32 s0, $0x0;
	s0 =	rddreg [dreg:$0x3]  }
0x3d3: {  	s0 =	sadd.s32 @!p0 $0x100000, s0  }
0x3d4: {  	[sflag:s0] =	ssyncadd.tile.s32 @!p0 $0x1;
	_ =	shalt  }
.Lfunc_end2:
_tile_overlayer_lowered:
.L_overlay_start_2:
0x3d5: {  	(tag) =	ssettag $0x2  }
0x3d6: {  	s0 =	rddreg [dreg:$0x0];
	s2 =	stileid.u32  }
0x3d7: {  	s1 =	rddreg [dreg:$0x1];
	p0 =	sne.s32 s2, $0x0  }
0x3d8: {  	s3 =	rddreg [dreg:$0x2];
	[bflag:$0x3] =	sbarrier.arrive $0xFFFF;
	s2 =	simm.s32 @!p0 $0x1C03  }
0x3d9: {  	[timem:s3], [sflag:s2] =	dma.local @!p0 [hbm:s0], s1  }
0x3da: {  	s0 =	simm.s32 @!p0 $0x3  }
0x3db: {  	_ =	swait.ge @!p0 [sflag:s0], s1  }
0x3dc: {  	s1 =	ssub.s32 @!p0 $0x0, s1;
	[sflag:s0] =	ssyncset.done @!p0 $0x0  }
0x3dd: {  	[sflag:s0] =	ssyncadd.s32 @!p0 s1  }
0x3de: {  	[bflag:$0x3] =	sbarrier.arrive $0xFFFF  }
0x3df: {  	_ =	shalt  }

</sc_bundles>
